<compile_context>
chip_gen: v7x
topology: tpu7x:2x2x1
jax: 0.10.2.dev20260603
libtpu: 0.0.44.dev20260713+nightly
codegen_flags: <defaults>
</compile_context>

<pallas_src>
import functools

import jax
import jax.numpy as jnp
from jax import lax
from jax.experimental import pallas as pl
from jax.experimental.pallas import tpu as pltpu
from jax.experimental.pallas import tpu_sc as plsc

_RADIUS = 0.12
_K = 32
_EPS = 1e-5
_INV_SQRT2 = 0.7071067811865476


def _gelu(v):
    return 0.5 * v * (1.0 + lax.erf(v * _INV_SQRT2))


def _k1_body(x_ref, w1_ref, b1_ref, g1_ref, be1_ref, dw_ref, out_ref):
    x = x_ref[0]
    w1 = w1_ref[...]
    z = lax.dot_general(x, w1, (((0,), (1,)), ((), ())),
                        preferred_element_type=jnp.float32)
    z = z + b1_ref[...]
    n, mid = z.shape
    gw = mid // 4
    cnt = float(n * gw)
    blks = []
    for g in range(4):
        blk = z[:, g * gw:(g + 1) * gw]
        mu = jnp.sum(blk) / cnt
        var = jnp.sum(blk * blk) / cnt - mu * mu
        blks.append((blk - mu) * lax.rsqrt(var + _EPS))
    zn = jnp.concatenate(blks, axis=1)
    h = _gelu(zn * g1_ref[...] + be1_ref[...])
    out_ref[0] = h * dw_ref[...]


def _k1(x, w1, b1, g1, be1, dw):
    b, c, n = x.shape
    mid = w1.shape[0]
    vec = lambda a: a.reshape(1, -1)
    return pl.pallas_call(
        _k1_body,
        grid=(b,),
        in_specs=[
            pl.BlockSpec((1, c, n), lambda i: (i, 0, 0)),
            pl.BlockSpec((mid, c), lambda i: (0, 0)),
            pl.BlockSpec((1, mid), lambda i: (0, 0)),
            pl.BlockSpec((1, mid), lambda i: (0, 0)),
            pl.BlockSpec((1, mid), lambda i: (0, 0)),
            pl.BlockSpec((1, mid), lambda i: (0, 0)),
        ],
        out_specs=pl.BlockSpec((1, n, mid), lambda i: (i, 0, 0)),
        out_shape=jax.ShapeDtypeStruct((b, n, mid), jnp.float32),
    )(x, w1, vec(b1), vec(g1), vec(be1), vec(dw))


_ROWT = 256


def _k2_body(posf_ref, post_ref, idx_ref, w_ref):
    b = pl.program_id(0)
    i = pl.program_id(1)
    pc = posf_ref[0]
    pr = post_ref[0]
    n = pc.shape[1]
    d = lax.dot_general(pr.astype(jnp.bfloat16), pc.astype(jnp.bfloat16),
                        (((1,), (0,)), ((), ())),
                        preferred_element_type=jnp.float32)
    ssc = ((pc[0:1, :] * pc[0:1, :] + pc[1:2, :] * pc[1:2, :])
           + pc[2:3, :] * pc[2:3, :])
    ssr = ((pr[:, 0:1] * pr[:, 0:1] + pr[:, 1:2] * pr[:, 1:2])
           + pr[:, 2:3] * pr[:, 2:3])
    sqr = (-2.0 * d + ssr) + ssc
    sel = sqr <= jnp.float32(_RADIUS * _RADIUS)
    rank = sel.astype(jnp.int32)
    sh = 1
    while sh < n:
        rank = rank + jnp.concatenate(
            [jnp.zeros((_ROWT, sh), jnp.int32), rank[:, :n - sh]], axis=1)
        sh *= 2
    total = rank[:, n - 1:n]
    padcnt = (_K - jnp.minimum(total, _K)).astype(jnp.float32)
    sel32 = sel & (rank <= _K)
    first_ind = sel & (rank == 1)
    wrow = jnp.sum(sel32.astype(jnp.float32)
                   + padcnt * first_ind.astype(jnp.float32),
                   axis=0, keepdims=True)

    @pl.when(i == 0)
    def _():
        w_ref[0] = wrow

    @pl.when(i > 0)
    def _():
        w_ref[0] = w_ref[0] + wrow

    cols = []
    first = None
    for k in range(_K):
        s = jnp.sum((rank <= k).astype(jnp.int32),
                    axis=1, keepdims=True)
        if k == 0:
            first = s
            cols.append(s)
        else:
            cols.append(jnp.where(s < n, s, first))
    idx_ref[0] = jnp.concatenate(cols, axis=1) + b * n


def _k2(pos):
    b, _, n = pos.shape
    nt = n // _ROWT
    pos_t = jnp.transpose(pos, (0, 2, 1))
    return pl.pallas_call(
        _k2_body,
        grid=(b, nt),
        in_specs=[
            pl.BlockSpec((1, 3, n), lambda bb, ii: (bb, 0, 0)),
            pl.BlockSpec((1, _ROWT, 3), lambda bb, ii: (bb, ii, 0)),
        ],
        out_specs=(
            pl.BlockSpec((1, _ROWT, _K), lambda bb, ii: (bb, ii, 0)),
            pl.BlockSpec((1, 1, n), lambda bb, ii: (bb, 0, 0)),
        ),
        out_shape=(
            jax.ShapeDtypeStruct((b, n, _K), jnp.int32),
            jax.ShapeDtypeStruct((b, 1, n), jnp.float32),
        ),
    )(pos, pos_t)


def _gather_max(table, idxf):
    tot, mid = table.shape
    info = plsc.get_sparse_core_info()
    nc, ns, lanes = info.num_cores, info.num_subcores, info.num_lanes
    nw = nc * ns
    ppw = tot // nw
    ch = 4
    nlg = mid // lanes
    mesh = plsc.VectorSubcoreMesh(core_axis_name="c", subcore_axis_name="s")

    nchunks = ppw // ch

    @functools.partial(
        pl.kernel, mesh=mesh,
        out_type=jax.ShapeDtypeStruct((tot, mid), jnp.float32),
        scratch_types=[
            pltpu.VMEM((ppw * _K,), jnp.int32),
            pltpu.VMEM((ch * _K, mid), jnp.float32),
            pltpu.VMEM((ch * _K, mid), jnp.float32),
            pltpu.VMEM((ch, mid), jnp.float32),
            pltpu.SemaphoreType.DMA,
            pltpu.SemaphoreType.DMA,
        ],
    )
    def sc_k(table_hbm, idx_hbm, out_hbm, idx_v, rows0, rows1, out_v,
             sem0, sem1):
        wid = lax.axis_index("s") * nc + lax.axis_index("c")
        base = wid * ppw
        pltpu.sync_copy(idx_hbm.at[pl.ds(base * _K, ppw * _K)], idx_v)
        bufs = ((rows0, sem0), (rows1, sem1))
        pltpu.async_copy(table_hbm.at[idx_v.at[pl.ds(0, ch * _K)]],
                         rows0, sem0)

        def pair_body(ci2, carry):
            for b in range(2):
                ci = ci2 * 2 + b
                rows_v, sem = bufs[b]
                nrows, nsem = bufs[1 - b]

                @pl.when(ci + 1 < nchunks)
                def _():
                    pltpu.async_copy(
                        table_hbm.at[idx_v.at[pl.ds((ci + 1) * (ch * _K),
                                                    ch * _K)]],
                        nrows, nsem)

                pltpu.make_async_copy(
                    table_hbm.at[idx_v.at[pl.ds(ci * (ch * _K), ch * _K)]],
                    rows_v, sem).wait()
                for p in range(ch):
                    accs = tuple(rows_v[p * _K, pl.ds(l * lanes, lanes)]
                                 for l in range(nlg))

                    def red(kk, a):
                        return tuple(
                            jnp.maximum(
                                a[l],
                                rows_v[p * _K + kk, pl.ds(l * lanes, lanes)])
                            for l in range(nlg))

                    accs = lax.fori_loop(1, _K, red, accs)
                    for l in range(nlg):
                        out_v[p, pl.ds(l * lanes, lanes)] = accs[l]
                pltpu.sync_copy(out_v, out_hbm.at[pl.ds(base + ci * ch, ch)])
            return carry

        lax.fori_loop(0, nchunks // 2, pair_body, 0)

    return sc_k(table, idxf)


def _k4_body(s_ref, hts_ref, w_ref, x_ref, w2_ref, b2_ref, dg_ref, db_ref,
             g2_ref, be2_ref, out_ref):
    s = s_ref[0]
    hts = hts_ref[0]
    w = w_ref[0]
    n, mid = s.shape
    gw = mid // 4
    t1 = lax.dot_general(w, hts, (((1,), (0,)), ((), ())),
                         preferred_element_type=jnp.float32)
    t2 = lax.dot_general(w, hts * hts, (((1,), (0,)), ((), ())),
                         preferred_element_type=jnp.float32)
    denom = float(gw * n * _K)
    lane = lax.broadcasted_iota(jnp.int32, (1, mid), 1) // gw
    meanvec = jnp.zeros((1, mid), jnp.float32)
    invvec = jnp.zeros((1, mid), jnp.float32)
    for g in range(4):
        m = jnp.sum(t1[:, g * gw:(g + 1) * gw]) / denom
        q = jnp.sum(t2[:, g * gw:(g + 1) * gw]) / denom
        inv = lax.rsqrt(q - m * m + _EPS)
        meanvec = jnp.where(lane == g, m, meanvec)
        invvec = jnp.where(lane == g, inv, invvec)
    u = (s - meanvec) * invvec * dg_ref[...] + db_ref[...]
    y = _gelu(u)
    o = lax.dot_general(w2_ref[...], y, (((1,), (1,)), ((), ())),
                        preferred_element_type=jnp.float32)
    o = o + b2_ref[...]
    c = o.shape[0]
    gh = c // 4
    cnt = float(gh * n)
    blks = []
    for g in range(4):
        blk = o[g * gh:(g + 1) * gh, :]
        mu = jnp.sum(blk) / cnt
        var = jnp.sum(blk * blk) / cnt - mu * mu
        blks.append((blk - mu) * lax.rsqrt(var + _EPS))
    on = jnp.concatenate(blks, axis=0)
    out_ref[0] = on * g2_ref[...] + be2_ref[...] + x_ref[0]


def _k4(s, hts, w, x, w2, b2, dg, db, g2, be2):
    b, n, mid = s.shape
    c = x.shape[1]
    col = lambda a: a.reshape(-1, 1)
    vec = lambda a: a.reshape(1, -1)
    return pl.pallas_call(
        _k4_body,
        grid=(b,),
        in_specs=[
            pl.BlockSpec((1, n, mid), lambda i: (i, 0, 0)),
            pl.BlockSpec((1, n, mid), lambda i: (i, 0, 0)),
            pl.BlockSpec((1, 1, n), lambda i: (i, 0, 0)),
            pl.BlockSpec((1, c, n), lambda i: (i, 0, 0)),
            pl.BlockSpec((c, mid), lambda i: (0, 0)),
            pl.BlockSpec((c, 1), lambda i: (0, 0)),
            pl.BlockSpec((1, mid), lambda i: (0, 0)),
            pl.BlockSpec((1, mid), lambda i: (0, 0)),
            pl.BlockSpec((c, 1), lambda i: (0, 0)),
            pl.BlockSpec((c, 1), lambda i: (0, 0)),
        ],
        out_specs=pl.BlockSpec((1, c, n), lambda i: (i, 0, 0)),
        out_shape=jax.ShapeDtypeStruct((b, c, n), jnp.float32),
    )(s, hts, w, x, w2, col(b2), vec(dg), vec(db), col(g2), col(be2))


def kernel(x, pos, W1, b1, gn1_g, gn1_b, dw_w, dwbn_g, dwbn_b, W2, b2,
           gn2_g, gn2_b):
    b, c, n = x.shape
    mid = W1.shape[0]
    hts = _k1(x, W1, b1, gn1_g, gn1_b, dw_w)
    idx, w = _k2(pos)
    s = _gather_max(hts.reshape(b * n, mid),
                    idx.reshape(b * n * _K))
    s = s.reshape(b, n, mid)
    return _k4(s, hts, w, x, W2, b2, dwbn_g, dwbn_b, gn2_g, gn2_b)

# --- scband reference (transcript-rebuilt; emitter-appended) ---
"""Pipeline reference for scband-inv-res-mlp-56624848831028 (READ-ONLY COPY).

The authoritative reference and input builder live on the scoring server;
editing this copy changes nothing except your own understanding.
"""

import jax, jax.numpy as jnp
import numpy as np

RADIUS = 0.12
NSAMPLE = 32

def group_norm(x, gamma, beta, num_groups=4, eps=1e-5):
    B, C = x.shape[0], x.shape[1]
    sp = x.shape[2:]
    xg = x.reshape(B, num_groups, -1)
    mean = jnp.mean(xg, axis=-1, keepdims=True)
    var = jnp.var(xg, axis=-1, keepdims=True)
    xg = (xg - mean) / jnp.sqrt(var + eps)
    x = xg.reshape((B, C) + sp)
    shape = (1, C) + (1,) * len(sp)
    return x * gamma.reshape(shape) + beta.reshape(shape)

def query_ball_point(radius, nsample, xyz):
    B, N, _ = xyz.shape
    sqr = -2.0 * jnp.einsum('bnc,bmc->bnm', xyz, xyz)
    ss = jnp.sum(xyz ** 2, axis=-1)
    sqr = sqr + ss[:, :, None] + ss[:, None, :]
    gi = jnp.broadcast_to(jnp.arange(N, dtype=jnp.int32), (B, N, N))
    gi = jnp.where(sqr > radius * radius, N, gi)
    gi = jnp.sort(gi, axis=-1)[:, :, :nsample]
    first = gi[:, :, :1]
    gi = jnp.where(gi == N, jnp.broadcast_to(first, gi.shape), gi)
    return gi

def setup_inputs(seed: int = 0):
    key = jax.random.key(seed)
    ks = jax.random.split(key, 8)
    B, C, N = 4, 64, 2048
    mid = C * 4
    x = jax.random.normal(ks[0], (B, C, N), dtype=jnp.float32)
    pos = jax.random.uniform(ks[1], (B, 3, N), dtype=jnp.float32)
    W1 = jax.random.normal(ks[2], (mid, C), dtype=jnp.float32) * 0.05
    b1 = jnp.zeros((mid,), jnp.float32)
    gn1_g = jnp.ones((mid,), jnp.float32)
    gn1_b = jnp.zeros((mid,), jnp.float32)
    dw_w = jax.random.normal(ks[3], (mid,), dtype=jnp.float32) * 0.1 + 1.0
    dwbn_g = jnp.ones((mid,), jnp.float32)
    dwbn_b = jnp.zeros((mid,), jnp.float32)
    W2 = jax.random.normal(ks[4], (C, mid), dtype=jnp.float32) * 0.05
    b2 = jnp.zeros((C,), jnp.float32)
    gn2_g = jnp.ones((C,), jnp.float32)
    gn2_b = jnp.zeros((C,), jnp.float32)
    return {"x": x, "pos": pos, "W1": W1, "b1": b1, "gn1_g": gn1_g, "gn1_b": gn1_b,
            "dw_w": dw_w, "dwbn_g": dwbn_g, "dwbn_b": dwbn_b, "W2": W2, "b2": b2,
            "gn2_g": gn2_g, "gn2_b": gn2_b}

def reference(x, pos, W1, b1, gn1_g, gn1_b, dw_w, dwbn_g, dwbn_b, W2, b2, gn2_g, gn2_b):
    identity = x
    h = jnp.einsum('oc,bcn->bon', W1, x) + b1[None, :, None]
    h = jax.nn.gelu(group_norm(h, gn1_g, gn1_b), approximate=False)
    pos_t = jnp.transpose(pos, (0, 2, 1))
    idx = query_ball_point(RADIUS, NSAMPLE, pos_t)
    xt = jnp.transpose(h, (0, 2, 1))
    bidx = jnp.arange(xt.shape[0])[:, None, None]
    grouped = xt[bidx, idx]
    grouped = jnp.transpose(grouped, (0, 3, 1, 2))
    grouped = grouped * dw_w[None, :, None, None]
    grouped = group_norm(grouped, dwbn_g, dwbn_b)
    h = jnp.max(grouped, axis=-1)
    h = jax.nn.gelu(h, approximate=False)
    h = jnp.einsum('oc,bcn->bon', W2, h) + b2[None, :, None]
    h = group_norm(h, gn2_g, gn2_b)
    return h + identity

if __name__ == "__main__":
    import jax
    _d = setup_inputs()
    print(jax.jit(kernel)(*tuple(_d.values())))

</pallas_src>

<mosaic_0001>
#map = affine_map<(d0, d1) -> (0, 0)>
#map1 = affine_map<(d0, d1) -> (0)>
module attributes {stable_mosaic.version = 14 : i64} {
  func.func @sc_k(%arg0: i32, %arg1: i32, %arg2: memref<8192x256xf32, #tpu.memory_space<hbm>>, %arg3: memref<262144xi32, #tpu.memory_space<hbm>>, %arg4: memref<8192x256xf32, #tpu.memory_space<hbm>>, %arg5: memref<8192xi32, #tpu.memory_space<vmem>>, %arg6: memref<128x256xf32, #tpu.memory_space<vmem>>, %arg7: memref<128x256xf32, #tpu.memory_space<vmem>>, %arg8: memref<4x256xf32, #tpu.memory_space<vmem>>, %arg9: memref<!tpu.dma_semaphore, #tpu.memory_space<semaphore_mem>>, %arg10: memref<!tpu.dma_semaphore, #tpu.memory_space<semaphore_mem>>) attributes {dimension_semantics = [#tpu.dimension_semantics<core_parallel>, #tpu.dimension_semantics<subcore_parallel>], iteration_bounds = array<i64: 2, 16>, scalar_prefetch = 0 : i64, scratch_operands = 6 : i64, tpu.core_type = #tpu.core_type<sc_vector_subcore>, window_params = [{transform_indices = #map}, {transform_indices = #map1}, {transform_indices = #map}]} {
    %mul3A = arith.constant 2 : i32
    %mul3A_0 = arith.muli %arg1, %mul3A : i32
    %add3A = arith.addi %mul3A_0, %arg0 : i32
    %mul3A_1 = arith.constant 256 : i32
    %mul3A_2 = arith.muli %add3A, %mul3A_1 : i32
    %mul3A_3 = arith.constant 32 : i32
    %mul3A_4 = arith.muli %mul3A_2, %mul3A_3 : i32
    "tpu.region"() ({
      %run_scoped3A = tpu.sem_alloc : memref<!tpu.dma_semaphore, #tpu.memory_space<semaphore_mem>>
      %dma_start3A_14 = tpu.memref_slice %arg3[%mul3A_4] : memref<262144xi32, #tpu.memory_space<hbm>> -> memref<8192xi32, #tpu.memory_space<hbm>>
      %dma_start3A_15 = tpu.memref_slice %arg3[%mul3A_4] : memref<262144xi32, #tpu.memory_space<hbm>> -> memref<8192xi32, #tpu.memory_space<hbm>>
      tpu.enqueue_dma source(%dma_start3A_15 : memref<8192xi32, #tpu.memory_space<hbm>>) target(%arg5 : memref<8192xi32, #tpu.memory_space<vmem>>) target_semaphore(%run_scoped3A : memref<!tpu.dma_semaphore, #tpu.memory_space<semaphore_mem>>)
      %dma_wait3A = tpu.memref_slice %arg3[%mul3A_4] : memref<262144xi32, #tpu.memory_space<hbm>> -> memref<8192xi32, #tpu.memory_space<hbm>>
      %dma_wait3A_16 = tpu.memref_slice %arg3[%mul3A_4] : memref<262144xi32, #tpu.memory_space<hbm>> -> memref<8192xi32, #tpu.memory_space<hbm>>
      tpu.wait_dma2 semaphore(%run_scoped3A : memref<!tpu.dma_semaphore, #tpu.memory_space<semaphore_mem>>) src(%dma_wait3A_16 : memref<8192xi32, #tpu.memory_space<hbm>>) dst(%arg5 : memref<8192xi32, #tpu.memory_space<vmem>>)
      tpu.yield
    }) : () -> ()
    %dma_start3A = arith.constant 0 : i32
    %dma_start3A_5 = tpu.memref_slice %arg5[%dma_start3A] : memref<8192xi32, #tpu.memory_space<vmem>> -> memref<128xi32, #tpu.memory_space<vmem>>
    %dma_start3A_6 = arith.constant 0 : i32
    %dma_start3A_7 = arith.constant 0 : i32
    %dma_start3A_8 = tpu.memref_slice %arg2[%dma_start3A_6, %dma_start3A_7] : memref<8192x256xf32, #tpu.memory_space<hbm>> -> memref<8192x256xf32, #tpu.memory_space<hbm>>
    tpu.enqueue_indirect_dma source(%dma_start3A_8 : memref<8192x256xf32, #tpu.memory_space<hbm>>) target(%arg6 : memref<128x256xf32, #tpu.memory_space<vmem>>) offsets(%dma_start3A_5 : memref<128xi32, #tpu.memory_space<vmem>>) semaphore(%arg9 : memref<!tpu.dma_semaphore, #tpu.memory_space<semaphore_mem>>)
    %scan3A = arith.constant 0 : i32
    %scan3A_9 = arith.constant 0 : i32
    %scan3A_10 = arith.constant 32 : i32
    %scan3A_11 = arith.addi %scan3A_9, %scan3A_10 : i32
    %scan3A_12 = arith.constant 1 : i32
    scf.for %scan3A_14 = %scan3A_9 to %scan3A_11 step %scan3A_12  : i32 {
      %mul3A_15 = arith.constant 2 : i32
      %mul3A_16 = arith.muli %scan3A_14, %mul3A_15 : i32
      %add3A_17 = arith.constant 0 : i32
      %add3A_18 = arith.addi %mul3A_16, %add3A_17 : i32
      %add3A_19 = arith.constant 1 : i32
      %add3A_20 = arith.addi %add3A_18, %add3A_19 : i32
      %lt3A = arith.constant 64 : i32
      %lt3A_21 = arith.cmpi slt, %add3A_20, %lt3A : i32
      %convert_element_type3A = arith.extui %lt3A_21 : i1 to i32
      %cond3A = arith.constant 0 : i32
      %cond3A_22 = arith.cmpi ne, %convert_element_type3A, %cond3A : i32
      scf.if %cond3A_22 {
        %add3A_1505 = arith.constant 1 : i32
        %add3A_1506 = arith.addi %add3A_18, %add3A_1505 : i32
        %mul3A_1507 = arith.constant 128 : i32
        %mul3A_1508 = arith.muli %add3A_1506, %mul3A_1507 : i32
        %dma_start3A_1509 = tpu.memref_slice %arg5[%mul3A_1508] : memref<8192xi32, #tpu.memory_space<vmem>> -> memref<128xi32, #tpu.memory_space<vmem>>
        %dma_start3A_1510 = arith.constant 0 : i32
        %dma_start3A_1511 = arith.constant 0 : i32
        %dma_start3A_1512 = tpu.memref_slice %arg2[%dma_start3A_1510, %dma_start3A_1511] : memref<8192x256xf32, #tpu.memory_space<hbm>> -> memref<8192x256xf32, #tpu.memory_space<hbm>>
        tpu.enqueue_indirect_dma source(%dma_start3A_1512 : memref<8192x256xf32, #tpu.memory_space<hbm>>) target(%arg7 : memref<128x256xf32, #tpu.memory_space<vmem>>) offsets(%dma_start3A_1509 : memref<128xi32, #tpu.memory_space<vmem>>) semaphore(%arg10 : memref<!tpu.dma_semaphore, #tpu.memory_space<semaphore_mem>>)
      } else {
      }
      %mul3A_23 = arith.constant 128 : i32
      %mul3A_24 = arith.muli %add3A_18, %mul3A_23 : i32
      %dma_wait3A = tpu.memref_slice %arg5[%mul3A_24] : memref<8192xi32, #tpu.memory_space<vmem>> -> memref<128xi32, #tpu.memory_space<vmem>>
      %dma_wait3A_25 = arith.constant 0 : i32
      %dma_wait3A_26 = arith.constant 0 : i32
      %dma_wait3A_27 = tpu.memref_slice %arg2[%dma_wait3A_25, %dma_wait3A_26] : memref<8192x256xf32, #tpu.memory_space<hbm>> -> memref<8192x256xf32, #tpu.memory_space<hbm>>
      tpu.wait_indirect_dma semaphore(%arg9 : memref<!tpu.dma_semaphore, #tpu.memory_space<semaphore_mem>>) src(%dma_wait3A_27 : memref<8192x256xf32, #tpu.memory_space<hbm>>) dst(%arg6 : memref<128x256xf32, #tpu.memory_space<vmem>>)
      %get3A = arith.constant 0 : i32
      %get3A_28 = arith.index_cast %get3A : i32 to index
      %get3A_29 = arith.constant 0 : index
      %get3A_30 = tpu.vector_load %arg6[%get3A_28, %get3A_29] {strides = array<i32>} : memref<128x256xf32, #tpu.memory_space<vmem>>, vector<1x16xf32>,
      %get3A_31 = vector.shape_cast %get3A_30 : vector<1x16xf32> to vector<16xf32>
      %get3A_32 = arith.constant 0 : i32
      %get3A_33 = arith.index_cast %get3A_32 : i32 to index
      %get3A_34 = arith.constant 16 : index
      %get3A_35 = tpu.vector_load %arg6[%get3A_33, %get3A_34] {strides = array<i32>} : memref<128x256xf32, #tpu.memory_space<vmem>>, vector<1x16xf32>,
      %get3A_36 = vector.shape_cast %get3A_35 : vector<1x16xf32> to vector<16xf32>
      %get3A_37 = arith.constant 0 : i32
      %get3A_38 = arith.index_cast %get3A_37 : i32 to index
      %get3A_39 = arith.constant 32 : index
      %get3A_40 = tpu.vector_load %arg6[%get3A_38, %get3A_39] {strides = array<i32>} : memref<128x256xf32, #tpu.memory_space<vmem>>, vector<1x16xf32>,
      %get3A_41 = vector.shape_cast %get3A_40 : vector<1x16xf32> to vector<16xf32>
      %get3A_42 = arith.constant 0 : i32
      %get3A_43 = arith.index_cast %get3A_42 : i32 to index
      %get3A_44 = arith.constant 48 : index
      %get3A_45 = tpu.vector_load %arg6[%get3A_43, %get3A_44] {strides = array<i32>} : memref<128x256xf32, #tpu.memory_space<vmem>>, vector<1x16xf32>,
      %get3A_46 = vector.shape_cast %get3A_45 : vector<1x16xf32> to vector<16xf32>
      %get3A_47 = arith.constant 0 : i32
      %get3A_48 = arith.index_cast %get3A_47 : i32 to index
      %get3A_49 = arith.constant 64 : index
      %get3A_50 = tpu.vector_load %arg6[%get3A_48, %get3A_49] {strides = array<i32>} : memref<128x256xf32, #tpu.memory_space<vmem>>, vector<1x16xf32>,
      %get3A_51 = vector.shape_cast %get3A_50 : vector<1x16xf32> to vector<16xf32>
      %get3A_52 = arith.constant 0 : i32
      %get3A_53 = arith.index_cast %get3A_52 : i32 to index
      %get3A_54 = arith.constant 80 : index
      %get3A_55 = tpu.vector_load %arg6[%get3A_53, %get3A_54] {strides = array<i32>} : memref<128x256xf32, #tpu.memory_space<vmem>>, vector<1x16xf32>,
      %get3A_56 = vector.shape_cast %get3A_55 : vector<1x16xf32> to vector<16xf32>
      %get3A_57 = arith.constant 0 : i32
      %get3A_58 = arith.index_cast %get3A_57 : i32 to index
      %get3A_59 = arith.constant 96 : index
      %get3A_60 = tpu.vector_load %arg6[%get3A_58, %get3A_59] {strides = array<i32>} : memref<128x256xf32, #tpu.memory_space<vmem>>, vector<1x16xf32>,
      %get3A_61 = vector.shape_cast %get3A_60 : vector<1x16xf32> to vector<16xf32>
      %get3A_62 = arith.constant 0 : i32
      %get3A_63 = arith.index_cast %get3A_62 : i32 to index
      %get3A_64 = arith.constant 112 : index
      %get3A_65 = tpu.vector_load %arg6[%get3A_63, %get3A_64] {strides = array<i32>} : memref<128x256xf32, #tpu.memory_space<vmem>>, vector<1x16xf32>,
      %get3A_66 = vector.shape_cast %get3A_65 : vector<1x16xf32> to vector<16xf32>
      %get3A_67 = arith.constant 0 : i32
      %get3A_68 = arith.index_cast %get3A_67 : i32 to index
      %get3A_69 = arith.constant 128 : index
      %get3A_70 = tpu.vector_load %arg6[%get3A_68, %get3A_69] {strides = array<i32>} : memref<128x256xf32, #tpu.memory_space<vmem>>, vector<1x16xf32>,
      %get3A_71 = vector.shape_cast %get3A_70 : vector<1x16xf32> to vector<16xf32>
      %get3A_72 = arith.constant 0 : i32
      %get3A_73 = arith.index_cast %get3A_72 : i32 to index
      %get3A_74 = arith.constant 144 : index
      %get3A_75 = tpu.vector_load %arg6[%get3A_73, %get3A_74] {strides = array<i32>} : memref<128x256xf32, #tpu.memory_space<vmem>>, vector<1x16xf32>,
      %get3A_76 = vector.shape_cast %get3A_75 : vector<1x16xf32> to vector<16xf32>
      %get3A_77 = arith.constant 0 : i32
      %get3A_78 = arith.index_cast %get3A_77 : i32 to index
      %get3A_79 = arith.constant 160 : index
      %get3A_80 = tpu.vector_load %arg6[%get3A_78, %get3A_79] {strides = array<i32>} : memref<128x256xf32, #tpu.memory_space<vmem>>, vector<1x16xf32>,
      %get3A_81 = vector.shape_cast %get3A_80 : vector<1x16xf32> to vector<16xf32>
      %get3A_82 = arith.constant 0 : i32
      %get3A_83 = arith.index_cast %get3A_82 : i32 to index
      %get3A_84 = arith.constant 176 : index
      %get3A_85 = tpu.vector_load %arg6[%get3A_83, %get3A_84] {strides = array<i32>} : memref<128x256xf32, #tpu.memory_space<vmem>>, vector<1x16xf32>,
      %get3A_86 = vector.shape_cast %get3A_85 : vector<1x16xf32> to vector<16xf32>
      %get3A_87 = arith.constant 0 : i32
      %get3A_88 = arith.index_cast %get3A_87 : i32 to index
      %get3A_89 = arith.constant 192 : index
      %get3A_90 = tpu.vector_load %arg6[%get3A_88, %get3A_89] {strides = array<i32>} : memref<128x256xf32, #tpu.memory_space<vmem>>, vector<1x16xf32>,
      %get3A_91 = vector.shape_cast %get3A_90 : vector<1x16xf32> to vector<16xf32>
      %get3A_92 = arith.constant 0 : i32
      %get3A_93 = arith.index_cast %get3A_92 : i32 to index
      %get3A_94 = arith.constant 208 : index
      %get3A_95 = tpu.vector_load %arg6[%get3A_93, %get3A_94] {strides = array<i32>} : memref<128x256xf32, #tpu.memory_space<vmem>>, vector<1x16xf32>,
      %get3A_96 = vector.shape_cast %get3A_95 : vector<1x16xf32> to vector<16xf32>
      %get3A_97 = arith.constant 0 : i32
      %get3A_98 = arith.index_cast %get3A_97 : i32 to index
      %get3A_99 = arith.constant 224 : index
      %get3A_100 = tpu.vector_load %arg6[%get3A_98, %get3A_99] {strides = array<i32>} : memref<128x256xf32, #tpu.memory_space<vmem>>, vector<1x16xf32>,
      %get3A_101 = vector.shape_cast %get3A_100 : vector<1x16xf32> to vector<16xf32>
      %get3A_102 = arith.constant 0 : i32
      %get3A_103 = arith.index_cast %get3A_102 : i32 to index
      %get3A_104 = arith.constant 240 : index
      %get3A_105 = tpu.vector_load %arg6[%get3A_103, %get3A_104] {strides = array<i32>} : memref<128x256xf32, #tpu.memory_space<vmem>>, vector<1x16xf32>,
      %get3A_106 = vector.shape_cast %get3A_105 : vector<1x16xf32> to vector<16xf32>
      %scan3A_107 = arith.constant 1 : i32
      %scan3A_108 = arith.constant 31 : i32
      %scan3A_109 = arith.addi %scan3A_107, %scan3A_108 : i32
      %scan3A_110 = arith.constant 1 : i32
      %scan3A_111:16 = scf.for %scan3A_1505 = %scan3A_107 to %scan3A_109 step %scan3A_110 iter_args(%scan3A_1506 = %get3A_31, %scan3A_1507 = %get3A_36, %scan3A_1508 = %get3A_41, %scan3A_1509 = %get3A_46, %scan3A_1510 = %get3A_51, %scan3A_1511 = %get3A_56, %scan3A_1512 = %get3A_61, %scan3A_1513 = %get3A_66, %scan3A_1514 = %get3A_71, %scan3A_1515 = %get3A_76, %scan3A_1516 = %get3A_81, %scan3A_1517 = %get3A_86, %scan3A_1518 = %get3A_91, %scan3A_1519 = %get3A_96, %scan3A_1520 = %get3A_101, %scan3A_1521 = %get3A_106) -> (vector<16xf32>, vector<16xf32>, vector<16xf32>, vector<16xf32>, vector<16xf32>, vector<16xf32>, vector<16xf32>, vector<16xf32>, vector<16xf32>, vector<16xf32>, vector<16xf32>, vector<16xf32>, vector<16xf32>, vector<16xf32>, vector<16xf32>, vector<16xf32>)  : i32 {
        %add3A_1522 = arith.constant 0 : i32
        %add3A_1523 = arith.addi %add3A_1522, %scan3A_1505 : i32
        %get3A_1524 = arith.index_cast %add3A_1523 : i32 to index
        %get3A_1525 = arith.constant 0 : index
        %get3A_1526 = tpu.vector_load %arg6[%get3A_1524, %get3A_1525] {strides = array<i32>} : memref<128x256xf32, #tpu.memory_space<vmem>>, vector<1x16xf32>,
        %get3A_1527 = vector.shape_cast %get3A_1526 : vector<1x16xf32> to vector<16xf32>
        %max3A = arith.maximumf %scan3A_1506, %get3A_1527 : vector<16xf32>
        %add3A_1528 = arith.constant 0 : i32
        %add3A_1529 = arith.addi %add3A_1528, %scan3A_1505 : i32
        %get3A_1530 = arith.index_cast %add3A_1529 : i32 to index
        %get3A_1531 = arith.constant 16 : index
        %get3A_1532 = tpu.vector_load %arg6[%get3A_1530, %get3A_1531] {strides = array<i32>} : memref<128x256xf32, #tpu.memory_space<vmem>>, vector<1x16xf32>,
        %get3A_1533 = vector.shape_cast %get3A_1532 : vector<1x16xf32> to vector<16xf32>
        %max3A_1534 = arith.maximumf %scan3A_1507, %get3A_1533 : vector<16xf32>
        %add3A_1535 = arith.constant 0 : i32
        %add3A_1536 = arith.addi %add3A_1535, %scan3A_1505 : i32
        %get3A_1537 = arith.index_cast %add3A_1536 : i32 to index
        %get3A_1538 = arith.constant 32 : index
        %get3A_1539 = tpu.vector_load %arg6[%get3A_1537, %get3A_1538] {strides = array<i32>} : memref<128x256xf32, #tpu.memory_space<vmem>>, vector<1x16xf32>,
        %get3A_1540 = vector.shape_cast %get3A_1539 : vector<1x16xf32> to vector<16xf32>
        %max3A_1541 = arith.maximumf %scan3A_1508, %get3A_1540 : vector<16xf32>
        %add3A_1542 = arith.constant 0 : i32
        %add3A_1543 = arith.addi %add3A_1542, %scan3A_1505 : i32
        %get3A_1544 = arith.index_cast %add3A_1543 : i32 to index
        %get3A_1545 = arith.constant 48 : index
        %get3A_1546 = tpu.vector_load %arg6[%get3A_1544, %get3A_1545] {strides = array<i32>} : memref<128x256xf32, #tpu.memory_space<vmem>>, vector<1x16xf32>,
        %get3A_1547 = vector.shape_cast %get3A_1546 : vector<1x16xf32> to vector<16xf32>
        %max3A_1548 = arith.maximumf %scan3A_1509, %get3A_1547 : vector<16xf32>
        %add3A_1549 = arith.constant 0 : i32
        %add3A_1550 = arith.addi %add3A_1549, %scan3A_1505 : i32
        %get3A_1551 = arith.index_cast %add3A_1550 : i32 to index
        %get3A_1552 = arith.constant 64 : index
        %get3A_1553 = tpu.vector_load %arg6[%get3A_1551, %get3A_1552] {strides = array<i32>} : memref<128x256xf32, #tpu.memory_space<vmem>>, vector<1x16xf32>,
        %get3A_1554 = vector.shape_cast %get3A_1553 : vector<1x16xf32> to vector<16xf32>
        %max3A_1555 = arith.maximumf %scan3A_1510, %get3A_1554 : vector<16xf32>
        %add3A_1556 = arith.constant 0 : i32
        %add3A_1557 = arith.addi %add3A_1556, %scan3A_1505 : i32
        %get3A_1558 = arith.index_cast %add3A_1557 : i32 to index
        %get3A_1559 = arith.constant 80 : index
        %get3A_1560 = tpu.vector_load %arg6[%get3A_1558, %get3A_1559] {strides = array<i32>} : memref<128x256xf32, #tpu.memory_space<vmem>>, vector<1x16xf32>,
        %get3A_1561 = vector.shape_cast %get3A_1560 : vector<1x16xf32> to vector<16xf32>
        %max3A_1562 = arith.maximumf %scan3A_1511, %get3A_1561 : vector<16xf32>
        %add3A_1563 = arith.constant 0 : i32
        %add3A_1564 = arith.addi %add3A_1563, %scan3A_1505 : i32
        %get3A_1565 = arith.index_cast %add3A_1564 : i32 to index
        %get3A_1566 = arith.constant 96 : index
        %get3A_1567 = tpu.vector_load %arg6[%get3A_1565, %get3A_1566] {strides = array<i32>} : memref<128x256xf32, #tpu.memory_space<vmem>>, vector<1x16xf32>,
        %get3A_1568 = vector.shape_cast %get3A_1567 : vector<1x16xf32> to vector<16xf32>
        %max3A_1569 = arith.maximumf %scan3A_1512, %get3A_1568 : vector<16xf32>
        %add3A_1570 = arith.constant 0 : i32
        %add3A_1571 = arith.addi %add3A_1570, %scan3A_1505 : i32
        %get3A_1572 = arith.index_cast %add3A_1571 : i32 to index
        %get3A_1573 = arith.constant 112 : index
        %get3A_1574 = tpu.vector_load %arg6[%get3A_1572, %get3A_1573] {strides = array<i32>} : memref<128x256xf32, #tpu.memory_space<vmem>>, vector<1x16xf32>,
        %get3A_1575 = vector.shape_cast %get3A_1574 : vector<1x16xf32> to vector<16xf32>
        %max3A_1576 = arith.maximumf %scan3A_1513, %get3A_1575 : vector<16xf32>
        %add3A_1577 = arith.constant 0 : i32
        %add3A_1578 = arith.addi %add3A_1577, %scan3A_1505 : i32
        %get3A_1579 = arith.index_cast %add3A_1578 : i32 to index
        %get3A_1580 = arith.constant 128 : index
        %get3A_1581 = tpu.vector_load %arg6[%get3A_1579, %get3A_1580] {strides = array<i32>} : memref<128x256xf32, #tpu.memory_space<vmem>>, vector<1x16xf32>,
        %get3A_1582 = vector.shape_cast %get3A_1581 : vector<1x16xf32> to vector<16xf32>
        %max3A_1583 = arith.maximumf %scan3A_1514, %get3A_1582 : vector<16xf32>
        %add3A_1584 = arith.constant 0 : i32
        %add3A_1585 = arith.addi %add3A_1584, %scan3A_1505 : i32
        %get3A_1586 = arith.index_cast %add3A_1585 : i32 to index
        %get3A_1587 = arith.constant 144 : index
        %get3A_1588 = tpu.vector_load %arg6[%get3A_1586, %get3A_1587] {strides = array<i32>} : memref<128x256xf32, #tpu.memory_space<vmem>>, vector<1x16xf32>,
        %get3A_1589 = vector.shape_cast %get3A_1588 : vector<1x16xf32> to vector<16xf32>
        %max3A_1590 = arith.maximumf %scan3A_1515, %get3A_1589 : vector<16xf32>
        %add3A_1591 = arith.constant 0 : i32
        %add3A_1592 = arith.addi %add3A_1591, %scan3A_1505 : i32
        %get3A_1593 = arith.index_cast %add3A_1592 : i32 to index
        %get3A_1594 = arith.constant 160 : index
        %get3A_1595 = tpu.vector_load %arg6[%get3A_1593, %get3A_1594] {strides = array<i32>} : memref<128x256xf32, #tpu.memory_space<vmem>>, vector<1x16xf32>,
        %get3A_1596 = vector.shape_cast %get3A_1595 : vector<1x16xf32> to vector<16xf32>
        %max3A_1597 = arith.maximumf %scan3A_1516, %get3A_1596 : vector<16xf32>
        %add3A_1598 = arith.constant 0 : i32
        %add3A_1599 = arith.addi %add3A_1598, %scan3A_1505 : i32
        %get3A_1600 = arith.index_cast %add3A_1599 : i32 to index
        %get3A_1601 = arith.constant 176 : index
        %get3A_1602 = tpu.vector_load %arg6[%get3A_1600, %get3A_1601] {strides = array<i32>} : memref<128x256xf32, #tpu.memory_space<vmem>>, vector<1x16xf32>,
        %get3A_1603 = vector.shape_cast %get3A_1602 : vector<1x16xf32> to vector<16xf32>
        %max3A_1604 = arith.maximumf %scan3A_1517, %get3A_1603 : vector<16xf32>
        %add3A_1605 = arith.constant 0 : i32
        %add3A_1606 = arith.addi %add3A_1605, %scan3A_1505 : i32
        %get3A_1607 = arith.index_cast %add3A_1606 : i32 to index
        %get3A_1608 = arith.constant 192 : index
        %get3A_1609 = tpu.vector_load %arg6[%get3A_1607, %get3A_1608] {strides = array<i32>} : memref<128x256xf32, #tpu.memory_space<vmem>>, vector<1x16xf32>,
        %get3A_1610 = vector.shape_cast %get3A_1609 : vector<1x16xf32> to vector<16xf32>
        %max3A_1611 = arith.maximumf %scan3A_1518, %get3A_1610 : vector<16xf32>
        %add3A_1612 = arith.constant 0 : i32
        %add3A_1613 = arith.addi %add3A_1612, %scan3A_1505 : i32
        %get3A_1614 = arith.index_cast %add3A_1613 : i32 to index
        %get3A_1615 = arith.constant 208 : index
        %get3A_1616 = tpu.vector_load %arg6[%get3A_1614, %get3A_1615] {strides = array<i32>} : memref<128x256xf32, #tpu.memory_space<vmem>>, vector<1x16xf32>,
        %get3A_1617 = vector.shape_cast %get3A_1616 : vector<1x16xf32> to vector<16xf32>
        %max3A_1618 = arith.maximumf %scan3A_1519, %get3A_1617 : vector<16xf32>
        %add3A_1619 = arith.constant 0 : i32
        %add3A_1620 = arith.addi %add3A_1619, %scan3A_1505 : i32
        %get3A_1621 = arith.index_cast %add3A_1620 : i32 to index
        %get3A_1622 = arith.constant 224 : index
        %get3A_1623 = tpu.vector_load %arg6[%get3A_1621, %get3A_1622] {strides = array<i32>} : memref<128x256xf32, #tpu.memory_space<vmem>>, vector<1x16xf32>,
        %get3A_1624 = vector.shape_cast %get3A_1623 : vector<1x16xf32> to vector<16xf32>
        %max3A_1625 = arith.maximumf %scan3A_1520, %get3A_1624 : vector<16xf32>
        %add3A_1626 = arith.constant 0 : i32
        %add3A_1627 = arith.addi %add3A_1626, %scan3A_1505 : i32
        %get3A_1628 = arith.index_cast %add3A_1627 : i32 to index
        %get3A_1629 = arith.constant 240 : index
        %get3A_1630 = tpu.vector_load %arg6[%get3A_1628, %get3A_1629] {strides = array<i32>} : memref<128x256xf32, #tpu.memory_space<vmem>>, vector<1x16xf32>,
        %get3A_1631 = vector.shape_cast %get3A_1630 : vector<1x16xf32> to vector<16xf32>
        %max3A_1632 = arith.maximumf %scan3A_1521, %get3A_1631 : vector<16xf32>
        scf.yield %max3A, %max3A_1534, %max3A_1541, %max3A_1548, %max3A_1555, %max3A_1562, %max3A_1569, %max3A_1576, %max3A_1583, %max3A_1590, %max3A_1597, %max3A_1604, %max3A_1611, %max3A_1618, %max3A_1625, %max3A_1632 : vector<16xf32>, vector<16xf32>, vector<16xf32>, vector<16xf32>, vector<16xf32>, vector<16xf32>, vector<16xf32>, vector<16xf32>, vector<16xf32>, vector<16xf32>, vector<16xf32>, vector<16xf32>, vector<16xf32>, vector<16xf32>, vector<16xf32>, vector<16xf32>
      }
      %scan3A_112 = arith.constant 31 : i32
      %swap3A = arith.constant 0 : i32
      %swap3A_113 = arith.index_cast %swap3A : i32 to index
      %swap3A_114 = arith.constant 0 : index
      %swap3A_115 = tpu.vector_load %arg8[%swap3A_113, %swap3A_114] {strides = array<i32>} : memref<4x256xf32, #tpu.memory_space<vmem>>, vector<1x16xf32>,
      %swap3A_116 = vector.shape_cast %swap3A_115 : vector<1x16xf32> to vector<16xf32>
      %swap3A_117 = vector.shape_cast %scan3A_111#0 : vector<16xf32> to vector<1x16xf32>
      tpu.vector_store %arg8[%swap3A_113, %swap3A_114], %swap3A_117 {strides = array<i32>} : memref<4x256xf32, #tpu.memory_space<vmem>>, vector<1x16xf32>,
      %swap3A_118 = arith.constant 0 : i32
      %swap3A_119 = arith.index_cast %swap3A_118 : i32 to index
      %swap3A_120 = arith.constant 16 : index
      %swap3A_121 = tpu.vector_load %arg8[%swap3A_119, %swap3A_120] {strides = array<i32>} : memref<4x256xf32, #tpu.memory_space<vmem>>, vector<1x16xf32>,
      %swap3A_122 = vector.shape_cast %swap3A_121 : vector<1x16xf32> to vector<16xf32>
      %swap3A_123 = vector.shape_cast %scan3A_111#1 : vector<16xf32> to vector<1x16xf32>
      tpu.vector_store %arg8[%swap3A_119, %swap3A_120], %swap3A_123 {strides = array<i32>} : memref<4x256xf32, #tpu.memory_space<vmem>>, vector<1x16xf32>,
      %swap3A_124 = arith.constant 0 : i32
      %swap3A_125 = arith.index_cast %swap3A_124 : i32 to index
      %swap3A_126 = arith.constant 32 : index
      %swap3A_127 = tpu.vector_load %arg8[%swap3A_125, %swap3A_126] {strides = array<i32>} : memref<4x256xf32, #tpu.memory_space<vmem>>, vector<1x16xf32>,
      %swap3A_128 = vector.shape_cast %swap3A_127 : vector<1x16xf32> to vector<16xf32>
      %swap3A_129 = vector.shape_cast %scan3A_111#2 : vector<16xf32> to vector<1x16xf32>
      tpu.vector_store %arg8[%swap3A_125, %swap3A_126], %swap3A_129 {strides = array<i32>} : memref<4x256xf32, #tpu.memory_space<vmem>>, vector<1x16xf32>,
      %swap3A_130 = arith.constant 0 : i32
      %swap3A_131 = arith.index_cast %swap3A_130 : i32 to index
      %swap3A_132 = arith.constant 48 : index
      %swap3A_133 = tpu.vector_load %arg8[%swap3A_131, %swap3A_132] {strides = array<i32>} : memref<4x256xf32, #tpu.memory_space<vmem>>, vector<1x16xf32>,
      %swap3A_134 = vector.shape_cast %swap3A_133 : vector<1x16xf32> to vector<16xf32>
      %swap3A_135 = vector.shape_cast %scan3A_111#3 : vector<16xf32> to vector<1x16xf32>
      tpu.vector_store %arg8[%swap3A_131, %swap3A_132], %swap3A_135 {strides = array<i32>} : memref<4x256xf32, #tpu.memory_space<vmem>>, vector<1x16xf32>,
      %swap3A_136 = arith.constant 0 : i32
      %swap3A_137 = arith.index_cast %swap3A_136 : i32 to index
      %swap3A_138 = arith.constant 64 : index
      %swap3A_139 = tpu.vector_load %arg8[%swap3A_137, %swap3A_138] {strides = array<i32>} : memref<4x256xf32, #tpu.memory_space<vmem>>, vector<1x16xf32>,
      %swap3A_140 = vector.shape_cast %swap3A_139 : vector<1x16xf32> to vector<16xf32>
      %swap3A_141 = vector.shape_cast %scan3A_111#4 : vector<16xf32> to vector<1x16xf32>
      tpu.vector_store %arg8[%swap3A_137, %swap3A_138], %swap3A_141 {strides = array<i32>} : memref<4x256xf32, #tpu.memory_space<vmem>>, vector<1x16xf32>,
      %swap3A_142 = arith.constant 0 : i32
      %swap3A_143 = arith.index_cast %swap3A_142 : i32 to index
      %swap3A_144 = arith.constant 80 : index
      %swap3A_145 = tpu.vector_load %arg8[%swap3A_143, %swap3A_144] {strides = array<i32>} : memref<4x256xf32, #tpu.memory_space<vmem>>, vector<1x16xf32>,
      %swap3A_146 = vector.shape_cast %swap3A_145 : vector<1x16xf32> to vector<16xf32>
      %swap3A_147 = vector.shape_cast %scan3A_111#5 : vector<16xf32> to vector<1x16xf32>
      tpu.vector_store %arg8[%swap3A_143, %swap3A_144], %swap3A_147 {strides = array<i32>} : memref<4x256xf32, #tpu.memory_space<vmem>>, vector<1x16xf32>,
      %swap3A_148 = arith.constant 0 : i32
      %swap3A_149 = arith.index_cast %swap3A_148 : i32 to index
      %swap3A_150 = arith.constant 96 : index
      %swap3A_151 = tpu.vector_load %arg8[%swap3A_149, %swap3A_150] {strides = array<i32>} : memref<4x256xf32, #tpu.memory_space<vmem>>, vector<1x16xf32>,
      %swap3A_152 = vector.shape_cast %swap3A_151 : vector<1x16xf32> to vector<16xf32>
      %swap3A_153 = vector.shape_cast %scan3A_111#6 : vector<16xf32> to vector<1x16xf32>
      tpu.vector_store %arg8[%swap3A_149, %swap3A_150], %swap3A_153 {strides = array<i32>} : memref<4x256xf32, #tpu.memory_space<vmem>>, vector<1x16xf32>,
      %swap3A_154 = arith.constant 0 : i32
      %swap3A_155 = arith.index_cast %swap3A_154 : i32 to index
      %swap3A_156 = arith.constant 112 : index
      %swap3A_157 = tpu.vector_load %arg8[%swap3A_155, %swap3A_156] {strides = array<i32>} : memref<4x256xf32, #tpu.memory_space<vmem>>, vector<1x16xf32>,
      %swap3A_158 = vector.shape_cast %swap3A_157 : vector<1x16xf32> to vector<16xf32>
      %swap3A_159 = vector.shape_cast %scan3A_111#7 : vector<16xf32> to vector<1x16xf32>
      tpu.vector_store %arg8[%swap3A_155, %swap3A_156], %swap3A_159 {strides = array<i32>} : memref<4x256xf32, #tpu.memory_space<vmem>>, vector<1x16xf32>,
      %swap3A_160 = arith.constant 0 : i32
      %swap3A_161 = arith.index_cast %swap3A_160 : i32 to index
      %swap3A_162 = arith.constant 128 : index
      %swap3A_163 = tpu.vector_load %arg8[%swap3A_161, %swap3A_162] {strides = array<i32>} : memref<4x256xf32, #tpu.memory_space<vmem>>, vector<1x16xf32>,
      %swap3A_164 = vector.shape_cast %swap3A_163 : vector<1x16xf32> to vector<16xf32>
      %swap3A_165 = vector.shape_cast %scan3A_111#8 : vector<16xf32> to vector<1x16xf32>
      tpu.vector_store %arg8[%swap3A_161, %swap3A_162], %swap3A_165 {strides = array<i32>} : memref<4x256xf32, #tpu.memory_space<vmem>>, vector<1x16xf32>,
      %swap3A_166 = arith.constant 0 : i32
      %swap3A_167 = arith.index_cast %swap3A_166 : i32 to index
      %swap3A_168 = arith.constant 144 : index
      %swap3A_169 = tpu.vector_load %arg8[%swap3A_167, %swap3A_168] {strides = array<i32>} : memref<4x256xf32, #tpu.memory_space<vmem>>, vector<1x16xf32>,
      %swap3A_170 = vector.shape_cast %swap3A_169 : vector<1x16xf32> to vector<16xf32>
      %swap3A_171 = vector.shape_cast %scan3A_111#9 : vector<16xf32> to vector<1x16xf32>
      tpu.vector_store %arg8[%swap3A_167, %swap3A_168], %swap3A_171 {strides = array<i32>} : memref<4x256xf32, #tpu.memory_space<vmem>>, vector<1x16xf32>,
      %swap3A_172 = arith.constant 0 : i32
      %swap3A_173 = arith.index_cast %swap3A_172 : i32 to index
      %swap3A_174 = arith.constant 160 : index
      %swap3A_175 = tpu.vector_load %arg8[%swap3A_173, %swap3A_174] {strides = array<i32>} : memref<4x256xf32, #tpu.memory_space<vmem>>, vector<1x16xf32>,
      %swap3A_176 = vector.shape_cast %swap3A_175 : vector<1x16xf32> to vector<16xf32>
      %swap3A_177 = vector.shape_cast %scan3A_111#10 : vector<16xf32> to vector<1x16xf32>
      tpu.vector_store %arg8[%swap3A_173, %swap3A_174], %swap3A_177 {strides = array<i32>} : memref<4x256xf32, #tpu.memory_space<vmem>>, vector<1x16xf32>,
      %swap3A_178 = arith.constant 0 : i32
      %swap3A_179 = arith.index_cast %swap3A_178 : i32 to index
      %swap3A_180 = arith.constant 176 : index
      %swap3A_181 = tpu.vector_load %arg8[%swap3A_179, %swap3A_180] {strides = array<i32>} : memref<4x256xf32, #tpu.memory_space<vmem>>, vector<1x16xf32>,
      %swap3A_182 = vector.shape_cast %swap3A_181 : vector<1x16xf32> to vector<16xf32>
      %swap3A_183 = vector.shape_cast %scan3A_111#11 : vector<16xf32> to vector<1x16xf32>
      tpu.vector_store %arg8[%swap3A_179, %swap3A_180], %swap3A_183 {strides = array<i32>} : memref<4x256xf32, #tpu.memory_space<vmem>>, vector<1x16xf32>,
      %swap3A_184 = arith.constant 0 : i32
      %swap3A_185 = arith.index_cast %swap3A_184 : i32 to index
      %swap3A_186 = arith.constant 192 : index
      %swap3A_187 = tpu.vector_load %arg8[%swap3A_185, %swap3A_186] {strides = array<i32>} : memref<4x256xf32, #tpu.memory_space<vmem>>, vector<1x16xf32>,
      %swap3A_188 = vector.shape_cast %swap3A_187 : vector<1x16xf32> to vector<16xf32>
      %swap3A_189 = vector.shape_cast %scan3A_111#12 : vector<16xf32> to vector<1x16xf32>
      tpu.vector_store %arg8[%swap3A_185, %swap3A_186], %swap3A_189 {strides = array<i32>} : memref<4x256xf32, #tpu.memory_space<vmem>>, vector<1x16xf32>,
      %swap3A_190 = arith.constant 0 : i32
      %swap3A_191 = arith.index_cast %swap3A_190 : i32 to index
      %swap3A_192 = arith.constant 208 : index
      %swap3A_193 = tpu.vector_load %arg8[%swap3A_191, %swap3A_192] {strides = array<i32>} : memref<4x256xf32, #tpu.memory_space<vmem>>, vector<1x16xf32>,
      %swap3A_194 = vector.shape_cast %swap3A_193 : vector<1x16xf32> to vector<16xf32>
      %swap3A_195 = vector.shape_cast %scan3A_111#13 : vector<16xf32> to vector<1x16xf32>
      tpu.vector_store %arg8[%swap3A_191, %swap3A_192], %swap3A_195 {strides = array<i32>} : memref<4x256xf32, #tpu.memory_space<vmem>>, vector<1x16xf32>,
      %swap3A_196 = arith.constant 0 : i32
      %swap3A_197 = arith.index_cast %swap3A_196 : i32 to index
      %swap3A_198 = arith.constant 224 : index
      %swap3A_199 = tpu.vector_load %arg8[%swap3A_197, %swap3A_198] {strides = array<i32>} : memref<4x256xf32, #tpu.memory_space<vmem>>, vector<1x16xf32>,
      %swap3A_200 = vector.shape_cast %swap3A_199 : vector<1x16xf32> to vector<16xf32>
      %swap3A_201 = vector.shape_cast %scan3A_111#14 : vector<16xf32> to vector<1x16xf32>
      tpu.vector_store %arg8[%swap3A_197, %swap3A_198], %swap3A_201 {strides = array<i32>} : memref<4x256xf32, #tpu.memory_space<vmem>>, vector<1x16xf32>,
      %swap3A_202 = arith.constant 0 : i32
      %swap3A_203 = arith.index_cast %swap3A_202 : i32 to index
      %swap3A_204 = arith.constant 240 : index
      %swap3A_205 = tpu.vector_load %arg8[%swap3A_203, %swap3A_204] {strides = array<i32>} : memref<4x256xf32, #tpu.memory_space<vmem>>, vector<1x16xf32>,
      %swap3A_206 = vector.shape_cast %swap3A_205 : vector<1x16xf32> to vector<16xf32>
      %swap3A_207 = vector.shape_cast %scan3A_111#15 : vector<16xf32> to vector<1x16xf32>
      tpu.vector_store %arg8[%swap3A_203, %swap3A_204], %swap3A_207 {strides = array<i32>} : memref<4x256xf32, #tpu.memory_space<vmem>>, vector<1x16xf32>,
      %get3A_208 = arith.constant 32 : i32
      %get3A_209 = arith.index_cast %get3A_208 : i32 to index
      %get3A_210 = arith.constant 0 : index
      %get3A_211 = tpu.vector_load %arg6[%get3A_209, %get3A_210] {strides = array<i32>} : memref<128x256xf32, #tpu.memory_space<vmem>>, vector<1x16xf32>,
      %get3A_212 = vector.shape_cast %get3A_211 : vector<1x16xf32> to vector<16xf32>
      %get3A_213 = arith.constant 32 : i32
      %get3A_214 = arith.index_cast %get3A_213 : i32 to index
      %get3A_215 = arith.constant 16 : index
      %get3A_216 = tpu.vector_load %arg6[%get3A_214, %get3A_215] {strides = array<i32>} : memref<128x256xf32, #tpu.memory_space<vmem>>, vector<1x16xf32>,
      %get3A_217 = vector.shape_cast %get3A_216 : vector<1x16xf32> to vector<16xf32>
      %get3A_218 = arith.constant 32 : i32
      %get3A_219 = arith.index_cast %get3A_218 : i32 to index
      %get3A_220 = arith.constant 32 : index
      %get3A_221 = tpu.vector_load %arg6[%get3A_219, %get3A_220] {strides = array<i32>} : memref<128x256xf32, #tpu.memory_space<vmem>>, vector<1x16xf32>,
      %get3A_222 = vector.shape_cast %get3A_221 : vector<1x16xf32> to vector<16xf32>
      %get3A_223 = arith.constant 32 : i32
      %get3A_224 = arith.index_cast %get3A_223 : i32 to index
      %get3A_225 = arith.constant 48 : index
      %get3A_226 = tpu.vector_load %arg6[%get3A_224, %get3A_225] {strides = array<i32>} : memref<128x256xf32, #tpu.memory_space<vmem>>, vector<1x16xf32>,
      %get3A_227 = vector.shape_cast %get3A_226 : vector<1x16xf32> to vector<16xf32>
      %get3A_228 = arith.constant 32 : i32
      %get3A_229 = arith.index_cast %get3A_228 : i32 to index
      %get3A_230 = arith.constant 64 : index
      %get3A_231 = tpu.vector_load %arg6[%get3A_229, %get3A_230] {strides = array<i32>} : memref<128x256xf32, #tpu.memory_space<vmem>>, vector<1x16xf32>,
      %get3A_232 = vector.shape_cast %get3A_231 : vector<1x16xf32> to vector<16xf32>
      %get3A_233 = arith.constant 32 : i32
      %get3A_234 = arith.index_cast %get3A_233 : i32 to index
      %get3A_235 = arith.constant 80 : index
      %get3A_236 = tpu.vector_load %arg6[%get3A_234, %get3A_235] {strides = array<i32>} : memref<128x256xf32, #tpu.memory_space<vmem>>, vector<1x16xf32>,
      %get3A_237 = vector.shape_cast %get3A_236 : vector<1x16xf32> to vector<16xf32>
      %get3A_238 = arith.constant 32 : i32
      %get3A_239 = arith.index_cast %get3A_238 : i32 to index
      %get3A_240 = arith.constant 96 : index
      %get3A_241 = tpu.vector_load %arg6[%get3A_239, %get3A_240] {strides = array<i32>} : memref<128x256xf32, #tpu.memory_space<vmem>>, vector<1x16xf32>,
      %get3A_242 = vector.shape_cast %get3A_241 : vector<1x16xf32> to vector<16xf32>
      %get3A_243 = arith.constant 32 : i32
      %get3A_244 = arith.index_cast %get3A_243 : i32 to index
      %get3A_245 = arith.constant 112 : index
      %get3A_246 = tpu.vector_load %arg6[%get3A_244, %get3A_245] {strides = array<i32>} : memref<128x256xf32, #tpu.memory_space<vmem>>, vector<1x16xf32>,
      %get3A_247 = vector.shape_cast %get3A_246 : vector<1x16xf32> to vector<16xf32>
      %get3A_248 = arith.constant 32 : i32
      %get3A_249 = arith.index_cast %get3A_248 : i32 to index
      %get3A_250 = arith.constant 128 : index
      %get3A_251 = tpu.vector_load %arg6[%get3A_249, %get3A_250] {strides = array<i32>} : memref<128x256xf32, #tpu.memory_space<vmem>>, vector<1x16xf32>,
      %get3A_252 = vector.shape_cast %get3A_251 : vector<1x16xf32> to vector<16xf32>
      %get3A_253 = arith.constant 32 : i32
      %get3A_254 = arith.index_cast %get3A_253 : i32 to index
      %get3A_255 = arith.constant 144 : index
      %get3A_256 = tpu.vector_load %arg6[%get3A_254, %get3A_255] {strides = array<i32>} : memref<128x256xf32, #tpu.memory_space<vmem>>, vector<1x16xf32>,
      %get3A_257 = vector.shape_cast %get3A_256 : vector<1x16xf32> to vector<16xf32>
      %get3A_258 = arith.constant 32 : i32
      %get3A_259 = arith.index_cast %get3A_258 : i32 to index
      %get3A_260 = arith.constant 160 : index
      %get3A_261 = tpu.vector_load %arg6[%get3A_259, %get3A_260] {strides = array<i32>} : memref<128x256xf32, #tpu.memory_space<vmem>>, vector<1x16xf32>,
      %get3A_262 = vector.shape_cast %get3A_261 : vector<1x16xf32> to vector<16xf32>
      %get3A_263 = arith.constant 32 : i32
      %get3A_264 = arith.index_cast %get3A_263 : i32 to index
      %get3A_265 = arith.constant 176 : index
      %get3A_266 = tpu.vector_load %arg6[%get3A_264, %get3A_265] {strides = array<i32>} : memref<128x256xf32, #tpu.memory_space<vmem>>, vector<1x16xf32>,
      %get3A_267 = vector.shape_cast %get3A_266 : vector<1x16xf32> to vector<16xf32>
      %get3A_268 = arith.constant 32 : i32
      %get3A_269 = arith.index_cast %get3A_268 : i32 to index
      %get3A_270 = arith.constant 192 : index
      %get3A_271 = tpu.vector_load %arg6[%get3A_269, %get3A_270] {strides = array<i32>} : memref<128x256xf32, #tpu.memory_space<vmem>>, vector<1x16xf32>,
      %get3A_272 = vector.shape_cast %get3A_271 : vector<1x16xf32> to vector<16xf32>
      %get3A_273 = arith.constant 32 : i32
      %get3A_274 = arith.index_cast %get3A_273 : i32 to index
      %get3A_275 = arith.constant 208 : index
      %get3A_276 = tpu.vector_load %arg6[%get3A_274, %get3A_275] {strides = array<i32>} : memref<128x256xf32, #tpu.memory_space<vmem>>, vector<1x16xf32>,
      %get3A_277 = vector.shape_cast %get3A_276 : vector<1x16xf32> to vector<16xf32>
      %get3A_278 = arith.constant 32 : i32
      %get3A_279 = arith.index_cast %get3A_278 : i32 to index
      %get3A_280 = arith.constant 224 : index
      %get3A_281 = tpu.vector_load %arg6[%get3A_279, %get3A_280] {strides = array<i32>} : memref<128x256xf32, #tpu.memory_space<vmem>>, vector<1x16xf32>,
      %get3A_282 = vector.shape_cast %get3A_281 : vector<1x16xf32> to vector<16xf32>
      %get3A_283 = arith.constant 32 : i32
      %get3A_284 = arith.index_cast %get3A_283 : i32 to index
      %get3A_285 = arith.constant 240 : index
      %get3A_286 = tpu.vector_load %arg6[%get3A_284, %get3A_285] {strides = array<i32>} : memref<128x256xf32, #tpu.memory_space<vmem>>, vector<1x16xf32>,
      %get3A_287 = vector.shape_cast %get3A_286 : vector<1x16xf32> to vector<16xf32>
      %scan3A_288 = arith.constant 1 : i32
      %scan3A_289 = arith.constant 31 : i32
      %scan3A_290 = arith.addi %scan3A_288, %scan3A_289 : i32
      %scan3A_291 = arith.constant 1 : i32
      %scan3A_292:16 = scf.for %scan3A_1505 = %scan3A_288 to %scan3A_290 step %scan3A_291 iter_args(%scan3A_1506 = %get3A_212, %scan3A_1507 = %get3A_217, %scan3A_1508 = %get3A_222, %scan3A_1509 = %get3A_227, %scan3A_1510 = %get3A_232, %scan3A_1511 = %get3A_237, %scan3A_1512 = %get3A_242, %scan3A_1513 = %get3A_247, %scan3A_1514 = %get3A_252, %scan3A_1515 = %get3A_257, %scan3A_1516 = %get3A_262, %scan3A_1517 = %get3A_267, %scan3A_1518 = %get3A_272, %scan3A_1519 = %get3A_277, %scan3A_1520 = %get3A_282, %scan3A_1521 = %get3A_287) -> (vector<16xf32>, vector<16xf32>, vector<16xf32>, vector<16xf32>, vector<16xf32>, vector<16xf32>, vector<16xf32>, vector<16xf32>, vector<16xf32>, vector<16xf32>, vector<16xf32>, vector<16xf32>, vector<16xf32>, vector<16xf32>, vector<16xf32>, vector<16xf32>)  : i32 {
        %add3A_1522 = arith.constant 32 : i32
        %add3A_1523 = arith.addi %add3A_1522, %scan3A_1505 : i32
        %get3A_1524 = arith.index_cast %add3A_1523 : i32 to index
        %get3A_1525 = arith.constant 0 : index
        %get3A_1526 = tpu.vector_load %arg6[%get3A_1524, %get3A_1525] {strides = array<i32>} : memref<128x256xf32, #tpu.memory_space<vmem>>, vector<1x16xf32>,
        %get3A_1527 = vector.shape_cast %get3A_1526 : vector<1x16xf32> to vector<16xf32>
        %max3A = arith.maximumf %scan3A_1506, %get3A_1527 : vector<16xf32>
        %add3A_1528 = arith.constant 32 : i32
        %add3A_1529 = arith.addi %add3A_1528, %scan3A_1505 : i32
        %get3A_1530 = arith.index_cast %add3A_1529 : i32 to index
        %get3A_1531 = arith.constant 16 : index
        %get3A_1532 = tpu.vector_load %arg6[%get3A_1530, %get3A_1531] {strides = array<i32>} : memref<128x256xf32, #tpu.memory_space<vmem>>, vector<1x16xf32>,
        %get3A_1533 = vector.shape_cast %get3A_1532 : vector<1x16xf32> to vector<16xf32>
        %max3A_1534 = arith.maximumf %scan3A_1507, %get3A_1533 : vector<16xf32>
        %add3A_1535 = arith.constant 32 : i32
        %add3A_1536 = arith.addi %add3A_1535, %scan3A_1505 : i32
        %get3A_1537 = arith.index_cast %add3A_1536 : i32 to index
        %get3A_1538 = arith.constant 32 : index
        %get3A_1539 = tpu.vector_load %arg6[%get3A_1537, %get3A_1538] {strides = array<i32>} : memref<128x256xf32, #tpu.memory_space<vmem>>, vector<1x16xf32>,
        %get3A_1540 = vector.shape_cast %get3A_1539 : vector<1x16xf32> to vector<16xf32>
        %max3A_1541 = arith.maximumf %scan3A_1508, %get3A_1540 : vector<16xf32>
        %add3A_1542 = arith.constant 32 : i32
        %add3A_1543 = arith.addi %add3A_1542, %scan3A_1505 : i32
        %get3A_1544 = arith.index_cast %add3A_1543 : i32 to index
        %get3A_1545 = arith.constant 48 : index
        %get3A_1546 = tpu.vector_load %arg6[%get3A_1544, %get3A_1545] {strides = array<i32>} : memref<128x256xf32, #tpu.memory_space<vmem>>, vector<1x16xf32>,
        %get3A_1547 = vector.shape_cast %get3A_1546 : vector<1x16xf32> to vector<16xf32>
        %max3A_1548 = arith.maximumf %scan3A_1509, %get3A_1547 : vector<16xf32>
        %add3A_1549 = arith.constant 32 : i32
        %add3A_1550 = arith.addi %add3A_1549, %scan3A_1505 : i32
        %get3A_1551 = arith.index_cast %add3A_1550 : i32 to index
        %get3A_1552 = arith.constant 64 : index
        %get3A_1553 = tpu.vector_load %arg6[%get3A_1551, %get3A_1552] {strides = array<i32>} : memref<128x256xf32, #tpu.memory_space<vmem>>, vector<1x16xf32>,
        %get3A_1554 = vector.shape_cast %get3A_1553 : vector<1x16xf32> to vector<16xf32>
        %max3A_1555 = arith.maximumf %scan3A_1510, %get3A_1554 : vector<16xf32>
        %add3A_1556 = arith.constant 32 : i32
        %add3A_1557 = arith.addi %add3A_1556, %scan3A_1505 : i32
        %get3A_1558 = arith.index_cast %add3A_1557 : i32 to index
        %get3A_1559 = arith.constant 80 : index
        %get3A_1560 = tpu.vector_load %arg6[%get3A_1558, %get3A_1559] {strides = array<i32>} : memref<128x256xf32, #tpu.memory_space<vmem>>, vector<1x16xf32>,
        %get3A_1561 = vector.shape_cast %get3A_1560 : vector<1x16xf32> to vector<16xf32>
        %max3A_1562 = arith.maximumf %scan3A_1511, %get3A_1561 : vector<16xf32>
        %add3A_1563 = arith.constant 32 : i32
        %add3A_1564 = arith.addi %add3A_1563, %scan3A_1505 : i32
        %get3A_1565 = arith.index_cast %add3A_1564 : i32 to index
        %get3A_1566 = arith.constant 96 : index
        %get3A_1567 = tpu.vector_load %arg6[%get3A_1565, %get3A_1566] {strides = array<i32>} : memref<128x256xf32, #tpu.memory_space<vmem>>, vector<1x16xf32>,
        %get3A_1568 = vector.shape_cast %get3A_1567 : vector<1x16xf32> to vector<16xf32>
        %max3A_1569 = arith.maximumf %scan3A_1512, %get3A_1568 : vector<16xf32>
        %add3A_1570 = arith.constant 32 : i32
        %add3A_1571 = arith.addi %add3A_1570, %scan3A_1505 : i32
        %get3A_1572 = arith.index_cast %add3A_1571 : i32 to index
        %get3A_1573 = arith.constant 112 : index
        %get3A_1574 = tpu.vector_load %arg6[%get3A_1572, %get3A_1573] {strides = array<i32>} : memref<128x256xf32, #tpu.memory_space<vmem>>, vector<1x16xf32>,
        %get3A_1575 = vector.shape_cast %get3A_1574 : vector<1x16xf32> to vector<16xf32>
        %max3A_1576 = arith.maximumf %scan3A_1513, %get3A_1575 : vector<16xf32>
        %add3A_1577 = arith.constant 32 : i32
        %add3A_1578 = arith.addi %add3A_1577, %scan3A_1505 : i32
        %get3A_1579 = arith.index_cast %add3A_1578 : i32 to index
        %get3A_1580 = arith.constant 128 : index
        %get3A_1581 = tpu.vector_load %arg6[%get3A_1579, %get3A_1580] {strides = array<i32>} : memref<128x256xf32, #tpu.memory_space<vmem>>, vector<1x16xf32>,
        %get3A_1582 = vector.shape_cast %get3A_1581 : vector<1x16xf32> to vector<16xf32>
        %max3A_1583 = arith.maximumf %scan3A_1514, %get3A_1582 : vector<16xf32>
        %add3A_1584 = arith.constant 32 : i32
        %add3A_1585 = arith.addi %add3A_1584, %scan3A_1505 : i32
        %get3A_1586 = arith.index_cast %add3A_1585 : i32 to index
        %get3A_1587 = arith.constant 144 : index
        %get3A_1588 = tpu.vector_load %arg6[%get3A_1586, %get3A_1587] {strides = array<i32>} : memref<128x256xf32, #tpu.memory_space<vmem>>, vector<1x16xf32>,
        %get3A_1589 = vector.shape_cast %get3A_1588 : vector<1x16xf32> to vector<16xf32>
        %max3A_1590 = arith.maximumf %scan3A_1515, %get3A_1589 : vector<16xf32>
        %add3A_1591 = arith.constant 32 : i32
        %add3A_1592 = arith.addi %add3A_1591, %scan3A_1505 : i32
        %get3A_1593 = arith.index_cast %add3A_1592 : i32 to index
        %get3A_1594 = arith.constant 160 : index
        %get3A_1595 = tpu.vector_load %arg6[%get3A_1593, %get3A_1594] {strides = array<i32>} : memref<128x256xf32, #tpu.memory_space<vmem>>, vector<1x16xf32>,
        %get3A_1596 = vector.shape_cast %get3A_1595 : vector<1x16xf32> to vector<16xf32>
        %max3A_1597 = arith.maximumf %scan3A_1516, %get3A_1596 : vector<16xf32>
        %add3A_1598 = arith.constant 32 : i32
        %add3A_1599 = arith.addi %add3A_1598, %scan3A_1505 : i32
        %get3A_1600 = arith.index_cast %add3A_1599 : i32 to index
        %get3A_1601 = arith.constant 176 : index
        %get3A_1602 = tpu.vector_load %arg6[%get3A_1600, %get3A_1601] {strides = array<i32>} : memref<128x256xf32, #tpu.memory_space<vmem>>, vector<1x16xf32>,
        %get3A_1603 = vector.shape_cast %get3A_1602 : vector<1x16xf32> to vector<16xf32>
        %max3A_1604 = arith.maximumf %scan3A_1517, %get3A_1603 : vector<16xf32>
        %add3A_1605 = arith.constant 32 : i32
        %add3A_1606 = arith.addi %add3A_1605, %scan3A_1505 : i32
        %get3A_1607 = arith.index_cast %add3A_1606 : i32 to index
        %get3A_1608 = arith.constant 192 : index
        %get3A_1609 = tpu.vector_load %arg6[%get3A_1607, %get3A_1608] {strides = array<i32>} : memref<128x256xf32, #tpu.memory_space<vmem>>, vector<1x16xf32>,
        %get3A_1610 = vector.shape_cast %get3A_1609 : vector<1x16xf32> to vector<16xf32>
        %max3A_1611 = arith.maximumf %scan3A_1518, %get3A_1610 : vector<16xf32>
        %add3A_1612 = arith.constant 32 : i32
        %add3A_1613 = arith.addi %add3A_1612, %scan3A_1505 : i32
        %get3A_1614 = arith.index_cast %add3A_1613 : i32 to index
        %get3A_1615 = arith.constant 208 : index
        %get3A_1616 = tpu.vector_load %arg6[%get3A_1614, %get3A_1615] {strides = array<i32>} : memref<128x256xf32, #tpu.memory_space<vmem>>, vector<1x16xf32>,
        %get3A_1617 = vector.shape_cast %get3A_1616 : vector<1x16xf32> to vector<16xf32>
        %max3A_1618 = arith.maximumf %scan3A_1519, %get3A_1617 : vector<16xf32>
        %add3A_1619 = arith.constant 32 : i32
        %add3A_1620 = arith.addi %add3A_1619, %scan3A_1505 : i32
        %get3A_1621 = arith.index_cast %add3A_1620 : i32 to index
        %get3A_1622 = arith.constant 224 : index
        %get3A_1623 = tpu.vector_load %arg6[%get3A_1621, %get3A_1622] {strides = array<i32>} : memref<128x256xf32, #tpu.memory_space<vmem>>, vector<1x16xf32>,
        %get3A_1624 = vector.shape_cast %get3A_1623 : vector<1x16xf32> to vector<16xf32>
        %max3A_1625 = arith.maximumf %scan3A_1520, %get3A_1624 : vector<16xf32>
        %add3A_1626 = arith.constant 32 : i32
        %add3A_1627 = arith.addi %add3A_1626, %scan3A_1505 : i32
        %get3A_1628 = arith.index_cast %add3A_1627 : i32 to index
        %get3A_1629 = arith.constant 240 : index
        %get3A_1630 = tpu.vector_load %arg6[%get3A_1628, %get3A_1629] {strides = array<i32>} : memref<128x256xf32, #tpu.memory_space<vmem>>, vector<1x16xf32>,
        %get3A_1631 = vector.shape_cast %get3A_1630 : vector<1x16xf32> to vector<16xf32>
        %max3A_1632 = arith.maximumf %scan3A_1521, %get3A_1631 : vector<16xf32>
        scf.yield %max3A, %max3A_1534, %max3A_1541, %max3A_1548, %max3A_1555, %max3A_1562, %max3A_1569, %max3A_1576, %max3A_1583, %max3A_1590, %max3A_1597, %max3A_1604, %max3A_1611, %max3A_1618, %max3A_1625, %max3A_1632 : vector<16xf32>, vector<16xf32>, vector<16xf32>, vector<16xf32>, vector<16xf32>, vector<16xf32>, vector<16xf32>, vector<16xf32>, vector<16xf32>, vector<16xf32>, vector<16xf32>, vector<16xf32>, vector<16xf32>, vector<16xf32>, vector<16xf32>, vector<16xf32>
      }
      %scan3A_293 = arith.constant 31 : i32
      %swap3A_294 = arith.constant 1 : i32
      %swap3A_295 = arith.index_cast %swap3A_294 : i32 to index
      %swap3A_296 = arith.constant 0 : index
      %swap3A_297 = tpu.vector_load %arg8[%swap3A_295, %swap3A_296] {strides = array<i32>} : memref<4x256xf32, #tpu.memory_space<vmem>>, vector<1x16xf32>,
      %swap3A_298 = vector.shape_cast %swap3A_297 : vector<1x16xf32> to vector<16xf32>
      %swap3A_299 = vector.shape_cast %scan3A_292#0 : vector<16xf32> to vector<1x16xf32>
      tpu.vector_store %arg8[%swap3A_295, %swap3A_296], %swap3A_299 {strides = array<i32>} : memref<4x256xf32, #tpu.memory_space<vmem>>, vector<1x16xf32>,
      %swap3A_300 = arith.constant 1 : i32
      %swap3A_301 = arith.index_cast %swap3A_300 : i32 to index
      %swap3A_302 = arith.constant 16 : index
      %swap3A_303 = tpu.vector_load %arg8[%swap3A_301, %swap3A_302] {strides = array<i32>} : memref<4x256xf32, #tpu.memory_space<vmem>>, vector<1x16xf32>,
      %swap3A_304 = vector.shape_cast %swap3A_303 : vector<1x16xf32> to vector<16xf32>
      %swap3A_305 = vector.shape_cast %scan3A_292#1 : vector<16xf32> to vector<1x16xf32>
      tpu.vector_store %arg8[%swap3A_301, %swap3A_302], %swap3A_305 {strides = array<i32>} : memref<4x256xf32, #tpu.memory_space<vmem>>, vector<1x16xf32>,
      %swap3A_306 = arith.constant 1 : i32
      %swap3A_307 = arith.index_cast %swap3A_306 : i32 to index
      %swap3A_308 = arith.constant 32 : index
      %swap3A_309 = tpu.vector_load %arg8[%swap3A_307, %swap3A_308] {strides = array<i32>} : memref<4x256xf32, #tpu.memory_space<vmem>>, vector<1x16xf32>,
      %swap3A_310 = vector.shape_cast %swap3A_309 : vector<1x16xf32> to vector<16xf32>
      %swap3A_311 = vector.shape_cast %scan3A_292#2 : vector<16xf32> to vector<1x16xf32>
      tpu.vector_store %arg8[%swap3A_307, %swap3A_308], %swap3A_311 {strides = array<i32>} : memref<4x256xf32, #tpu.memory_space<vmem>>, vector<1x16xf32>,
      %swap3A_312 = arith.constant 1 : i32
      %swap3A_313 = arith.index_cast %swap3A_312 : i32 to index
      %swap3A_314 = arith.constant 48 : index
      %swap3A_315 = tpu.vector_load %arg8[%swap3A_313, %swap3A_314] {strides = array<i32>} : memref<4x256xf32, #tpu.memory_space<vmem>>, vector<1x16xf32>,
      %swap3A_316 = vector.shape_cast %swap3A_315 : vector<1x16xf32> to vector<16xf32>
      %swap3A_317 = vector.shape_cast %scan3A_292#3 : vector<16xf32> to vector<1x16xf32>
      tpu.vector_store %arg8[%swap3A_313, %swap3A_314], %swap3A_317 {strides = array<i32>} : memref<4x256xf32, #tpu.memory_space<vmem>>, vector<1x16xf32>,
      %swap3A_318 = arith.constant 1 : i32
      %swap3A_319 = arith.index_cast %swap3A_318 : i32 to index
      %swap3A_320 = arith.constant 64 : index
      %swap3A_321 = tpu.vector_load %arg8[%swap3A_319, %swap3A_320] {strides = array<i32>} : memref<4x256xf32, #tpu.memory_space<vmem>>, vector<1x16xf32>,
      %swap3A_322 = vector.shape_cast %swap3A_321 : vector<1x16xf32> to vector<16xf32>
      %swap3A_323 = vector.shape_cast %scan3A_292#4 : vector<16xf32> to vector<1x16xf32>
      tpu.vector_store %arg8[%swap3A_319, %swap3A_320], %swap3A_323 {strides = array<i32>} : memref<4x256xf32, #tpu.memory_space<vmem>>, vector<1x16xf32>,
      %swap3A_324 = arith.constant 1 : i32
      %swap3A_325 = arith.index_cast %swap3A_324 : i32 to index
      %swap3A_326 = arith.constant 80 : index
      %swap3A_327 = tpu.vector_load %arg8[%swap3A_325, %swap3A_326] {strides = array<i32>} : memref<4x256xf32, #tpu.memory_space<vmem>>, vector<1x16xf32>,
      %swap3A_328 = vector.shape_cast %swap3A_327 : vector<1x16xf32> to vector<16xf32>
      %swap3A_329 = vector.shape_cast %scan3A_292#5 : vector<16xf32> to vector<1x16xf32>
      tpu.vector_store %arg8[%swap3A_325, %swap3A_326], %swap3A_329 {strides = array<i32>} : memref<4x256xf32, #tpu.memory_space<vmem>>, vector<1x16xf32>,
      %swap3A_330 = arith.constant 1 : i32
      %swap3A_331 = arith.index_cast %swap3A_330 : i32 to index
      %swap3A_332 = arith.constant 96 : index
      %swap3A_333 = tpu.vector_load %arg8[%swap3A_331, %swap3A_332] {strides = array<i32>} : memref<4x256xf32, #tpu.memory_space<vmem>>, vector<1x16xf32>,
      %swap3A_334 = vector.shape_cast %swap3A_333 : vector<1x16xf32> to vector<16xf32>
      %swap3A_335 = vector.shape_cast %scan3A_292#6 : vector<16xf32> to vector<1x16xf32>
      tpu.vector_store %arg8[%swap3A_331, %swap3A_332], %swap3A_335 {strides = array<i32>} : memref<4x256xf32, #tpu.memory_space<vmem>>, vector<1x16xf32>,
      %swap3A_336 = arith.constant 1 : i32
      %swap3A_337 = arith.index_cast %swap3A_336 : i32 to index
      %swap3A_338 = arith.constant 112 : index
      %swap3A_339 = tpu.vector_load %arg8[%swap3A_337, %swap3A_338] {strides = array<i32>} : memref<4x256xf32, #tpu.memory_space<vmem>>, vector<1x16xf32>,
      %swap3A_340 = vector.shape_cast %swap3A_339 : vector<1x16xf32> to vector<16xf32>
      %swap3A_341 = vector.shape_cast %scan3A_292#7 : vector<16xf32> to vector<1x16xf32>
      tpu.vector_store %arg8[%swap3A_337, %swap3A_338], %swap3A_341 {strides = array<i32>} : memref<4x256xf32, #tpu.memory_space<vmem>>, vector<1x16xf32>,
      %swap3A_342 = arith.constant 1 : i32
      %swap3A_343 = arith.index_cast %swap3A_342 : i32 to index
      %swap3A_344 = arith.constant 128 : index
      %swap3A_345 = tpu.vector_load %arg8[%swap3A_343, %swap3A_344] {strides = array<i32>} : memref<4x256xf32, #tpu.memory_space<vmem>>, vector<1x16xf32>,
      %swap3A_346 = vector.shape_cast %swap3A_345 : vector<1x16xf32> to vector<16xf32>
      %swap3A_347 = vector.shape_cast %scan3A_292#8 : vector<16xf32> to vector<1x16xf32>
      tpu.vector_store %arg8[%swap3A_343, %swap3A_344], %swap3A_347 {strides = array<i32>} : memref<4x256xf32, #tpu.memory_space<vmem>>, vector<1x16xf32>,
      %swap3A_348 = arith.constant 1 : i32
      %swap3A_349 = arith.index_cast %swap3A_348 : i32 to index
      %swap3A_350 = arith.constant 144 : index
      %swap3A_351 = tpu.vector_load %arg8[%swap3A_349, %swap3A_350] {strides = array<i32>} : memref<4x256xf32, #tpu.memory_space<vmem>>, vector<1x16xf32>,
      %swap3A_352 = vector.shape_cast %swap3A_351 : vector<1x16xf32> to vector<16xf32>
      %swap3A_353 = vector.shape_cast %scan3A_292#9 : vector<16xf32> to vector<1x16xf32>
      tpu.vector_store %arg8[%swap3A_349, %swap3A_350], %swap3A_353 {strides = array<i32>} : memref<4x256xf32, #tpu.memory_space<vmem>>, vector<1x16xf32>,
      %swap3A_354 = arith.constant 1 : i32
      %swap3A_355 = arith.index_cast %swap3A_354 : i32 to index
      %swap3A_356 = arith.constant 160 : index
      %swap3A_357 = tpu.vector_load %arg8[%swap3A_355, %swap3A_356] {strides = array<i32>} : memref<4x256xf32, #tpu.memory_space<vmem>>, vector<1x16xf32>,
      %swap3A_358 = vector.shape_cast %swap3A_357 : vector<1x16xf32> to vector<16xf32>
      %swap3A_359 = vector.shape_cast %scan3A_292#10 : vector<16xf32> to vector<1x16xf32>
      tpu.vector_store %arg8[%swap3A_355, %swap3A_356], %swap3A_359 {strides = array<i32>} : memref<4x256xf32, #tpu.memory_space<vmem>>, vector<1x16xf32>,
      %swap3A_360 = arith.constant 1 : i32
      %swap3A_361 = arith.index_cast %swap3A_360 : i32 to index
      %swap3A_362 = arith.constant 176 : index
      %swap3A_363 = tpu.vector_load %arg8[%swap3A_361, %swap3A_362] {strides = array<i32>} : memref<4x256xf32, #tpu.memory_space<vmem>>, vector<1x16xf32>,
      %swap3A_364 = vector.shape_cast %swap3A_363 : vector<1x16xf32> to vector<16xf32>
      %swap3A_365 = vector.shape_cast %scan3A_292#11 : vector<16xf32> to vector<1x16xf32>
      tpu.vector_store %arg8[%swap3A_361, %swap3A_362], %swap3A_365 {strides = array<i32>} : memref<4x256xf32, #tpu.memory_space<vmem>>, vector<1x16xf32>,
      %swap3A_366 = arith.constant 1 : i32
      %swap3A_367 = arith.index_cast %swap3A_366 : i32 to index
      %swap3A_368 = arith.constant 192 : index
      %swap3A_369 = tpu.vector_load %arg8[%swap3A_367, %swap3A_368] {strides = array<i32>} : memref<4x256xf32, #tpu.memory_space<vmem>>, vector<1x16xf32>,
      %swap3A_370 = vector.shape_cast %swap3A_369 : vector<1x16xf32> to vector<16xf32>
      %swap3A_371 = vector.shape_cast %scan3A_292#12 : vector<16xf32> to vector<1x16xf32>
      tpu.vector_store %arg8[%swap3A_367, %swap3A_368], %swap3A_371 {strides = array<i32>} : memref<4x256xf32, #tpu.memory_space<vmem>>, vector<1x16xf32>,
      %swap3A_372 = arith.constant 1 : i32
      %swap3A_373 = arith.index_cast %swap3A_372 : i32 to index
      %swap3A_374 = arith.constant 208 : index
      %swap3A_375 = tpu.vector_load %arg8[%swap3A_373, %swap3A_374] {strides = array<i32>} : memref<4x256xf32, #tpu.memory_space<vmem>>, vector<1x16xf32>,
      %swap3A_376 = vector.shape_cast %swap3A_375 : vector<1x16xf32> to vector<16xf32>
      %swap3A_377 = vector.shape_cast %scan3A_292#13 : vector<16xf32> to vector<1x16xf32>
      tpu.vector_store %arg8[%swap3A_373, %swap3A_374], %swap3A_377 {strides = array<i32>} : memref<4x256xf32, #tpu.memory_space<vmem>>, vector<1x16xf32>,
      %swap3A_378 = arith.constant 1 : i32
      %swap3A_379 = arith.index_cast %swap3A_378 : i32 to index
      %swap3A_380 = arith.constant 224 : index
      %swap3A_381 = tpu.vector_load %arg8[%swap3A_379, %swap3A_380] {strides = array<i32>} : memref<4x256xf32, #tpu.memory_space<vmem>>, vector<1x16xf32>,
      %swap3A_382 = vector.shape_cast %swap3A_381 : vector<1x16xf32> to vector<16xf32>
      %swap3A_383 = vector.shape_cast %scan3A_292#14 : vector<16xf32> to vector<1x16xf32>
      tpu.vector_store %arg8[%swap3A_379, %swap3A_380], %swap3A_383 {strides = array<i32>} : memref<4x256xf32, #tpu.memory_space<vmem>>, vector<1x16xf32>,
      %swap3A_384 = arith.constant 1 : i32
      %swap3A_385 = arith.index_cast %swap3A_384 : i32 to index
      %swap3A_386 = arith.constant 240 : index
      %swap3A_387 = tpu.vector_load %arg8[%swap3A_385, %swap3A_386] {strides = array<i32>} : memref<4x256xf32, #tpu.memory_space<vmem>>, vector<1x16xf32>,
      %swap3A_388 = vector.shape_cast %swap3A_387 : vector<1x16xf32> to vector<16xf32>
      %swap3A_389 = vector.shape_cast %scan3A_292#15 : vector<16xf32> to vector<1x16xf32>
      tpu.vector_store %arg8[%swap3A_385, %swap3A_386], %swap3A_389 {strides = array<i32>} : memref<4x256xf32, #tpu.memory_space<vmem>>, vector<1x16xf32>,
      %get3A_390 = arith.constant 64 : i32
      %get3A_391 = arith.index_cast %get3A_390 : i32 to index
      %get3A_392 = arith.constant 0 : index
      %get3A_393 = tpu.vector_load %arg6[%get3A_391, %get3A_392] {strides = array<i32>} : memref<128x256xf32, #tpu.memory_space<vmem>>, vector<1x16xf32>,
      %get3A_394 = vector.shape_cast %get3A_393 : vector<1x16xf32> to vector<16xf32>
      %get3A_395 = arith.constant 64 : i32
      %get3A_396 = arith.index_cast %get3A_395 : i32 to index
      %get3A_397 = arith.constant 16 : index
      %get3A_398 = tpu.vector_load %arg6[%get3A_396, %get3A_397] {strides = array<i32>} : memref<128x256xf32, #tpu.memory_space<vmem>>, vector<1x16xf32>,
      %get3A_399 = vector.shape_cast %get3A_398 : vector<1x16xf32> to vector<16xf32>
      %get3A_400 = arith.constant 64 : i32
      %get3A_401 = arith.index_cast %get3A_400 : i32 to index
      %get3A_402 = arith.constant 32 : index
      %get3A_403 = tpu.vector_load %arg6[%get3A_401, %get3A_402] {strides = array<i32>} : memref<128x256xf32, #tpu.memory_space<vmem>>, vector<1x16xf32>,
      %get3A_404 = vector.shape_cast %get3A_403 : vector<1x16xf32> to vector<16xf32>
      %get3A_405 = arith.constant 64 : i32
      %get3A_406 = arith.index_cast %get3A_405 : i32 to index
      %get3A_407 = arith.constant 48 : index
      %get3A_408 = tpu.vector_load %arg6[%get3A_406, %get3A_407] {strides = array<i32>} : memref<128x256xf32, #tpu.memory_space<vmem>>, vector<1x16xf32>,
      %get3A_409 = vector.shape_cast %get3A_408 : vector<1x16xf32> to vector<16xf32>
      %get3A_410 = arith.constant 64 : i32
      %get3A_411 = arith.index_cast %get3A_410 : i32 to index
      %get3A_412 = arith.constant 64 : index
      %get3A_413 = tpu.vector_load %arg6[%get3A_411, %get3A_412] {strides = array<i32>} : memref<128x256xf32, #tpu.memory_space<vmem>>, vector<1x16xf32>,
      %get3A_414 = vector.shape_cast %get3A_413 : vector<1x16xf32> to vector<16xf32>
      %get3A_415 = arith.constant 64 : i32
      %get3A_416 = arith.index_cast %get3A_415 : i32 to index
      %get3A_417 = arith.constant 80 : index
      %get3A_418 = tpu.vector_load %arg6[%get3A_416, %get3A_417] {strides = array<i32>} : memref<128x256xf32, #tpu.memory_space<vmem>>, vector<1x16xf32>,
      %get3A_419 = vector.shape_cast %get3A_418 : vector<1x16xf32> to vector<16xf32>
      %get3A_420 = arith.constant 64 : i32
      %get3A_421 = arith.index_cast %get3A_420 : i32 to index
      %get3A_422 = arith.constant 96 : index
      %get3A_423 = tpu.vector_load %arg6[%get3A_421, %get3A_422] {strides = array<i32>} : memref<128x256xf32, #tpu.memory_space<vmem>>, vector<1x16xf32>,
      %get3A_424 = vector.shape_cast %get3A_423 : vector<1x16xf32> to vector<16xf32>
      %get3A_425 = arith.constant 64 : i32
      %get3A_426 = arith.index_cast %get3A_425 : i32 to index
      %get3A_427 = arith.constant 112 : index
      %get3A_428 = tpu.vector_load %arg6[%get3A_426, %get3A_427] {strides = array<i32>} : memref<128x256xf32, #tpu.memory_space<vmem>>, vector<1x16xf32>,
      %get3A_429 = vector.shape_cast %get3A_428 : vector<1x16xf32> to vector<16xf32>
      %get3A_430 = arith.constant 64 : i32
      %get3A_431 = arith.index_cast %get3A_430 : i32 to index
      %get3A_432 = arith.constant 128 : index
      %get3A_433 = tpu.vector_load %arg6[%get3A_431, %get3A_432] {strides = array<i32>} : memref<128x256xf32, #tpu.memory_space<vmem>>, vector<1x16xf32>,
      %get3A_434 = vector.shape_cast %get3A_433 : vector<1x16xf32> to vector<16xf32>
      %get3A_435 = arith.constant 64 : i32
      %get3A_436 = arith.index_cast %get3A_435 : i32 to index
      %get3A_437 = arith.constant 144 : index
      %get3A_438 = tpu.vector_load %arg6[%get3A_436, %get3A_437] {strides = array<i32>} : memref<128x256xf32, #tpu.memory_space<vmem>>, vector<1x16xf32>,
      %get3A_439 = vector.shape_cast %get3A_438 : vector<1x16xf32> to vector<16xf32>
      %get3A_440 = arith.constant 64 : i32
      %get3A_441 = arith.index_cast %get3A_440 : i32 to index
      %get3A_442 = arith.constant 160 : index
      %get3A_443 = tpu.vector_load %arg6[%get3A_441, %get3A_442] {strides = array<i32>} : memref<128x256xf32, #tpu.memory_space<vmem>>, vector<1x16xf32>,
      %get3A_444 = vector.shape_cast %get3A_443 : vector<1x16xf32> to vector<16xf32>
      %get3A_445 = arith.constant 64 : i32
      %get3A_446 = arith.index_cast %get3A_445 : i32 to index
      %get3A_447 = arith.constant 176 : index
      %get3A_448 = tpu.vector_load %arg6[%get3A_446, %get3A_447] {strides = array<i32>} : memref<128x256xf32, #tpu.memory_space<vmem>>, vector<1x16xf32>,
      %get3A_449 = vector.shape_cast %get3A_448 : vector<1x16xf32> to vector<16xf32>
      %get3A_450 = arith.constant 64 : i32
      %get3A_451 = arith.index_cast %get3A_450 : i32 to index
      %get3A_452 = arith.constant 192 : index
      %get3A_453 = tpu.vector_load %arg6[%get3A_451, %get3A_452] {strides = array<i32>} : memref<128x256xf32, #tpu.memory_space<vmem>>, vector<1x16xf32>,
      %get3A_454 = vector.shape_cast %get3A_453 : vector<1x16xf32> to vector<16xf32>
      %get3A_455 = arith.constant 64 : i32
      %get3A_456 = arith.index_cast %get3A_455 : i32 to index
      %get3A_457 = arith.constant 208 : index
      %get3A_458 = tpu.vector_load %arg6[%get3A_456, %get3A_457] {strides = array<i32>} : memref<128x256xf32, #tpu.memory_space<vmem>>, vector<1x16xf32>,
      %get3A_459 = vector.shape_cast %get3A_458 : vector<1x16xf32> to vector<16xf32>
      %get3A_460 = arith.constant 64 : i32
      %get3A_461 = arith.index_cast %get3A_460 : i32 to index
      %get3A_462 = arith.constant 224 : index
      %get3A_463 = tpu.vector_load %arg6[%get3A_461, %get3A_462] {strides = array<i32>} : memref<128x256xf32, #tpu.memory_space<vmem>>, vector<1x16xf32>,
      %get3A_464 = vector.shape_cast %get3A_463 : vector<1x16xf32> to vector<16xf32>
      %get3A_465 = arith.constant 64 : i32
      %get3A_466 = arith.index_cast %get3A_465 : i32 to index
      %get3A_467 = arith.constant 240 : index
      %get3A_468 = tpu.vector_load %arg6[%get3A_466, %get3A_467] {strides = array<i32>} : memref<128x256xf32, #tpu.memory_space<vmem>>, vector<1x16xf32>,
      %get3A_469 = vector.shape_cast %get3A_468 : vector<1x16xf32> to vector<16xf32>
      %scan3A_470 = arith.constant 1 : i32
      %scan3A_471 = arith.constant 31 : i32
      %scan3A_472 = arith.addi %scan3A_470, %scan3A_471 : i32
      %scan3A_473 = arith.constant 1 : i32
      %scan3A_474:16 = scf.for %scan3A_1505 = %scan3A_470 to %scan3A_472 step %scan3A_473 iter_args(%scan3A_1506 = %get3A_394, %scan3A_1507 = %get3A_399, %scan3A_1508 = %get3A_404, %scan3A_1509 = %get3A_409, %scan3A_1510 = %get3A_414, %scan3A_1511 = %get3A_419, %scan3A_1512 = %get3A_424, %scan3A_1513 = %get3A_429, %scan3A_1514 = %get3A_434, %scan3A_1515 = %get3A_439, %scan3A_1516 = %get3A_444, %scan3A_1517 = %get3A_449, %scan3A_1518 = %get3A_454, %scan3A_1519 = %get3A_459, %scan3A_1520 = %get3A_464, %scan3A_1521 = %get3A_469) -> (vector<16xf32>, vector<16xf32>, vector<16xf32>, vector<16xf32>, vector<16xf32>, vector<16xf32>, vector<16xf32>, vector<16xf32>, vector<16xf32>, vector<16xf32>, vector<16xf32>, vector<16xf32>, vector<16xf32>, vector<16xf32>, vector<16xf32>, vector<16xf32>)  : i32 {
        %add3A_1522 = arith.constant 64 : i32
        %add3A_1523 = arith.addi %add3A_1522, %scan3A_1505 : i32
        %get3A_1524 = arith.index_cast %add3A_1523 : i32 to index
        %get3A_1525 = arith.constant 0 : index
        %get3A_1526 = tpu.vector_load %arg6[%get3A_1524, %get3A_1525] {strides = array<i32>} : memref<128x256xf32, #tpu.memory_space<vmem>>, vector<1x16xf32>,
        %get3A_1527 = vector.shape_cast %get3A_1526 : vector<1x16xf32> to vector<16xf32>
        %max3A = arith.maximumf %scan3A_1506, %get3A_1527 : vector<16xf32>
        %add3A_1528 = arith.constant 64 : i32
        %add3A_1529 = arith.addi %add3A_1528, %scan3A_1505 : i32
        %get3A_1530 = arith.index_cast %add3A_1529 : i32 to index
        %get3A_1531 = arith.constant 16 : index
        %get3A_1532 = tpu.vector_load %arg6[%get3A_1530, %get3A_1531] {strides = array<i32>} : memref<128x256xf32, #tpu.memory_space<vmem>>, vector<1x16xf32>,
        %get3A_1533 = vector.shape_cast %get3A_1532 : vector<1x16xf32> to vector<16xf32>
        %max3A_1534 = arith.maximumf %scan3A_1507, %get3A_1533 : vector<16xf32>
        %add3A_1535 = arith.constant 64 : i32
        %add3A_1536 = arith.addi %add3A_1535, %scan3A_1505 : i32
        %get3A_1537 = arith.index_cast %add3A_1536 : i32 to index
        %get3A_1538 = arith.constant 32 : index
        %get3A_1539 = tpu.vector_load %arg6[%get3A_1537, %get3A_1538] {strides = array<i32>} : memref<128x256xf32, #tpu.memory_space<vmem>>, vector<1x16xf32>,
        %get3A_1540 = vector.shape_cast %get3A_1539 : vector<1x16xf32> to vector<16xf32>
        %max3A_1541 = arith.maximumf %scan3A_1508, %get3A_1540 : vector<16xf32>
        %add3A_1542 = arith.constant 64 : i32
        %add3A_1543 = arith.addi %add3A_1542, %scan3A_1505 : i32
        %get3A_1544 = arith.index_cast %add3A_1543 : i32 to index
        %get3A_1545 = arith.constant 48 : index
        %get3A_1546 = tpu.vector_load %arg6[%get3A_1544, %get3A_1545] {strides = array<i32>} : memref<128x256xf32, #tpu.memory_space<vmem>>, vector<1x16xf32>,
        %get3A_1547 = vector.shape_cast %get3A_1546 : vector<1x16xf32> to vector<16xf32>
        %max3A_1548 = arith.maximumf %scan3A_1509, %get3A_1547 : vector<16xf32>
        %add3A_1549 = arith.constant 64 : i32
        %add3A_1550 = arith.addi %add3A_1549, %scan3A_1505 : i32
        %get3A_1551 = arith.index_cast %add3A_1550 : i32 to index
        %get3A_1552 = arith.constant 64 : index
        %get3A_1553 = tpu.vector_load %arg6[%get3A_1551, %get3A_1552] {strides = array<i32>} : memref<128x256xf32, #tpu.memory_space<vmem>>, vector<1x16xf32>,
        %get3A_1554 = vector.shape_cast %get3A_1553 : vector<1x16xf32> to vector<16xf32>
        %max3A_1555 = arith.maximumf %scan3A_1510, %get3A_1554 : vector<16xf32>
        %add3A_1556 = arith.constant 64 : i32
        %add3A_1557 = arith.addi %add3A_1556, %scan3A_1505 : i32
        %get3A_1558 = arith.index_cast %add3A_1557 : i32 to index
        %get3A_1559 = arith.constant 80 : index
        %get3A_1560 = tpu.vector_load %arg6[%get3A_1558, %get3A_1559] {strides = array<i32>} : memref<128x256xf32, #tpu.memory_space<vmem>>, vector<1x16xf32>,
        %get3A_1561 = vector.shape_cast %get3A_1560 : vector<1x16xf32> to vector<16xf32>
        %max3A_1562 = arith.maximumf %scan3A_1511, %get3A_1561 : vector<16xf32>
        %add3A_1563 = arith.constant 64 : i32
        %add3A_1564 = arith.addi %add3A_1563, %scan3A_1505 : i32
        %get3A_1565 = arith.index_cast %add3A_1564 : i32 to index
        %get3A_1566 = arith.constant 96 : index
        %get3A_1567 = tpu.vector_load %arg6[%get3A_1565, %get3A_1566] {strides = array<i32>} : memref<128x256xf32, #tpu.memory_space<vmem>>, vector<1x16xf32>,
        %get3A_1568 = vector.shape_cast %get3A_1567 : vector<1x16xf32> to vector<16xf32>
        %max3A_1569 = arith.maximumf %scan3A_1512, %get3A_1568 : vector<16xf32>
        %add3A_1570 = arith.constant 64 : i32
        %add3A_1571 = arith.addi %add3A_1570, %scan3A_1505 : i32
        %get3A_1572 = arith.index_cast %add3A_1571 : i32 to index
        %get3A_1573 = arith.constant 112 : index
        %get3A_1574 = tpu.vector_load %arg6[%get3A_1572, %get3A_1573] {strides = array<i32>} : memref<128x256xf32, #tpu.memory_space<vmem>>, vector<1x16xf32>,
        %get3A_1575 = vector.shape_cast %get3A_1574 : vector<1x16xf32> to vector<16xf32>
        %max3A_1576 = arith.maximumf %scan3A_1513, %get3A_1575 : vector<16xf32>
        %add3A_1577 = arith.constant 64 : i32
        %add3A_1578 = arith.addi %add3A_1577, %scan3A_1505 : i32
        %get3A_1579 = arith.index_cast %add3A_1578 : i32 to index
        %get3A_1580 = arith.constant 128 : index
        %get3A_1581 = tpu.vector_load %arg6[%get3A_1579, %get3A_1580] {strides = array<i32>} : memref<128x256xf32, #tpu.memory_space<vmem>>, vector<1x16xf32>,
        %get3A_1582 = vector.shape_cast %get3A_1581 : vector<1x16xf32> to vector<16xf32>
        %max3A_1583 = arith.maximumf %scan3A_1514, %get3A_1582 : vector<16xf32>
        %add3A_1584 = arith.constant 64 : i32
        %add3A_1585 = arith.addi %add3A_1584, %scan3A_1505 : i32
        %get3A_1586 = arith.index_cast %add3A_1585 : i32 to index
        %get3A_1587 = arith.constant 144 : index
        %get3A_1588 = tpu.vector_load %arg6[%get3A_1586, %get3A_1587] {strides = array<i32>} : memref<128x256xf32, #tpu.memory_space<vmem>>, vector<1x16xf32>,
        %get3A_1589 = vector.shape_cast %get3A_1588 : vector<1x16xf32> to vector<16xf32>
        %max3A_1590 = arith.maximumf %scan3A_1515, %get3A_1589 : vector<16xf32>
        %add3A_1591 = arith.constant 64 : i32
        %add3A_1592 = arith.addi %add3A_1591, %scan3A_1505 : i32
        %get3A_1593 = arith.index_cast %add3A_1592 : i32 to index
        %get3A_1594 = arith.constant 160 : index
        %get3A_1595 = tpu.vector_load %arg6[%get3A_1593, %get3A_1594] {strides = array<i32>} : memref<128x256xf32, #tpu.memory_space<vmem>>, vector<1x16xf32>,
        %get3A_1596 = vector.shape_cast %get3A_1595 : vector<1x16xf32> to vector<16xf32>
        %max3A_1597 = arith.maximumf %scan3A_1516, %get3A_1596 : vector<16xf32>
        %add3A_1598 = arith.constant 64 : i32
        %add3A_1599 = arith.addi %add3A_1598, %scan3A_1505 : i32
        %get3A_1600 = arith.index_cast %add3A_1599 : i32 to index
        %get3A_1601 = arith.constant 176 : index
        %get3A_1602 = tpu.vector_load %arg6[%get3A_1600, %get3A_1601] {strides = array<i32>} : memref<128x256xf32, #tpu.memory_space<vmem>>, vector<1x16xf32>,
        %get3A_1603 = vector.shape_cast %get3A_1602 : vector<1x16xf32> to vector<16xf32>
        %max3A_1604 = arith.maximumf %scan3A_1517, %get3A_1603 : vector<16xf32>
        %add3A_1605 = arith.constant 64 : i32
        %add3A_1606 = arith.addi %add3A_1605, %scan3A_1505 : i32
        %get3A_1607 = arith.index_cast %add3A_1606 : i32 to index
        %get3A_1608 = arith.constant 192 : index
        %get3A_1609 = tpu.vector_load %arg6[%get3A_1607, %get3A_1608] {strides = array<i32>} : memref<128x256xf32, #tpu.memory_space<vmem>>, vector<1x16xf32>,
        %get3A_1610 = vector.shape_cast %get3A_1609 : vector<1x16xf32> to vector<16xf32>
        %max3A_1611 = arith.maximumf %scan3A_1518, %get3A_1610 : vector<16xf32>
        %add3A_1612 = arith.constant 64 : i32
        %add3A_1613 = arith.addi %add3A_1612, %scan3A_1505 : i32
        %get3A_1614 = arith.index_cast %add3A_1613 : i32 to index
        %get3A_1615 = arith.constant 208 : index
        %get3A_1616 = tpu.vector_load %arg6[%get3A_1614, %get3A_1615] {strides = array<i32>} : memref<128x256xf32, #tpu.memory_space<vmem>>, vector<1x16xf32>,
        %get3A_1617 = vector.shape_cast %get3A_1616 : vector<1x16xf32> to vector<16xf32>
        %max3A_1618 = arith.maximumf %scan3A_1519, %get3A_1617 : vector<16xf32>
        %add3A_1619 = arith.constant 64 : i32
        %add3A_1620 = arith.addi %add3A_1619, %scan3A_1505 : i32
        %get3A_1621 = arith.index_cast %add3A_1620 : i32 to index
        %get3A_1622 = arith.constant 224 : index
        %get3A_1623 = tpu.vector_load %arg6[%get3A_1621, %get3A_1622] {strides = array<i32>} : memref<128x256xf32, #tpu.memory_space<vmem>>, vector<1x16xf32>,
        %get3A_1624 = vector.shape_cast %get3A_1623 : vector<1x16xf32> to vector<16xf32>
        %max3A_1625 = arith.maximumf %scan3A_1520, %get3A_1624 : vector<16xf32>
        %add3A_1626 = arith.constant 64 : i32
        %add3A_1627 = arith.addi %add3A_1626, %scan3A_1505 : i32
        %get3A_1628 = arith.index_cast %add3A_1627 : i32 to index
        %get3A_1629 = arith.constant 240 : index
        %get3A_1630 = tpu.vector_load %arg6[%get3A_1628, %get3A_1629] {strides = array<i32>} : memref<128x256xf32, #tpu.memory_space<vmem>>, vector<1x16xf32>,
        %get3A_1631 = vector.shape_cast %get3A_1630 : vector<1x16xf32> to vector<16xf32>
        %max3A_1632 = arith.maximumf %scan3A_1521, %get3A_1631 : vector<16xf32>
        scf.yield %max3A, %max3A_1534, %max3A_1541, %max3A_1548, %max3A_1555, %max3A_1562, %max3A_1569, %max3A_1576, %max3A_1583, %max3A_1590, %max3A_1597, %max3A_1604, %max3A_1611, %max3A_1618, %max3A_1625, %max3A_1632 : vector<16xf32>, vector<16xf32>, vector<16xf32>, vector<16xf32>, vector<16xf32>, vector<16xf32>, vector<16xf32>, vector<16xf32>, vector<16xf32>, vector<16xf32>, vector<16xf32>, vector<16xf32>, vector<16xf32>, vector<16xf32>, vector<16xf32>, vector<16xf32>
      }
      %scan3A_475 = arith.constant 31 : i32
      %swap3A_476 = arith.constant 2 : i32
      %swap3A_477 = arith.index_cast %swap3A_476 : i32 to index
      %swap3A_478 = arith.constant 0 : index
      %swap3A_479 = tpu.vector_load %arg8[%swap3A_477, %swap3A_478] {strides = array<i32>} : memref<4x256xf32, #tpu.memory_space<vmem>>, vector<1x16xf32>,
      %swap3A_480 = vector.shape_cast %swap3A_479 : vector<1x16xf32> to vector<16xf32>
      %swap3A_481 = vector.shape_cast %scan3A_474#0 : vector<16xf32> to vector<1x16xf32>
      tpu.vector_store %arg8[%swap3A_477, %swap3A_478], %swap3A_481 {strides = array<i32>} : memref<4x256xf32, #tpu.memory_space<vmem>>, vector<1x16xf32>,
      %swap3A_482 = arith.constant 2 : i32
      %swap3A_483 = arith.index_cast %swap3A_482 : i32 to index
      %swap3A_484 = arith.constant 16 : index
      %swap3A_485 = tpu.vector_load %arg8[%swap3A_483, %swap3A_484] {strides = array<i32>} : memref<4x256xf32, #tpu.memory_space<vmem>>, vector<1x16xf32>,
      %swap3A_486 = vector.shape_cast %swap3A_485 : vector<1x16xf32> to vector<16xf32>
      %swap3A_487 = vector.shape_cast %scan3A_474#1 : vector<16xf32> to vector<1x16xf32>
      tpu.vector_store %arg8[%swap3A_483, %swap3A_484], %swap3A_487 {strides = array<i32>} : memref<4x256xf32, #tpu.memory_space<vmem>>, vector<1x16xf32>,
      %swap3A_488 = arith.constant 2 : i32
      %swap3A_489 = arith.index_cast %swap3A_488 : i32 to index
      %swap3A_490 = arith.constant 32 : index
      %swap3A_491 = tpu.vector_load %arg8[%swap3A_489, %swap3A_490] {strides = array<i32>} : memref<4x256xf32, #tpu.memory_space<vmem>>, vector<1x16xf32>,
      %swap3A_492 = vector.shape_cast %swap3A_491 : vector<1x16xf32> to vector<16xf32>
      %swap3A_493 = vector.shape_cast %scan3A_474#2 : vector<16xf32> to vector<1x16xf32>
      tpu.vector_store %arg8[%swap3A_489, %swap3A_490], %swap3A_493 {strides = array<i32>} : memref<4x256xf32, #tpu.memory_space<vmem>>, vector<1x16xf32>,
      %swap3A_494 = arith.constant 2 : i32
      %swap3A_495 = arith.index_cast %swap3A_494 : i32 to index
      %swap3A_496 = arith.constant 48 : index
      %swap3A_497 = tpu.vector_load %arg8[%swap3A_495, %swap3A_496] {strides = array<i32>} : memref<4x256xf32, #tpu.memory_space<vmem>>, vector<1x16xf32>,
      %swap3A_498 = vector.shape_cast %swap3A_497 : vector<1x16xf32> to vector<16xf32>
      %swap3A_499 = vector.shape_cast %scan3A_474#3 : vector<16xf32> to vector<1x16xf32>
      tpu.vector_store %arg8[%swap3A_495, %swap3A_496], %swap3A_499 {strides = array<i32>} : memref<4x256xf32, #tpu.memory_space<vmem>>, vector<1x16xf32>,
      %swap3A_500 = arith.constant 2 : i32
      %swap3A_501 = arith.index_cast %swap3A_500 : i32 to index
      %swap3A_502 = arith.constant 64 : index
      %swap3A_503 = tpu.vector_load %arg8[%swap3A_501, %swap3A_502] {strides = array<i32>} : memref<4x256xf32, #tpu.memory_space<vmem>>, vector<1x16xf32>,
      %swap3A_504 = vector.shape_cast %swap3A_503 : vector<1x16xf32> to vector<16xf32>
      %swap3A_505 = vector.shape_cast %scan3A_474#4 : vector<16xf32> to vector<1x16xf32>
      tpu.vector_store %arg8[%swap3A_501, %swap3A_502], %swap3A_505 {strides = array<i32>} : memref<4x256xf32, #tpu.memory_space<vmem>>, vector<1x16xf32>,
      %swap3A_506 = arith.constant 2 : i32
      %swap3A_507 = arith.index_cast %swap3A_506 : i32 to index
      %swap3A_508 = arith.constant 80 : index
      %swap3A_509 = tpu.vector_load %arg8[%swap3A_507, %swap3A_508] {strides = array<i32>} : memref<4x256xf32, #tpu.memory_space<vmem>>, vector<1x16xf32>,
      %swap3A_510 = vector.shape_cast %swap3A_509 : vector<1x16xf32> to vector<16xf32>
      %swap3A_511 = vector.shape_cast %scan3A_474#5 : vector<16xf32> to vector<1x16xf32>
      tpu.vector_store %arg8[%swap3A_507, %swap3A_508], %swap3A_511 {strides = array<i32>} : memref<4x256xf32, #tpu.memory_space<vmem>>, vector<1x16xf32>,
      %swap3A_512 = arith.constant 2 : i32
      %swap3A_513 = arith.index_cast %swap3A_512 : i32 to index
      %swap3A_514 = arith.constant 96 : index
      %swap3A_515 = tpu.vector_load %arg8[%swap3A_513, %swap3A_514] {strides = array<i32>} : memref<4x256xf32, #tpu.memory_space<vmem>>, vector<1x16xf32>,
      %swap3A_516 = vector.shape_cast %swap3A_515 : vector<1x16xf32> to vector<16xf32>
      %swap3A_517 = vector.shape_cast %scan3A_474#6 : vector<16xf32> to vector<1x16xf32>
      tpu.vector_store %arg8[%swap3A_513, %swap3A_514], %swap3A_517 {strides = array<i32>} : memref<4x256xf32, #tpu.memory_space<vmem>>, vector<1x16xf32>,
      %swap3A_518 = arith.constant 2 : i32
      %swap3A_519 = arith.index_cast %swap3A_518 : i32 to index
      %swap3A_520 = arith.constant 112 : index
      %swap3A_521 = tpu.vector_load %arg8[%swap3A_519, %swap3A_520] {strides = array<i32>} : memref<4x256xf32, #tpu.memory_space<vmem>>, vector<1x16xf32>,
      %swap3A_522 = vector.shape_cast %swap3A_521 : vector<1x16xf32> to vector<16xf32>
      %swap3A_523 = vector.shape_cast %scan3A_474#7 : vector<16xf32> to vector<1x16xf32>
      tpu.vector_store %arg8[%swap3A_519, %swap3A_520], %swap3A_523 {strides = array<i32>} : memref<4x256xf32, #tpu.memory_space<vmem>>, vector<1x16xf32>,
      %swap3A_524 = arith.constant 2 : i32
      %swap3A_525 = arith.index_cast %swap3A_524 : i32 to index
      %swap3A_526 = arith.constant 128 : index
      %swap3A_527 = tpu.vector_load %arg8[%swap3A_525, %swap3A_526] {strides = array<i32>} : memref<4x256xf32, #tpu.memory_space<vmem>>, vector<1x16xf32>,
      %swap3A_528 = vector.shape_cast %swap3A_527 : vector<1x16xf32> to vector<16xf32>
      %swap3A_529 = vector.shape_cast %scan3A_474#8 : vector<16xf32> to vector<1x16xf32>
      tpu.vector_store %arg8[%swap3A_525, %swap3A_526], %swap3A_529 {strides = array<i32>} : memref<4x256xf32, #tpu.memory_space<vmem>>, vector<1x16xf32>,
      %swap3A_530 = arith.constant 2 : i32
      %swap3A_531 = arith.index_cast %swap3A_530 : i32 to index
      %swap3A_532 = arith.constant 144 : index
      %swap3A_533 = tpu.vector_load %arg8[%swap3A_531, %swap3A_532] {strides = array<i32>} : memref<4x256xf32, #tpu.memory_space<vmem>>, vector<1x16xf32>,
      %swap3A_534 = vector.shape_cast %swap3A_533 : vector<1x16xf32> to vector<16xf32>
      %swap3A_535 = vector.shape_cast %scan3A_474#9 : vector<16xf32> to vector<1x16xf32>
      tpu.vector_store %arg8[%swap3A_531, %swap3A_532], %swap3A_535 {strides = array<i32>} : memref<4x256xf32, #tpu.memory_space<vmem>>, vector<1x16xf32>,
      %swap3A_536 = arith.constant 2 : i32
      %swap3A_537 = arith.index_cast %swap3A_536 : i32 to index
      %swap3A_538 = arith.constant 160 : index
      %swap3A_539 = tpu.vector_load %arg8[%swap3A_537, %swap3A_538] {strides = array<i32>} : memref<4x256xf32, #tpu.memory_space<vmem>>, vector<1x16xf32>,
      %swap3A_540 = vector.shape_cast %swap3A_539 : vector<1x16xf32> to vector<16xf32>
      %swap3A_541 = vector.shape_cast %scan3A_474#10 : vector<16xf32> to vector<1x16xf32>
      tpu.vector_store %arg8[%swap3A_537, %swap3A_538], %swap3A_541 {strides = array<i32>} : memref<4x256xf32, #tpu.memory_space<vmem>>, vector<1x16xf32>,
      %swap3A_542 = arith.constant 2 : i32
      %swap3A_543 = arith.index_cast %swap3A_542 : i32 to index
      %swap3A_544 = arith.constant 176 : index
      %swap3A_545 = tpu.vector_load %arg8[%swap3A_543, %swap3A_544] {strides = array<i32>} : memref<4x256xf32, #tpu.memory_space<vmem>>, vector<1x16xf32>,
      %swap3A_546 = vector.shape_cast %swap3A_545 : vector<1x16xf32> to vector<16xf32>
      %swap3A_547 = vector.shape_cast %scan3A_474#11 : vector<16xf32> to vector<1x16xf32>
      tpu.vector_store %arg8[%swap3A_543, %swap3A_544], %swap3A_547 {strides = array<i32>} : memref<4x256xf32, #tpu.memory_space<vmem>>, vector<1x16xf32>,
      %swap3A_548 = arith.constant 2 : i32
      %swap3A_549 = arith.index_cast %swap3A_548 : i32 to index
      %swap3A_550 = arith.constant 192 : index
      %swap3A_551 = tpu.vector_load %arg8[%swap3A_549, %swap3A_550] {strides = array<i32>} : memref<4x256xf32, #tpu.memory_space<vmem>>, vector<1x16xf32>,
      %swap3A_552 = vector.shape_cast %swap3A_551 : vector<1x16xf32> to vector<16xf32>
      %swap3A_553 = vector.shape_cast %scan3A_474#12 : vector<16xf32> to vector<1x16xf32>
      tpu.vector_store %arg8[%swap3A_549, %swap3A_550], %swap3A_553 {strides = array<i32>} : memref<4x256xf32, #tpu.memory_space<vmem>>, vector<1x16xf32>,
      %swap3A_554 = arith.constant 2 : i32
      %swap3A_555 = arith.index_cast %swap3A_554 : i32 to index
      %swap3A_556 = arith.constant 208 : index
      %swap3A_557 = tpu.vector_load %arg8[%swap3A_555, %swap3A_556] {strides = array<i32>} : memref<4x256xf32, #tpu.memory_space<vmem>>, vector<1x16xf32>,
      %swap3A_558 = vector.shape_cast %swap3A_557 : vector<1x16xf32> to vector<16xf32>
      %swap3A_559 = vector.shape_cast %scan3A_474#13 : vector<16xf32> to vector<1x16xf32>
      tpu.vector_store %arg8[%swap3A_555, %swap3A_556], %swap3A_559 {strides = array<i32>} : memref<4x256xf32, #tpu.memory_space<vmem>>, vector<1x16xf32>,
      %swap3A_560 = arith.constant 2 : i32
      %swap3A_561 = arith.index_cast %swap3A_560 : i32 to index
      %swap3A_562 = arith.constant 224 : index
      %swap3A_563 = tpu.vector_load %arg8[%swap3A_561, %swap3A_562] {strides = array<i32>} : memref<4x256xf32, #tpu.memory_space<vmem>>, vector<1x16xf32>,
      %swap3A_564 = vector.shape_cast %swap3A_563 : vector<1x16xf32> to vector<16xf32>
      %swap3A_565 = vector.shape_cast %scan3A_474#14 : vector<16xf32> to vector<1x16xf32>
      tpu.vector_store %arg8[%swap3A_561, %swap3A_562], %swap3A_565 {strides = array<i32>} : memref<4x256xf32, #tpu.memory_space<vmem>>, vector<1x16xf32>,
      %swap3A_566 = arith.constant 2 : i32
      %swap3A_567 = arith.index_cast %swap3A_566 : i32 to index
      %swap3A_568 = arith.constant 240 : index
      %swap3A_569 = tpu.vector_load %arg8[%swap3A_567, %swap3A_568] {strides = array<i32>} : memref<4x256xf32, #tpu.memory_space<vmem>>, vector<1x16xf32>,
      %swap3A_570 = vector.shape_cast %swap3A_569 : vector<1x16xf32> to vector<16xf32>
      %swap3A_571 = vector.shape_cast %scan3A_474#15 : vector<16xf32> to vector<1x16xf32>
      tpu.vector_store %arg8[%swap3A_567, %swap3A_568], %swap3A_571 {strides = array<i32>} : memref<4x256xf32, #tpu.memory_space<vmem>>, vector<1x16xf32>,
      %get3A_572 = arith.constant 96 : i32
      %get3A_573 = arith.index_cast %get3A_572 : i32 to index
      %get3A_574 = arith.constant 0 : index
      %get3A_575 = tpu.vector_load %arg6[%get3A_573, %get3A_574] {strides = array<i32>} : memref<128x256xf32, #tpu.memory_space<vmem>>, vector<1x16xf32>,
      %get3A_576 = vector.shape_cast %get3A_575 : vector<1x16xf32> to vector<16xf32>
      %get3A_577 = arith.constant 96 : i32
      %get3A_578 = arith.index_cast %get3A_577 : i32 to index
      %get3A_579 = arith.constant 16 : index
      %get3A_580 = tpu.vector_load %arg6[%get3A_578, %get3A_579] {strides = array<i32>} : memref<128x256xf32, #tpu.memory_space<vmem>>, vector<1x16xf32>,
      %get3A_581 = vector.shape_cast %get3A_580 : vector<1x16xf32> to vector<16xf32>
      %get3A_582 = arith.constant 96 : i32
      %get3A_583 = arith.index_cast %get3A_582 : i32 to index
      %get3A_584 = arith.constant 32 : index
      %get3A_585 = tpu.vector_load %arg6[%get3A_583, %get3A_584] {strides = array<i32>} : memref<128x256xf32, #tpu.memory_space<vmem>>, vector<1x16xf32>,
      %get3A_586 = vector.shape_cast %get3A_585 : vector<1x16xf32> to vector<16xf32>
      %get3A_587 = arith.constant 96 : i32
      %get3A_588 = arith.index_cast %get3A_587 : i32 to index
      %get3A_589 = arith.constant 48 : index
      %get3A_590 = tpu.vector_load %arg6[%get3A_588, %get3A_589] {strides = array<i32>} : memref<128x256xf32, #tpu.memory_space<vmem>>, vector<1x16xf32>,
      %get3A_591 = vector.shape_cast %get3A_590 : vector<1x16xf32> to vector<16xf32>
      %get3A_592 = arith.constant 96 : i32
      %get3A_593 = arith.index_cast %get3A_592 : i32 to index
      %get3A_594 = arith.constant 64 : index
      %get3A_595 = tpu.vector_load %arg6[%get3A_593, %get3A_594] {strides = array<i32>} : memref<128x256xf32, #tpu.memory_space<vmem>>, vector<1x16xf32>,
      %get3A_596 = vector.shape_cast %get3A_595 : vector<1x16xf32> to vector<16xf32>
      %get3A_597 = arith.constant 96 : i32
      %get3A_598 = arith.index_cast %get3A_597 : i32 to index
      %get3A_599 = arith.constant 80 : index
      %get3A_600 = tpu.vector_load %arg6[%get3A_598, %get3A_599] {strides = array<i32>} : memref<128x256xf32, #tpu.memory_space<vmem>>, vector<1x16xf32>,
      %get3A_601 = vector.shape_cast %get3A_600 : vector<1x16xf32> to vector<16xf32>
      %get3A_602 = arith.constant 96 : i32
      %get3A_603 = arith.index_cast %get3A_602 : i32 to index
      %get3A_604 = arith.constant 96 : index
      %get3A_605 = tpu.vector_load %arg6[%get3A_603, %get3A_604] {strides = array<i32>} : memref<128x256xf32, #tpu.memory_space<vmem>>, vector<1x16xf32>,
      %get3A_606 = vector.shape_cast %get3A_605 : vector<1x16xf32> to vector<16xf32>
      %get3A_607 = arith.constant 96 : i32
      %get3A_608 = arith.index_cast %get3A_607 : i32 to index
      %get3A_609 = arith.constant 112 : index
      %get3A_610 = tpu.vector_load %arg6[%get3A_608, %get3A_609] {strides = array<i32>} : memref<128x256xf32, #tpu.memory_space<vmem>>, vector<1x16xf32>,
      %get3A_611 = vector.shape_cast %get3A_610 : vector<1x16xf32> to vector<16xf32>
      %get3A_612 = arith.constant 96 : i32
      %get3A_613 = arith.index_cast %get3A_612 : i32 to index
      %get3A_614 = arith.constant 128 : index
      %get3A_615 = tpu.vector_load %arg6[%get3A_613, %get3A_614] {strides = array<i32>} : memref<128x256xf32, #tpu.memory_space<vmem>>, vector<1x16xf32>,
      %get3A_616 = vector.shape_cast %get3A_615 : vector<1x16xf32> to vector<16xf32>
      %get3A_617 = arith.constant 96 : i32
      %get3A_618 = arith.index_cast %get3A_617 : i32 to index
      %get3A_619 = arith.constant 144 : index
      %get3A_620 = tpu.vector_load %arg6[%get3A_618, %get3A_619] {strides = array<i32>} : memref<128x256xf32, #tpu.memory_space<vmem>>, vector<1x16xf32>,
      %get3A_621 = vector.shape_cast %get3A_620 : vector<1x16xf32> to vector<16xf32>
      %get3A_622 = arith.constant 96 : i32
      %get3A_623 = arith.index_cast %get3A_622 : i32 to index
      %get3A_624 = arith.constant 160 : index
      %get3A_625 = tpu.vector_load %arg6[%get3A_623, %get3A_624] {strides = array<i32>} : memref<128x256xf32, #tpu.memory_space<vmem>>, vector<1x16xf32>,
      %get3A_626 = vector.shape_cast %get3A_625 : vector<1x16xf32> to vector<16xf32>
      %get3A_627 = arith.constant 96 : i32
      %get3A_628 = arith.index_cast %get3A_627 : i32 to index
      %get3A_629 = arith.constant 176 : index
      %get3A_630 = tpu.vector_load %arg6[%get3A_628, %get3A_629] {strides = array<i32>} : memref<128x256xf32, #tpu.memory_space<vmem>>, vector<1x16xf32>,
      %get3A_631 = vector.shape_cast %get3A_630 : vector<1x16xf32> to vector<16xf32>
      %get3A_632 = arith.constant 96 : i32
      %get3A_633 = arith.index_cast %get3A_632 : i32 to index
      %get3A_634 = arith.constant 192 : index
      %get3A_635 = tpu.vector_load %arg6[%get3A_633, %get3A_634] {strides = array<i32>} : memref<128x256xf32, #tpu.memory_space<vmem>>, vector<1x16xf32>,
      %get3A_636 = vector.shape_cast %get3A_635 : vector<1x16xf32> to vector<16xf32>
      %get3A_637 = arith.constant 96 : i32
      %get3A_638 = arith.index_cast %get3A_637 : i32 to index
      %get3A_639 = arith.constant 208 : index
      %get3A_640 = tpu.vector_load %arg6[%get3A_638, %get3A_639] {strides = array<i32>} : memref<128x256xf32, #tpu.memory_space<vmem>>, vector<1x16xf32>,
      %get3A_641 = vector.shape_cast %get3A_640 : vector<1x16xf32> to vector<16xf32>
      %get3A_642 = arith.constant 96 : i32
      %get3A_643 = arith.index_cast %get3A_642 : i32 to index
      %get3A_644 = arith.constant 224 : index
      %get3A_645 = tpu.vector_load %arg6[%get3A_643, %get3A_644] {strides = array<i32>} : memref<128x256xf32, #tpu.memory_space<vmem>>, vector<1x16xf32>,
      %get3A_646 = vector.shape_cast %get3A_645 : vector<1x16xf32> to vector<16xf32>
      %get3A_647 = arith.constant 96 : i32
      %get3A_648 = arith.index_cast %get3A_647 : i32 to index
      %get3A_649 = arith.constant 240 : index
      %get3A_650 = tpu.vector_load %arg6[%get3A_648, %get3A_649] {strides = array<i32>} : memref<128x256xf32, #tpu.memory_space<vmem>>, vector<1x16xf32>,
      %get3A_651 = vector.shape_cast %get3A_650 : vector<1x16xf32> to vector<16xf32>
      %scan3A_652 = arith.constant 1 : i32
      %scan3A_653 = arith.constant 31 : i32
      %scan3A_654 = arith.addi %scan3A_652, %scan3A_653 : i32
      %scan3A_655 = arith.constant 1 : i32
      %scan3A_656:16 = scf.for %scan3A_1505 = %scan3A_652 to %scan3A_654 step %scan3A_655 iter_args(%scan3A_1506 = %get3A_576, %scan3A_1507 = %get3A_581, %scan3A_1508 = %get3A_586, %scan3A_1509 = %get3A_591, %scan3A_1510 = %get3A_596, %scan3A_1511 = %get3A_601, %scan3A_1512 = %get3A_606, %scan3A_1513 = %get3A_611, %scan3A_1514 = %get3A_616, %scan3A_1515 = %get3A_621, %scan3A_1516 = %get3A_626, %scan3A_1517 = %get3A_631, %scan3A_1518 = %get3A_636, %scan3A_1519 = %get3A_641, %scan3A_1520 = %get3A_646, %scan3A_1521 = %get3A_651) -> (vector<16xf32>, vector<16xf32>, vector<16xf32>, vector<16xf32>, vector<16xf32>, vector<16xf32>, vector<16xf32>, vector<16xf32>, vector<16xf32>, vector<16xf32>, vector<16xf32>, vector<16xf32>, vector<16xf32>, vector<16xf32>, vector<16xf32>, vector<16xf32>)  : i32 {
        %add3A_1522 = arith.constant 96 : i32
        %add3A_1523 = arith.addi %add3A_1522, %scan3A_1505 : i32
        %get3A_1524 = arith.index_cast %add3A_1523 : i32 to index
        %get3A_1525 = arith.constant 0 : index
        %get3A_1526 = tpu.vector_load %arg6[%get3A_1524, %get3A_1525] {strides = array<i32>} : memref<128x256xf32, #tpu.memory_space<vmem>>, vector<1x16xf32>,
        %get3A_1527 = vector.shape_cast %get3A_1526 : vector<1x16xf32> to vector<16xf32>
        %max3A = arith.maximumf %scan3A_1506, %get3A_1527 : vector<16xf32>
        %add3A_1528 = arith.constant 96 : i32
        %add3A_1529 = arith.addi %add3A_1528, %scan3A_1505 : i32
        %get3A_1530 = arith.index_cast %add3A_1529 : i32 to index
        %get3A_1531 = arith.constant 16 : index
        %get3A_1532 = tpu.vector_load %arg6[%get3A_1530, %get3A_1531] {strides = array<i32>} : memref<128x256xf32, #tpu.memory_space<vmem>>, vector<1x16xf32>,
        %get3A_1533 = vector.shape_cast %get3A_1532 : vector<1x16xf32> to vector<16xf32>
        %max3A_1534 = arith.maximumf %scan3A_1507, %get3A_1533 : vector<16xf32>
        %add3A_1535 = arith.constant 96 : i32
        %add3A_1536 = arith.addi %add3A_1535, %scan3A_1505 : i32
        %get3A_1537 = arith.index_cast %add3A_1536 : i32 to index
        %get3A_1538 = arith.constant 32 : index
        %get3A_1539 = tpu.vector_load %arg6[%get3A_1537, %get3A_1538] {strides = array<i32>} : memref<128x256xf32, #tpu.memory_space<vmem>>, vector<1x16xf32>,
        %get3A_1540 = vector.shape_cast %get3A_1539 : vector<1x16xf32> to vector<16xf32>
        %max3A_1541 = arith.maximumf %scan3A_1508, %get3A_1540 : vector<16xf32>
        %add3A_1542 = arith.constant 96 : i32
        %add3A_1543 = arith.addi %add3A_1542, %scan3A_1505 : i32
        %get3A_1544 = arith.index_cast %add3A_1543 : i32 to index
        %get3A_1545 = arith.constant 48 : index
        %get3A_1546 = tpu.vector_load %arg6[%get3A_1544, %get3A_1545] {strides = array<i32>} : memref<128x256xf32, #tpu.memory_space<vmem>>, vector<1x16xf32>,
        %get3A_1547 = vector.shape_cast %get3A_1546 : vector<1x16xf32> to vector<16xf32>
        %max3A_1548 = arith.maximumf %scan3A_1509, %get3A_1547 : vector<16xf32>
        %add3A_1549 = arith.constant 96 : i32
        %add3A_1550 = arith.addi %add3A_1549, %scan3A_1505 : i32
        %get3A_1551 = arith.index_cast %add3A_1550 : i32 to index
        %get3A_1552 = arith.constant 64 : index
        %get3A_1553 = tpu.vector_load %arg6[%get3A_1551, %get3A_1552] {strides = array<i32>} : memref<128x256xf32, #tpu.memory_space<vmem>>, vector<1x16xf32>,
        %get3A_1554 = vector.shape_cast %get3A_1553 : vector<1x16xf32> to vector<16xf32>
        %max3A_1555 = arith.maximumf %scan3A_1510, %get3A_1554 : vector<16xf32>
        %add3A_1556 = arith.constant 96 : i32
        %add3A_1557 = arith.addi %add3A_1556, %scan3A_1505 : i32
        %get3A_1558 = arith.index_cast %add3A_1557 : i32 to index
        %get3A_1559 = arith.constant 80 : index
        %get3A_1560 = tpu.vector_load %arg6[%get3A_1558, %get3A_1559] {strides = array<i32>} : memref<128x256xf32, #tpu.memory_space<vmem>>, vector<1x16xf32>,
        %get3A_1561 = vector.shape_cast %get3A_1560 : vector<1x16xf32> to vector<16xf32>
        %max3A_1562 = arith.maximumf %scan3A_1511, %get3A_1561 : vector<16xf32>
        %add3A_1563 = arith.constant 96 : i32
        %add3A_1564 = arith.addi %add3A_1563, %scan3A_1505 : i32
        %get3A_1565 = arith.index_cast %add3A_1564 : i32 to index
        %get3A_1566 = arith.constant 96 : index
        %get3A_1567 = tpu.vector_load %arg6[%get3A_1565, %get3A_1566] {strides = array<i32>} : memref<128x256xf32, #tpu.memory_space<vmem>>, vector<1x16xf32>,
        %get3A_1568 = vector.shape_cast %get3A_1567 : vector<1x16xf32> to vector<16xf32>
        %max3A_1569 = arith.maximumf %scan3A_1512, %get3A_1568 : vector<16xf32>
        %add3A_1570 = arith.constant 96 : i32
        %add3A_1571 = arith.addi %add3A_1570, %scan3A_1505 : i32
        %get3A_1572 = arith.index_cast %add3A_1571 : i32 to index
        %get3A_1573 = arith.constant 112 : index
        %get3A_1574 = tpu.vector_load %arg6[%get3A_1572, %get3A_1573] {strides = array<i32>} : memref<128x256xf32, #tpu.memory_space<vmem>>, vector<1x16xf32>,
        %get3A_1575 = vector.shape_cast %get3A_1574 : vector<1x16xf32> to vector<16xf32>
        %max3A_1576 = arith.maximumf %scan3A_1513, %get3A_1575 : vector<16xf32>
        %add3A_1577 = arith.constant 96 : i32
        %add3A_1578 = arith.addi %add3A_1577, %scan3A_1505 : i32
        %get3A_1579 = arith.index_cast %add3A_1578 : i32 to index
        %get3A_1580 = arith.constant 128 : index
        %get3A_1581 = tpu.vector_load %arg6[%get3A_1579, %get3A_1580] {strides = array<i32>} : memref<128x256xf32, #tpu.memory_space<vmem>>, vector<1x16xf32>,
        %get3A_1582 = vector.shape_cast %get3A_1581 : vector<1x16xf32> to vector<16xf32>
        %max3A_1583 = arith.maximumf %scan3A_1514, %get3A_1582 : vector<16xf32>
        %add3A_1584 = arith.constant 96 : i32
        %add3A_1585 = arith.addi %add3A_1584, %scan3A_1505 : i32
        %get3A_1586 = arith.index_cast %add3A_1585 : i32 to index
        %get3A_1587 = arith.constant 144 : index
        %get3A_1588 = tpu.vector_load %arg6[%get3A_1586, %get3A_1587] {strides = array<i32>} : memref<128x256xf32, #tpu.memory_space<vmem>>, vector<1x16xf32>,
        %get3A_1589 = vector.shape_cast %get3A_1588 : vector<1x16xf32> to vector<16xf32>
        %max3A_1590 = arith.maximumf %scan3A_1515, %get3A_1589 : vector<16xf32>
        %add3A_1591 = arith.constant 96 : i32
        %add3A_1592 = arith.addi %add3A_1591, %scan3A_1505 : i32
        %get3A_1593 = arith.index_cast %add3A_1592 : i32 to index
        %get3A_1594 = arith.constant 160 : index
        %get3A_1595 = tpu.vector_load %arg6[%get3A_1593, %get3A_1594] {strides = array<i32>} : memref<128x256xf32, #tpu.memory_space<vmem>>, vector<1x16xf32>,
        %get3A_1596 = vector.shape_cast %get3A_1595 : vector<1x16xf32> to vector<16xf32>
        %max3A_1597 = arith.maximumf %scan3A_1516, %get3A_1596 : vector<16xf32>
        %add3A_1598 = arith.constant 96 : i32
        %add3A_1599 = arith.addi %add3A_1598, %scan3A_1505 : i32
        %get3A_1600 = arith.index_cast %add3A_1599 : i32 to index
        %get3A_1601 = arith.constant 176 : index
        %get3A_1602 = tpu.vector_load %arg6[%get3A_1600, %get3A_1601] {strides = array<i32>} : memref<128x256xf32, #tpu.memory_space<vmem>>, vector<1x16xf32>,
        %get3A_1603 = vector.shape_cast %get3A_1602 : vector<1x16xf32> to vector<16xf32>
        %max3A_1604 = arith.maximumf %scan3A_1517, %get3A_1603 : vector<16xf32>
        %add3A_1605 = arith.constant 96 : i32
        %add3A_1606 = arith.addi %add3A_1605, %scan3A_1505 : i32
        %get3A_1607 = arith.index_cast %add3A_1606 : i32 to index
        %get3A_1608 = arith.constant 192 : index
        %get3A_1609 = tpu.vector_load %arg6[%get3A_1607, %get3A_1608] {strides = array<i32>} : memref<128x256xf32, #tpu.memory_space<vmem>>, vector<1x16xf32>,
        %get3A_1610 = vector.shape_cast %get3A_1609 : vector<1x16xf32> to vector<16xf32>
        %max3A_1611 = arith.maximumf %scan3A_1518, %get3A_1610 : vector<16xf32>
        %add3A_1612 = arith.constant 96 : i32
        %add3A_1613 = arith.addi %add3A_1612, %scan3A_1505 : i32
        %get3A_1614 = arith.index_cast %add3A_1613 : i32 to index
        %get3A_1615 = arith.constant 208 : index
        %get3A_1616 = tpu.vector_load %arg6[%get3A_1614, %get3A_1615] {strides = array<i32>} : memref<128x256xf32, #tpu.memory_space<vmem>>, vector<1x16xf32>,
        %get3A_1617 = vector.shape_cast %get3A_1616 : vector<1x16xf32> to vector<16xf32>
        %max3A_1618 = arith.maximumf %scan3A_1519, %get3A_1617 : vector<16xf32>
        %add3A_1619 = arith.constant 96 : i32
        %add3A_1620 = arith.addi %add3A_1619, %scan3A_1505 : i32
        %get3A_1621 = arith.index_cast %add3A_1620 : i32 to index
        %get3A_1622 = arith.constant 224 : index
        %get3A_1623 = tpu.vector_load %arg6[%get3A_1621, %get3A_1622] {strides = array<i32>} : memref<128x256xf32, #tpu.memory_space<vmem>>, vector<1x16xf32>,
        %get3A_1624 = vector.shape_cast %get3A_1623 : vector<1x16xf32> to vector<16xf32>
        %max3A_1625 = arith.maximumf %scan3A_1520, %get3A_1624 : vector<16xf32>
        %add3A_1626 = arith.constant 96 : i32
        %add3A_1627 = arith.addi %add3A_1626, %scan3A_1505 : i32
        %get3A_1628 = arith.index_cast %add3A_1627 : i32 to index
        %get3A_1629 = arith.constant 240 : index
        %get3A_1630 = tpu.vector_load %arg6[%get3A_1628, %get3A_1629] {strides = array<i32>} : memref<128x256xf32, #tpu.memory_space<vmem>>, vector<1x16xf32>,
        %get3A_1631 = vector.shape_cast %get3A_1630 : vector<1x16xf32> to vector<16xf32>
        %max3A_1632 = arith.maximumf %scan3A_1521, %get3A_1631 : vector<16xf32>
        scf.yield %max3A, %max3A_1534, %max3A_1541, %max3A_1548, %max3A_1555, %max3A_1562, %max3A_1569, %max3A_1576, %max3A_1583, %max3A_1590, %max3A_1597, %max3A_1604, %max3A_1611, %max3A_1618, %max3A_1625, %max3A_1632 : vector<16xf32>, vector<16xf32>, vector<16xf32>, vector<16xf32>, vector<16xf32>, vector<16xf32>, vector<16xf32>, vector<16xf32>, vector<16xf32>, vector<16xf32>, vector<16xf32>, vector<16xf32>, vector<16xf32>, vector<16xf32>, vector<16xf32>, vector<16xf32>
      }
      %scan3A_657 = arith.constant 31 : i32
      %swap3A_658 = arith.constant 3 : i32
      %swap3A_659 = arith.index_cast %swap3A_658 : i32 to index
      %swap3A_660 = arith.constant 0 : index
      %swap3A_661 = tpu.vector_load %arg8[%swap3A_659, %swap3A_660] {strides = array<i32>} : memref<4x256xf32, #tpu.memory_space<vmem>>, vector<1x16xf32>,
      %swap3A_662 = vector.shape_cast %swap3A_661 : vector<1x16xf32> to vector<16xf32>
      %swap3A_663 = vector.shape_cast %scan3A_656#0 : vector<16xf32> to vector<1x16xf32>
      tpu.vector_store %arg8[%swap3A_659, %swap3A_660], %swap3A_663 {strides = array<i32>} : memref<4x256xf32, #tpu.memory_space<vmem>>, vector<1x16xf32>,
      %swap3A_664 = arith.constant 3 : i32
      %swap3A_665 = arith.index_cast %swap3A_664 : i32 to index
      %swap3A_666 = arith.constant 16 : index
      %swap3A_667 = tpu.vector_load %arg8[%swap3A_665, %swap3A_666] {strides = array<i32>} : memref<4x256xf32, #tpu.memory_space<vmem>>, vector<1x16xf32>,
      %swap3A_668 = vector.shape_cast %swap3A_667 : vector<1x16xf32> to vector<16xf32>
      %swap3A_669 = vector.shape_cast %scan3A_656#1 : vector<16xf32> to vector<1x16xf32>
      tpu.vector_store %arg8[%swap3A_665, %swap3A_666], %swap3A_669 {strides = array<i32>} : memref<4x256xf32, #tpu.memory_space<vmem>>, vector<1x16xf32>,
      %swap3A_670 = arith.constant 3 : i32
      %swap3A_671 = arith.index_cast %swap3A_670 : i32 to index
      %swap3A_672 = arith.constant 32 : index
      %swap3A_673 = tpu.vector_load %arg8[%swap3A_671, %swap3A_672] {strides = array<i32>} : memref<4x256xf32, #tpu.memory_space<vmem>>, vector<1x16xf32>,
      %swap3A_674 = vector.shape_cast %swap3A_673 : vector<1x16xf32> to vector<16xf32>
      %swap3A_675 = vector.shape_cast %scan3A_656#2 : vector<16xf32> to vector<1x16xf32>
      tpu.vector_store %arg8[%swap3A_671, %swap3A_672], %swap3A_675 {strides = array<i32>} : memref<4x256xf32, #tpu.memory_space<vmem>>, vector<1x16xf32>,
      %swap3A_676 = arith.constant 3 : i32
      %swap3A_677 = arith.index_cast %swap3A_676 : i32 to index
      %swap3A_678 = arith.constant 48 : index
      %swap3A_679 = tpu.vector_load %arg8[%swap3A_677, %swap3A_678] {strides = array<i32>} : memref<4x256xf32, #tpu.memory_space<vmem>>, vector<1x16xf32>,
      %swap3A_680 = vector.shape_cast %swap3A_679 : vector<1x16xf32> to vector<16xf32>
      %swap3A_681 = vector.shape_cast %scan3A_656#3 : vector<16xf32> to vector<1x16xf32>
      tpu.vector_store %arg8[%swap3A_677, %swap3A_678], %swap3A_681 {strides = array<i32>} : memref<4x256xf32, #tpu.memory_space<vmem>>, vector<1x16xf32>,
      %swap3A_682 = arith.constant 3 : i32
      %swap3A_683 = arith.index_cast %swap3A_682 : i32 to index
      %swap3A_684 = arith.constant 64 : index
      %swap3A_685 = tpu.vector_load %arg8[%swap3A_683, %swap3A_684] {strides = array<i32>} : memref<4x256xf32, #tpu.memory_space<vmem>>, vector<1x16xf32>,
      %swap3A_686 = vector.shape_cast %swap3A_685 : vector<1x16xf32> to vector<16xf32>
      %swap3A_687 = vector.shape_cast %scan3A_656#4 : vector<16xf32> to vector<1x16xf32>
      tpu.vector_store %arg8[%swap3A_683, %swap3A_684], %swap3A_687 {strides = array<i32>} : memref<4x256xf32, #tpu.memory_space<vmem>>, vector<1x16xf32>,
      %swap3A_688 = arith.constant 3 : i32
      %swap3A_689 = arith.index_cast %swap3A_688 : i32 to index
      %swap3A_690 = arith.constant 80 : index
      %swap3A_691 = tpu.vector_load %arg8[%swap3A_689, %swap3A_690] {strides = array<i32>} : memref<4x256xf32, #tpu.memory_space<vmem>>, vector<1x16xf32>,
      %swap3A_692 = vector.shape_cast %swap3A_691 : vector<1x16xf32> to vector<16xf32>
      %swap3A_693 = vector.shape_cast %scan3A_656#5 : vector<16xf32> to vector<1x16xf32>
      tpu.vector_store %arg8[%swap3A_689, %swap3A_690], %swap3A_693 {strides = array<i32>} : memref<4x256xf32, #tpu.memory_space<vmem>>, vector<1x16xf32>,
      %swap3A_694 = arith.constant 3 : i32
      %swap3A_695 = arith.index_cast %swap3A_694 : i32 to index
      %swap3A_696 = arith.constant 96 : index
      %swap3A_697 = tpu.vector_load %arg8[%swap3A_695, %swap3A_696] {strides = array<i32>} : memref<4x256xf32, #tpu.memory_space<vmem>>, vector<1x16xf32>,
      %swap3A_698 = vector.shape_cast %swap3A_697 : vector<1x16xf32> to vector<16xf32>
      %swap3A_699 = vector.shape_cast %scan3A_656#6 : vector<16xf32> to vector<1x16xf32>
      tpu.vector_store %arg8[%swap3A_695, %swap3A_696], %swap3A_699 {strides = array<i32>} : memref<4x256xf32, #tpu.memory_space<vmem>>, vector<1x16xf32>,
      %swap3A_700 = arith.constant 3 : i32
      %swap3A_701 = arith.index_cast %swap3A_700 : i32 to index
      %swap3A_702 = arith.constant 112 : index
      %swap3A_703 = tpu.vector_load %arg8[%swap3A_701, %swap3A_702] {strides = array<i32>} : memref<4x256xf32, #tpu.memory_space<vmem>>, vector<1x16xf32>,
      %swap3A_704 = vector.shape_cast %swap3A_703 : vector<1x16xf32> to vector<16xf32>
      %swap3A_705 = vector.shape_cast %scan3A_656#7 : vector<16xf32> to vector<1x16xf32>
      tpu.vector_store %arg8[%swap3A_701, %swap3A_702], %swap3A_705 {strides = array<i32>} : memref<4x256xf32, #tpu.memory_space<vmem>>, vector<1x16xf32>,
      %swap3A_706 = arith.constant 3 : i32
      %swap3A_707 = arith.index_cast %swap3A_706 : i32 to index
      %swap3A_708 = arith.constant 128 : index
      %swap3A_709 = tpu.vector_load %arg8[%swap3A_707, %swap3A_708] {strides = array<i32>} : memref<4x256xf32, #tpu.memory_space<vmem>>, vector<1x16xf32>,
      %swap3A_710 = vector.shape_cast %swap3A_709 : vector<1x16xf32> to vector<16xf32>
      %swap3A_711 = vector.shape_cast %scan3A_656#8 : vector<16xf32> to vector<1x16xf32>
      tpu.vector_store %arg8[%swap3A_707, %swap3A_708], %swap3A_711 {strides = array<i32>} : memref<4x256xf32, #tpu.memory_space<vmem>>, vector<1x16xf32>,
      %swap3A_712 = arith.constant 3 : i32
      %swap3A_713 = arith.index_cast %swap3A_712 : i32 to index
      %swap3A_714 = arith.constant 144 : index
      %swap3A_715 = tpu.vector_load %arg8[%swap3A_713, %swap3A_714] {strides = array<i32>} : memref<4x256xf32, #tpu.memory_space<vmem>>, vector<1x16xf32>,
      %swap3A_716 = vector.shape_cast %swap3A_715 : vector<1x16xf32> to vector<16xf32>
      %swap3A_717 = vector.shape_cast %scan3A_656#9 : vector<16xf32> to vector<1x16xf32>
      tpu.vector_store %arg8[%swap3A_713, %swap3A_714], %swap3A_717 {strides = array<i32>} : memref<4x256xf32, #tpu.memory_space<vmem>>, vector<1x16xf32>,
      %swap3A_718 = arith.constant 3 : i32
      %swap3A_719 = arith.index_cast %swap3A_718 : i32 to index
      %swap3A_720 = arith.constant 160 : index
      %swap3A_721 = tpu.vector_load %arg8[%swap3A_719, %swap3A_720] {strides = array<i32>} : memref<4x256xf32, #tpu.memory_space<vmem>>, vector<1x16xf32>,
      %swap3A_722 = vector.shape_cast %swap3A_721 : vector<1x16xf32> to vector<16xf32>
      %swap3A_723 = vector.shape_cast %scan3A_656#10 : vector<16xf32> to vector<1x16xf32>
      tpu.vector_store %arg8[%swap3A_719, %swap3A_720], %swap3A_723 {strides = array<i32>} : memref<4x256xf32, #tpu.memory_space<vmem>>, vector<1x16xf32>,
      %swap3A_724 = arith.constant 3 : i32
      %swap3A_725 = arith.index_cast %swap3A_724 : i32 to index
      %swap3A_726 = arith.constant 176 : index
      %swap3A_727 = tpu.vector_load %arg8[%swap3A_725, %swap3A_726] {strides = array<i32>} : memref<4x256xf32, #tpu.memory_space<vmem>>, vector<1x16xf32>,
      %swap3A_728 = vector.shape_cast %swap3A_727 : vector<1x16xf32> to vector<16xf32>
      %swap3A_729 = vector.shape_cast %scan3A_656#11 : vector<16xf32> to vector<1x16xf32>
      tpu.vector_store %arg8[%swap3A_725, %swap3A_726], %swap3A_729 {strides = array<i32>} : memref<4x256xf32, #tpu.memory_space<vmem>>, vector<1x16xf32>,
      %swap3A_730 = arith.constant 3 : i32
      %swap3A_731 = arith.index_cast %swap3A_730 : i32 to index
      %swap3A_732 = arith.constant 192 : index
      %swap3A_733 = tpu.vector_load %arg8[%swap3A_731, %swap3A_732] {strides = array<i32>} : memref<4x256xf32, #tpu.memory_space<vmem>>, vector<1x16xf32>,
      %swap3A_734 = vector.shape_cast %swap3A_733 : vector<1x16xf32> to vector<16xf32>
      %swap3A_735 = vector.shape_cast %scan3A_656#12 : vector<16xf32> to vector<1x16xf32>
      tpu.vector_store %arg8[%swap3A_731, %swap3A_732], %swap3A_735 {strides = array<i32>} : memref<4x256xf32, #tpu.memory_space<vmem>>, vector<1x16xf32>,
      %swap3A_736 = arith.constant 3 : i32
      %swap3A_737 = arith.index_cast %swap3A_736 : i32 to index
      %swap3A_738 = arith.constant 208 : index
      %swap3A_739 = tpu.vector_load %arg8[%swap3A_737, %swap3A_738] {strides = array<i32>} : memref<4x256xf32, #tpu.memory_space<vmem>>, vector<1x16xf32>,
      %swap3A_740 = vector.shape_cast %swap3A_739 : vector<1x16xf32> to vector<16xf32>
      %swap3A_741 = vector.shape_cast %scan3A_656#13 : vector<16xf32> to vector<1x16xf32>
      tpu.vector_store %arg8[%swap3A_737, %swap3A_738], %swap3A_741 {strides = array<i32>} : memref<4x256xf32, #tpu.memory_space<vmem>>, vector<1x16xf32>,
      %swap3A_742 = arith.constant 3 : i32
      %swap3A_743 = arith.index_cast %swap3A_742 : i32 to index
      %swap3A_744 = arith.constant 224 : index
      %swap3A_745 = tpu.vector_load %arg8[%swap3A_743, %swap3A_744] {strides = array<i32>} : memref<4x256xf32, #tpu.memory_space<vmem>>, vector<1x16xf32>,
      %swap3A_746 = vector.shape_cast %swap3A_745 : vector<1x16xf32> to vector<16xf32>
      %swap3A_747 = vector.shape_cast %scan3A_656#14 : vector<16xf32> to vector<1x16xf32>
      tpu.vector_store %arg8[%swap3A_743, %swap3A_744], %swap3A_747 {strides = array<i32>} : memref<4x256xf32, #tpu.memory_space<vmem>>, vector<1x16xf32>,
      %swap3A_748 = arith.constant 3 : i32
      %swap3A_749 = arith.index_cast %swap3A_748 : i32 to index
      %swap3A_750 = arith.constant 240 : index
      %swap3A_751 = tpu.vector_load %arg8[%swap3A_749, %swap3A_750] {strides = array<i32>} : memref<4x256xf32, #tpu.memory_space<vmem>>, vector<1x16xf32>,
      %swap3A_752 = vector.shape_cast %swap3A_751 : vector<1x16xf32> to vector<16xf32>
      %swap3A_753 = vector.shape_cast %scan3A_656#15 : vector<16xf32> to vector<1x16xf32>
      tpu.vector_store %arg8[%swap3A_749, %swap3A_750], %swap3A_753 {strides = array<i32>} : memref<4x256xf32, #tpu.memory_space<vmem>>, vector<1x16xf32>,
      %mul3A_754 = arith.constant 4 : i32
      %mul3A_755 = arith.muli %add3A_18, %mul3A_754 : i32
      %add3A_756 = arith.addi %mul3A_2, %mul3A_755 : i32
      "tpu.region"() ({
        %run_scoped3A = tpu.sem_alloc : memref<!tpu.dma_semaphore, #tpu.memory_space<semaphore_mem>>
        %dma_start3A_1505 = arith.constant 0 : i32
        %dma_start3A_1506 = tpu.memref_slice %arg4[%add3A_756, %dma_start3A_1505] : memref<8192x256xf32, #tpu.memory_space<hbm>> -> memref<4x256xf32, #tpu.memory_space<hbm>>
        %dma_start3A_1507 = arith.constant 0 : i32
        %dma_start3A_1508 = tpu.memref_slice %arg4[%add3A_756, %dma_start3A_1507] : memref<8192x256xf32, #tpu.memory_space<hbm>> -> memref<4x256xf32, #tpu.memory_space<hbm>>
        tpu.enqueue_dma source(%arg8 : memref<4x256xf32, #tpu.memory_space<vmem>>) target(%dma_start3A_1508 : memref<4x256xf32, #tpu.memory_space<hbm>>) target_semaphore(%run_scoped3A : memref<!tpu.dma_semaphore, #tpu.memory_space<semaphore_mem>>)
        %dma_wait3A_1509 = arith.constant 0 : i32
        %dma_wait3A_1510 = tpu.memref_slice %arg4[%add3A_756, %dma_wait3A_1509] : memref<8192x256xf32, #tpu.memory_space<hbm>> -> memref<4x256xf32, #tpu.memory_space<hbm>>
        %dma_wait3A_1511 = arith.constant 0 : i32
        %dma_wait3A_1512 = tpu.memref_slice %arg4[%add3A_756, %dma_wait3A_1511] : memref<8192x256xf32, #tpu.memory_space<hbm>> -> memref<4x256xf32, #tpu.memory_space<hbm>>
        tpu.wait_dma2 semaphore(%run_scoped3A : memref<!tpu.dma_semaphore, #tpu.memory_space<semaphore_mem>>) src(%arg8 : memref<4x256xf32, #tpu.memory_space<vmem>>) dst(%dma_wait3A_1512 : memref<4x256xf32, #tpu.memory_space<hbm>>)
        tpu.yield
      }) : () -> ()
      %mul3A_757 = arith.constant 2 : i32
      %mul3A_758 = arith.muli %scan3A_14, %mul3A_757 : i32
      %add3A_759 = arith.constant 1 : i32
      %add3A_760 = arith.addi %mul3A_758, %add3A_759 : i32
      %add3A_761 = arith.constant 1 : i32
      %add3A_762 = arith.addi %add3A_760, %add3A_761 : i32
      %lt3A_763 = arith.constant 64 : i32
      %lt3A_764 = arith.cmpi slt, %add3A_762, %lt3A_763 : i32
      %convert_element_type3A_765 = arith.extui %lt3A_764 : i1 to i32
      %cond3A_766 = arith.constant 0 : i32
      %cond3A_767 = arith.cmpi ne, %convert_element_type3A_765, %cond3A_766 : i32
      scf.if %cond3A_767 {
        %add3A_1505 = arith.constant 1 : i32
        %add3A_1506 = arith.addi %add3A_760, %add3A_1505 : i32
        %mul3A_1507 = arith.constant 128 : i32
        %mul3A_1508 = arith.muli %add3A_1506, %mul3A_1507 : i32
        %dma_start3A_1509 = tpu.memref_slice %arg5[%mul3A_1508] : memref<8192xi32, #tpu.memory_space<vmem>> -> memref<128xi32, #tpu.memory_space<vmem>>
        %dma_start3A_1510 = arith.constant 0 : i32
        %dma_start3A_1511 = arith.constant 0 : i32
        %dma_start3A_1512 = tpu.memref_slice %arg2[%dma_start3A_1510, %dma_start3A_1511] : memref<8192x256xf32, #tpu.memory_space<hbm>> -> memref<8192x256xf32, #tpu.memory_space<hbm>>
        tpu.enqueue_indirect_dma source(%dma_start3A_1512 : memref<8192x256xf32, #tpu.memory_space<hbm>>) target(%arg6 : memref<128x256xf32, #tpu.memory_space<vmem>>) offsets(%dma_start3A_1509 : memref<128xi32, #tpu.memory_space<vmem>>) semaphore(%arg9 : memref<!tpu.dma_semaphore, #tpu.memory_space<semaphore_mem>>)
      } else {
      }
      %mul3A_768 = arith.constant 128 : i32
      %mul3A_769 = arith.muli %add3A_760, %mul3A_768 : i32
      %dma_wait3A_770 = tpu.memref_slice %arg5[%mul3A_769] : memref<8192xi32, #tpu.memory_space<vmem>> -> memref<128xi32, #tpu.memory_space<vmem>>
      %dma_wait3A_771 = arith.constant 0 : i32
      %dma_wait3A_772 = arith.constant 0 : i32
      %dma_wait3A_773 = tpu.memref_slice %arg2[%dma_wait3A_771, %dma_wait3A_772] : memref<8192x256xf32, #tpu.memory_space<hbm>> -> memref<8192x256xf32, #tpu.memory_space<hbm>>
      tpu.wait_indirect_dma semaphore(%arg10 : memref<!tpu.dma_semaphore, #tpu.memory_space<semaphore_mem>>) src(%dma_wait3A_773 : memref<8192x256xf32, #tpu.memory_space<hbm>>) dst(%arg7 : memref<128x256xf32, #tpu.memory_space<vmem>>)
      %get3A_774 = arith.constant 0 : i32
      %get3A_775 = arith.index_cast %get3A_774 : i32 to index
      %get3A_776 = arith.constant 0 : index
      %get3A_777 = tpu.vector_load %arg7[%get3A_775, %get3A_776] {strides = array<i32>} : memref<128x256xf32, #tpu.memory_space<vmem>>, vector<1x16xf32>,
      %get3A_778 = vector.shape_cast %get3A_777 : vector<1x16xf32> to vector<16xf32>
      %get3A_779 = arith.constant 0 : i32
      %get3A_780 = arith.index_cast %get3A_779 : i32 to index
      %get3A_781 = arith.constant 16 : index
      %get3A_782 = tpu.vector_load %arg7[%get3A_780, %get3A_781] {strides = array<i32>} : memref<128x256xf32, #tpu.memory_space<vmem>>, vector<1x16xf32>,
      %get3A_783 = vector.shape_cast %get3A_782 : vector<1x16xf32> to vector<16xf32>
      %get3A_784 = arith.constant 0 : i32
      %get3A_785 = arith.index_cast %get3A_784 : i32 to index
      %get3A_786 = arith.constant 32 : index
      %get3A_787 = tpu.vector_load %arg7[%get3A_785, %get3A_786] {strides = array<i32>} : memref<128x256xf32, #tpu.memory_space<vmem>>, vector<1x16xf32>,
      %get3A_788 = vector.shape_cast %get3A_787 : vector<1x16xf32> to vector<16xf32>
      %get3A_789 = arith.constant 0 : i32
      %get3A_790 = arith.index_cast %get3A_789 : i32 to index
      %get3A_791 = arith.constant 48 : index
      %get3A_792 = tpu.vector_load %arg7[%get3A_790, %get3A_791] {strides = array<i32>} : memref<128x256xf32, #tpu.memory_space<vmem>>, vector<1x16xf32>,
      %get3A_793 = vector.shape_cast %get3A_792 : vector<1x16xf32> to vector<16xf32>
      %get3A_794 = arith.constant 0 : i32
      %get3A_795 = arith.index_cast %get3A_794 : i32 to index
      %get3A_796 = arith.constant 64 : index
      %get3A_797 = tpu.vector_load %arg7[%get3A_795, %get3A_796] {strides = array<i32>} : memref<128x256xf32, #tpu.memory_space<vmem>>, vector<1x16xf32>,
      %get3A_798 = vector.shape_cast %get3A_797 : vector<1x16xf32> to vector<16xf32>
      %get3A_799 = arith.constant 0 : i32
      %get3A_800 = arith.index_cast %get3A_799 : i32 to index
      %get3A_801 = arith.constant 80 : index
      %get3A_802 = tpu.vector_load %arg7[%get3A_800, %get3A_801] {strides = array<i32>} : memref<128x256xf32, #tpu.memory_space<vmem>>, vector<1x16xf32>,
      %get3A_803 = vector.shape_cast %get3A_802 : vector<1x16xf32> to vector<16xf32>
      %get3A_804 = arith.constant 0 : i32
      %get3A_805 = arith.index_cast %get3A_804 : i32 to index
      %get3A_806 = arith.constant 96 : index
      %get3A_807 = tpu.vector_load %arg7[%get3A_805, %get3A_806] {strides = array<i32>} : memref<128x256xf32, #tpu.memory_space<vmem>>, vector<1x16xf32>,
      %get3A_808 = vector.shape_cast %get3A_807 : vector<1x16xf32> to vector<16xf32>
      %get3A_809 = arith.constant 0 : i32
      %get3A_810 = arith.index_cast %get3A_809 : i32 to index
      %get3A_811 = arith.constant 112 : index
      %get3A_812 = tpu.vector_load %arg7[%get3A_810, %get3A_811] {strides = array<i32>} : memref<128x256xf32, #tpu.memory_space<vmem>>, vector<1x16xf32>,
      %get3A_813 = vector.shape_cast %get3A_812 : vector<1x16xf32> to vector<16xf32>
      %get3A_814 = arith.constant 0 : i32
      %get3A_815 = arith.index_cast %get3A_814 : i32 to index
      %get3A_816 = arith.constant 128 : index
      %get3A_817 = tpu.vector_load %arg7[%get3A_815, %get3A_816] {strides = array<i32>} : memref<128x256xf32, #tpu.memory_space<vmem>>, vector<1x16xf32>,
      %get3A_818 = vector.shape_cast %get3A_817 : vector<1x16xf32> to vector<16xf32>
      %get3A_819 = arith.constant 0 : i32
      %get3A_820 = arith.index_cast %get3A_819 : i32 to index
      %get3A_821 = arith.constant 144 : index
      %get3A_822 = tpu.vector_load %arg7[%get3A_820, %get3A_821] {strides = array<i32>} : memref<128x256xf32, #tpu.memory_space<vmem>>, vector<1x16xf32>,
      %get3A_823 = vector.shape_cast %get3A_822 : vector<1x16xf32> to vector<16xf32>
      %get3A_824 = arith.constant 0 : i32
      %get3A_825 = arith.index_cast %get3A_824 : i32 to index
      %get3A_826 = arith.constant 160 : index
      %get3A_827 = tpu.vector_load %arg7[%get3A_825, %get3A_826] {strides = array<i32>} : memref<128x256xf32, #tpu.memory_space<vmem>>, vector<1x16xf32>,
      %get3A_828 = vector.shape_cast %get3A_827 : vector<1x16xf32> to vector<16xf32>
      %get3A_829 = arith.constant 0 : i32
      %get3A_830 = arith.index_cast %get3A_829 : i32 to index
      %get3A_831 = arith.constant 176 : index
      %get3A_832 = tpu.vector_load %arg7[%get3A_830, %get3A_831] {strides = array<i32>} : memref<128x256xf32, #tpu.memory_space<vmem>>, vector<1x16xf32>,
      %get3A_833 = vector.shape_cast %get3A_832 : vector<1x16xf32> to vector<16xf32>
      %get3A_834 = arith.constant 0 : i32
      %get3A_835 = arith.index_cast %get3A_834 : i32 to index
      %get3A_836 = arith.constant 192 : index
      %get3A_837 = tpu.vector_load %arg7[%get3A_835, %get3A_836] {strides = array<i32>} : memref<128x256xf32, #tpu.memory_space<vmem>>, vector<1x16xf32>,
      %get3A_838 = vector.shape_cast %get3A_837 : vector<1x16xf32> to vector<16xf32>
      %get3A_839 = arith.constant 0 : i32
      %get3A_840 = arith.index_cast %get3A_839 : i32 to index
      %get3A_841 = arith.constant 208 : index
      %get3A_842 = tpu.vector_load %arg7[%get3A_840, %get3A_841] {strides = array<i32>} : memref<128x256xf32, #tpu.memory_space<vmem>>, vector<1x16xf32>,
      %get3A_843 = vector.shape_cast %get3A_842 : vector<1x16xf32> to vector<16xf32>
      %get3A_844 = arith.constant 0 : i32
      %get3A_845 = arith.index_cast %get3A_844 : i32 to index
      %get3A_846 = arith.constant 224 : index
      %get3A_847 = tpu.vector_load %arg7[%get3A_845, %get3A_846] {strides = array<i32>} : memref<128x256xf32, #tpu.memory_space<vmem>>, vector<1x16xf32>,
      %get3A_848 = vector.shape_cast %get3A_847 : vector<1x16xf32> to vector<16xf32>
      %get3A_849 = arith.constant 0 : i32
      %get3A_850 = arith.index_cast %get3A_849 : i32 to index
      %get3A_851 = arith.constant 240 : index
      %get3A_852 = tpu.vector_load %arg7[%get3A_850, %get3A_851] {strides = array<i32>} : memref<128x256xf32, #tpu.memory_space<vmem>>, vector<1x16xf32>,
      %get3A_853 = vector.shape_cast %get3A_852 : vector<1x16xf32> to vector<16xf32>
      %scan3A_854 = arith.constant 1 : i32
      %scan3A_855 = arith.constant 31 : i32
      %scan3A_856 = arith.addi %scan3A_854, %scan3A_855 : i32
      %scan3A_857 = arith.constant 1 : i32
      %scan3A_858:16 = scf.for %scan3A_1505 = %scan3A_854 to %scan3A_856 step %scan3A_857 iter_args(%scan3A_1506 = %get3A_778, %scan3A_1507 = %get3A_783, %scan3A_1508 = %get3A_788, %scan3A_1509 = %get3A_793, %scan3A_1510 = %get3A_798, %scan3A_1511 = %get3A_803, %scan3A_1512 = %get3A_808, %scan3A_1513 = %get3A_813, %scan3A_1514 = %get3A_818, %scan3A_1515 = %get3A_823, %scan3A_1516 = %get3A_828, %scan3A_1517 = %get3A_833, %scan3A_1518 = %get3A_838, %scan3A_1519 = %get3A_843, %scan3A_1520 = %get3A_848, %scan3A_1521 = %get3A_853) -> (vector<16xf32>, vector<16xf32>, vector<16xf32>, vector<16xf32>, vector<16xf32>, vector<16xf32>, vector<16xf32>, vector<16xf32>, vector<16xf32>, vector<16xf32>, vector<16xf32>, vector<16xf32>, vector<16xf32>, vector<16xf32>, vector<16xf32>, vector<16xf32>)  : i32 {
        %add3A_1522 = arith.constant 0 : i32
        %add3A_1523 = arith.addi %add3A_1522, %scan3A_1505 : i32
        %get3A_1524 = arith.index_cast %add3A_1523 : i32 to index
        %get3A_1525 = arith.constant 0 : index
        %get3A_1526 = tpu.vector_load %arg7[%get3A_1524, %get3A_1525] {strides = array<i32>} : memref<128x256xf32, #tpu.memory_space<vmem>>, vector<1x16xf32>,
        %get3A_1527 = vector.shape_cast %get3A_1526 : vector<1x16xf32> to vector<16xf32>
        %max3A = arith.maximumf %scan3A_1506, %get3A_1527 : vector<16xf32>
        %add3A_1528 = arith.constant 0 : i32
        %add3A_1529 = arith.addi %add3A_1528, %scan3A_1505 : i32
        %get3A_1530 = arith.index_cast %add3A_1529 : i32 to index
        %get3A_1531 = arith.constant 16 : index
        %get3A_1532 = tpu.vector_load %arg7[%get3A_1530, %get3A_1531] {strides = array<i32>} : memref<128x256xf32, #tpu.memory_space<vmem>>, vector<1x16xf32>,
        %get3A_1533 = vector.shape_cast %get3A_1532 : vector<1x16xf32> to vector<16xf32>
        %max3A_1534 = arith.maximumf %scan3A_1507, %get3A_1533 : vector<16xf32>
        %add3A_1535 = arith.constant 0 : i32
        %add3A_1536 = arith.addi %add3A_1535, %scan3A_1505 : i32
        %get3A_1537 = arith.index_cast %add3A_1536 : i32 to index
        %get3A_1538 = arith.constant 32 : index
        %get3A_1539 = tpu.vector_load %arg7[%get3A_1537, %get3A_1538] {strides = array<i32>} : memref<128x256xf32, #tpu.memory_space<vmem>>, vector<1x16xf32>,
        %get3A_1540 = vector.shape_cast %get3A_1539 : vector<1x16xf32> to vector<16xf32>
        %max3A_1541 = arith.maximumf %scan3A_1508, %get3A_1540 : vector<16xf32>
        %add3A_1542 = arith.constant 0 : i32
        %add3A_1543 = arith.addi %add3A_1542, %scan3A_1505 : i32
        %get3A_1544 = arith.index_cast %add3A_1543 : i32 to index
        %get3A_1545 = arith.constant 48 : index
        %get3A_1546 = tpu.vector_load %arg7[%get3A_1544, %get3A_1545] {strides = array<i32>} : memref<128x256xf32, #tpu.memory_space<vmem>>, vector<1x16xf32>,
        %get3A_1547 = vector.shape_cast %get3A_1546 : vector<1x16xf32> to vector<16xf32>
        %max3A_1548 = arith.maximumf %scan3A_1509, %get3A_1547 : vector<16xf32>
        %add3A_1549 = arith.constant 0 : i32
        %add3A_1550 = arith.addi %add3A_1549, %scan3A_1505 : i32
        %get3A_1551 = arith.index_cast %add3A_1550 : i32 to index
        %get3A_1552 = arith.constant 64 : index
        %get3A_1553 = tpu.vector_load %arg7[%get3A_1551, %get3A_1552] {strides = array<i32>} : memref<128x256xf32, #tpu.memory_space<vmem>>, vector<1x16xf32>,
        %get3A_1554 = vector.shape_cast %get3A_1553 : vector<1x16xf32> to vector<16xf32>
        %max3A_1555 = arith.maximumf %scan3A_1510, %get3A_1554 : vector<16xf32>
        %add3A_1556 = arith.constant 0 : i32
        %add3A_1557 = arith.addi %add3A_1556, %scan3A_1505 : i32
        %get3A_1558 = arith.index_cast %add3A_1557 : i32 to index
        %get3A_1559 = arith.constant 80 : index
        %get3A_1560 = tpu.vector_load %arg7[%get3A_1558, %get3A_1559] {strides = array<i32>} : memref<128x256xf32, #tpu.memory_space<vmem>>, vector<1x16xf32>,
        %get3A_1561 = vector.shape_cast %get3A_1560 : vector<1x16xf32> to vector<16xf32>
        %max3A_1562 = arith.maximumf %scan3A_1511, %get3A_1561 : vector<16xf32>
        %add3A_1563 = arith.constant 0 : i32
        %add3A_1564 = arith.addi %add3A_1563, %scan3A_1505 : i32
        %get3A_1565 = arith.index_cast %add3A_1564 : i32 to index
        %get3A_1566 = arith.constant 96 : index
        %get3A_1567 = tpu.vector_load %arg7[%get3A_1565, %get3A_1566] {strides = array<i32>} : memref<128x256xf32, #tpu.memory_space<vmem>>, vector<1x16xf32>,
        %get3A_1568 = vector.shape_cast %get3A_1567 : vector<1x16xf32> to vector<16xf32>
        %max3A_1569 = arith.maximumf %scan3A_1512, %get3A_1568 : vector<16xf32>
        %add3A_1570 = arith.constant 0 : i32
        %add3A_1571 = arith.addi %add3A_1570, %scan3A_1505 : i32
        %get3A_1572 = arith.index_cast %add3A_1571 : i32 to index
        %get3A_1573 = arith.constant 112 : index
        %get3A_1574 = tpu.vector_load %arg7[%get3A_1572, %get3A_1573] {strides = array<i32>} : memref<128x256xf32, #tpu.memory_space<vmem>>, vector<1x16xf32>,
        %get3A_1575 = vector.shape_cast %get3A_1574 : vector<1x16xf32> to vector<16xf32>
        %max3A_1576 = arith.maximumf %scan3A_1513, %get3A_1575 : vector<16xf32>
        %add3A_1577 = arith.constant 0 : i32
        %add3A_1578 = arith.addi %add3A_1577, %scan3A_1505 : i32
        %get3A_1579 = arith.index_cast %add3A_1578 : i32 to index
        %get3A_1580 = arith.constant 128 : index
        %get3A_1581 = tpu.vector_load %arg7[%get3A_1579, %get3A_1580] {strides = array<i32>} : memref<128x256xf32, #tpu.memory_space<vmem>>, vector<1x16xf32>,
        %get3A_1582 = vector.shape_cast %get3A_1581 : vector<1x16xf32> to vector<16xf32>
        %max3A_1583 = arith.maximumf %scan3A_1514, %get3A_1582 : vector<16xf32>
        %add3A_1584 = arith.constant 0 : i32
        %add3A_1585 = arith.addi %add3A_1584, %scan3A_1505 : i32
        %get3A_1586 = arith.index_cast %add3A_1585 : i32 to index
        %get3A_1587 = arith.constant 144 : index
        %get3A_1588 = tpu.vector_load %arg7[%get3A_1586, %get3A_1587] {strides = array<i32>} : memref<128x256xf32, #tpu.memory_space<vmem>>, vector<1x16xf32>,
        %get3A_1589 = vector.shape_cast %get3A_1588 : vector<1x16xf32> to vector<16xf32>
        %max3A_1590 = arith.maximumf %scan3A_1515, %get3A_1589 : vector<16xf32>
        %add3A_1591 = arith.constant 0 : i32
        %add3A_1592 = arith.addi %add3A_1591, %scan3A_1505 : i32
        %get3A_1593 = arith.index_cast %add3A_1592 : i32 to index
        %get3A_1594 = arith.constant 160 : index
        %get3A_1595 = tpu.vector_load %arg7[%get3A_1593, %get3A_1594] {strides = array<i32>} : memref<128x256xf32, #tpu.memory_space<vmem>>, vector<1x16xf32>,
        %get3A_1596 = vector.shape_cast %get3A_1595 : vector<1x16xf32> to vector<16xf32>
        %max3A_1597 = arith.maximumf %scan3A_1516, %get3A_1596 : vector<16xf32>
        %add3A_1598 = arith.constant 0 : i32
        %add3A_1599 = arith.addi %add3A_1598, %scan3A_1505 : i32
        %get3A_1600 = arith.index_cast %add3A_1599 : i32 to index
        %get3A_1601 = arith.constant 176 : index
        %get3A_1602 = tpu.vector_load %arg7[%get3A_1600, %get3A_1601] {strides = array<i32>} : memref<128x256xf32, #tpu.memory_space<vmem>>, vector<1x16xf32>,
        %get3A_1603 = vector.shape_cast %get3A_1602 : vector<1x16xf32> to vector<16xf32>
        %max3A_1604 = arith.maximumf %scan3A_1517, %get3A_1603 : vector<16xf32>
        %add3A_1605 = arith.constant 0 : i32
        %add3A_1606 = arith.addi %add3A_1605, %scan3A_1505 : i32
        %get3A_1607 = arith.index_cast %add3A_1606 : i32 to index
        %get3A_1608 = arith.constant 192 : index
        %get3A_1609 = tpu.vector_load %arg7[%get3A_1607, %get3A_1608] {strides = array<i32>} : memref<128x256xf32, #tpu.memory_space<vmem>>, vector<1x16xf32>,
        %get3A_1610 = vector.shape_cast %get3A_1609 : vector<1x16xf32> to vector<16xf32>
        %max3A_1611 = arith.maximumf %scan3A_1518, %get3A_1610 : vector<16xf32>
        %add3A_1612 = arith.constant 0 : i32
        %add3A_1613 = arith.addi %add3A_1612, %scan3A_1505 : i32
        %get3A_1614 = arith.index_cast %add3A_1613 : i32 to index
        %get3A_1615 = arith.constant 208 : index
        %get3A_1616 = tpu.vector_load %arg7[%get3A_1614, %get3A_1615] {strides = array<i32>} : memref<128x256xf32, #tpu.memory_space<vmem>>, vector<1x16xf32>,
        %get3A_1617 = vector.shape_cast %get3A_1616 : vector<1x16xf32> to vector<16xf32>
        %max3A_1618 = arith.maximumf %scan3A_1519, %get3A_1617 : vector<16xf32>
        %add3A_1619 = arith.constant 0 : i32
        %add3A_1620 = arith.addi %add3A_1619, %scan3A_1505 : i32
        %get3A_1621 = arith.index_cast %add3A_1620 : i32 to index
        %get3A_1622 = arith.constant 224 : index
        %get3A_1623 = tpu.vector_load %arg7[%get3A_1621, %get3A_1622] {strides = array<i32>} : memref<128x256xf32, #tpu.memory_space<vmem>>, vector<1x16xf32>,
        %get3A_1624 = vector.shape_cast %get3A_1623 : vector<1x16xf32> to vector<16xf32>
        %max3A_1625 = arith.maximumf %scan3A_1520, %get3A_1624 : vector<16xf32>
        %add3A_1626 = arith.constant 0 : i32
        %add3A_1627 = arith.addi %add3A_1626, %scan3A_1505 : i32
        %get3A_1628 = arith.index_cast %add3A_1627 : i32 to index
        %get3A_1629 = arith.constant 240 : index
        %get3A_1630 = tpu.vector_load %arg7[%get3A_1628, %get3A_1629] {strides = array<i32>} : memref<128x256xf32, #tpu.memory_space<vmem>>, vector<1x16xf32>,
        %get3A_1631 = vector.shape_cast %get3A_1630 : vector<1x16xf32> to vector<16xf32>
        %max3A_1632 = arith.maximumf %scan3A_1521, %get3A_1631 : vector<16xf32>
        scf.yield %max3A, %max3A_1534, %max3A_1541, %max3A_1548, %max3A_1555, %max3A_1562, %max3A_1569, %max3A_1576, %max3A_1583, %max3A_1590, %max3A_1597, %max3A_1604, %max3A_1611, %max3A_1618, %max3A_1625, %max3A_1632 : vector<16xf32>, vector<16xf32>, vector<16xf32>, vector<16xf32>, vector<16xf32>, vector<16xf32>, vector<16xf32>, vector<16xf32>, vector<16xf32>, vector<16xf32>, vector<16xf32>, vector<16xf32>, vector<16xf32>, vector<16xf32>, vector<16xf32>, vector<16xf32>
      }
      %scan3A_859 = arith.constant 31 : i32
      %swap3A_860 = arith.constant 0 : i32
      %swap3A_861 = arith.index_cast %swap3A_860 : i32 to index
      %swap3A_862 = arith.constant 0 : index
      %swap3A_863 = tpu.vector_load %arg8[%swap3A_861, %swap3A_862] {strides = array<i32>} : memref<4x256xf32, #tpu.memory_space<vmem>>, vector<1x16xf32>,
      %swap3A_864 = vector.shape_cast %swap3A_863 : vector<1x16xf32> to vector<16xf32>
      %swap3A_865 = vector.shape_cast %scan3A_858#0 : vector<16xf32> to vector<1x16xf32>
      tpu.vector_store %arg8[%swap3A_861, %swap3A_862], %swap3A_865 {strides = array<i32>} : memref<4x256xf32, #tpu.memory_space<vmem>>, vector<1x16xf32>,
      %swap3A_866 = arith.constant 0 : i32
      %swap3A_867 = arith.index_cast %swap3A_866 : i32 to index
      %swap3A_868 = arith.constant 16 : index
      %swap3A_869 = tpu.vector_load %arg8[%swap3A_867, %swap3A_868] {strides = array<i32>} : memref<4x256xf32, #tpu.memory_space<vmem>>, vector<1x16xf32>,
      %swap3A_870 = vector.shape_cast %swap3A_869 : vector<1x16xf32> to vector<16xf32>
      %swap3A_871 = vector.shape_cast %scan3A_858#1 : vector<16xf32> to vector<1x16xf32>
      tpu.vector_store %arg8[%swap3A_867, %swap3A_868], %swap3A_871 {strides = array<i32>} : memref<4x256xf32, #tpu.memory_space<vmem>>, vector<1x16xf32>,
      %swap3A_872 = arith.constant 0 : i32
      %swap3A_873 = arith.index_cast %swap3A_872 : i32 to index
      %swap3A_874 = arith.constant 32 : index
      %swap3A_875 = tpu.vector_load %arg8[%swap3A_873, %swap3A_874] {strides = array<i32>} : memref<4x256xf32, #tpu.memory_space<vmem>>, vector<1x16xf32>,
      %swap3A_876 = vector.shape_cast %swap3A_875 : vector<1x16xf32> to vector<16xf32>
      %swap3A_877 = vector.shape_cast %scan3A_858#2 : vector<16xf32> to vector<1x16xf32>
      tpu.vector_store %arg8[%swap3A_873, %swap3A_874], %swap3A_877 {strides = array<i32>} : memref<4x256xf32, #tpu.memory_space<vmem>>, vector<1x16xf32>,
      %swap3A_878 = arith.constant 0 : i32
      %swap3A_879 = arith.index_cast %swap3A_878 : i32 to index
      %swap3A_880 = arith.constant 48 : index
      %swap3A_881 = tpu.vector_load %arg8[%swap3A_879, %swap3A_880] {strides = array<i32>} : memref<4x256xf32, #tpu.memory_space<vmem>>, vector<1x16xf32>,
      %swap3A_882 = vector.shape_cast %swap3A_881 : vector<1x16xf32> to vector<16xf32>
      %swap3A_883 = vector.shape_cast %scan3A_858#3 : vector<16xf32> to vector<1x16xf32>
      tpu.vector_store %arg8[%swap3A_879, %swap3A_880], %swap3A_883 {strides = array<i32>} : memref<4x256xf32, #tpu.memory_space<vmem>>, vector<1x16xf32>,
      %swap3A_884 = arith.constant 0 : i32
      %swap3A_885 = arith.index_cast %swap3A_884 : i32 to index
      %swap3A_886 = arith.constant 64 : index
      %swap3A_887 = tpu.vector_load %arg8[%swap3A_885, %swap3A_886] {strides = array<i32>} : memref<4x256xf32, #tpu.memory_space<vmem>>, vector<1x16xf32>,
      %swap3A_888 = vector.shape_cast %swap3A_887 : vector<1x16xf32> to vector<16xf32>
      %swap3A_889 = vector.shape_cast %scan3A_858#4 : vector<16xf32> to vector<1x16xf32>
      tpu.vector_store %arg8[%swap3A_885, %swap3A_886], %swap3A_889 {strides = array<i32>} : memref<4x256xf32, #tpu.memory_space<vmem>>, vector<1x16xf32>,
      %swap3A_890 = arith.constant 0 : i32
      %swap3A_891 = arith.index_cast %swap3A_890 : i32 to index
      %swap3A_892 = arith.constant 80 : index
      %swap3A_893 = tpu.vector_load %arg8[%swap3A_891, %swap3A_892] {strides = array<i32>} : memref<4x256xf32, #tpu.memory_space<vmem>>, vector<1x16xf32>,
      %swap3A_894 = vector.shape_cast %swap3A_893 : vector<1x16xf32> to vector<16xf32>
      %swap3A_895 = vector.shape_cast %scan3A_858#5 : vector<16xf32> to vector<1x16xf32>
      tpu.vector_store %arg8[%swap3A_891, %swap3A_892], %swap3A_895 {strides = array<i32>} : memref<4x256xf32, #tpu.memory_space<vmem>>, vector<1x16xf32>,
      %swap3A_896 = arith.constant 0 : i32
      %swap3A_897 = arith.index_cast %swap3A_896 : i32 to index
      %swap3A_898 = arith.constant 96 : index
      %swap3A_899 = tpu.vector_load %arg8[%swap3A_897, %swap3A_898] {strides = array<i32>} : memref<4x256xf32, #tpu.memory_space<vmem>>, vector<1x16xf32>,
      %swap3A_900 = vector.shape_cast %swap3A_899 : vector<1x16xf32> to vector<16xf32>
      %swap3A_901 = vector.shape_cast %scan3A_858#6 : vector<16xf32> to vector<1x16xf32>
      tpu.vector_store %arg8[%swap3A_897, %swap3A_898], %swap3A_901 {strides = array<i32>} : memref<4x256xf32, #tpu.memory_space<vmem>>, vector<1x16xf32>,
      %swap3A_902 = arith.constant 0 : i32
      %swap3A_903 = arith.index_cast %swap3A_902 : i32 to index
      %swap3A_904 = arith.constant 112 : index
      %swap3A_905 = tpu.vector_load %arg8[%swap3A_903, %swap3A_904] {strides = array<i32>} : memref<4x256xf32, #tpu.memory_space<vmem>>, vector<1x16xf32>,
      %swap3A_906 = vector.shape_cast %swap3A_905 : vector<1x16xf32> to vector<16xf32>
      %swap3A_907 = vector.shape_cast %scan3A_858#7 : vector<16xf32> to vector<1x16xf32>
      tpu.vector_store %arg8[%swap3A_903, %swap3A_904], %swap3A_907 {strides = array<i32>} : memref<4x256xf32, #tpu.memory_space<vmem>>, vector<1x16xf32>,
      %swap3A_908 = arith.constant 0 : i32
      %swap3A_909 = arith.index_cast %swap3A_908 : i32 to index
      %swap3A_910 = arith.constant 128 : index
      %swap3A_911 = tpu.vector_load %arg8[%swap3A_909, %swap3A_910] {strides = array<i32>} : memref<4x256xf32, #tpu.memory_space<vmem>>, vector<1x16xf32>,
      %swap3A_912 = vector.shape_cast %swap3A_911 : vector<1x16xf32> to vector<16xf32>
      %swap3A_913 = vector.shape_cast %scan3A_858#8 : vector<16xf32> to vector<1x16xf32>
      tpu.vector_store %arg8[%swap3A_909, %swap3A_910], %swap3A_913 {strides = array<i32>} : memref<4x256xf32, #tpu.memory_space<vmem>>, vector<1x16xf32>,
      %swap3A_914 = arith.constant 0 : i32
      %swap3A_915 = arith.index_cast %swap3A_914 : i32 to index
      %swap3A_916 = arith.constant 144 : index
      %swap3A_917 = tpu.vector_load %arg8[%swap3A_915, %swap3A_916] {strides = array<i32>} : memref<4x256xf32, #tpu.memory_space<vmem>>, vector<1x16xf32>,
      %swap3A_918 = vector.shape_cast %swap3A_917 : vector<1x16xf32> to vector<16xf32>
      %swap3A_919 = vector.shape_cast %scan3A_858#9 : vector<16xf32> to vector<1x16xf32>
      tpu.vector_store %arg8[%swap3A_915, %swap3A_916], %swap3A_919 {strides = array<i32>} : memref<4x256xf32, #tpu.memory_space<vmem>>, vector<1x16xf32>,
      %swap3A_920 = arith.constant 0 : i32
      %swap3A_921 = arith.index_cast %swap3A_920 : i32 to index
      %swap3A_922 = arith.constant 160 : index
      %swap3A_923 = tpu.vector_load %arg8[%swap3A_921, %swap3A_922] {strides = array<i32>} : memref<4x256xf32, #tpu.memory_space<vmem>>, vector<1x16xf32>,
      %swap3A_924 = vector.shape_cast %swap3A_923 : vector<1x16xf32> to vector<16xf32>
      %swap3A_925 = vector.shape_cast %scan3A_858#10 : vector<16xf32> to vector<1x16xf32>
      tpu.vector_store %arg8[%swap3A_921, %swap3A_922], %swap3A_925 {strides = array<i32>} : memref<4x256xf32, #tpu.memory_space<vmem>>, vector<1x16xf32>,
      %swap3A_926 = arith.constant 0 : i32
      %swap3A_927 = arith.index_cast %swap3A_926 : i32 to index
      %swap3A_928 = arith.constant 176 : index
      %swap3A_929 = tpu.vector_load %arg8[%swap3A_927, %swap3A_928] {strides = array<i32>} : memref<4x256xf32, #tpu.memory_space<vmem>>, vector<1x16xf32>,
      %swap3A_930 = vector.shape_cast %swap3A_929 : vector<1x16xf32> to vector<16xf32>
      %swap3A_931 = vector.shape_cast %scan3A_858#11 : vector<16xf32> to vector<1x16xf32>
      tpu.vector_store %arg8[%swap3A_927, %swap3A_928], %swap3A_931 {strides = array<i32>} : memref<4x256xf32, #tpu.memory_space<vmem>>, vector<1x16xf32>,
      %swap3A_932 = arith.constant 0 : i32
      %swap3A_933 = arith.index_cast %swap3A_932 : i32 to index
      %swap3A_934 = arith.constant 192 : index
      %swap3A_935 = tpu.vector_load %arg8[%swap3A_933, %swap3A_934] {strides = array<i32>} : memref<4x256xf32, #tpu.memory_space<vmem>>, vector<1x16xf32>,
      %swap3A_936 = vector.shape_cast %swap3A_935 : vector<1x16xf32> to vector<16xf32>
      %swap3A_937 = vector.shape_cast %scan3A_858#12 : vector<16xf32> to vector<1x16xf32>
      tpu.vector_store %arg8[%swap3A_933, %swap3A_934], %swap3A_937 {strides = array<i32>} : memref<4x256xf32, #tpu.memory_space<vmem>>, vector<1x16xf32>,
      %swap3A_938 = arith.constant 0 : i32
      %swap3A_939 = arith.index_cast %swap3A_938 : i32 to index
      %swap3A_940 = arith.constant 208 : index
      %swap3A_941 = tpu.vector_load %arg8[%swap3A_939, %swap3A_940] {strides = array<i32>} : memref<4x256xf32, #tpu.memory_space<vmem>>, vector<1x16xf32>,
      %swap3A_942 = vector.shape_cast %swap3A_941 : vector<1x16xf32> to vector<16xf32>
      %swap3A_943 = vector.shape_cast %scan3A_858#13 : vector<16xf32> to vector<1x16xf32>
      tpu.vector_store %arg8[%swap3A_939, %swap3A_940], %swap3A_943 {strides = array<i32>} : memref<4x256xf32, #tpu.memory_space<vmem>>, vector<1x16xf32>,
      %swap3A_944 = arith.constant 0 : i32
      %swap3A_945 = arith.index_cast %swap3A_944 : i32 to index
      %swap3A_946 = arith.constant 224 : index
      %swap3A_947 = tpu.vector_load %arg8[%swap3A_945, %swap3A_946] {strides = array<i32>} : memref<4x256xf32, #tpu.memory_space<vmem>>, vector<1x16xf32>,
      %swap3A_948 = vector.shape_cast %swap3A_947 : vector<1x16xf32> to vector<16xf32>
      %swap3A_949 = vector.shape_cast %scan3A_858#14 : vector<16xf32> to vector<1x16xf32>
      tpu.vector_store %arg8[%swap3A_945, %swap3A_946], %swap3A_949 {strides = array<i32>} : memref<4x256xf32, #tpu.memory_space<vmem>>, vector<1x16xf32>,
      %swap3A_950 = arith.constant 0 : i32
      %swap3A_951 = arith.index_cast %swap3A_950 : i32 to index
      %swap3A_952 = arith.constant 240 : index
      %swap3A_953 = tpu.vector_load %arg8[%swap3A_951, %swap3A_952] {strides = array<i32>} : memref<4x256xf32, #tpu.memory_space<vmem>>, vector<1x16xf32>,
      %swap3A_954 = vector.shape_cast %swap3A_953 : vector<1x16xf32> to vector<16xf32>
      %swap3A_955 = vector.shape_cast %scan3A_858#15 : vector<16xf32> to vector<1x16xf32>
      tpu.vector_store %arg8[%swap3A_951, %swap3A_952], %swap3A_955 {strides = array<i32>} : memref<4x256xf32, #tpu.memory_space<vmem>>, vector<1x16xf32>,
      %get3A_956 = arith.constant 32 : i32
      %get3A_957 = arith.index_cast %get3A_956 : i32 to index
      %get3A_958 = arith.constant 0 : index
      %get3A_959 = tpu.vector_load %arg7[%get3A_957, %get3A_958] {strides = array<i32>} : memref<128x256xf32, #tpu.memory_space<vmem>>, vector<1x16xf32>,
      %get3A_960 = vector.shape_cast %get3A_959 : vector<1x16xf32> to vector<16xf32>
      %get3A_961 = arith.constant 32 : i32
      %get3A_962 = arith.index_cast %get3A_961 : i32 to index
      %get3A_963 = arith.constant 16 : index
      %get3A_964 = tpu.vector_load %arg7[%get3A_962, %get3A_963] {strides = array<i32>} : memref<128x256xf32, #tpu.memory_space<vmem>>, vector<1x16xf32>,
      %get3A_965 = vector.shape_cast %get3A_964 : vector<1x16xf32> to vector<16xf32>
      %get3A_966 = arith.constant 32 : i32
      %get3A_967 = arith.index_cast %get3A_966 : i32 to index
      %get3A_968 = arith.constant 32 : index
      %get3A_969 = tpu.vector_load %arg7[%get3A_967, %get3A_968] {strides = array<i32>} : memref<128x256xf32, #tpu.memory_space<vmem>>, vector<1x16xf32>,
      %get3A_970 = vector.shape_cast %get3A_969 : vector<1x16xf32> to vector<16xf32>
      %get3A_971 = arith.constant 32 : i32
      %get3A_972 = arith.index_cast %get3A_971 : i32 to index
      %get3A_973 = arith.constant 48 : index
      %get3A_974 = tpu.vector_load %arg7[%get3A_972, %get3A_973] {strides = array<i32>} : memref<128x256xf32, #tpu.memory_space<vmem>>, vector<1x16xf32>,
      %get3A_975 = vector.shape_cast %get3A_974 : vector<1x16xf32> to vector<16xf32>
      %get3A_976 = arith.constant 32 : i32
      %get3A_977 = arith.index_cast %get3A_976 : i32 to index
      %get3A_978 = arith.constant 64 : index
      %get3A_979 = tpu.vector_load %arg7[%get3A_977, %get3A_978] {strides = array<i32>} : memref<128x256xf32, #tpu.memory_space<vmem>>, vector<1x16xf32>,
      %get3A_980 = vector.shape_cast %get3A_979 : vector<1x16xf32> to vector<16xf32>
      %get3A_981 = arith.constant 32 : i32
      %get3A_982 = arith.index_cast %get3A_981 : i32 to index
      %get3A_983 = arith.constant 80 : index
      %get3A_984 = tpu.vector_load %arg7[%get3A_982, %get3A_983] {strides = array<i32>} : memref<128x256xf32, #tpu.memory_space<vmem>>, vector<1x16xf32>,
      %get3A_985 = vector.shape_cast %get3A_984 : vector<1x16xf32> to vector<16xf32>
      %get3A_986 = arith.constant 32 : i32
      %get3A_987 = arith.index_cast %get3A_986 : i32 to index
      %get3A_988 = arith.constant 96 : index
      %get3A_989 = tpu.vector_load %arg7[%get3A_987, %get3A_988] {strides = array<i32>} : memref<128x256xf32, #tpu.memory_space<vmem>>, vector<1x16xf32>,
      %get3A_990 = vector.shape_cast %get3A_989 : vector<1x16xf32> to vector<16xf32>
      %get3A_991 = arith.constant 32 : i32
      %get3A_992 = arith.index_cast %get3A_991 : i32 to index
      %get3A_993 = arith.constant 112 : index
      %get3A_994 = tpu.vector_load %arg7[%get3A_992, %get3A_993] {strides = array<i32>} : memref<128x256xf32, #tpu.memory_space<vmem>>, vector<1x16xf32>,
      %get3A_995 = vector.shape_cast %get3A_994 : vector<1x16xf32> to vector<16xf32>
      %get3A_996 = arith.constant 32 : i32
      %get3A_997 = arith.index_cast %get3A_996 : i32 to index
      %get3A_998 = arith.constant 128 : index
      %get3A_999 = tpu.vector_load %arg7[%get3A_997, %get3A_998] {strides = array<i32>} : memref<128x256xf32, #tpu.memory_space<vmem>>, vector<1x16xf32>,
      %get3A_1000 = vector.shape_cast %get3A_999 : vector<1x16xf32> to vector<16xf32>
      %get3A_1001 = arith.constant 32 : i32
      %get3A_1002 = arith.index_cast %get3A_1001 : i32 to index
      %get3A_1003 = arith.constant 144 : index
      %get3A_1004 = tpu.vector_load %arg7[%get3A_1002, %get3A_1003] {strides = array<i32>} : memref<128x256xf32, #tpu.memory_space<vmem>>, vector<1x16xf32>,
      %get3A_1005 = vector.shape_cast %get3A_1004 : vector<1x16xf32> to vector<16xf32>
      %get3A_1006 = arith.constant 32 : i32
      %get3A_1007 = arith.index_cast %get3A_1006 : i32 to index
      %get3A_1008 = arith.constant 160 : index
      %get3A_1009 = tpu.vector_load %arg7[%get3A_1007, %get3A_1008] {strides = array<i32>} : memref<128x256xf32, #tpu.memory_space<vmem>>, vector<1x16xf32>,
      %get3A_1010 = vector.shape_cast %get3A_1009 : vector<1x16xf32> to vector<16xf32>
      %get3A_1011 = arith.constant 32 : i32
      %get3A_1012 = arith.index_cast %get3A_1011 : i32 to index
      %get3A_1013 = arith.constant 176 : index
      %get3A_1014 = tpu.vector_load %arg7[%get3A_1012, %get3A_1013] {strides = array<i32>} : memref<128x256xf32, #tpu.memory_space<vmem>>, vector<1x16xf32>,
      %get3A_1015 = vector.shape_cast %get3A_1014 : vector<1x16xf32> to vector<16xf32>
      %get3A_1016 = arith.constant 32 : i32
      %get3A_1017 = arith.index_cast %get3A_1016 : i32 to index
      %get3A_1018 = arith.constant 192 : index
      %get3A_1019 = tpu.vector_load %arg7[%get3A_1017, %get3A_1018] {strides = array<i32>} : memref<128x256xf32, #tpu.memory_space<vmem>>, vector<1x16xf32>,
      %get3A_1020 = vector.shape_cast %get3A_1019 : vector<1x16xf32> to vector<16xf32>
      %get3A_1021 = arith.constant 32 : i32
      %get3A_1022 = arith.index_cast %get3A_1021 : i32 to index
      %get3A_1023 = arith.constant 208 : index
      %get3A_1024 = tpu.vector_load %arg7[%get3A_1022, %get3A_1023] {strides = array<i32>} : memref<128x256xf32, #tpu.memory_space<vmem>>, vector<1x16xf32>,
      %get3A_1025 = vector.shape_cast %get3A_1024 : vector<1x16xf32> to vector<16xf32>
      %get3A_1026 = arith.constant 32 : i32
      %get3A_1027 = arith.index_cast %get3A_1026 : i32 to index
      %get3A_1028 = arith.constant 224 : index
      %get3A_1029 = tpu.vector_load %arg7[%get3A_1027, %get3A_1028] {strides = array<i32>} : memref<128x256xf32, #tpu.memory_space<vmem>>, vector<1x16xf32>,
      %get3A_1030 = vector.shape_cast %get3A_1029 : vector<1x16xf32> to vector<16xf32>
      %get3A_1031 = arith.constant 32 : i32
      %get3A_1032 = arith.index_cast %get3A_1031 : i32 to index
      %get3A_1033 = arith.constant 240 : index
      %get3A_1034 = tpu.vector_load %arg7[%get3A_1032, %get3A_1033] {strides = array<i32>} : memref<128x256xf32, #tpu.memory_space<vmem>>, vector<1x16xf32>,
      %get3A_1035 = vector.shape_cast %get3A_1034 : vector<1x16xf32> to vector<16xf32>
      %scan3A_1036 = arith.constant 1 : i32
      %scan3A_1037 = arith.constant 31 : i32
      %scan3A_1038 = arith.addi %scan3A_1036, %scan3A_1037 : i32
      %scan3A_1039 = arith.constant 1 : i32
      %scan3A_1040:16 = scf.for %scan3A_1505 = %scan3A_1036 to %scan3A_1038 step %scan3A_1039 iter_args(%scan3A_1506 = %get3A_960, %scan3A_1507 = %get3A_965, %scan3A_1508 = %get3A_970, %scan3A_1509 = %get3A_975, %scan3A_1510 = %get3A_980, %scan3A_1511 = %get3A_985, %scan3A_1512 = %get3A_990, %scan3A_1513 = %get3A_995, %scan3A_1514 = %get3A_1000, %scan3A_1515 = %get3A_1005, %scan3A_1516 = %get3A_1010, %scan3A_1517 = %get3A_1015, %scan3A_1518 = %get3A_1020, %scan3A_1519 = %get3A_1025, %scan3A_1520 = %get3A_1030, %scan3A_1521 = %get3A_1035) -> (vector<16xf32>, vector<16xf32>, vector<16xf32>, vector<16xf32>, vector<16xf32>, vector<16xf32>, vector<16xf32>, vector<16xf32>, vector<16xf32>, vector<16xf32>, vector<16xf32>, vector<16xf32>, vector<16xf32>, vector<16xf32>, vector<16xf32>, vector<16xf32>)  : i32 {
        %add3A_1522 = arith.constant 32 : i32
        %add3A_1523 = arith.addi %add3A_1522, %scan3A_1505 : i32
        %get3A_1524 = arith.index_cast %add3A_1523 : i32 to index
        %get3A_1525 = arith.constant 0 : index
        %get3A_1526 = tpu.vector_load %arg7[%get3A_1524, %get3A_1525] {strides = array<i32>} : memref<128x256xf32, #tpu.memory_space<vmem>>, vector<1x16xf32>,
        %get3A_1527 = vector.shape_cast %get3A_1526 : vector<1x16xf32> to vector<16xf32>
        %max3A = arith.maximumf %scan3A_1506, %get3A_1527 : vector<16xf32>
        %add3A_1528 = arith.constant 32 : i32
        %add3A_1529 = arith.addi %add3A_1528, %scan3A_1505 : i32
        %get3A_1530 = arith.index_cast %add3A_1529 : i32 to index
        %get3A_1531 = arith.constant 16 : index
        %get3A_1532 = tpu.vector_load %arg7[%get3A_1530, %get3A_1531] {strides = array<i32>} : memref<128x256xf32, #tpu.memory_space<vmem>>, vector<1x16xf32>,
        %get3A_1533 = vector.shape_cast %get3A_1532 : vector<1x16xf32> to vector<16xf32>
        %max3A_1534 = arith.maximumf %scan3A_1507, %get3A_1533 : vector<16xf32>
        %add3A_1535 = arith.constant 32 : i32
        %add3A_1536 = arith.addi %add3A_1535, %scan3A_1505 : i32
        %get3A_1537 = arith.index_cast %add3A_1536 : i32 to index
        %get3A_1538 = arith.constant 32 : index
        %get3A_1539 = tpu.vector_load %arg7[%get3A_1537, %get3A_1538] {strides = array<i32>} : memref<128x256xf32, #tpu.memory_space<vmem>>, vector<1x16xf32>,
        %get3A_1540 = vector.shape_cast %get3A_1539 : vector<1x16xf32> to vector<16xf32>
        %max3A_1541 = arith.maximumf %scan3A_1508, %get3A_1540 : vector<16xf32>
        %add3A_1542 = arith.constant 32 : i32
        %add3A_1543 = arith.addi %add3A_1542, %scan3A_1505 : i32
        %get3A_1544 = arith.index_cast %add3A_1543 : i32 to index
        %get3A_1545 = arith.constant 48 : index
        %get3A_1546 = tpu.vector_load %arg7[%get3A_1544, %get3A_1545] {strides = array<i32>} : memref<128x256xf32, #tpu.memory_space<vmem>>, vector<1x16xf32>,
        %get3A_1547 = vector.shape_cast %get3A_1546 : vector<1x16xf32> to vector<16xf32>
        %max3A_1548 = arith.maximumf %scan3A_1509, %get3A_1547 : vector<16xf32>
        %add3A_1549 = arith.constant 32 : i32
        %add3A_1550 = arith.addi %add3A_1549, %scan3A_1505 : i32
        %get3A_1551 = arith.index_cast %add3A_1550 : i32 to index
        %get3A_1552 = arith.constant 64 : index
        %get3A_1553 = tpu.vector_load %arg7[%get3A_1551, %get3A_1552] {strides = array<i32>} : memref<128x256xf32, #tpu.memory_space<vmem>>, vector<1x16xf32>,
        %get3A_1554 = vector.shape_cast %get3A_1553 : vector<1x16xf32> to vector<16xf32>
        %max3A_1555 = arith.maximumf %scan3A_1510, %get3A_1554 : vector<16xf32>
        %add3A_1556 = arith.constant 32 : i32
        %add3A_1557 = arith.addi %add3A_1556, %scan3A_1505 : i32
        %get3A_1558 = arith.index_cast %add3A_1557 : i32 to index
        %get3A_1559 = arith.constant 80 : index
        %get3A_1560 = tpu.vector_load %arg7[%get3A_1558, %get3A_1559] {strides = array<i32>} : memref<128x256xf32, #tpu.memory_space<vmem>>, vector<1x16xf32>,
        %get3A_1561 = vector.shape_cast %get3A_1560 : vector<1x16xf32> to vector<16xf32>
        %max3A_1562 = arith.maximumf %scan3A_1511, %get3A_1561 : vector<16xf32>
        %add3A_1563 = arith.constant 32 : i32
        %add3A_1564 = arith.addi %add3A_1563, %scan3A_1505 : i32
        %get3A_1565 = arith.index_cast %add3A_1564 : i32 to index
        %get3A_1566 = arith.constant 96 : index
        %get3A_1567 = tpu.vector_load %arg7[%get3A_1565, %get3A_1566] {strides = array<i32>} : memref<128x256xf32, #tpu.memory_space<vmem>>, vector<1x16xf32>,
        %get3A_1568 = vector.shape_cast %get3A_1567 : vector<1x16xf32> to vector<16xf32>
        %max3A_1569 = arith.maximumf %scan3A_1512, %get3A_1568 : vector<16xf32>
        %add3A_1570 = arith.constant 32 : i32
        %add3A_1571 = arith.addi %add3A_1570, %scan3A_1505 : i32
        %get3A_1572 = arith.index_cast %add3A_1571 : i32 to index
        %get3A_1573 = arith.constant 112 : index
        %get3A_1574 = tpu.vector_load %arg7[%get3A_1572, %get3A_1573] {strides = array<i32>} : memref<128x256xf32, #tpu.memory_space<vmem>>, vector<1x16xf32>,
        %get3A_1575 = vector.shape_cast %get3A_1574 : vector<1x16xf32> to vector<16xf32>
        %max3A_1576 = arith.maximumf %scan3A_1513, %get3A_1575 : vector<16xf32>
        %add3A_1577 = arith.constant 32 : i32
        %add3A_1578 = arith.addi %add3A_1577, %scan3A_1505 : i32
        %get3A_1579 = arith.index_cast %add3A_1578 : i32 to index
        %get3A_1580 = arith.constant 128 : index
        %get3A_1581 = tpu.vector_load %arg7[%get3A_1579, %get3A_1580] {strides = array<i32>} : memref<128x256xf32, #tpu.memory_space<vmem>>, vector<1x16xf32>,
        %get3A_1582 = vector.shape_cast %get3A_1581 : vector<1x16xf32> to vector<16xf32>
        %max3A_1583 = arith.maximumf %scan3A_1514, %get3A_1582 : vector<16xf32>
        %add3A_1584 = arith.constant 32 : i32
        %add3A_1585 = arith.addi %add3A_1584, %scan3A_1505 : i32
        %get3A_1586 = arith.index_cast %add3A_1585 : i32 to index
        %get3A_1587 = arith.constant 144 : index
        %get3A_1588 = tpu.vector_load %arg7[%get3A_1586, %get3A_1587] {strides = array<i32>} : memref<128x256xf32, #tpu.memory_space<vmem>>, vector<1x16xf32>,
        %get3A_1589 = vector.shape_cast %get3A_1588 : vector<1x16xf32> to vector<16xf32>
        %max3A_1590 = arith.maximumf %scan3A_1515, %get3A_1589 : vector<16xf32>
        %add3A_1591 = arith.constant 32 : i32
        %add3A_1592 = arith.addi %add3A_1591, %scan3A_1505 : i32
        %get3A_1593 = arith.index_cast %add3A_1592 : i32 to index
        %get3A_1594 = arith.constant 160 : index
        %get3A_1595 = tpu.vector_load %arg7[%get3A_1593, %get3A_1594] {strides = array<i32>} : memref<128x256xf32, #tpu.memory_space<vmem>>, vector<1x16xf32>,
        %get3A_1596 = vector.shape_cast %get3A_1595 : vector<1x16xf32> to vector<16xf32>
        %max3A_1597 = arith.maximumf %scan3A_1516, %get3A_1596 : vector<16xf32>
        %add3A_1598 = arith.constant 32 : i32
        %add3A_1599 = arith.addi %add3A_1598, %scan3A_1505 : i32
        %get3A_1600 = arith.index_cast %add3A_1599 : i32 to index
        %get3A_1601 = arith.constant 176 : index
        %get3A_1602 = tpu.vector_load %arg7[%get3A_1600, %get3A_1601] {strides = array<i32>} : memref<128x256xf32, #tpu.memory_space<vmem>>, vector<1x16xf32>,
        %get3A_1603 = vector.shape_cast %get3A_1602 : vector<1x16xf32> to vector<16xf32>
        %max3A_1604 = arith.maximumf %scan3A_1517, %get3A_1603 : vector<16xf32>
        %add3A_1605 = arith.constant 32 : i32
        %add3A_1606 = arith.addi %add3A_1605, %scan3A_1505 : i32
        %get3A_1607 = arith.index_cast %add3A_1606 : i32 to index
        %get3A_1608 = arith.constant 192 : index
        %get3A_1609 = tpu.vector_load %arg7[%get3A_1607, %get3A_1608] {strides = array<i32>} : memref<128x256xf32, #tpu.memory_space<vmem>>, vector<1x16xf32>,
        %get3A_1610 = vector.shape_cast %get3A_1609 : vector<1x16xf32> to vector<16xf32>
        %max3A_1611 = arith.maximumf %scan3A_1518, %get3A_1610 : vector<16xf32>
        %add3A_1612 = arith.constant 32 : i32
        %add3A_1613 = arith.addi %add3A_1612, %scan3A_1505 : i32
        %get3A_1614 = arith.index_cast %add3A_1613 : i32 to index
        %get3A_1615 = arith.constant 208 : index
        %get3A_1616 = tpu.vector_load %arg7[%get3A_1614, %get3A_1615] {strides = array<i32>} : memref<128x256xf32, #tpu.memory_space<vmem>>, vector<1x16xf32>,
        %get3A_1617 = vector.shape_cast %get3A_1616 : vector<1x16xf32> to vector<16xf32>
        %max3A_1618 = arith.maximumf %scan3A_1519, %get3A_1617 : vector<16xf32>
        %add3A_1619 = arith.constant 32 : i32
        %add3A_1620 = arith.addi %add3A_1619, %scan3A_1505 : i32
        %get3A_1621 = arith.index_cast %add3A_1620 : i32 to index
        %get3A_1622 = arith.constant 224 : index
        %get3A_1623 = tpu.vector_load %arg7[%get3A_1621, %get3A_1622] {strides = array<i32>} : memref<128x256xf32, #tpu.memory_space<vmem>>, vector<1x16xf32>,
        %get3A_1624 = vector.shape_cast %get3A_1623 : vector<1x16xf32> to vector<16xf32>
        %max3A_1625 = arith.maximumf %scan3A_1520, %get3A_1624 : vector<16xf32>
        %add3A_1626 = arith.constant 32 : i32
        %add3A_1627 = arith.addi %add3A_1626, %scan3A_1505 : i32
        %get3A_1628 = arith.index_cast %add3A_1627 : i32 to index
        %get3A_1629 = arith.constant 240 : index
        %get3A_1630 = tpu.vector_load %arg7[%get3A_1628, %get3A_1629] {strides = array<i32>} : memref<128x256xf32, #tpu.memory_space<vmem>>, vector<1x16xf32>,
        %get3A_1631 = vector.shape_cast %get3A_1630 : vector<1x16xf32> to vector<16xf32>
        %max3A_1632 = arith.maximumf %scan3A_1521, %get3A_1631 : vector<16xf32>
        scf.yield %max3A, %max3A_1534, %max3A_1541, %max3A_1548, %max3A_1555, %max3A_1562, %max3A_1569, %max3A_1576, %max3A_1583, %max3A_1590, %max3A_1597, %max3A_1604, %max3A_1611, %max3A_1618, %max3A_1625, %max3A_1632 : vector<16xf32>, vector<16xf32>, vector<16xf32>, vector<16xf32>, vector<16xf32>, vector<16xf32>, vector<16xf32>, vector<16xf32>, vector<16xf32>, vector<16xf32>, vector<16xf32>, vector<16xf32>, vector<16xf32>, vector<16xf32>, vector<16xf32>, vector<16xf32>
      }
      %scan3A_1041 = arith.constant 31 : i32
      %swap3A_1042 = arith.constant 1 : i32
      %swap3A_1043 = arith.index_cast %swap3A_1042 : i32 to index
      %swap3A_1044 = arith.constant 0 : index
      %swap3A_1045 = tpu.vector_load %arg8[%swap3A_1043, %swap3A_1044] {strides = array<i32>} : memref<4x256xf32, #tpu.memory_space<vmem>>, vector<1x16xf32>,
      %swap3A_1046 = vector.shape_cast %swap3A_1045 : vector<1x16xf32> to vector<16xf32>
      %swap3A_1047 = vector.shape_cast %scan3A_1040#0 : vector<16xf32> to vector<1x16xf32>
      tpu.vector_store %arg8[%swap3A_1043, %swap3A_1044], %swap3A_1047 {strides = array<i32>} : memref<4x256xf32, #tpu.memory_space<vmem>>, vector<1x16xf32>,
      %swap3A_1048 = arith.constant 1 : i32
      %swap3A_1049 = arith.index_cast %swap3A_1048 : i32 to index
      %swap3A_1050 = arith.constant 16 : index
      %swap3A_1051 = tpu.vector_load %arg8[%swap3A_1049, %swap3A_1050] {strides = array<i32>} : memref<4x256xf32, #tpu.memory_space<vmem>>, vector<1x16xf32>,
      %swap3A_1052 = vector.shape_cast %swap3A_1051 : vector<1x16xf32> to vector<16xf32>
      %swap3A_1053 = vector.shape_cast %scan3A_1040#1 : vector<16xf32> to vector<1x16xf32>
      tpu.vector_store %arg8[%swap3A_1049, %swap3A_1050], %swap3A_1053 {strides = array<i32>} : memref<4x256xf32, #tpu.memory_space<vmem>>, vector<1x16xf32>,
      %swap3A_1054 = arith.constant 1 : i32
      %swap3A_1055 = arith.index_cast %swap3A_1054 : i32 to index
      %swap3A_1056 = arith.constant 32 : index
      %swap3A_1057 = tpu.vector_load %arg8[%swap3A_1055, %swap3A_1056] {strides = array<i32>} : memref<4x256xf32, #tpu.memory_space<vmem>>, vector<1x16xf32>,
      %swap3A_1058 = vector.shape_cast %swap3A_1057 : vector<1x16xf32> to vector<16xf32>
      %swap3A_1059 = vector.shape_cast %scan3A_1040#2 : vector<16xf32> to vector<1x16xf32>
      tpu.vector_store %arg8[%swap3A_1055, %swap3A_1056], %swap3A_1059 {strides = array<i32>} : memref<4x256xf32, #tpu.memory_space<vmem>>, vector<1x16xf32>,
      %swap3A_1060 = arith.constant 1 : i32
      %swap3A_1061 = arith.index_cast %swap3A_1060 : i32 to index
      %swap3A_1062 = arith.constant 48 : index
      %swap3A_1063 = tpu.vector_load %arg8[%swap3A_1061, %swap3A_1062] {strides = array<i32>} : memref<4x256xf32, #tpu.memory_space<vmem>>, vector<1x16xf32>,
      %swap3A_1064 = vector.shape_cast %swap3A_1063 : vector<1x16xf32> to vector<16xf32>
      %swap3A_1065 = vector.shape_cast %scan3A_1040#3 : vector<16xf32> to vector<1x16xf32>
      tpu.vector_store %arg8[%swap3A_1061, %swap3A_1062], %swap3A_1065 {strides = array<i32>} : memref<4x256xf32, #tpu.memory_space<vmem>>, vector<1x16xf32>,
      %swap3A_1066 = arith.constant 1 : i32
      %swap3A_1067 = arith.index_cast %swap3A_1066 : i32 to index
      %swap3A_1068 = arith.constant 64 : index
      %swap3A_1069 = tpu.vector_load %arg8[%swap3A_1067, %swap3A_1068] {strides = array<i32>} : memref<4x256xf32, #tpu.memory_space<vmem>>, vector<1x16xf32>,
      %swap3A_1070 = vector.shape_cast %swap3A_1069 : vector<1x16xf32> to vector<16xf32>
      %swap3A_1071 = vector.shape_cast %scan3A_1040#4 : vector<16xf32> to vector<1x16xf32>
      tpu.vector_store %arg8[%swap3A_1067, %swap3A_1068], %swap3A_1071 {strides = array<i32>} : memref<4x256xf32, #tpu.memory_space<vmem>>, vector<1x16xf32>,
      %swap3A_1072 = arith.constant 1 : i32
      %swap3A_1073 = arith.index_cast %swap3A_1072 : i32 to index
      %swap3A_1074 = arith.constant 80 : index
      %swap3A_1075 = tpu.vector_load %arg8[%swap3A_1073, %swap3A_1074] {strides = array<i32>} : memref<4x256xf32, #tpu.memory_space<vmem>>, vector<1x16xf32>,
      %swap3A_1076 = vector.shape_cast %swap3A_1075 : vector<1x16xf32> to vector<16xf32>
      %swap3A_1077 = vector.shape_cast %scan3A_1040#5 : vector<16xf32> to vector<1x16xf32>
      tpu.vector_store %arg8[%swap3A_1073, %swap3A_1074], %swap3A_1077 {strides = array<i32>} : memref<4x256xf32, #tpu.memory_space<vmem>>, vector<1x16xf32>,
      %swap3A_1078 = arith.constant 1 : i32
      %swap3A_1079 = arith.index_cast %swap3A_1078 : i32 to index
      %swap3A_1080 = arith.constant 96 : index
      %swap3A_1081 = tpu.vector_load %arg8[%swap3A_1079, %swap3A_1080] {strides = array<i32>} : memref<4x256xf32, #tpu.memory_space<vmem>>, vector<1x16xf32>,
      %swap3A_1082 = vector.shape_cast %swap3A_1081 : vector<1x16xf32> to vector<16xf32>
      %swap3A_1083 = vector.shape_cast %scan3A_1040#6 : vector<16xf32> to vector<1x16xf32>
      tpu.vector_store %arg8[%swap3A_1079, %swap3A_1080], %swap3A_1083 {strides = array<i32>} : memref<4x256xf32, #tpu.memory_space<vmem>>, vector<1x16xf32>,
      %swap3A_1084 = arith.constant 1 : i32
      %swap3A_1085 = arith.index_cast %swap3A_1084 : i32 to index
      %swap3A_1086 = arith.constant 112 : index
      %swap3A_1087 = tpu.vector_load %arg8[%swap3A_1085, %swap3A_1086] {strides = array<i32>} : memref<4x256xf32, #tpu.memory_space<vmem>>, vector<1x16xf32>,
      %swap3A_1088 = vector.shape_cast %swap3A_1087 : vector<1x16xf32> to vector<16xf32>
      %swap3A_1089 = vector.shape_cast %scan3A_1040#7 : vector<16xf32> to vector<1x16xf32>
      tpu.vector_store %arg8[%swap3A_1085, %swap3A_1086], %swap3A_1089 {strides = array<i32>} : memref<4x256xf32, #tpu.memory_space<vmem>>, vector<1x16xf32>,
      %swap3A_1090 = arith.constant 1 : i32
      %swap3A_1091 = arith.index_cast %swap3A_1090 : i32 to index
      %swap3A_1092 = arith.constant 128 : index
      %swap3A_1093 = tpu.vector_load %arg8[%swap3A_1091, %swap3A_1092] {strides = array<i32>} : memref<4x256xf32, #tpu.memory_space<vmem>>, vector<1x16xf32>,
      %swap3A_1094 = vector.shape_cast %swap3A_1093 : vector<1x16xf32> to vector<16xf32>
      %swap3A_1095 = vector.shape_cast %scan3A_1040#8 : vector<16xf32> to vector<1x16xf32>
      tpu.vector_store %arg8[%swap3A_1091, %swap3A_1092], %swap3A_1095 {strides = array<i32>} : memref<4x256xf32, #tpu.memory_space<vmem>>, vector<1x16xf32>,
      %swap3A_1096 = arith.constant 1 : i32
      %swap3A_1097 = arith.index_cast %swap3A_1096 : i32 to index
      %swap3A_1098 = arith.constant 144 : index
      %swap3A_1099 = tpu.vector_load %arg8[%swap3A_1097, %swap3A_1098] {strides = array<i32>} : memref<4x256xf32, #tpu.memory_space<vmem>>, vector<1x16xf32>,
      %swap3A_1100 = vector.shape_cast %swap3A_1099 : vector<1x16xf32> to vector<16xf32>
      %swap3A_1101 = vector.shape_cast %scan3A_1040#9 : vector<16xf32> to vector<1x16xf32>
      tpu.vector_store %arg8[%swap3A_1097, %swap3A_1098], %swap3A_1101 {strides = array<i32>} : memref<4x256xf32, #tpu.memory_space<vmem>>, vector<1x16xf32>,
      %swap3A_1102 = arith.constant 1 : i32
      %swap3A_1103 = arith.index_cast %swap3A_1102 : i32 to index
      %swap3A_1104 = arith.constant 160 : index
      %swap3A_1105 = tpu.vector_load %arg8[%swap3A_1103, %swap3A_1104] {strides = array<i32>} : memref<4x256xf32, #tpu.memory_space<vmem>>, vector<1x16xf32>,
      %swap3A_1106 = vector.shape_cast %swap3A_1105 : vector<1x16xf32> to vector<16xf32>
      %swap3A_1107 = vector.shape_cast %scan3A_1040#10 : vector<16xf32> to vector<1x16xf32>
      tpu.vector_store %arg8[%swap3A_1103, %swap3A_1104], %swap3A_1107 {strides = array<i32>} : memref<4x256xf32, #tpu.memory_space<vmem>>, vector<1x16xf32>,
      %swap3A_1108 = arith.constant 1 : i32
      %swap3A_1109 = arith.index_cast %swap3A_1108 : i32 to index
      %swap3A_1110 = arith.constant 176 : index
      %swap3A_1111 = tpu.vector_load %arg8[%swap3A_1109, %swap3A_1110] {strides = array<i32>} : memref<4x256xf32, #tpu.memory_space<vmem>>, vector<1x16xf32>,
      %swap3A_1112 = vector.shape_cast %swap3A_1111 : vector<1x16xf32> to vector<16xf32>
      %swap3A_1113 = vector.shape_cast %scan3A_1040#11 : vector<16xf32> to vector<1x16xf32>
      tpu.vector_store %arg8[%swap3A_1109, %swap3A_1110], %swap3A_1113 {strides = array<i32>} : memref<4x256xf32, #tpu.memory_space<vmem>>, vector<1x16xf32>,
      %swap3A_1114 = arith.constant 1 : i32
      %swap3A_1115 = arith.index_cast %swap3A_1114 : i32 to index
      %swap3A_1116 = arith.constant 192 : index
      %swap3A_1117 = tpu.vector_load %arg8[%swap3A_1115, %swap3A_1116] {strides = array<i32>} : memref<4x256xf32, #tpu.memory_space<vmem>>, vector<1x16xf32>,
      %swap3A_1118 = vector.shape_cast %swap3A_1117 : vector<1x16xf32> to vector<16xf32>
      %swap3A_1119 = vector.shape_cast %scan3A_1040#12 : vector<16xf32> to vector<1x16xf32>
      tpu.vector_store %arg8[%swap3A_1115, %swap3A_1116], %swap3A_1119 {strides = array<i32>} : memref<4x256xf32, #tpu.memory_space<vmem>>, vector<1x16xf32>,
      %swap3A_1120 = arith.constant 1 : i32
      %swap3A_1121 = arith.index_cast %swap3A_1120 : i32 to index
      %swap3A_1122 = arith.constant 208 : index
      %swap3A_1123 = tpu.vector_load %arg8[%swap3A_1121, %swap3A_1122] {strides = array<i32>} : memref<4x256xf32, #tpu.memory_space<vmem>>, vector<1x16xf32>,
      %swap3A_1124 = vector.shape_cast %swap3A_1123 : vector<1x16xf32> to vector<16xf32>
      %swap3A_1125 = vector.shape_cast %scan3A_1040#13 : vector<16xf32> to vector<1x16xf32>
      tpu.vector_store %arg8[%swap3A_1121, %swap3A_1122], %swap3A_1125 {strides = array<i32>} : memref<4x256xf32, #tpu.memory_space<vmem>>, vector<1x16xf32>,
      %swap3A_1126 = arith.constant 1 : i32
      %swap3A_1127 = arith.index_cast %swap3A_1126 : i32 to index
      %swap3A_1128 = arith.constant 224 : index
      %swap3A_1129 = tpu.vector_load %arg8[%swap3A_1127, %swap3A_1128] {strides = array<i32>} : memref<4x256xf32, #tpu.memory_space<vmem>>, vector<1x16xf32>,
      %swap3A_1130 = vector.shape_cast %swap3A_1129 : vector<1x16xf32> to vector<16xf32>
      %swap3A_1131 = vector.shape_cast %scan3A_1040#14 : vector<16xf32> to vector<1x16xf32>
      tpu.vector_store %arg8[%swap3A_1127, %swap3A_1128], %swap3A_1131 {strides = array<i32>} : memref<4x256xf32, #tpu.memory_space<vmem>>, vector<1x16xf32>,
      %swap3A_1132 = arith.constant 1 : i32
      %swap3A_1133 = arith.index_cast %swap3A_1132 : i32 to index
      %swap3A_1134 = arith.constant 240 : index
      %swap3A_1135 = tpu.vector_load %arg8[%swap3A_1133, %swap3A_1134] {strides = array<i32>} : memref<4x256xf32, #tpu.memory_space<vmem>>, vector<1x16xf32>,
      %swap3A_1136 = vector.shape_cast %swap3A_1135 : vector<1x16xf32> to vector<16xf32>
      %swap3A_1137 = vector.shape_cast %scan3A_1040#15 : vector<16xf32> to vector<1x16xf32>
      tpu.vector_store %arg8[%swap3A_1133, %swap3A_1134], %swap3A_1137 {strides = array<i32>} : memref<4x256xf32, #tpu.memory_space<vmem>>, vector<1x16xf32>,
      %get3A_1138 = arith.constant 64 : i32
      %get3A_1139 = arith.index_cast %get3A_1138 : i32 to index
      %get3A_1140 = arith.constant 0 : index
      %get3A_1141 = tpu.vector_load %arg7[%get3A_1139, %get3A_1140] {strides = array<i32>} : memref<128x256xf32, #tpu.memory_space<vmem>>, vector<1x16xf32>,
      %get3A_1142 = vector.shape_cast %get3A_1141 : vector<1x16xf32> to vector<16xf32>
      %get3A_1143 = arith.constant 64 : i32
      %get3A_1144 = arith.index_cast %get3A_1143 : i32 to index
      %get3A_1145 = arith.constant 16 : index
      %get3A_1146 = tpu.vector_load %arg7[%get3A_1144, %get3A_1145] {strides = array<i32>} : memref<128x256xf32, #tpu.memory_space<vmem>>, vector<1x16xf32>,
      %get3A_1147 = vector.shape_cast %get3A_1146 : vector<1x16xf32> to vector<16xf32>
      %get3A_1148 = arith.constant 64 : i32
      %get3A_1149 = arith.index_cast %get3A_1148 : i32 to index
      %get3A_1150 = arith.constant 32 : index
      %get3A_1151 = tpu.vector_load %arg7[%get3A_1149, %get3A_1150] {strides = array<i32>} : memref<128x256xf32, #tpu.memory_space<vmem>>, vector<1x16xf32>,
      %get3A_1152 = vector.shape_cast %get3A_1151 : vector<1x16xf32> to vector<16xf32>
      %get3A_1153 = arith.constant 64 : i32
      %get3A_1154 = arith.index_cast %get3A_1153 : i32 to index
      %get3A_1155 = arith.constant 48 : index
      %get3A_1156 = tpu.vector_load %arg7[%get3A_1154, %get3A_1155] {strides = array<i32>} : memref<128x256xf32, #tpu.memory_space<vmem>>, vector<1x16xf32>,
      %get3A_1157 = vector.shape_cast %get3A_1156 : vector<1x16xf32> to vector<16xf32>
      %get3A_1158 = arith.constant 64 : i32
      %get3A_1159 = arith.index_cast %get3A_1158 : i32 to index
      %get3A_1160 = arith.constant 64 : index
      %get3A_1161 = tpu.vector_load %arg7[%get3A_1159, %get3A_1160] {strides = array<i32>} : memref<128x256xf32, #tpu.memory_space<vmem>>, vector<1x16xf32>,
      %get3A_1162 = vector.shape_cast %get3A_1161 : vector<1x16xf32> to vector<16xf32>
      %get3A_1163 = arith.constant 64 : i32
      %get3A_1164 = arith.index_cast %get3A_1163 : i32 to index
      %get3A_1165 = arith.constant 80 : index
      %get3A_1166 = tpu.vector_load %arg7[%get3A_1164, %get3A_1165] {strides = array<i32>} : memref<128x256xf32, #tpu.memory_space<vmem>>, vector<1x16xf32>,
      %get3A_1167 = vector.shape_cast %get3A_1166 : vector<1x16xf32> to vector<16xf32>
      %get3A_1168 = arith.constant 64 : i32
      %get3A_1169 = arith.index_cast %get3A_1168 : i32 to index
      %get3A_1170 = arith.constant 96 : index
      %get3A_1171 = tpu.vector_load %arg7[%get3A_1169, %get3A_1170] {strides = array<i32>} : memref<128x256xf32, #tpu.memory_space<vmem>>, vector<1x16xf32>,
      %get3A_1172 = vector.shape_cast %get3A_1171 : vector<1x16xf32> to vector<16xf32>
      %get3A_1173 = arith.constant 64 : i32
      %get3A_1174 = arith.index_cast %get3A_1173 : i32 to index
      %get3A_1175 = arith.constant 112 : index
      %get3A_1176 = tpu.vector_load %arg7[%get3A_1174, %get3A_1175] {strides = array<i32>} : memref<128x256xf32, #tpu.memory_space<vmem>>, vector<1x16xf32>,
      %get3A_1177 = vector.shape_cast %get3A_1176 : vector<1x16xf32> to vector<16xf32>
      %get3A_1178 = arith.constant 64 : i32
      %get3A_1179 = arith.index_cast %get3A_1178 : i32 to index
      %get3A_1180 = arith.constant 128 : index
      %get3A_1181 = tpu.vector_load %arg7[%get3A_1179, %get3A_1180] {strides = array<i32>} : memref<128x256xf32, #tpu.memory_space<vmem>>, vector<1x16xf32>,
      %get3A_1182 = vector.shape_cast %get3A_1181 : vector<1x16xf32> to vector<16xf32>
      %get3A_1183 = arith.constant 64 : i32
      %get3A_1184 = arith.index_cast %get3A_1183 : i32 to index
      %get3A_1185 = arith.constant 144 : index
      %get3A_1186 = tpu.vector_load %arg7[%get3A_1184, %get3A_1185] {strides = array<i32>} : memref<128x256xf32, #tpu.memory_space<vmem>>, vector<1x16xf32>,
      %get3A_1187 = vector.shape_cast %get3A_1186 : vector<1x16xf32> to vector<16xf32>
      %get3A_1188 = arith.constant 64 : i32
      %get3A_1189 = arith.index_cast %get3A_1188 : i32 to index
      %get3A_1190 = arith.constant 160 : index
      %get3A_1191 = tpu.vector_load %arg7[%get3A_1189, %get3A_1190] {strides = array<i32>} : memref<128x256xf32, #tpu.memory_space<vmem>>, vector<1x16xf32>,
      %get3A_1192 = vector.shape_cast %get3A_1191 : vector<1x16xf32> to vector<16xf32>
      %get3A_1193 = arith.constant 64 : i32
      %get3A_1194 = arith.index_cast %get3A_1193 : i32 to index
      %get3A_1195 = arith.constant 176 : index
      %get3A_1196 = tpu.vector_load %arg7[%get3A_1194, %get3A_1195] {strides = array<i32>} : memref<128x256xf32, #tpu.memory_space<vmem>>, vector<1x16xf32>,
      %get3A_1197 = vector.shape_cast %get3A_1196 : vector<1x16xf32> to vector<16xf32>
      %get3A_1198 = arith.constant 64 : i32
      %get3A_1199 = arith.index_cast %get3A_1198 : i32 to index
      %get3A_1200 = arith.constant 192 : index
      %get3A_1201 = tpu.vector_load %arg7[%get3A_1199, %get3A_1200] {strides = array<i32>} : memref<128x256xf32, #tpu.memory_space<vmem>>, vector<1x16xf32>,
      %get3A_1202 = vector.shape_cast %get3A_1201 : vector<1x16xf32> to vector<16xf32>
      %get3A_1203 = arith.constant 64 : i32
      %get3A_1204 = arith.index_cast %get3A_1203 : i32 to index
      %get3A_1205 = arith.constant 208 : index
      %get3A_1206 = tpu.vector_load %arg7[%get3A_1204, %get3A_1205] {strides = array<i32>} : memref<128x256xf32, #tpu.memory_space<vmem>>, vector<1x16xf32>,
      %get3A_1207 = vector.shape_cast %get3A_1206 : vector<1x16xf32> to vector<16xf32>
      %get3A_1208 = arith.constant 64 : i32
      %get3A_1209 = arith.index_cast %get3A_1208 : i32 to index
      %get3A_1210 = arith.constant 224 : index
      %get3A_1211 = tpu.vector_load %arg7[%get3A_1209, %get3A_1210] {strides = array<i32>} : memref<128x256xf32, #tpu.memory_space<vmem>>, vector<1x16xf32>,
      %get3A_1212 = vector.shape_cast %get3A_1211 : vector<1x16xf32> to vector<16xf32>
      %get3A_1213 = arith.constant 64 : i32
      %get3A_1214 = arith.index_cast %get3A_1213 : i32 to index
      %get3A_1215 = arith.constant 240 : index
      %get3A_1216 = tpu.vector_load %arg7[%get3A_1214, %get3A_1215] {strides = array<i32>} : memref<128x256xf32, #tpu.memory_space<vmem>>, vector<1x16xf32>,
      %get3A_1217 = vector.shape_cast %get3A_1216 : vector<1x16xf32> to vector<16xf32>
      %scan3A_1218 = arith.constant 1 : i32
      %scan3A_1219 = arith.constant 31 : i32
      %scan3A_1220 = arith.addi %scan3A_1218, %scan3A_1219 : i32
      %scan3A_1221 = arith.constant 1 : i32
      %scan3A_1222:16 = scf.for %scan3A_1505 = %scan3A_1218 to %scan3A_1220 step %scan3A_1221 iter_args(%scan3A_1506 = %get3A_1142, %scan3A_1507 = %get3A_1147, %scan3A_1508 = %get3A_1152, %scan3A_1509 = %get3A_1157, %scan3A_1510 = %get3A_1162, %scan3A_1511 = %get3A_1167, %scan3A_1512 = %get3A_1172, %scan3A_1513 = %get3A_1177, %scan3A_1514 = %get3A_1182, %scan3A_1515 = %get3A_1187, %scan3A_1516 = %get3A_1192, %scan3A_1517 = %get3A_1197, %scan3A_1518 = %get3A_1202, %scan3A_1519 = %get3A_1207, %scan3A_1520 = %get3A_1212, %scan3A_1521 = %get3A_1217) -> (vector<16xf32>, vector<16xf32>, vector<16xf32>, vector<16xf32>, vector<16xf32>, vector<16xf32>, vector<16xf32>, vector<16xf32>, vector<16xf32>, vector<16xf32>, vector<16xf32>, vector<16xf32>, vector<16xf32>, vector<16xf32>, vector<16xf32>, vector<16xf32>)  : i32 {
        %add3A_1522 = arith.constant 64 : i32
        %add3A_1523 = arith.addi %add3A_1522, %scan3A_1505 : i32
        %get3A_1524 = arith.index_cast %add3A_1523 : i32 to index
        %get3A_1525 = arith.constant 0 : index
        %get3A_1526 = tpu.vector_load %arg7[%get3A_1524, %get3A_1525] {strides = array<i32>} : memref<128x256xf32, #tpu.memory_space<vmem>>, vector<1x16xf32>,
        %get3A_1527 = vector.shape_cast %get3A_1526 : vector<1x16xf32> to vector<16xf32>
        %max3A = arith.maximumf %scan3A_1506, %get3A_1527 : vector<16xf32>
        %add3A_1528 = arith.constant 64 : i32
        %add3A_1529 = arith.addi %add3A_1528, %scan3A_1505 : i32
        %get3A_1530 = arith.index_cast %add3A_1529 : i32 to index
        %get3A_1531 = arith.constant 16 : index
        %get3A_1532 = tpu.vector_load %arg7[%get3A_1530, %get3A_1531] {strides = array<i32>} : memref<128x256xf32, #tpu.memory_space<vmem>>, vector<1x16xf32>,
        %get3A_1533 = vector.shape_cast %get3A_1532 : vector<1x16xf32> to vector<16xf32>
        %max3A_1534 = arith.maximumf %scan3A_1507, %get3A_1533 : vector<16xf32>
        %add3A_1535 = arith.constant 64 : i32
        %add3A_1536 = arith.addi %add3A_1535, %scan3A_1505 : i32
        %get3A_1537 = arith.index_cast %add3A_1536 : i32 to index
        %get3A_1538 = arith.constant 32 : index
        %get3A_1539 = tpu.vector_load %arg7[%get3A_1537, %get3A_1538] {strides = array<i32>} : memref<128x256xf32, #tpu.memory_space<vmem>>, vector<1x16xf32>,
        %get3A_1540 = vector.shape_cast %get3A_1539 : vector<1x16xf32> to vector<16xf32>
        %max3A_1541 = arith.maximumf %scan3A_1508, %get3A_1540 : vector<16xf32>
        %add3A_1542 = arith.constant 64 : i32
        %add3A_1543 = arith.addi %add3A_1542, %scan3A_1505 : i32
        %get3A_1544 = arith.index_cast %add3A_1543 : i32 to index
        %get3A_1545 = arith.constant 48 : index
        %get3A_1546 = tpu.vector_load %arg7[%get3A_1544, %get3A_1545] {strides = array<i32>} : memref<128x256xf32, #tpu.memory_space<vmem>>, vector<1x16xf32>,
        %get3A_1547 = vector.shape_cast %get3A_1546 : vector<1x16xf32> to vector<16xf32>
        %max3A_1548 = arith.maximumf %scan3A_1509, %get3A_1547 : vector<16xf32>
        %add3A_1549 = arith.constant 64 : i32
        %add3A_1550 = arith.addi %add3A_1549, %scan3A_1505 : i32
        %get3A_1551 = arith.index_cast %add3A_1550 : i32 to index
        %get3A_1552 = arith.constant 64 : index
        %get3A_1553 = tpu.vector_load %arg7[%get3A_1551, %get3A_1552] {strides = array<i32>} : memref<128x256xf32, #tpu.memory_space<vmem>>, vector<1x16xf32>,
        %get3A_1554 = vector.shape_cast %get3A_1553 : vector<1x16xf32> to vector<16xf32>
        %max3A_1555 = arith.maximumf %scan3A_1510, %get3A_1554 : vector<16xf32>
        %add3A_1556 = arith.constant 64 : i32
        %add3A_1557 = arith.addi %add3A_1556, %scan3A_1505 : i32
        %get3A_1558 = arith.index_cast %add3A_1557 : i32 to index
        %get3A_1559 = arith.constant 80 : index
        %get3A_1560 = tpu.vector_load %arg7[%get3A_1558, %get3A_1559] {strides = array<i32>} : memref<128x256xf32, #tpu.memory_space<vmem>>, vector<1x16xf32>,
        %get3A_1561 = vector.shape_cast %get3A_1560 : vector<1x16xf32> to vector<16xf32>
        %max3A_1562 = arith.maximumf %scan3A_1511, %get3A_1561 : vector<16xf32>
        %add3A_1563 = arith.constant 64 : i32
        %add3A_1564 = arith.addi %add3A_1563, %scan3A_1505 : i32
        %get3A_1565 = arith.index_cast %add3A_1564 : i32 to index
        %get3A_1566 = arith.constant 96 : index
        %get3A_1567 = tpu.vector_load %arg7[%get3A_1565, %get3A_1566] {strides = array<i32>} : memref<128x256xf32, #tpu.memory_space<vmem>>, vector<1x16xf32>,
        %get3A_1568 = vector.shape_cast %get3A_1567 : vector<1x16xf32> to vector<16xf32>
        %max3A_1569 = arith.maximumf %scan3A_1512, %get3A_1568 : vector<16xf32>
        %add3A_1570 = arith.constant 64 : i32
        %add3A_1571 = arith.addi %add3A_1570, %scan3A_1505 : i32
        %get3A_1572 = arith.index_cast %add3A_1571 : i32 to index
        %get3A_1573 = arith.constant 112 : index
        %get3A_1574 = tpu.vector_load %arg7[%get3A_1572, %get3A_1573] {strides = array<i32>} : memref<128x256xf32, #tpu.memory_space<vmem>>, vector<1x16xf32>,
        %get3A_1575 = vector.shape_cast %get3A_1574 : vector<1x16xf32> to vector<16xf32>
        %max3A_1576 = arith.maximumf %scan3A_1513, %get3A_1575 : vector<16xf32>
        %add3A_1577 = arith.constant 64 : i32
        %add3A_1578 = arith.addi %add3A_1577, %scan3A_1505 : i32
        %get3A_1579 = arith.index_cast %add3A_1578 : i32 to index
        %get3A_1580 = arith.constant 128 : index
        %get3A_1581 = tpu.vector_load %arg7[%get3A_1579, %get3A_1580] {strides = array<i32>} : memref<128x256xf32, #tpu.memory_space<vmem>>, vector<1x16xf32>,
        %get3A_1582 = vector.shape_cast %get3A_1581 : vector<1x16xf32> to vector<16xf32>
        %max3A_1583 = arith.maximumf %scan3A_1514, %get3A_1582 : vector<16xf32>
        %add3A_1584 = arith.constant 64 : i32
        %add3A_1585 = arith.addi %add3A_1584, %scan3A_1505 : i32
        %get3A_1586 = arith.index_cast %add3A_1585 : i32 to index
        %get3A_1587 = arith.constant 144 : index
        %get3A_1588 = tpu.vector_load %arg7[%get3A_1586, %get3A_1587] {strides = array<i32>} : memref<128x256xf32, #tpu.memory_space<vmem>>, vector<1x16xf32>,
        %get3A_1589 = vector.shape_cast %get3A_1588 : vector<1x16xf32> to vector<16xf32>
        %max3A_1590 = arith.maximumf %scan3A_1515, %get3A_1589 : vector<16xf32>
        %add3A_1591 = arith.constant 64 : i32
        %add3A_1592 = arith.addi %add3A_1591, %scan3A_1505 : i32
        %get3A_1593 = arith.index_cast %add3A_1592 : i32 to index
        %get3A_1594 = arith.constant 160 : index
        %get3A_1595 = tpu.vector_load %arg7[%get3A_1593, %get3A_1594] {strides = array<i32>} : memref<128x256xf32, #tpu.memory_space<vmem>>, vector<1x16xf32>,
        %get3A_1596 = vector.shape_cast %get3A_1595 : vector<1x16xf32> to vector<16xf32>
        %max3A_1597 = arith.maximumf %scan3A_1516, %get3A_1596 : vector<16xf32>
        %add3A_1598 = arith.constant 64 : i32
        %add3A_1599 = arith.addi %add3A_1598, %scan3A_1505 : i32
        %get3A_1600 = arith.index_cast %add3A_1599 : i32 to index
        %get3A_1601 = arith.constant 176 : index
        %get3A_1602 = tpu.vector_load %arg7[%get3A_1600, %get3A_1601] {strides = array<i32>} : memref<128x256xf32, #tpu.memory_space<vmem>>, vector<1x16xf32>,
        %get3A_1603 = vector.shape_cast %get3A_1602 : vector<1x16xf32> to vector<16xf32>
        %max3A_1604 = arith.maximumf %scan3A_1517, %get3A_1603 : vector<16xf32>
        %add3A_1605 = arith.constant 64 : i32
        %add3A_1606 = arith.addi %add3A_1605, %scan3A_1505 : i32
        %get3A_1607 = arith.index_cast %add3A_1606 : i32 to index
        %get3A_1608 = arith.constant 192 : index
        %get3A_1609 = tpu.vector_load %arg7[%get3A_1607, %get3A_1608] {strides = array<i32>} : memref<128x256xf32, #tpu.memory_space<vmem>>, vector<1x16xf32>,
        %get3A_1610 = vector.shape_cast %get3A_1609 : vector<1x16xf32> to vector<16xf32>
        %max3A_1611 = arith.maximumf %scan3A_1518, %get3A_1610 : vector<16xf32>
        %add3A_1612 = arith.constant 64 : i32
        %add3A_1613 = arith.addi %add3A_1612, %scan3A_1505 : i32
        %get3A_1614 = arith.index_cast %add3A_1613 : i32 to index
        %get3A_1615 = arith.constant 208 : index
        %get3A_1616 = tpu.vector_load %arg7[%get3A_1614, %get3A_1615] {strides = array<i32>} : memref<128x256xf32, #tpu.memory_space<vmem>>, vector<1x16xf32>,
        %get3A_1617 = vector.shape_cast %get3A_1616 : vector<1x16xf32> to vector<16xf32>
        %max3A_1618 = arith.maximumf %scan3A_1519, %get3A_1617 : vector<16xf32>
        %add3A_1619 = arith.constant 64 : i32
        %add3A_1620 = arith.addi %add3A_1619, %scan3A_1505 : i32
        %get3A_1621 = arith.index_cast %add3A_1620 : i32 to index
        %get3A_1622 = arith.constant 224 : index
        %get3A_1623 = tpu.vector_load %arg7[%get3A_1621, %get3A_1622] {strides = array<i32>} : memref<128x256xf32, #tpu.memory_space<vmem>>, vector<1x16xf32>,
        %get3A_1624 = vector.shape_cast %get3A_1623 : vector<1x16xf32> to vector<16xf32>
        %max3A_1625 = arith.maximumf %scan3A_1520, %get3A_1624 : vector<16xf32>
        %add3A_1626 = arith.constant 64 : i32
        %add3A_1627 = arith.addi %add3A_1626, %scan3A_1505 : i32
        %get3A_1628 = arith.index_cast %add3A_1627 : i32 to index
        %get3A_1629 = arith.constant 240 : index
        %get3A_1630 = tpu.vector_load %arg7[%get3A_1628, %get3A_1629] {strides = array<i32>} : memref<128x256xf32, #tpu.memory_space<vmem>>, vector<1x16xf32>,
        %get3A_1631 = vector.shape_cast %get3A_1630 : vector<1x16xf32> to vector<16xf32>
        %max3A_1632 = arith.maximumf %scan3A_1521, %get3A_1631 : vector<16xf32>
        scf.yield %max3A, %max3A_1534, %max3A_1541, %max3A_1548, %max3A_1555, %max3A_1562, %max3A_1569, %max3A_1576, %max3A_1583, %max3A_1590, %max3A_1597, %max3A_1604, %max3A_1611, %max3A_1618, %max3A_1625, %max3A_1632 : vector<16xf32>, vector<16xf32>, vector<16xf32>, vector<16xf32>, vector<16xf32>, vector<16xf32>, vector<16xf32>, vector<16xf32>, vector<16xf32>, vector<16xf32>, vector<16xf32>, vector<16xf32>, vector<16xf32>, vector<16xf32>, vector<16xf32>, vector<16xf32>
      }
      %scan3A_1223 = arith.constant 31 : i32
      %swap3A_1224 = arith.constant 2 : i32
      %swap3A_1225 = arith.index_cast %swap3A_1224 : i32 to index
      %swap3A_1226 = arith.constant 0 : index
      %swap3A_1227 = tpu.vector_load %arg8[%swap3A_1225, %swap3A_1226] {strides = array<i32>} : memref<4x256xf32, #tpu.memory_space<vmem>>, vector<1x16xf32>,
      %swap3A_1228 = vector.shape_cast %swap3A_1227 : vector<1x16xf32> to vector<16xf32>
      %swap3A_1229 = vector.shape_cast %scan3A_1222#0 : vector<16xf32> to vector<1x16xf32>
      tpu.vector_store %arg8[%swap3A_1225, %swap3A_1226], %swap3A_1229 {strides = array<i32>} : memref<4x256xf32, #tpu.memory_space<vmem>>, vector<1x16xf32>,
      %swap3A_1230 = arith.constant 2 : i32
      %swap3A_1231 = arith.index_cast %swap3A_1230 : i32 to index
      %swap3A_1232 = arith.constant 16 : index
      %swap3A_1233 = tpu.vector_load %arg8[%swap3A_1231, %swap3A_1232] {strides = array<i32>} : memref<4x256xf32, #tpu.memory_space<vmem>>, vector<1x16xf32>,
      %swap3A_1234 = vector.shape_cast %swap3A_1233 : vector<1x16xf32> to vector<16xf32>
      %swap3A_1235 = vector.shape_cast %scan3A_1222#1 : vector<16xf32> to vector<1x16xf32>
      tpu.vector_store %arg8[%swap3A_1231, %swap3A_1232], %swap3A_1235 {strides = array<i32>} : memref<4x256xf32, #tpu.memory_space<vmem>>, vector<1x16xf32>,
      %swap3A_1236 = arith.constant 2 : i32
      %swap3A_1237 = arith.index_cast %swap3A_1236 : i32 to index
      %swap3A_1238 = arith.constant 32 : index
      %swap3A_1239 = tpu.vector_load %arg8[%swap3A_1237, %swap3A_1238] {strides = array<i32>} : memref<4x256xf32, #tpu.memory_space<vmem>>, vector<1x16xf32>,
      %swap3A_1240 = vector.shape_cast %swap3A_1239 : vector<1x16xf32> to vector<16xf32>
      %swap3A_1241 = vector.shape_cast %scan3A_1222#2 : vector<16xf32> to vector<1x16xf32>
      tpu.vector_store %arg8[%swap3A_1237, %swap3A_1238], %swap3A_1241 {strides = array<i32>} : memref<4x256xf32, #tpu.memory_space<vmem>>, vector<1x16xf32>,
      %swap3A_1242 = arith.constant 2 : i32
      %swap3A_1243 = arith.index_cast %swap3A_1242 : i32 to index
      %swap3A_1244 = arith.constant 48 : index
      %swap3A_1245 = tpu.vector_load %arg8[%swap3A_1243, %swap3A_1244] {strides = array<i32>} : memref<4x256xf32, #tpu.memory_space<vmem>>, vector<1x16xf32>,
      %swap3A_1246 = vector.shape_cast %swap3A_1245 : vector<1x16xf32> to vector<16xf32>
      %swap3A_1247 = vector.shape_cast %scan3A_1222#3 : vector<16xf32> to vector<1x16xf32>
      tpu.vector_store %arg8[%swap3A_1243, %swap3A_1244], %swap3A_1247 {strides = array<i32>} : memref<4x256xf32, #tpu.memory_space<vmem>>, vector<1x16xf32>,
      %swap3A_1248 = arith.constant 2 : i32
      %swap3A_1249 = arith.index_cast %swap3A_1248 : i32 to index
      %swap3A_1250 = arith.constant 64 : index
      %swap3A_1251 = tpu.vector_load %arg8[%swap3A_1249, %swap3A_1250] {strides = array<i32>} : memref<4x256xf32, #tpu.memory_space<vmem>>, vector<1x16xf32>,
      %swap3A_1252 = vector.shape_cast %swap3A_1251 : vector<1x16xf32> to vector<16xf32>
      %swap3A_1253 = vector.shape_cast %scan3A_1222#4 : vector<16xf32> to vector<1x16xf32>
      tpu.vector_store %arg8[%swap3A_1249, %swap3A_1250], %swap3A_1253 {strides = array<i32>} : memref<4x256xf32, #tpu.memory_space<vmem>>, vector<1x16xf32>,
      %swap3A_1254 = arith.constant 2 : i32
      %swap3A_1255 = arith.index_cast %swap3A_1254 : i32 to index
      %swap3A_1256 = arith.constant 80 : index
      %swap3A_1257 = tpu.vector_load %arg8[%swap3A_1255, %swap3A_1256] {strides = array<i32>} : memref<4x256xf32, #tpu.memory_space<vmem>>, vector<1x16xf32>,
      %swap3A_1258 = vector.shape_cast %swap3A_1257 : vector<1x16xf32> to vector<16xf32>
      %swap3A_1259 = vector.shape_cast %scan3A_1222#5 : vector<16xf32> to vector<1x16xf32>
      tpu.vector_store %arg8[%swap3A_1255, %swap3A_1256], %swap3A_1259 {strides = array<i32>} : memref<4x256xf32, #tpu.memory_space<vmem>>, vector<1x16xf32>,
      %swap3A_1260 = arith.constant 2 : i32
      %swap3A_1261 = arith.index_cast %swap3A_1260 : i32 to index
      %swap3A_1262 = arith.constant 96 : index
      %swap3A_1263 = tpu.vector_load %arg8[%swap3A_1261, %swap3A_1262] {strides = array<i32>} : memref<4x256xf32, #tpu.memory_space<vmem>>, vector<1x16xf32>,
      %swap3A_1264 = vector.shape_cast %swap3A_1263 : vector<1x16xf32> to vector<16xf32>
      %swap3A_1265 = vector.shape_cast %scan3A_1222#6 : vector<16xf32> to vector<1x16xf32>
      tpu.vector_store %arg8[%swap3A_1261, %swap3A_1262], %swap3A_1265 {strides = array<i32>} : memref<4x256xf32, #tpu.memory_space<vmem>>, vector<1x16xf32>,
      %swap3A_1266 = arith.constant 2 : i32
      %swap3A_1267 = arith.index_cast %swap3A_1266 : i32 to index
      %swap3A_1268 = arith.constant 112 : index
      %swap3A_1269 = tpu.vector_load %arg8[%swap3A_1267, %swap3A_1268] {strides = array<i32>} : memref<4x256xf32, #tpu.memory_space<vmem>>, vector<1x16xf32>,
      %swap3A_1270 = vector.shape_cast %swap3A_1269 : vector<1x16xf32> to vector<16xf32>
      %swap3A_1271 = vector.shape_cast %scan3A_1222#7 : vector<16xf32> to vector<1x16xf32>
      tpu.vector_store %arg8[%swap3A_1267, %swap3A_1268], %swap3A_1271 {strides = array<i32>} : memref<4x256xf32, #tpu.memory_space<vmem>>, vector<1x16xf32>,
      %swap3A_1272 = arith.constant 2 : i32
      %swap3A_1273 = arith.index_cast %swap3A_1272 : i32 to index
      %swap3A_1274 = arith.constant 128 : index
      %swap3A_1275 = tpu.vector_load %arg8[%swap3A_1273, %swap3A_1274] {strides = array<i32>} : memref<4x256xf32, #tpu.memory_space<vmem>>, vector<1x16xf32>,
      %swap3A_1276 = vector.shape_cast %swap3A_1275 : vector<1x16xf32> to vector<16xf32>
      %swap3A_1277 = vector.shape_cast %scan3A_1222#8 : vector<16xf32> to vector<1x16xf32>
      tpu.vector_store %arg8[%swap3A_1273, %swap3A_1274], %swap3A_1277 {strides = array<i32>} : memref<4x256xf32, #tpu.memory_space<vmem>>, vector<1x16xf32>,
      %swap3A_1278 = arith.constant 2 : i32
      %swap3A_1279 = arith.index_cast %swap3A_1278 : i32 to index
      %swap3A_1280 = arith.constant 144 : index
      %swap3A_1281 = tpu.vector_load %arg8[%swap3A_1279, %swap3A_1280] {strides = array<i32>} : memref<4x256xf32, #tpu.memory_space<vmem>>, vector<1x16xf32>,
      %swap3A_1282 = vector.shape_cast %swap3A_1281 : vector<1x16xf32> to vector<16xf32>
      %swap3A_1283 = vector.shape_cast %scan3A_1222#9 : vector<16xf32> to vector<1x16xf32>
      tpu.vector_store %arg8[%swap3A_1279, %swap3A_1280], %swap3A_1283 {strides = array<i32>} : memref<4x256xf32, #tpu.memory_space<vmem>>, vector<1x16xf32>,
      %swap3A_1284 = arith.constant 2 : i32
      %swap3A_1285 = arith.index_cast %swap3A_1284 : i32 to index
      %swap3A_1286 = arith.constant 160 : index
      %swap3A_1287 = tpu.vector_load %arg8[%swap3A_1285, %swap3A_1286] {strides = array<i32>} : memref<4x256xf32, #tpu.memory_space<vmem>>, vector<1x16xf32>,
      %swap3A_1288 = vector.shape_cast %swap3A_1287 : vector<1x16xf32> to vector<16xf32>
      %swap3A_1289 = vector.shape_cast %scan3A_1222#10 : vector<16xf32> to vector<1x16xf32>
      tpu.vector_store %arg8[%swap3A_1285, %swap3A_1286], %swap3A_1289 {strides = array<i32>} : memref<4x256xf32, #tpu.memory_space<vmem>>, vector<1x16xf32>,
      %swap3A_1290 = arith.constant 2 : i32
      %swap3A_1291 = arith.index_cast %swap3A_1290 : i32 to index
      %swap3A_1292 = arith.constant 176 : index
      %swap3A_1293 = tpu.vector_load %arg8[%swap3A_1291, %swap3A_1292] {strides = array<i32>} : memref<4x256xf32, #tpu.memory_space<vmem>>, vector<1x16xf32>,
      %swap3A_1294 = vector.shape_cast %swap3A_1293 : vector<1x16xf32> to vector<16xf32>
      %swap3A_1295 = vector.shape_cast %scan3A_1222#11 : vector<16xf32> to vector<1x16xf32>
      tpu.vector_store %arg8[%swap3A_1291, %swap3A_1292], %swap3A_1295 {strides = array<i32>} : memref<4x256xf32, #tpu.memory_space<vmem>>, vector<1x16xf32>,
      %swap3A_1296 = arith.constant 2 : i32
      %swap3A_1297 = arith.index_cast %swap3A_1296 : i32 to index
      %swap3A_1298 = arith.constant 192 : index
      %swap3A_1299 = tpu.vector_load %arg8[%swap3A_1297, %swap3A_1298] {strides = array<i32>} : memref<4x256xf32, #tpu.memory_space<vmem>>, vector<1x16xf32>,
      %swap3A_1300 = vector.shape_cast %swap3A_1299 : vector<1x16xf32> to vector<16xf32>
      %swap3A_1301 = vector.shape_cast %scan3A_1222#12 : vector<16xf32> to vector<1x16xf32>
      tpu.vector_store %arg8[%swap3A_1297, %swap3A_1298], %swap3A_1301 {strides = array<i32>} : memref<4x256xf32, #tpu.memory_space<vmem>>, vector<1x16xf32>,
      %swap3A_1302 = arith.constant 2 : i32
      %swap3A_1303 = arith.index_cast %swap3A_1302 : i32 to index
      %swap3A_1304 = arith.constant 208 : index
      %swap3A_1305 = tpu.vector_load %arg8[%swap3A_1303, %swap3A_1304] {strides = array<i32>} : memref<4x256xf32, #tpu.memory_space<vmem>>, vector<1x16xf32>,
      %swap3A_1306 = vector.shape_cast %swap3A_1305 : vector<1x16xf32> to vector<16xf32>
      %swap3A_1307 = vector.shape_cast %scan3A_1222#13 : vector<16xf32> to vector<1x16xf32>
      tpu.vector_store %arg8[%swap3A_1303, %swap3A_1304], %swap3A_1307 {strides = array<i32>} : memref<4x256xf32, #tpu.memory_space<vmem>>, vector<1x16xf32>,
      %swap3A_1308 = arith.constant 2 : i32
      %swap3A_1309 = arith.index_cast %swap3A_1308 : i32 to index
      %swap3A_1310 = arith.constant 224 : index
      %swap3A_1311 = tpu.vector_load %arg8[%swap3A_1309, %swap3A_1310] {strides = array<i32>} : memref<4x256xf32, #tpu.memory_space<vmem>>, vector<1x16xf32>,
      %swap3A_1312 = vector.shape_cast %swap3A_1311 : vector<1x16xf32> to vector<16xf32>
      %swap3A_1313 = vector.shape_cast %scan3A_1222#14 : vector<16xf32> to vector<1x16xf32>
      tpu.vector_store %arg8[%swap3A_1309, %swap3A_1310], %swap3A_1313 {strides = array<i32>} : memref<4x256xf32, #tpu.memory_space<vmem>>, vector<1x16xf32>,
      %swap3A_1314 = arith.constant 2 : i32
      %swap3A_1315 = arith.index_cast %swap3A_1314 : i32 to index
      %swap3A_1316 = arith.constant 240 : index
      %swap3A_1317 = tpu.vector_load %arg8[%swap3A_1315, %swap3A_1316] {strides = array<i32>} : memref<4x256xf32, #tpu.memory_space<vmem>>, vector<1x16xf32>,
      %swap3A_1318 = vector.shape_cast %swap3A_1317 : vector<1x16xf32> to vector<16xf32>
      %swap3A_1319 = vector.shape_cast %scan3A_1222#15 : vector<16xf32> to vector<1x16xf32>
      tpu.vector_store %arg8[%swap3A_1315, %swap3A_1316], %swap3A_1319 {strides = array<i32>} : memref<4x256xf32, #tpu.memory_space<vmem>>, vector<1x16xf32>,
      %get3A_1320 = arith.constant 96 : i32
      %get3A_1321 = arith.index_cast %get3A_1320 : i32 to index
      %get3A_1322 = arith.constant 0 : index
      %get3A_1323 = tpu.vector_load %arg7[%get3A_1321, %get3A_1322] {strides = array<i32>} : memref<128x256xf32, #tpu.memory_space<vmem>>, vector<1x16xf32>,
      %get3A_1324 = vector.shape_cast %get3A_1323 : vector<1x16xf32> to vector<16xf32>
      %get3A_1325 = arith.constant 96 : i32
      %get3A_1326 = arith.index_cast %get3A_1325 : i32 to index
      %get3A_1327 = arith.constant 16 : index
      %get3A_1328 = tpu.vector_load %arg7[%get3A_1326, %get3A_1327] {strides = array<i32>} : memref<128x256xf32, #tpu.memory_space<vmem>>, vector<1x16xf32>,
      %get3A_1329 = vector.shape_cast %get3A_1328 : vector<1x16xf32> to vector<16xf32>
      %get3A_1330 = arith.constant 96 : i32
      %get3A_1331 = arith.index_cast %get3A_1330 : i32 to index
      %get3A_1332 = arith.constant 32 : index
      %get3A_1333 = tpu.vector_load %arg7[%get3A_1331, %get3A_1332] {strides = array<i32>} : memref<128x256xf32, #tpu.memory_space<vmem>>, vector<1x16xf32>,
      %get3A_1334 = vector.shape_cast %get3A_1333 : vector<1x16xf32> to vector<16xf32>
      %get3A_1335 = arith.constant 96 : i32
      %get3A_1336 = arith.index_cast %get3A_1335 : i32 to index
      %get3A_1337 = arith.constant 48 : index
      %get3A_1338 = tpu.vector_load %arg7[%get3A_1336, %get3A_1337] {strides = array<i32>} : memref<128x256xf32, #tpu.memory_space<vmem>>, vector<1x16xf32>,
      %get3A_1339 = vector.shape_cast %get3A_1338 : vector<1x16xf32> to vector<16xf32>
      %get3A_1340 = arith.constant 96 : i32
      %get3A_1341 = arith.index_cast %get3A_1340 : i32 to index
      %get3A_1342 = arith.constant 64 : index
      %get3A_1343 = tpu.vector_load %arg7[%get3A_1341, %get3A_1342] {strides = array<i32>} : memref<128x256xf32, #tpu.memory_space<vmem>>, vector<1x16xf32>,
      %get3A_1344 = vector.shape_cast %get3A_1343 : vector<1x16xf32> to vector<16xf32>
      %get3A_1345 = arith.constant 96 : i32
      %get3A_1346 = arith.index_cast %get3A_1345 : i32 to index
      %get3A_1347 = arith.constant 80 : index
      %get3A_1348 = tpu.vector_load %arg7[%get3A_1346, %get3A_1347] {strides = array<i32>} : memref<128x256xf32, #tpu.memory_space<vmem>>, vector<1x16xf32>,
      %get3A_1349 = vector.shape_cast %get3A_1348 : vector<1x16xf32> to vector<16xf32>
      %get3A_1350 = arith.constant 96 : i32
      %get3A_1351 = arith.index_cast %get3A_1350 : i32 to index
      %get3A_1352 = arith.constant 96 : index
      %get3A_1353 = tpu.vector_load %arg7[%get3A_1351, %get3A_1352] {strides = array<i32>} : memref<128x256xf32, #tpu.memory_space<vmem>>, vector<1x16xf32>,
      %get3A_1354 = vector.shape_cast %get3A_1353 : vector<1x16xf32> to vector<16xf32>
      %get3A_1355 = arith.constant 96 : i32
      %get3A_1356 = arith.index_cast %get3A_1355 : i32 to index
      %get3A_1357 = arith.constant 112 : index
      %get3A_1358 = tpu.vector_load %arg7[%get3A_1356, %get3A_1357] {strides = array<i32>} : memref<128x256xf32, #tpu.memory_space<vmem>>, vector<1x16xf32>,
      %get3A_1359 = vector.shape_cast %get3A_1358 : vector<1x16xf32> to vector<16xf32>
      %get3A_1360 = arith.constant 96 : i32
      %get3A_1361 = arith.index_cast %get3A_1360 : i32 to index
      %get3A_1362 = arith.constant 128 : index
      %get3A_1363 = tpu.vector_load %arg7[%get3A_1361, %get3A_1362] {strides = array<i32>} : memref<128x256xf32, #tpu.memory_space<vmem>>, vector<1x16xf32>,
      %get3A_1364 = vector.shape_cast %get3A_1363 : vector<1x16xf32> to vector<16xf32>
      %get3A_1365 = arith.constant 96 : i32
      %get3A_1366 = arith.index_cast %get3A_1365 : i32 to index
      %get3A_1367 = arith.constant 144 : index
      %get3A_1368 = tpu.vector_load %arg7[%get3A_1366, %get3A_1367] {strides = array<i32>} : memref<128x256xf32, #tpu.memory_space<vmem>>, vector<1x16xf32>,
      %get3A_1369 = vector.shape_cast %get3A_1368 : vector<1x16xf32> to vector<16xf32>
      %get3A_1370 = arith.constant 96 : i32
      %get3A_1371 = arith.index_cast %get3A_1370 : i32 to index
      %get3A_1372 = arith.constant 160 : index
      %get3A_1373 = tpu.vector_load %arg7[%get3A_1371, %get3A_1372] {strides = array<i32>} : memref<128x256xf32, #tpu.memory_space<vmem>>, vector<1x16xf32>,
      %get3A_1374 = vector.shape_cast %get3A_1373 : vector<1x16xf32> to vector<16xf32>
      %get3A_1375 = arith.constant 96 : i32
      %get3A_1376 = arith.index_cast %get3A_1375 : i32 to index
      %get3A_1377 = arith.constant 176 : index
      %get3A_1378 = tpu.vector_load %arg7[%get3A_1376, %get3A_1377] {strides = array<i32>} : memref<128x256xf32, #tpu.memory_space<vmem>>, vector<1x16xf32>,
      %get3A_1379 = vector.shape_cast %get3A_1378 : vector<1x16xf32> to vector<16xf32>
      %get3A_1380 = arith.constant 96 : i32
      %get3A_1381 = arith.index_cast %get3A_1380 : i32 to index
      %get3A_1382 = arith.constant 192 : index
      %get3A_1383 = tpu.vector_load %arg7[%get3A_1381, %get3A_1382] {strides = array<i32>} : memref<128x256xf32, #tpu.memory_space<vmem>>, vector<1x16xf32>,
      %get3A_1384 = vector.shape_cast %get3A_1383 : vector<1x16xf32> to vector<16xf32>
      %get3A_1385 = arith.constant 96 : i32
      %get3A_1386 = arith.index_cast %get3A_1385 : i32 to index
      %get3A_1387 = arith.constant 208 : index
      %get3A_1388 = tpu.vector_load %arg7[%get3A_1386, %get3A_1387] {strides = array<i32>} : memref<128x256xf32, #tpu.memory_space<vmem>>, vector<1x16xf32>,
      %get3A_1389 = vector.shape_cast %get3A_1388 : vector<1x16xf32> to vector<16xf32>
      %get3A_1390 = arith.constant 96 : i32
      %get3A_1391 = arith.index_cast %get3A_1390 : i32 to index
      %get3A_1392 = arith.constant 224 : index
      %get3A_1393 = tpu.vector_load %arg7[%get3A_1391, %get3A_1392] {strides = array<i32>} : memref<128x256xf32, #tpu.memory_space<vmem>>, vector<1x16xf32>,
      %get3A_1394 = vector.shape_cast %get3A_1393 : vector<1x16xf32> to vector<16xf32>
      %get3A_1395 = arith.constant 96 : i32
      %get3A_1396 = arith.index_cast %get3A_1395 : i32 to index
      %get3A_1397 = arith.constant 240 : index
      %get3A_1398 = tpu.vector_load %arg7[%get3A_1396, %get3A_1397] {strides = array<i32>} : memref<128x256xf32, #tpu.memory_space<vmem>>, vector<1x16xf32>,
      %get3A_1399 = vector.shape_cast %get3A_1398 : vector<1x16xf32> to vector<16xf32>
      %scan3A_1400 = arith.constant 1 : i32
      %scan3A_1401 = arith.constant 31 : i32
      %scan3A_1402 = arith.addi %scan3A_1400, %scan3A_1401 : i32
      %scan3A_1403 = arith.constant 1 : i32
      %scan3A_1404:16 = scf.for %scan3A_1505 = %scan3A_1400 to %scan3A_1402 step %scan3A_1403 iter_args(%scan3A_1506 = %get3A_1324, %scan3A_1507 = %get3A_1329, %scan3A_1508 = %get3A_1334, %scan3A_1509 = %get3A_1339, %scan3A_1510 = %get3A_1344, %scan3A_1511 = %get3A_1349, %scan3A_1512 = %get3A_1354, %scan3A_1513 = %get3A_1359, %scan3A_1514 = %get3A_1364, %scan3A_1515 = %get3A_1369, %scan3A_1516 = %get3A_1374, %scan3A_1517 = %get3A_1379, %scan3A_1518 = %get3A_1384, %scan3A_1519 = %get3A_1389, %scan3A_1520 = %get3A_1394, %scan3A_1521 = %get3A_1399) -> (vector<16xf32>, vector<16xf32>, vector<16xf32>, vector<16xf32>, vector<16xf32>, vector<16xf32>, vector<16xf32>, vector<16xf32>, vector<16xf32>, vector<16xf32>, vector<16xf32>, vector<16xf32>, vector<16xf32>, vector<16xf32>, vector<16xf32>, vector<16xf32>)  : i32 {
        %add3A_1522 = arith.constant 96 : i32
        %add3A_1523 = arith.addi %add3A_1522, %scan3A_1505 : i32
        %get3A_1524 = arith.index_cast %add3A_1523 : i32 to index
        %get3A_1525 = arith.constant 0 : index
        %get3A_1526 = tpu.vector_load %arg7[%get3A_1524, %get3A_1525] {strides = array<i32>} : memref<128x256xf32, #tpu.memory_space<vmem>>, vector<1x16xf32>,
        %get3A_1527 = vector.shape_cast %get3A_1526 : vector<1x16xf32> to vector<16xf32>
        %max3A = arith.maximumf %scan3A_1506, %get3A_1527 : vector<16xf32>
        %add3A_1528 = arith.constant 96 : i32
        %add3A_1529 = arith.addi %add3A_1528, %scan3A_1505 : i32
        %get3A_1530 = arith.index_cast %add3A_1529 : i32 to index
        %get3A_1531 = arith.constant 16 : index
        %get3A_1532 = tpu.vector_load %arg7[%get3A_1530, %get3A_1531] {strides = array<i32>} : memref<128x256xf32, #tpu.memory_space<vmem>>, vector<1x16xf32>,
        %get3A_1533 = vector.shape_cast %get3A_1532 : vector<1x16xf32> to vector<16xf32>
        %max3A_1534 = arith.maximumf %scan3A_1507, %get3A_1533 : vector<16xf32>
        %add3A_1535 = arith.constant 96 : i32
        %add3A_1536 = arith.addi %add3A_1535, %scan3A_1505 : i32
        %get3A_1537 = arith.index_cast %add3A_1536 : i32 to index
        %get3A_1538 = arith.constant 32 : index
        %get3A_1539 = tpu.vector_load %arg7[%get3A_1537, %get3A_1538] {strides = array<i32>} : memref<128x256xf32, #tpu.memory_space<vmem>>, vector<1x16xf32>,
        %get3A_1540 = vector.shape_cast %get3A_1539 : vector<1x16xf32> to vector<16xf32>
        %max3A_1541 = arith.maximumf %scan3A_1508, %get3A_1540 : vector<16xf32>
        %add3A_1542 = arith.constant 96 : i32
        %add3A_1543 = arith.addi %add3A_1542, %scan3A_1505 : i32
        %get3A_1544 = arith.index_cast %add3A_1543 : i32 to index
        %get3A_1545 = arith.constant 48 : index
        %get3A_1546 = tpu.vector_load %arg7[%get3A_1544, %get3A_1545] {strides = array<i32>} : memref<128x256xf32, #tpu.memory_space<vmem>>, vector<1x16xf32>,
        %get3A_1547 = vector.shape_cast %get3A_1546 : vector<1x16xf32> to vector<16xf32>
        %max3A_1548 = arith.maximumf %scan3A_1509, %get3A_1547 : vector<16xf32>
        %add3A_1549 = arith.constant 96 : i32
        %add3A_1550 = arith.addi %add3A_1549, %scan3A_1505 : i32
        %get3A_1551 = arith.index_cast %add3A_1550 : i32 to index
        %get3A_1552 = arith.constant 64 : index
        %get3A_1553 = tpu.vector_load %arg7[%get3A_1551, %get3A_1552] {strides = array<i32>} : memref<128x256xf32, #tpu.memory_space<vmem>>, vector<1x16xf32>,
        %get3A_1554 = vector.shape_cast %get3A_1553 : vector<1x16xf32> to vector<16xf32>
        %max3A_1555 = arith.maximumf %scan3A_1510, %get3A_1554 : vector<16xf32>
        %add3A_1556 = arith.constant 96 : i32
        %add3A_1557 = arith.addi %add3A_1556, %scan3A_1505 : i32
        %get3A_1558 = arith.index_cast %add3A_1557 : i32 to index
        %get3A_1559 = arith.constant 80 : index
        %get3A_1560 = tpu.vector_load %arg7[%get3A_1558, %get3A_1559] {strides = array<i32>} : memref<128x256xf32, #tpu.memory_space<vmem>>, vector<1x16xf32>,
        %get3A_1561 = vector.shape_cast %get3A_1560 : vector<1x16xf32> to vector<16xf32>
        %max3A_1562 = arith.maximumf %scan3A_1511, %get3A_1561 : vector<16xf32>
        %add3A_1563 = arith.constant 96 : i32
        %add3A_1564 = arith.addi %add3A_1563, %scan3A_1505 : i32
        %get3A_1565 = arith.index_cast %add3A_1564 : i32 to index
        %get3A_1566 = arith.constant 96 : index
        %get3A_1567 = tpu.vector_load %arg7[%get3A_1565, %get3A_1566] {strides = array<i32>} : memref<128x256xf32, #tpu.memory_space<vmem>>, vector<1x16xf32>,
        %get3A_1568 = vector.shape_cast %get3A_1567 : vector<1x16xf32> to vector<16xf32>
        %max3A_1569 = arith.maximumf %scan3A_1512, %get3A_1568 : vector<16xf32>
        %add3A_1570 = arith.constant 96 : i32
        %add3A_1571 = arith.addi %add3A_1570, %scan3A_1505 : i32
        %get3A_1572 = arith.index_cast %add3A_1571 : i32 to index
        %get3A_1573 = arith.constant 112 : index
        %get3A_1574 = tpu.vector_load %arg7[%get3A_1572, %get3A_1573] {strides = array<i32>} : memref<128x256xf32, #tpu.memory_space<vmem>>, vector<1x16xf32>,
        %get3A_1575 = vector.shape_cast %get3A_1574 : vector<1x16xf32> to vector<16xf32>
        %max3A_1576 = arith.maximumf %scan3A_1513, %get3A_1575 : vector<16xf32>
        %add3A_1577 = arith.constant 96 : i32
        %add3A_1578 = arith.addi %add3A_1577, %scan3A_1505 : i32
        %get3A_1579 = arith.index_cast %add3A_1578 : i32 to index
        %get3A_1580 = arith.constant 128 : index
        %get3A_1581 = tpu.vector_load %arg7[%get3A_1579, %get3A_1580] {strides = array<i32>} : memref<128x256xf32, #tpu.memory_space<vmem>>, vector<1x16xf32>,
        %get3A_1582 = vector.shape_cast %get3A_1581 : vector<1x16xf32> to vector<16xf32>
        %max3A_1583 = arith.maximumf %scan3A_1514, %get3A_1582 : vector<16xf32>
        %add3A_1584 = arith.constant 96 : i32
        %add3A_1585 = arith.addi %add3A_1584, %scan3A_1505 : i32
        %get3A_1586 = arith.index_cast %add3A_1585 : i32 to index
        %get3A_1587 = arith.constant 144 : index
        %get3A_1588 = tpu.vector_load %arg7[%get3A_1586, %get3A_1587] {strides = array<i32>} : memref<128x256xf32, #tpu.memory_space<vmem>>, vector<1x16xf32>,
        %get3A_1589 = vector.shape_cast %get3A_1588 : vector<1x16xf32> to vector<16xf32>
        %max3A_1590 = arith.maximumf %scan3A_1515, %get3A_1589 : vector<16xf32>
        %add3A_1591 = arith.constant 96 : i32
        %add3A_1592 = arith.addi %add3A_1591, %scan3A_1505 : i32
        %get3A_1593 = arith.index_cast %add3A_1592 : i32 to index
        %get3A_1594 = arith.constant 160 : index
        %get3A_1595 = tpu.vector_load %arg7[%get3A_1593, %get3A_1594] {strides = array<i32>} : memref<128x256xf32, #tpu.memory_space<vmem>>, vector<1x16xf32>,
        %get3A_1596 = vector.shape_cast %get3A_1595 : vector<1x16xf32> to vector<16xf32>
        %max3A_1597 = arith.maximumf %scan3A_1516, %get3A_1596 : vector<16xf32>
        %add3A_1598 = arith.constant 96 : i32
        %add3A_1599 = arith.addi %add3A_1598, %scan3A_1505 : i32
        %get3A_1600 = arith.index_cast %add3A_1599 : i32 to index
        %get3A_1601 = arith.constant 176 : index
        %get3A_1602 = tpu.vector_load %arg7[%get3A_1600, %get3A_1601] {strides = array<i32>} : memref<128x256xf32, #tpu.memory_space<vmem>>, vector<1x16xf32>,
        %get3A_1603 = vector.shape_cast %get3A_1602 : vector<1x16xf32> to vector<16xf32>
        %max3A_1604 = arith.maximumf %scan3A_1517, %get3A_1603 : vector<16xf32>
        %add3A_1605 = arith.constant 96 : i32
        %add3A_1606 = arith.addi %add3A_1605, %scan3A_1505 : i32
        %get3A_1607 = arith.index_cast %add3A_1606 : i32 to index
        %get3A_1608 = arith.constant 192 : index
        %get3A_1609 = tpu.vector_load %arg7[%get3A_1607, %get3A_1608] {strides = array<i32>} : memref<128x256xf32, #tpu.memory_space<vmem>>, vector<1x16xf32>,
        %get3A_1610 = vector.shape_cast %get3A_1609 : vector<1x16xf32> to vector<16xf32>
        %max3A_1611 = arith.maximumf %scan3A_1518, %get3A_1610 : vector<16xf32>
        %add3A_1612 = arith.constant 96 : i32
        %add3A_1613 = arith.addi %add3A_1612, %scan3A_1505 : i32
        %get3A_1614 = arith.index_cast %add3A_1613 : i32 to index
        %get3A_1615 = arith.constant 208 : index
        %get3A_1616 = tpu.vector_load %arg7[%get3A_1614, %get3A_1615] {strides = array<i32>} : memref<128x256xf32, #tpu.memory_space<vmem>>, vector<1x16xf32>,
        %get3A_1617 = vector.shape_cast %get3A_1616 : vector<1x16xf32> to vector<16xf32>
        %max3A_1618 = arith.maximumf %scan3A_1519, %get3A_1617 : vector<16xf32>
        %add3A_1619 = arith.constant 96 : i32
        %add3A_1620 = arith.addi %add3A_1619, %scan3A_1505 : i32
        %get3A_1621 = arith.index_cast %add3A_1620 : i32 to index
        %get3A_1622 = arith.constant 224 : index
        %get3A_1623 = tpu.vector_load %arg7[%get3A_1621, %get3A_1622] {strides = array<i32>} : memref<128x256xf32, #tpu.memory_space<vmem>>, vector<1x16xf32>,
        %get3A_1624 = vector.shape_cast %get3A_1623 : vector<1x16xf32> to vector<16xf32>
        %max3A_1625 = arith.maximumf %scan3A_1520, %get3A_1624 : vector<16xf32>
        %add3A_1626 = arith.constant 96 : i32
        %add3A_1627 = arith.addi %add3A_1626, %scan3A_1505 : i32
        %get3A_1628 = arith.index_cast %add3A_1627 : i32 to index
        %get3A_1629 = arith.constant 240 : index
        %get3A_1630 = tpu.vector_load %arg7[%get3A_1628, %get3A_1629] {strides = array<i32>} : memref<128x256xf32, #tpu.memory_space<vmem>>, vector<1x16xf32>,
        %get3A_1631 = vector.shape_cast %get3A_1630 : vector<1x16xf32> to vector<16xf32>
        %max3A_1632 = arith.maximumf %scan3A_1521, %get3A_1631 : vector<16xf32>
        scf.yield %max3A, %max3A_1534, %max3A_1541, %max3A_1548, %max3A_1555, %max3A_1562, %max3A_1569, %max3A_1576, %max3A_1583, %max3A_1590, %max3A_1597, %max3A_1604, %max3A_1611, %max3A_1618, %max3A_1625, %max3A_1632 : vector<16xf32>, vector<16xf32>, vector<16xf32>, vector<16xf32>, vector<16xf32>, vector<16xf32>, vector<16xf32>, vector<16xf32>, vector<16xf32>, vector<16xf32>, vector<16xf32>, vector<16xf32>, vector<16xf32>, vector<16xf32>, vector<16xf32>, vector<16xf32>
      }
      %scan3A_1405 = arith.constant 31 : i32
      %swap3A_1406 = arith.constant 3 : i32
      %swap3A_1407 = arith.index_cast %swap3A_1406 : i32 to index
      %swap3A_1408 = arith.constant 0 : index
      %swap3A_1409 = tpu.vector_load %arg8[%swap3A_1407, %swap3A_1408] {strides = array<i32>} : memref<4x256xf32, #tpu.memory_space<vmem>>, vector<1x16xf32>,
      %swap3A_1410 = vector.shape_cast %swap3A_1409 : vector<1x16xf32> to vector<16xf32>
      %swap3A_1411 = vector.shape_cast %scan3A_1404#0 : vector<16xf32> to vector<1x16xf32>
      tpu.vector_store %arg8[%swap3A_1407, %swap3A_1408], %swap3A_1411 {strides = array<i32>} : memref<4x256xf32, #tpu.memory_space<vmem>>, vector<1x16xf32>,
      %swap3A_1412 = arith.constant 3 : i32
      %swap3A_1413 = arith.index_cast %swap3A_1412 : i32 to index
      %swap3A_1414 = arith.constant 16 : index
      %swap3A_1415 = tpu.vector_load %arg8[%swap3A_1413, %swap3A_1414] {strides = array<i32>} : memref<4x256xf32, #tpu.memory_space<vmem>>, vector<1x16xf32>,
      %swap3A_1416 = vector.shape_cast %swap3A_1415 : vector<1x16xf32> to vector<16xf32>
      %swap3A_1417 = vector.shape_cast %scan3A_1404#1 : vector<16xf32> to vector<1x16xf32>
      tpu.vector_store %arg8[%swap3A_1413, %swap3A_1414], %swap3A_1417 {strides = array<i32>} : memref<4x256xf32, #tpu.memory_space<vmem>>, vector<1x16xf32>,
      %swap3A_1418 = arith.constant 3 : i32
      %swap3A_1419 = arith.index_cast %swap3A_1418 : i32 to index
      %swap3A_1420 = arith.constant 32 : index
      %swap3A_1421 = tpu.vector_load %arg8[%swap3A_1419, %swap3A_1420] {strides = array<i32>} : memref<4x256xf32, #tpu.memory_space<vmem>>, vector<1x16xf32>,
      %swap3A_1422 = vector.shape_cast %swap3A_1421 : vector<1x16xf32> to vector<16xf32>
      %swap3A_1423 = vector.shape_cast %scan3A_1404#2 : vector<16xf32> to vector<1x16xf32>
      tpu.vector_store %arg8[%swap3A_1419, %swap3A_1420], %swap3A_1423 {strides = array<i32>} : memref<4x256xf32, #tpu.memory_space<vmem>>, vector<1x16xf32>,
      %swap3A_1424 = arith.constant 3 : i32
      %swap3A_1425 = arith.index_cast %swap3A_1424 : i32 to index
      %swap3A_1426 = arith.constant 48 : index
      %swap3A_1427 = tpu.vector_load %arg8[%swap3A_1425, %swap3A_1426] {strides = array<i32>} : memref<4x256xf32, #tpu.memory_space<vmem>>, vector<1x16xf32>,
      %swap3A_1428 = vector.shape_cast %swap3A_1427 : vector<1x16xf32> to vector<16xf32>
      %swap3A_1429 = vector.shape_cast %scan3A_1404#3 : vector<16xf32> to vector<1x16xf32>
      tpu.vector_store %arg8[%swap3A_1425, %swap3A_1426], %swap3A_1429 {strides = array<i32>} : memref<4x256xf32, #tpu.memory_space<vmem>>, vector<1x16xf32>,
      %swap3A_1430 = arith.constant 3 : i32
      %swap3A_1431 = arith.index_cast %swap3A_1430 : i32 to index
      %swap3A_1432 = arith.constant 64 : index
      %swap3A_1433 = tpu.vector_load %arg8[%swap3A_1431, %swap3A_1432] {strides = array<i32>} : memref<4x256xf32, #tpu.memory_space<vmem>>, vector<1x16xf32>,
      %swap3A_1434 = vector.shape_cast %swap3A_1433 : vector<1x16xf32> to vector<16xf32>
      %swap3A_1435 = vector.shape_cast %scan3A_1404#4 : vector<16xf32> to vector<1x16xf32>
      tpu.vector_store %arg8[%swap3A_1431, %swap3A_1432], %swap3A_1435 {strides = array<i32>} : memref<4x256xf32, #tpu.memory_space<vmem>>, vector<1x16xf32>,
      %swap3A_1436 = arith.constant 3 : i32
      %swap3A_1437 = arith.index_cast %swap3A_1436 : i32 to index
      %swap3A_1438 = arith.constant 80 : index
      %swap3A_1439 = tpu.vector_load %arg8[%swap3A_1437, %swap3A_1438] {strides = array<i32>} : memref<4x256xf32, #tpu.memory_space<vmem>>, vector<1x16xf32>,
      %swap3A_1440 = vector.shape_cast %swap3A_1439 : vector<1x16xf32> to vector<16xf32>
      %swap3A_1441 = vector.shape_cast %scan3A_1404#5 : vector<16xf32> to vector<1x16xf32>
      tpu.vector_store %arg8[%swap3A_1437, %swap3A_1438], %swap3A_1441 {strides = array<i32>} : memref<4x256xf32, #tpu.memory_space<vmem>>, vector<1x16xf32>,
      %swap3A_1442 = arith.constant 3 : i32
      %swap3A_1443 = arith.index_cast %swap3A_1442 : i32 to index
      %swap3A_1444 = arith.constant 96 : index
      %swap3A_1445 = tpu.vector_load %arg8[%swap3A_1443, %swap3A_1444] {strides = array<i32>} : memref<4x256xf32, #tpu.memory_space<vmem>>, vector<1x16xf32>,
      %swap3A_1446 = vector.shape_cast %swap3A_1445 : vector<1x16xf32> to vector<16xf32>
      %swap3A_1447 = vector.shape_cast %scan3A_1404#6 : vector<16xf32> to vector<1x16xf32>
      tpu.vector_store %arg8[%swap3A_1443, %swap3A_1444], %swap3A_1447 {strides = array<i32>} : memref<4x256xf32, #tpu.memory_space<vmem>>, vector<1x16xf32>,
      %swap3A_1448 = arith.constant 3 : i32
      %swap3A_1449 = arith.index_cast %swap3A_1448 : i32 to index
      %swap3A_1450 = arith.constant 112 : index
      %swap3A_1451 = tpu.vector_load %arg8[%swap3A_1449, %swap3A_1450] {strides = array<i32>} : memref<4x256xf32, #tpu.memory_space<vmem>>, vector<1x16xf32>,
      %swap3A_1452 = vector.shape_cast %swap3A_1451 : vector<1x16xf32> to vector<16xf32>
      %swap3A_1453 = vector.shape_cast %scan3A_1404#7 : vector<16xf32> to vector<1x16xf32>
      tpu.vector_store %arg8[%swap3A_1449, %swap3A_1450], %swap3A_1453 {strides = array<i32>} : memref<4x256xf32, #tpu.memory_space<vmem>>, vector<1x16xf32>,
      %swap3A_1454 = arith.constant 3 : i32
      %swap3A_1455 = arith.index_cast %swap3A_1454 : i32 to index
      %swap3A_1456 = arith.constant 128 : index
      %swap3A_1457 = tpu.vector_load %arg8[%swap3A_1455, %swap3A_1456] {strides = array<i32>} : memref<4x256xf32, #tpu.memory_space<vmem>>, vector<1x16xf32>,
      %swap3A_1458 = vector.shape_cast %swap3A_1457 : vector<1x16xf32> to vector<16xf32>
      %swap3A_1459 = vector.shape_cast %scan3A_1404#8 : vector<16xf32> to vector<1x16xf32>
      tpu.vector_store %arg8[%swap3A_1455, %swap3A_1456], %swap3A_1459 {strides = array<i32>} : memref<4x256xf32, #tpu.memory_space<vmem>>, vector<1x16xf32>,
      %swap3A_1460 = arith.constant 3 : i32
      %swap3A_1461 = arith.index_cast %swap3A_1460 : i32 to index
      %swap3A_1462 = arith.constant 144 : index
      %swap3A_1463 = tpu.vector_load %arg8[%swap3A_1461, %swap3A_1462] {strides = array<i32>} : memref<4x256xf32, #tpu.memory_space<vmem>>, vector<1x16xf32>,
      %swap3A_1464 = vector.shape_cast %swap3A_1463 : vector<1x16xf32> to vector<16xf32>
      %swap3A_1465 = vector.shape_cast %scan3A_1404#9 : vector<16xf32> to vector<1x16xf32>
      tpu.vector_store %arg8[%swap3A_1461, %swap3A_1462], %swap3A_1465 {strides = array<i32>} : memref<4x256xf32, #tpu.memory_space<vmem>>, vector<1x16xf32>,
      %swap3A_1466 = arith.constant 3 : i32
      %swap3A_1467 = arith.index_cast %swap3A_1466 : i32 to index
      %swap3A_1468 = arith.constant 160 : index
      %swap3A_1469 = tpu.vector_load %arg8[%swap3A_1467, %swap3A_1468] {strides = array<i32>} : memref<4x256xf32, #tpu.memory_space<vmem>>, vector<1x16xf32>,
      %swap3A_1470 = vector.shape_cast %swap3A_1469 : vector<1x16xf32> to vector<16xf32>
      %swap3A_1471 = vector.shape_cast %scan3A_1404#10 : vector<16xf32> to vector<1x16xf32>
      tpu.vector_store %arg8[%swap3A_1467, %swap3A_1468], %swap3A_1471 {strides = array<i32>} : memref<4x256xf32, #tpu.memory_space<vmem>>, vector<1x16xf32>,
      %swap3A_1472 = arith.constant 3 : i32
      %swap3A_1473 = arith.index_cast %swap3A_1472 : i32 to index
      %swap3A_1474 = arith.constant 176 : index
      %swap3A_1475 = tpu.vector_load %arg8[%swap3A_1473, %swap3A_1474] {strides = array<i32>} : memref<4x256xf32, #tpu.memory_space<vmem>>, vector<1x16xf32>,
      %swap3A_1476 = vector.shape_cast %swap3A_1475 : vector<1x16xf32> to vector<16xf32>
      %swap3A_1477 = vector.shape_cast %scan3A_1404#11 : vector<16xf32> to vector<1x16xf32>
      tpu.vector_store %arg8[%swap3A_1473, %swap3A_1474], %swap3A_1477 {strides = array<i32>} : memref<4x256xf32, #tpu.memory_space<vmem>>, vector<1x16xf32>,
      %swap3A_1478 = arith.constant 3 : i32
      %swap3A_1479 = arith.index_cast %swap3A_1478 : i32 to index
      %swap3A_1480 = arith.constant 192 : index
      %swap3A_1481 = tpu.vector_load %arg8[%swap3A_1479, %swap3A_1480] {strides = array<i32>} : memref<4x256xf32, #tpu.memory_space<vmem>>, vector<1x16xf32>,
      %swap3A_1482 = vector.shape_cast %swap3A_1481 : vector<1x16xf32> to vector<16xf32>
      %swap3A_1483 = vector.shape_cast %scan3A_1404#12 : vector<16xf32> to vector<1x16xf32>
      tpu.vector_store %arg8[%swap3A_1479, %swap3A_1480], %swap3A_1483 {strides = array<i32>} : memref<4x256xf32, #tpu.memory_space<vmem>>, vector<1x16xf32>,
      %swap3A_1484 = arith.constant 3 : i32
      %swap3A_1485 = arith.index_cast %swap3A_1484 : i32 to index
      %swap3A_1486 = arith.constant 208 : index
      %swap3A_1487 = tpu.vector_load %arg8[%swap3A_1485, %swap3A_1486] {strides = array<i32>} : memref<4x256xf32, #tpu.memory_space<vmem>>, vector<1x16xf32>,
      %swap3A_1488 = vector.shape_cast %swap3A_1487 : vector<1x16xf32> to vector<16xf32>
      %swap3A_1489 = vector.shape_cast %scan3A_1404#13 : vector<16xf32> to vector<1x16xf32>
      tpu.vector_store %arg8[%swap3A_1485, %swap3A_1486], %swap3A_1489 {strides = array<i32>} : memref<4x256xf32, #tpu.memory_space<vmem>>, vector<1x16xf32>,
      %swap3A_1490 = arith.constant 3 : i32
      %swap3A_1491 = arith.index_cast %swap3A_1490 : i32 to index
      %swap3A_1492 = arith.constant 224 : index
      %swap3A_1493 = tpu.vector_load %arg8[%swap3A_1491, %swap3A_1492] {strides = array<i32>} : memref<4x256xf32, #tpu.memory_space<vmem>>, vector<1x16xf32>,
      %swap3A_1494 = vector.shape_cast %swap3A_1493 : vector<1x16xf32> to vector<16xf32>
      %swap3A_1495 = vector.shape_cast %scan3A_1404#14 : vector<16xf32> to vector<1x16xf32>
      tpu.vector_store %arg8[%swap3A_1491, %swap3A_1492], %swap3A_1495 {strides = array<i32>} : memref<4x256xf32, #tpu.memory_space<vmem>>, vector<1x16xf32>,
      %swap3A_1496 = arith.constant 3 : i32
      %swap3A_1497 = arith.index_cast %swap3A_1496 : i32 to index
      %swap3A_1498 = arith.constant 240 : index
      %swap3A_1499 = tpu.vector_load %arg8[%swap3A_1497, %swap3A_1498] {strides = array<i32>} : memref<4x256xf32, #tpu.memory_space<vmem>>, vector<1x16xf32>,
      %swap3A_1500 = vector.shape_cast %swap3A_1499 : vector<1x16xf32> to vector<16xf32>
      %swap3A_1501 = vector.shape_cast %scan3A_1404#15 : vector<16xf32> to vector<1x16xf32>
      tpu.vector_store %arg8[%swap3A_1497, %swap3A_1498], %swap3A_1501 {strides = array<i32>} : memref<4x256xf32, #tpu.memory_space<vmem>>, vector<1x16xf32>,
      %mul3A_1502 = arith.constant 4 : i32
      %mul3A_1503 = arith.muli %add3A_760, %mul3A_1502 : i32
      %add3A_1504 = arith.addi %mul3A_2, %mul3A_1503 : i32
      "tpu.region"() ({
        %run_scoped3A = tpu.sem_alloc : memref<!tpu.dma_semaphore, #tpu.memory_space<semaphore_mem>>
        %dma_start3A_1505 = arith.constant 0 : i32
        %dma_start3A_1506 = tpu.memref_slice %arg4[%add3A_1504, %dma_start3A_1505] : memref<8192x256xf32, #tpu.memory_space<hbm>> -> memref<4x256xf32, #tpu.memory_space<hbm>>
        %dma_start3A_1507 = arith.constant 0 : i32
        %dma_start3A_1508 = tpu.memref_slice %arg4[%add3A_1504, %dma_start3A_1507] : memref<8192x256xf32, #tpu.memory_space<hbm>> -> memref<4x256xf32, #tpu.memory_space<hbm>>
        tpu.enqueue_dma source(%arg8 : memref<4x256xf32, #tpu.memory_space<vmem>>) target(%dma_start3A_1508 : memref<4x256xf32, #tpu.memory_space<hbm>>) target_semaphore(%run_scoped3A : memref<!tpu.dma_semaphore, #tpu.memory_space<semaphore_mem>>)
        %dma_wait3A_1509 = arith.constant 0 : i32
        %dma_wait3A_1510 = tpu.memref_slice %arg4[%add3A_1504, %dma_wait3A_1509] : memref<8192x256xf32, #tpu.memory_space<hbm>> -> memref<4x256xf32, #tpu.memory_space<hbm>>
        %dma_wait3A_1511 = arith.constant 0 : i32
        %dma_wait3A_1512 = tpu.memref_slice %arg4[%add3A_1504, %dma_wait3A_1511] : memref<8192x256xf32, #tpu.memory_space<hbm>> -> memref<4x256xf32, #tpu.memory_space<hbm>>
        tpu.wait_dma2 semaphore(%run_scoped3A : memref<!tpu.dma_semaphore, #tpu.memory_space<semaphore_mem>>) src(%arg8 : memref<4x256xf32, #tpu.memory_space<vmem>>) dst(%dma_wait3A_1512 : memref<4x256xf32, #tpu.memory_space<hbm>>)
        tpu.yield
      }) : () -> ()
    }
    %scan3A_13 = arith.constant 32 : i32
    return
  }
}

module attributes {stable_mosaic.version = 14 : i64} {
  func.func @_k1_body(%arg0: i32, %arg1: memref<1x64x2048xf32, #tpu.memory_space<vmem>>, %arg2: memref<256x64xf32, #tpu.memory_space<vmem>>, %arg3: memref<1x256xf32, #tpu.memory_space<vmem>>, %arg4: memref<1x256xf32, #tpu.memory_space<vmem>>, %arg5: memref<1x256xf32, #tpu.memory_space<vmem>>, %arg6: memref<1x256xf32, #tpu.memory_space<vmem>>, %arg7: memref<1x2048x256xf32, #tpu.memory_space<vmem>>) attributes {dimension_semantics = [#tpu.dimension_semantics<arbitrary>], iteration_bounds = array<i64: 4>, scalar_prefetch = 0 : i64, scratch_operands = 0 : i64, tpu.core_type = #tpu.core_type<tc>, window_params = [{transform_indices = @transform_0, window_bounds = array<i64: 1, 64, 2048>}, {pipeline_mode = #tpu.pipeline_mode<synchronous>, transform_indices = @transform_1, window_bounds = array<i64: 256, 64>}, {pipeline_mode = #tpu.pipeline_mode<synchronous>, transform_indices = @transform_2, window_bounds = array<i64: 1, 256>}, {pipeline_mode = #tpu.pipeline_mode<synchronous>, transform_indices = @transform_3, window_bounds = array<i64: 1, 256>}, {pipeline_mode = #tpu.pipeline_mode<synchronous>, transform_indices = @transform_4, window_bounds = array<i64: 1, 256>}, {pipeline_mode = #tpu.pipeline_mode<synchronous>, transform_indices = @transform_5, window_bounds = array<i64: 1, 256>}, {transform_indices = @transform_6, window_bounds = array<i64: 1, 2048, 256>}]} {
    %get3A = arith.constant 0 : index
    %get3A_0 = arith.constant 0 : index
    %get3A_1 = arith.constant 0 : index
    %get3A_2 = vector.load %arg1[%get3A, %get3A_0, %get3A_1] : memref<1x64x2048xf32, #tpu.memory_space<vmem>>, vector<1x64x2048xf32>
    %get3A_3 = vector.shape_cast %get3A_2 : vector<1x64x2048xf32> to vector<64x2048xf32>
    %get3A_4 = arith.constant 0 : index
    %get3A_5 = arith.constant 0 : index
    %get3A_6 = vector.load %arg2[%get3A_4, %get3A_5] : memref<256x64xf32, #tpu.memory_space<vmem>>, vector<256x64xf32>
    %dot_general3A = arith.constant dense<0.000000e+00> : vector<2048x256xf32>
    %dot_general3A_7 = tpu.matmul %get3A_3, %get3A_6, %dot_general3A {dimension_numbers = #tpu.dot_dimension_numbers<[0], [1], [1], [0], [0, 1, 1, 0], [], []>, transpose_lhs_hint = false} : vector<64x2048xf32>, vector<256x64xf32>, vector<2048x256xf32> -> vector<2048x256xf32>
    %get3A_8 = arith.constant 0 : index
    %get3A_9 = arith.constant 0 : index
    %get3A_10 = vector.load %arg3[%get3A_8, %get3A_9] : memref<1x256xf32, #tpu.memory_space<vmem>>, vector<1x256xf32>
    %add3A = vector.broadcast %get3A_10 : vector<1x256xf32> to vector<2048x256xf32>
    %add3A_11 = arith.addf %dot_general3A_7, %add3A : vector<2048x256xf32>
    %slice3A = vector.extract_strided_slice %add3A_11 {offsets = [0, 0], sizes = [2048, 64], strides = [1, 1]} : vector<2048x256xf32> to vector<2048x64xf32>
    %reduce_sum3A = vector.shape_cast %slice3A : vector<2048x64xf32> to vector<1x2048x64xf32>
    %reduce_sum3A_12 = arith.constant dense<0.000000e+00> : vector<1xf32>
    %reduce_sum3A_13 = vector.multi_reduction <add>, %reduce_sum3A, %reduce_sum3A_12 [1, 2] : vector<1x2048x64xf32> to vector<1xf32>
    %reduce_sum3A_14 = vector.shape_cast %reduce_sum3A_13 : vector<1xf32> to vector<1x1x1xf32>
    %reduce_sum3A_15 = vector.extract %reduce_sum3A_14[0, 0, 0] : f32 from vector<1x1x1xf32>
    %div3A = arith.constant 1.310720e+05 : f32
    %div3A_16 = arith.divf %reduce_sum3A_15, %div3A : f32
    %mul3A = arith.mulf %slice3A, %slice3A : vector<2048x64xf32>
    %reduce_sum3A_17 = vector.shape_cast %mul3A : vector<2048x64xf32> to vector<1x2048x64xf32>
    %reduce_sum3A_18 = arith.constant dense<0.000000e+00> : vector<1xf32>
    %reduce_sum3A_19 = vector.multi_reduction <add>, %reduce_sum3A_17, %reduce_sum3A_18 [1, 2] : vector<1x2048x64xf32> to vector<1xf32>
    %reduce_sum3A_20 = vector.shape_cast %reduce_sum3A_19 : vector<1xf32> to vector<1x1x1xf32>
    %reduce_sum3A_21 = vector.extract %reduce_sum3A_20[0, 0, 0] : f32 from vector<1x1x1xf32>
    %div3A_22 = arith.constant 1.310720e+05 : f32
    %div3A_23 = arith.divf %reduce_sum3A_21, %div3A_22 : f32
    %mul3A_24 = arith.mulf %div3A_16, %div3A_16 : f32
    %sub3A = arith.subf %div3A_23, %mul3A_24 : f32
    %sub3A_25 = vector.broadcast %div3A_16 : f32 to vector<2048x64xf32>
    %sub3A_26 = arith.subf %slice3A, %sub3A_25 : vector<2048x64xf32>
    %add3A_27 = arith.constant 9.99999974E-6 : f32
    %add3A_28 = arith.addf %sub3A, %add3A_27 : f32
    %rsqrt3A = math.rsqrt %add3A_28 : f32
    %mul3A_29 = vector.broadcast %rsqrt3A : f32 to vector<2048x64xf32>
    %mul3A_30 = arith.mulf %sub3A_26, %mul3A_29 : vector<2048x64xf32>
    %slice3A_31 = vector.extract_strided_slice %add3A_11 {offsets = [0, 64], sizes = [2048, 64], strides = [1, 1]} : vector<2048x256xf32> to vector<2048x64xf32>
    %reduce_sum3A_32 = vector.shape_cast %slice3A_31 : vector<2048x64xf32> to vector<1x2048x64xf32>
    %reduce_sum3A_33 = arith.constant dense<0.000000e+00> : vector<1xf32>
    %reduce_sum3A_34 = vector.multi_reduction <add>, %reduce_sum3A_32, %reduce_sum3A_33 [1, 2] : vector<1x2048x64xf32> to vector<1xf32>
    %reduce_sum3A_35 = vector.shape_cast %reduce_sum3A_34 : vector<1xf32> to vector<1x1x1xf32>
    %reduce_sum3A_36 = vector.extract %reduce_sum3A_35[0, 0, 0] : f32 from vector<1x1x1xf32>
    %div3A_37 = arith.constant 1.310720e+05 : f32
    %div3A_38 = arith.divf %reduce_sum3A_36, %div3A_37 : f32
    %mul3A_39 = arith.mulf %slice3A_31, %slice3A_31 : vector<2048x64xf32>
    %reduce_sum3A_40 = vector.shape_cast %mul3A_39 : vector<2048x64xf32> to vector<1x2048x64xf32>
    %reduce_sum3A_41 = arith.constant dense<0.000000e+00> : vector<1xf32>
    %reduce_sum3A_42 = vector.multi_reduction <add>, %reduce_sum3A_40, %reduce_sum3A_41 [1, 2] : vector<1x2048x64xf32> to vector<1xf32>
    %reduce_sum3A_43 = vector.shape_cast %reduce_sum3A_42 : vector<1xf32> to vector<1x1x1xf32>
    %reduce_sum3A_44 = vector.extract %reduce_sum3A_43[0, 0, 0] : f32 from vector<1x1x1xf32>
    %div3A_45 = arith.constant 1.310720e+05 : f32
    %div3A_46 = arith.divf %reduce_sum3A_44, %div3A_45 : f32
    %mul3A_47 = arith.mulf %div3A_38, %div3A_38 : f32
    %sub3A_48 = arith.subf %div3A_46, %mul3A_47 : f32
    %sub3A_49 = vector.broadcast %div3A_38 : f32 to vector<2048x64xf32>
    %sub3A_50 = arith.subf %slice3A_31, %sub3A_49 : vector<2048x64xf32>
    %add3A_51 = arith.constant 9.99999974E-6 : f32
    %add3A_52 = arith.addf %sub3A_48, %add3A_51 : f32
    %rsqrt3A_53 = math.rsqrt %add3A_52 : f32
    %mul3A_54 = vector.broadcast %rsqrt3A_53 : f32 to vector<2048x64xf32>
    %mul3A_55 = arith.mulf %sub3A_50, %mul3A_54 : vector<2048x64xf32>
    %slice3A_56 = vector.extract_strided_slice %add3A_11 {offsets = [0, 128], sizes = [2048, 64], strides = [1, 1]} : vector<2048x256xf32> to vector<2048x64xf32>
    %reduce_sum3A_57 = vector.shape_cast %slice3A_56 : vector<2048x64xf32> to vector<1x2048x64xf32>
    %reduce_sum3A_58 = arith.constant dense<0.000000e+00> : vector<1xf32>
    %reduce_sum3A_59 = vector.multi_reduction <add>, %reduce_sum3A_57, %reduce_sum3A_58 [1, 2] : vector<1x2048x64xf32> to vector<1xf32>
    %reduce_sum3A_60 = vector.shape_cast %reduce_sum3A_59 : vector<1xf32> to vector<1x1x1xf32>
    %reduce_sum3A_61 = vector.extract %reduce_sum3A_60[0, 0, 0] : f32 from vector<1x1x1xf32>
    %div3A_62 = arith.constant 1.310720e+05 : f32
    %div3A_63 = arith.divf %reduce_sum3A_61, %div3A_62 : f32
    %mul3A_64 = arith.mulf %slice3A_56, %slice3A_56 : vector<2048x64xf32>
    %reduce_sum3A_65 = vector.shape_cast %mul3A_64 : vector<2048x64xf32> to vector<1x2048x64xf32>
    %reduce_sum3A_66 = arith.constant dense<0.000000e+00> : vector<1xf32>
    %reduce_sum3A_67 = vector.multi_reduction <add>, %reduce_sum3A_65, %reduce_sum3A_66 [1, 2] : vector<1x2048x64xf32> to vector<1xf32>
    %reduce_sum3A_68 = vector.shape_cast %reduce_sum3A_67 : vector<1xf32> to vector<1x1x1xf32>
    %reduce_sum3A_69 = vector.extract %reduce_sum3A_68[0, 0, 0] : f32 from vector<1x1x1xf32>
    %div3A_70 = arith.constant 1.310720e+05 : f32
    %div3A_71 = arith.divf %reduce_sum3A_69, %div3A_70 : f32
    %mul3A_72 = arith.mulf %div3A_63, %div3A_63 : f32
    %sub3A_73 = arith.subf %div3A_71, %mul3A_72 : f32
    %sub3A_74 = vector.broadcast %div3A_63 : f32 to vector<2048x64xf32>
    %sub3A_75 = arith.subf %slice3A_56, %sub3A_74 : vector<2048x64xf32>
    %add3A_76 = arith.constant 9.99999974E-6 : f32
    %add3A_77 = arith.addf %sub3A_73, %add3A_76 : f32
    %rsqrt3A_78 = math.rsqrt %add3A_77 : f32
    %mul3A_79 = vector.broadcast %rsqrt3A_78 : f32 to vector<2048x64xf32>
    %mul3A_80 = arith.mulf %sub3A_75, %mul3A_79 : vector<2048x64xf32>
    %slice3A_81 = vector.extract_strided_slice %add3A_11 {offsets = [0, 192], sizes = [2048, 64], strides = [1, 1]} : vector<2048x256xf32> to vector<2048x64xf32>
    %reduce_sum3A_82 = vector.shape_cast %slice3A_81 : vector<2048x64xf32> to vector<1x2048x64xf32>
    %reduce_sum3A_83 = arith.constant dense<0.000000e+00> : vector<1xf32>
    %reduce_sum3A_84 = vector.multi_reduction <add>, %reduce_sum3A_82, %reduce_sum3A_83 [1, 2] : vector<1x2048x64xf32> to vector<1xf32>
    %reduce_sum3A_85 = vector.shape_cast %reduce_sum3A_84 : vector<1xf32> to vector<1x1x1xf32>
    %reduce_sum3A_86 = vector.extract %reduce_sum3A_85[0, 0, 0] : f32 from vector<1x1x1xf32>
    %div3A_87 = arith.constant 1.310720e+05 : f32
    %div3A_88 = arith.divf %reduce_sum3A_86, %div3A_87 : f32
    %mul3A_89 = arith.mulf %slice3A_81, %slice3A_81 : vector<2048x64xf32>
    %reduce_sum3A_90 = vector.shape_cast %mul3A_89 : vector<2048x64xf32> to vector<1x2048x64xf32>
    %reduce_sum3A_91 = arith.constant dense<0.000000e+00> : vector<1xf32>
    %reduce_sum3A_92 = vector.multi_reduction <add>, %reduce_sum3A_90, %reduce_sum3A_91 [1, 2] : vector<1x2048x64xf32> to vector<1xf32>
    %reduce_sum3A_93 = vector.shape_cast %reduce_sum3A_92 : vector<1xf32> to vector<1x1x1xf32>
    %reduce_sum3A_94 = vector.extract %reduce_sum3A_93[0, 0, 0] : f32 from vector<1x1x1xf32>
    %div3A_95 = arith.constant 1.310720e+05 : f32
    %div3A_96 = arith.divf %reduce_sum3A_94, %div3A_95 : f32
    %mul3A_97 = arith.mulf %div3A_88, %div3A_88 : f32
    %sub3A_98 = arith.subf %div3A_96, %mul3A_97 : f32
    %sub3A_99 = vector.broadcast %div3A_88 : f32 to vector<2048x64xf32>
    %sub3A_100 = arith.subf %slice3A_81, %sub3A_99 : vector<2048x64xf32>
    %add3A_101 = arith.constant 9.99999974E-6 : f32
    %add3A_102 = arith.addf %sub3A_98, %add3A_101 : f32
    %rsqrt3A_103 = math.rsqrt %add3A_102 : f32
    %mul3A_104 = vector.broadcast %rsqrt3A_103 : f32 to vector<2048x64xf32>
    %mul3A_105 = arith.mulf %sub3A_100, %mul3A_104 : vector<2048x64xf32>
    %concatenate3A = tpu.concatenate %mul3A_30, %mul3A_55, %mul3A_80, %mul3A_105 in 1 : vector<2048x64xf32>, vector<2048x64xf32>, vector<2048x64xf32>, vector<2048x64xf32> -> vector<2048x256xf32>
    %get3A_106 = arith.constant 0 : index
    %get3A_107 = arith.constant 0 : index
    %get3A_108 = vector.load %arg4[%get3A_106, %get3A_107] : memref<1x256xf32, #tpu.memory_space<vmem>>, vector<1x256xf32>
    %mul3A_109 = vector.broadcast %get3A_108 : vector<1x256xf32> to vector<2048x256xf32>
    %mul3A_110 = arith.mulf %concatenate3A, %mul3A_109 : vector<2048x256xf32>
    %get3A_111 = arith.constant 0 : index
    %get3A_112 = arith.constant 0 : index
    %get3A_113 = vector.load %arg5[%get3A_111, %get3A_112] : memref<1x256xf32, #tpu.memory_space<vmem>>, vector<1x256xf32>
    %add3A_114 = vector.broadcast %get3A_113 : vector<1x256xf32> to vector<2048x256xf32>
    %add3A_115 = arith.addf %mul3A_110, %add3A_114 : vector<2048x256xf32>
    %mul3A_116 = arith.constant 5.000000e-01 : f32
    %mul3A_117 = vector.broadcast %mul3A_116 : f32 to vector<2048x256xf32>
    %mul3A_118 = arith.mulf %mul3A_117, %add3A_115 : vector<2048x256xf32>
    %mul3A_119 = arith.constant 0.707106769 : f32
    %mul3A_120 = vector.broadcast %mul3A_119 : f32 to vector<2048x256xf32>
    %mul3A_121 = arith.mulf %add3A_115, %mul3A_120 : vector<2048x256xf32>
    %erf3A = math.erf %mul3A_121 : vector<2048x256xf32>
    %add3A_122 = arith.constant 1.000000e+00 : f32
    %add3A_123 = vector.broadcast %add3A_122 : f32 to vector<2048x256xf32>
    %add3A_124 = arith.addf %add3A_123, %erf3A : vector<2048x256xf32>
    %mul3A_125 = arith.mulf %mul3A_118, %add3A_124 : vector<2048x256xf32>
    %get3A_126 = arith.constant 0 : index
    %get3A_127 = arith.constant 0 : index
    %get3A_128 = vector.load %arg6[%get3A_126, %get3A_127] : memref<1x256xf32, #tpu.memory_space<vmem>>, vector<1x256xf32>
    %mul3A_129 = vector.broadcast %get3A_128 : vector<1x256xf32> to vector<2048x256xf32>
    %mul3A_130 = arith.mulf %mul3A_125, %mul3A_129 : vector<2048x256xf32>
    %swap3A = arith.constant 0 : index
    %swap3A_131 = arith.constant 0 : index
    %swap3A_132 = arith.constant 0 : index
    %swap3A_133 = vector.load %arg7[%swap3A, %swap3A_131, %swap3A_132] : memref<1x2048x256xf32, #tpu.memory_space<vmem>>, vector<1x2048x256xf32>
    %swap3A_134 = vector.shape_cast %swap3A_133 : vector<1x2048x256xf32> to vector<2048x256xf32>
    %swap3A_135 = vector.shape_cast %mul3A_130 : vector<2048x256xf32> to vector<1x2048x256xf32>
    tpu.vector_store %arg7[%swap3A, %swap3A_131, %swap3A_132], %swap3A_135 {strides = array<i32>} : memref<1x2048x256xf32, #tpu.memory_space<vmem>>, vector<1x2048x256xf32>,
    return
  }
  func.func @transform_0(%arg0: i32) -> (i32, i32, i32) {
    %c0_i32 = arith.constant 0 : i32
    %c0_i32_0 = arith.constant 0 : i32
    %c0_i32_1 = arith.constant 0 : i32
    return %arg0, %c0_i32, %c0_i32_0 : i32, i32, i32
  }
  func.func @transform_1(%arg0: i32) -> (i32, i32) {
    %c0_i32 = arith.constant 0 : i32
    %c0_i32_0 = arith.constant 0 : i32
    %c0_i32_1 = arith.constant 0 : i32
    return %c0_i32, %c0_i32_0 : i32, i32
  }
  func.func @transform_2(%arg0: i32) -> (i32, i32) {
    %c0_i32 = arith.constant 0 : i32
    %c0_i32_0 = arith.constant 0 : i32
    %c0_i32_1 = arith.constant 0 : i32
    return %c0_i32, %c0_i32_0 : i32, i32
  }
  func.func @transform_3(%arg0: i32) -> (i32, i32) {
    %c0_i32 = arith.constant 0 : i32
    %c0_i32_0 = arith.constant 0 : i32
    %c0_i32_1 = arith.constant 0 : i32
    return %c0_i32, %c0_i32_0 : i32, i32
  }
  func.func @transform_4(%arg0: i32) -> (i32, i32) {
    %c0_i32 = arith.constant 0 : i32
    %c0_i32_0 = arith.constant 0 : i32
    %c0_i32_1 = arith.constant 0 : i32
    return %c0_i32, %c0_i32_0 : i32, i32
  }
  func.func @transform_5(%arg0: i32) -> (i32, i32) {
    %c0_i32 = arith.constant 0 : i32
    %c0_i32_0 = arith.constant 0 : i32
    %c0_i32_1 = arith.constant 0 : i32
    return %c0_i32, %c0_i32_0 : i32, i32
  }
  func.func @transform_6(%arg0: i32) -> (i32, i32, i32) {
    %c0_i32 = arith.constant 0 : i32
    %c0_i32_0 = arith.constant 0 : i32
    %c0_i32_1 = arith.constant 0 : i32
    return %arg0, %c0_i32, %c0_i32_0 : i32, i32, i32
  }
}

module attributes {stable_mosaic.version = 14 : i64} {
  func.func @_k2_body(%arg0: i32, %arg1: i32, %arg2: memref<1x3x2048xf32, #tpu.memory_space<vmem>>, %arg3: memref<1x256x3xf32, #tpu.memory_space<vmem>>, %arg4: memref<1x256x32xi32, #tpu.memory_space<vmem>>, %arg5: memref<1x1x2048xf32, #tpu.memory_space<vmem>>) attributes {dimension_semantics = [#tpu.dimension_semantics<arbitrary>, #tpu.dimension_semantics<arbitrary>], iteration_bounds = array<i64: 4, 8>, scalar_prefetch = 0 : i64, scratch_operands = 0 : i64, tpu.core_type = #tpu.core_type<tc>, window_params = [{transform_indices = @transform_0, window_bounds = array<i64: 1, 3, 2048>}, {transform_indices = @transform_1, window_bounds = array<i64: 1, 256, 3>}, {transform_indices = @transform_2, window_bounds = array<i64: 1, 256, 32>}, {transform_indices = @transform_3, window_bounds = array<i64: 1, 1, 2048>}]} {
    %get3A = arith.constant 0 : index
    %get3A_0 = arith.constant 0 : index
    %get3A_1 = arith.constant 0 : index
    %get3A_2 = vector.load %arg2[%get3A, %get3A_0, %get3A_1] : memref<1x3x2048xf32, #tpu.memory_space<vmem>>, vector<1x3x2048xf32>
    %get3A_3 = vector.shape_cast %get3A_2 : vector<1x3x2048xf32> to vector<3x2048xf32>
    %get3A_4 = arith.constant 0 : index
    %get3A_5 = arith.constant 0 : index
    %get3A_6 = arith.constant 0 : index
    %get3A_7 = vector.load %arg3[%get3A_4, %get3A_5, %get3A_6] : memref<1x256x3xf32, #tpu.memory_space<vmem>>, vector<1x256x3xf32>
    %get3A_8 = vector.shape_cast %get3A_7 : vector<1x256x3xf32> to vector<256x3xf32>
    %convert_element_type3A = arith.truncf %get3A_8 : vector<256x3xf32> to vector<256x3xbf16>
    %convert_element_type3A_9 = arith.truncf %get3A_3 : vector<3x2048xf32> to vector<3x2048xbf16>
    %dot_general3A = arith.constant dense<0.000000e+00> : vector<256x2048xf32>
    %dot_general3A_10 = tpu.matmul %convert_element_type3A, %convert_element_type3A_9, %dot_general3A {dimension_numbers = #tpu.dot_dimension_numbers<[1], [0], [0], [1], [0, 0, 1, 1], [], []>, transpose_lhs_hint = false} : vector<256x3xbf16>, vector<3x2048xbf16>, vector<256x2048xf32> -> vector<256x2048xf32>
    %slice3A = vector.extract_strided_slice %get3A_3 {offsets = [0, 0], sizes = [1, 2048], strides = [1, 1]} : vector<3x2048xf32> to vector<1x2048xf32>
    %slice3A_11 = vector.extract_strided_slice %get3A_3 {offsets = [0, 0], sizes = [1, 2048], strides = [1, 1]} : vector<3x2048xf32> to vector<1x2048xf32>
    %mul3A = arith.mulf %slice3A, %slice3A_11 : vector<1x2048xf32>
    %slice3A_12 = vector.extract_strided_slice %get3A_3 {offsets = [1, 0], sizes = [1, 2048], strides = [1, 1]} : vector<3x2048xf32> to vector<1x2048xf32>
    %slice3A_13 = vector.extract_strided_slice %get3A_3 {offsets = [1, 0], sizes = [1, 2048], strides = [1, 1]} : vector<3x2048xf32> to vector<1x2048xf32>
    %mul3A_14 = arith.mulf %slice3A_12, %slice3A_13 : vector<1x2048xf32>
    %add3A = arith.addf %mul3A, %mul3A_14 : vector<1x2048xf32>
    %slice3A_15 = vector.extract_strided_slice %get3A_3 {offsets = [2, 0], sizes = [1, 2048], strides = [1, 1]} : vector<3x2048xf32> to vector<1x2048xf32>
    %slice3A_16 = vector.extract_strided_slice %get3A_3 {offsets = [2, 0], sizes = [1, 2048], strides = [1, 1]} : vector<3x2048xf32> to vector<1x2048xf32>
    %mul3A_17 = arith.mulf %slice3A_15, %slice3A_16 : vector<1x2048xf32>
    %add3A_18 = arith.addf %add3A, %mul3A_17 : vector<1x2048xf32>
    %slice3A_19 = vector.extract_strided_slice %get3A_8 {offsets = [0, 0], sizes = [256, 1], strides = [1, 1]} : vector<256x3xf32> to vector<256x1xf32>
    %slice3A_20 = vector.extract_strided_slice %get3A_8 {offsets = [0, 0], sizes = [256, 1], strides = [1, 1]} : vector<256x3xf32> to vector<256x1xf32>
    %mul3A_21 = arith.mulf %slice3A_19, %slice3A_20 : vector<256x1xf32>
    %slice3A_22 = vector.extract_strided_slice %get3A_8 {offsets = [0, 1], sizes = [256, 1], strides = [1, 1]} : vector<256x3xf32> to vector<256x1xf32>
    %slice3A_23 = vector.extract_strided_slice %get3A_8 {offsets = [0, 1], sizes = [256, 1], strides = [1, 1]} : vector<256x3xf32> to vector<256x1xf32>
    %mul3A_24 = arith.mulf %slice3A_22, %slice3A_23 : vector<256x1xf32>
    %add3A_25 = arith.addf %mul3A_21, %mul3A_24 : vector<256x1xf32>
    %slice3A_26 = vector.extract_strided_slice %get3A_8 {offsets = [0, 2], sizes = [256, 1], strides = [1, 1]} : vector<256x3xf32> to vector<256x1xf32>
    %slice3A_27 = vector.extract_strided_slice %get3A_8 {offsets = [0, 2], sizes = [256, 1], strides = [1, 1]} : vector<256x3xf32> to vector<256x1xf32>
    %mul3A_28 = arith.mulf %slice3A_26, %slice3A_27 : vector<256x1xf32>
    %add3A_29 = arith.addf %add3A_25, %mul3A_28 : vector<256x1xf32>
    %mul3A_30 = arith.constant -2.000000e+00 : f32
    %mul3A_31 = vector.broadcast %mul3A_30 : f32 to vector<256x2048xf32>
    %mul3A_32 = arith.mulf %mul3A_31, %dot_general3A_10 : vector<256x2048xf32>
    %add3A_33 = vector.broadcast %add3A_29 : vector<256x1xf32> to vector<256x2048xf32>
    %add3A_34 = arith.addf %mul3A_32, %add3A_33 : vector<256x2048xf32>
    %add3A_35 = vector.broadcast %add3A_18 : vector<1x2048xf32> to vector<256x2048xf32>
    %add3A_36 = arith.addf %add3A_34, %add3A_35 : vector<256x2048xf32>
    %le3A = arith.constant 1.440000e-02 : f32
    %le3A_37 = vector.broadcast %le3A : f32 to vector<256x2048xf32>
    %le3A_38 = arith.cmpf ole, %add3A_36, %le3A_37 : vector<256x2048xf32>
    %convert_element_type3A_39 = arith.extui %le3A_38 : vector<256x2048xi1> to vector<256x2048xi32>
    %broadcast_in_dim3A = arith.constant 0 : i32
    %broadcast_in_dim3A_40 = vector.broadcast %broadcast_in_dim3A : i32 to vector<256x1xi32>
    %slice3A_41 = vector.extract_strided_slice %convert_element_type3A_39 {offsets = [0, 0], sizes = [256, 2047], strides = [1, 1]} : vector<256x2048xi32> to vector<256x2047xi32>
    %concatenate3A = tpu.concatenate %broadcast_in_dim3A_40, %slice3A_41 in 1 : vector<256x1xi32>, vector<256x2047xi32> -> vector<256x2048xi32>
    %add3A_42 = arith.addi %convert_element_type3A_39, %concatenate3A : vector<256x2048xi32>
    %broadcast_in_dim3A_43 = arith.constant 0 : i32
    %broadcast_in_dim3A_44 = vector.broadcast %broadcast_in_dim3A_43 : i32 to vector<256x2xi32>
    %slice3A_45 = vector.extract_strided_slice %add3A_42 {offsets = [0, 0], sizes = [256, 2046], strides = [1, 1]} : vector<256x2048xi32> to vector<256x2046xi32>
    %concatenate3A_46 = tpu.concatenate %broadcast_in_dim3A_44, %slice3A_45 in 1 : vector<256x2xi32>, vector<256x2046xi32> -> vector<256x2048xi32>
    %add3A_47 = arith.addi %add3A_42, %concatenate3A_46 : vector<256x2048xi32>
    %broadcast_in_dim3A_48 = arith.constant 0 : i32
    %broadcast_in_dim3A_49 = vector.broadcast %broadcast_in_dim3A_48 : i32 to vector<256x4xi32>
    %slice3A_50 = vector.extract_strided_slice %add3A_47 {offsets = [0, 0], sizes = [256, 2044], strides = [1, 1]} : vector<256x2048xi32> to vector<256x2044xi32>
    %concatenate3A_51 = tpu.concatenate %broadcast_in_dim3A_49, %slice3A_50 in 1 : vector<256x4xi32>, vector<256x2044xi32> -> vector<256x2048xi32>
    %add3A_52 = arith.addi %add3A_47, %concatenate3A_51 : vector<256x2048xi32>
    %broadcast_in_dim3A_53 = arith.constant 0 : i32
    %broadcast_in_dim3A_54 = vector.broadcast %broadcast_in_dim3A_53 : i32 to vector<256x8xi32>
    %slice3A_55 = vector.extract_strided_slice %add3A_52 {offsets = [0, 0], sizes = [256, 2040], strides = [1, 1]} : vector<256x2048xi32> to vector<256x2040xi32>
    %concatenate3A_56 = tpu.concatenate %broadcast_in_dim3A_54, %slice3A_55 in 1 : vector<256x8xi32>, vector<256x2040xi32> -> vector<256x2048xi32>
    %add3A_57 = arith.addi %add3A_52, %concatenate3A_56 : vector<256x2048xi32>
    %broadcast_in_dim3A_58 = arith.constant 0 : i32
    %broadcast_in_dim3A_59 = vector.broadcast %broadcast_in_dim3A_58 : i32 to vector<256x16xi32>
    %slice3A_60 = vector.extract_strided_slice %add3A_57 {offsets = [0, 0], sizes = [256, 2032], strides = [1, 1]} : vector<256x2048xi32> to vector<256x2032xi32>
    %concatenate3A_61 = tpu.concatenate %broadcast_in_dim3A_59, %slice3A_60 in 1 : vector<256x16xi32>, vector<256x2032xi32> -> vector<256x2048xi32>
    %add3A_62 = arith.addi %add3A_57, %concatenate3A_61 : vector<256x2048xi32>
    %broadcast_in_dim3A_63 = arith.constant 0 : i32
    %broadcast_in_dim3A_64 = vector.broadcast %broadcast_in_dim3A_63 : i32 to vector<256x32xi32>
    %slice3A_65 = vector.extract_strided_slice %add3A_62 {offsets = [0, 0], sizes = [256, 2016], strides = [1, 1]} : vector<256x2048xi32> to vector<256x2016xi32>
    %concatenate3A_66 = tpu.concatenate %broadcast_in_dim3A_64, %slice3A_65 in 1 : vector<256x32xi32>, vector<256x2016xi32> -> vector<256x2048xi32>
    %add3A_67 = arith.addi %add3A_62, %concatenate3A_66 : vector<256x2048xi32>
    %broadcast_in_dim3A_68 = arith.constant 0 : i32
    %broadcast_in_dim3A_69 = vector.broadcast %broadcast_in_dim3A_68 : i32 to vector<256x64xi32>
    %slice3A_70 = vector.extract_strided_slice %add3A_67 {offsets = [0, 0], sizes = [256, 1984], strides = [1, 1]} : vector<256x2048xi32> to vector<256x1984xi32>
    %concatenate3A_71 = tpu.concatenate %broadcast_in_dim3A_69, %slice3A_70 in 1 : vector<256x64xi32>, vector<256x1984xi32> -> vector<256x2048xi32>
    %add3A_72 = arith.addi %add3A_67, %concatenate3A_71 : vector<256x2048xi32>
    %broadcast_in_dim3A_73 = arith.constant 0 : i32
    %broadcast_in_dim3A_74 = vector.broadcast %broadcast_in_dim3A_73 : i32 to vector<256x128xi32>
    %slice3A_75 = vector.extract_strided_slice %add3A_72 {offsets = [0, 0], sizes = [256, 1920], strides = [1, 1]} : vector<256x2048xi32> to vector<256x1920xi32>
    %concatenate3A_76 = tpu.concatenate %broadcast_in_dim3A_74, %slice3A_75 in 1 : vector<256x128xi32>, vector<256x1920xi32> -> vector<256x2048xi32>
    %add3A_77 = arith.addi %add3A_72, %concatenate3A_76 : vector<256x2048xi32>
    %broadcast_in_dim3A_78 = arith.constant 0 : i32
    %broadcast_in_dim3A_79 = vector.broadcast %broadcast_in_dim3A_78 : i32 to vector<256x256xi32>
    %slice3A_80 = vector.extract_strided_slice %add3A_77 {offsets = [0, 0], sizes = [256, 1792], strides = [1, 1]} : vector<256x2048xi32> to vector<256x1792xi32>
    %concatenate3A_81 = tpu.concatenate %broadcast_in_dim3A_79, %slice3A_80 in 1 : vector<256x256xi32>, vector<256x1792xi32> -> vector<256x2048xi32>
    %add3A_82 = arith.addi %add3A_77, %concatenate3A_81 : vector<256x2048xi32>
    %broadcast_in_dim3A_83 = arith.constant 0 : i32
    %broadcast_in_dim3A_84 = vector.broadcast %broadcast_in_dim3A_83 : i32 to vector<256x512xi32>
    %slice3A_85 = vector.extract_strided_slice %add3A_82 {offsets = [0, 0], sizes = [256, 1536], strides = [1, 1]} : vector<256x2048xi32> to vector<256x1536xi32>
    %concatenate3A_86 = tpu.concatenate %broadcast_in_dim3A_84, %slice3A_85 in 1 : vector<256x512xi32>, vector<256x1536xi32> -> vector<256x2048xi32>
    %add3A_87 = arith.addi %add3A_82, %concatenate3A_86 : vector<256x2048xi32>
    %broadcast_in_dim3A_88 = arith.constant 0 : i32
    %broadcast_in_dim3A_89 = vector.broadcast %broadcast_in_dim3A_88 : i32 to vector<256x1024xi32>
    %slice3A_90 = vector.extract_strided_slice %add3A_87 {offsets = [0, 0], sizes = [256, 1024], strides = [1, 1]} : vector<256x2048xi32> to vector<256x1024xi32>
    %concatenate3A_91 = tpu.concatenate %broadcast_in_dim3A_89, %slice3A_90 in 1 : vector<256x1024xi32>, vector<256x1024xi32> -> vector<256x2048xi32>
    %add3A_92 = arith.addi %add3A_87, %concatenate3A_91 : vector<256x2048xi32>
    %slice3A_93 = vector.extract_strided_slice %add3A_92 {offsets = [0, 2047], sizes = [256, 1], strides = [1, 1]} : vector<256x2048xi32> to vector<256x1xi32>
    %min3A = arith.constant 32 : i32
    %min3A_94 = vector.broadcast %min3A : i32 to vector<256x1xi32>
    %min3A_95 = arith.minsi %slice3A_93, %min3A_94 : vector<256x1xi32>
    %sub3A = arith.constant 32 : i32
    %sub3A_96 = vector.broadcast %sub3A : i32 to vector<256x1xi32>
    %sub3A_97 = arith.subi %sub3A_96, %min3A_95 : vector<256x1xi32>
    %convert_element_type3A_98 = arith.sitofp %sub3A_97 : vector<256x1xi32> to vector<256x1xf32>
    %le3A_99 = arith.constant 32 : i32
    %le3A_100 = vector.broadcast %le3A_99 : i32 to vector<256x2048xi32>
    %le3A_101 = arith.cmpi sle, %add3A_92, %le3A_100 : vector<256x2048xi32>
    %and3A = arith.andi %le3A_38, %le3A_101 : vector<256x2048xi1>
    %eq3A = arith.constant 1 : i32
    %eq3A_102 = vector.broadcast %eq3A : i32 to vector<256x2048xi32>
    %eq3A_103 = arith.cmpi eq, %add3A_92, %eq3A_102 : vector<256x2048xi32>
    %and3A_104 = arith.andi %le3A_38, %eq3A_103 : vector<256x2048xi1>
    %convert_element_type3A_105 = arith.extui %and3A : vector<256x2048xi1> to vector<256x2048xi32>
    %convert_element_type3A_106 = arith.sitofp %convert_element_type3A_105 : vector<256x2048xi32> to vector<256x2048xf32>
    %convert_element_type3A_107 = arith.extui %and3A_104 : vector<256x2048xi1> to vector<256x2048xi32>
    %convert_element_type3A_108 = arith.sitofp %convert_element_type3A_107 : vector<256x2048xi32> to vector<256x2048xf32>
    %mul3A_109 = vector.broadcast %convert_element_type3A_98 : vector<256x1xf32> to vector<256x2048xf32>
    %mul3A_110 = arith.mulf %mul3A_109, %convert_element_type3A_108 : vector<256x2048xf32>
    %add3A_111 = arith.addf %convert_element_type3A_106, %mul3A_110 : vector<256x2048xf32>
    %reduce_sum3A = arith.constant dense<0.000000e+00> : vector<2048xf32>
    %reduce_sum3A_112 = vector.multi_reduction <add>, %add3A_111, %reduce_sum3A [0] : vector<256x2048xf32> to vector<2048xf32>
    %broadcast_in_dim3A_113 = vector.shape_cast %reduce_sum3A_112 : vector<2048xf32> to vector<1x2048xf32>
    %eq3A_114 = arith.constant 0 : i32
    %eq3A_115 = arith.cmpi eq, %arg1, %eq3A_114 : i32
    %convert_element_type3A_116 = arith.extui %eq3A_115 : i1 to i32
    %cond3A = arith.constant 0 : i32
    %cond3A_117 = arith.cmpi ne, %convert_element_type3A_116, %cond3A : i32
    scf.if %cond3A_117 {
      %swap3A_478 = arith.constant 0 : index
      %swap3A_479 = arith.constant 0 : index
      %swap3A_480 = arith.constant 0 : index
      %swap3A_481 = vector.load %arg5[%swap3A_478, %swap3A_479, %swap3A_480] : memref<1x1x2048xf32, #tpu.memory_space<vmem>>, vector<1x1x2048xf32>
      %swap3A_482 = vector.shape_cast %swap3A_481 : vector<1x1x2048xf32> to vector<1x2048xf32>
      %swap3A_483 = vector.shape_cast %broadcast_in_dim3A_113 : vector<1x2048xf32> to vector<1x1x2048xf32>
      tpu.vector_store %arg5[%swap3A_478, %swap3A_479, %swap3A_480], %swap3A_483 {strides = array<i32>} : memref<1x1x2048xf32, #tpu.memory_space<vmem>>, vector<1x1x2048xf32>,
    } else {
    }
    %gt3A = arith.constant 0 : i32
    %gt3A_118 = arith.cmpi sgt, %arg1, %gt3A : i32
    %convert_element_type3A_119 = arith.extui %gt3A_118 : i1 to i32
    %cond3A_120 = arith.constant 0 : i32
    %cond3A_121 = arith.cmpi ne, %convert_element_type3A_119, %cond3A_120 : i32
    scf.if %cond3A_121 {
      %get3A_478 = arith.constant 0 : index
      %get3A_479 = arith.constant 0 : index
      %get3A_480 = arith.constant 0 : index
      %get3A_481 = vector.load %arg5[%get3A_478, %get3A_479, %get3A_480] : memref<1x1x2048xf32, #tpu.memory_space<vmem>>, vector<1x1x2048xf32>
      %get3A_482 = vector.shape_cast %get3A_481 : vector<1x1x2048xf32> to vector<1x2048xf32>
      %add3A_483 = arith.addf %get3A_482, %broadcast_in_dim3A_113 : vector<1x2048xf32>
      %swap3A_484 = arith.constant 0 : index
      %swap3A_485 = arith.constant 0 : index
      %swap3A_486 = arith.constant 0 : index
      %swap3A_487 = vector.load %arg5[%swap3A_484, %swap3A_485, %swap3A_486] : memref<1x1x2048xf32, #tpu.memory_space<vmem>>, vector<1x1x2048xf32>
      %swap3A_488 = vector.shape_cast %swap3A_487 : vector<1x1x2048xf32> to vector<1x2048xf32>
      %swap3A_489 = vector.shape_cast %add3A_483 : vector<1x2048xf32> to vector<1x1x2048xf32>
      tpu.vector_store %arg5[%swap3A_484, %swap3A_485, %swap3A_486], %swap3A_489 {strides = array<i32>} : memref<1x1x2048xf32, #tpu.memory_space<vmem>>, vector<1x1x2048xf32>,
    } else {
    }
    %le3A_122 = arith.constant 0 : i32
    %le3A_123 = vector.broadcast %le3A_122 : i32 to vector<256x2048xi32>
    %le3A_124 = arith.cmpi sle, %add3A_92, %le3A_123 : vector<256x2048xi32>
    %convert_element_type3A_125 = arith.extui %le3A_124 : vector<256x2048xi1> to vector<256x2048xi32>
    %reduce_sum3A_126 = arith.constant dense<0> : vector<256xi32>
    %reduce_sum3A_127 = vector.multi_reduction <add>, %convert_element_type3A_125, %reduce_sum3A_126 [1] : vector<256x2048xi32> to vector<256xi32>
    %broadcast_in_dim3A_128 = vector.shape_cast %reduce_sum3A_127 : vector<256xi32> to vector<256x1xi32>
    %le3A_129 = arith.constant 1 : i32
    %le3A_130 = vector.broadcast %le3A_129 : i32 to vector<256x2048xi32>
    %le3A_131 = arith.cmpi sle, %add3A_92, %le3A_130 : vector<256x2048xi32>
    %convert_element_type3A_132 = arith.extui %le3A_131 : vector<256x2048xi1> to vector<256x2048xi32>
    %reduce_sum3A_133 = arith.constant dense<0> : vector<256xi32>
    %reduce_sum3A_134 = vector.multi_reduction <add>, %convert_element_type3A_132, %reduce_sum3A_133 [1] : vector<256x2048xi32> to vector<256xi32>
    %broadcast_in_dim3A_135 = vector.shape_cast %reduce_sum3A_134 : vector<256xi32> to vector<256x1xi32>
    %lt3A = arith.constant 2048 : i32
    %lt3A_136 = vector.broadcast %lt3A : i32 to vector<256x1xi32>
    %lt3A_137 = arith.cmpi slt, %broadcast_in_dim3A_135, %lt3A_136 : vector<256x1xi32>
    %select_n3A = arith.select %lt3A_137, %broadcast_in_dim3A_135, %broadcast_in_dim3A_128 : vector<256x1xi1>, vector<256x1xi32>
    %le3A_138 = arith.constant 2 : i32
    %le3A_139 = vector.broadcast %le3A_138 : i32 to vector<256x2048xi32>
    %le3A_140 = arith.cmpi sle, %add3A_92, %le3A_139 : vector<256x2048xi32>
    %convert_element_type3A_141 = arith.extui %le3A_140 : vector<256x2048xi1> to vector<256x2048xi32>
    %reduce_sum3A_142 = arith.constant dense<0> : vector<256xi32>
    %reduce_sum3A_143 = vector.multi_reduction <add>, %convert_element_type3A_141, %reduce_sum3A_142 [1] : vector<256x2048xi32> to vector<256xi32>
    %broadcast_in_dim3A_144 = vector.shape_cast %reduce_sum3A_143 : vector<256xi32> to vector<256x1xi32>
    %lt3A_145 = arith.constant 2048 : i32
    %lt3A_146 = vector.broadcast %lt3A_145 : i32 to vector<256x1xi32>
    %lt3A_147 = arith.cmpi slt, %broadcast_in_dim3A_144, %lt3A_146 : vector<256x1xi32>
    %select_n3A_148 = arith.select %lt3A_147, %broadcast_in_dim3A_144, %broadcast_in_dim3A_128 : vector<256x1xi1>, vector<256x1xi32>
    %le3A_149 = arith.constant 3 : i32
    %le3A_150 = vector.broadcast %le3A_149 : i32 to vector<256x2048xi32>
    %le3A_151 = arith.cmpi sle, %add3A_92, %le3A_150 : vector<256x2048xi32>
    %convert_element_type3A_152 = arith.extui %le3A_151 : vector<256x2048xi1> to vector<256x2048xi32>
    %reduce_sum3A_153 = arith.constant dense<0> : vector<256xi32>
    %reduce_sum3A_154 = vector.multi_reduction <add>, %convert_element_type3A_152, %reduce_sum3A_153 [1] : vector<256x2048xi32> to vector<256xi32>
    %broadcast_in_dim3A_155 = vector.shape_cast %reduce_sum3A_154 : vector<256xi32> to vector<256x1xi32>
    %lt3A_156 = arith.constant 2048 : i32
    %lt3A_157 = vector.broadcast %lt3A_156 : i32 to vector<256x1xi32>
    %lt3A_158 = arith.cmpi slt, %broadcast_in_dim3A_155, %lt3A_157 : vector<256x1xi32>
    %select_n3A_159 = arith.select %lt3A_158, %broadcast_in_dim3A_155, %broadcast_in_dim3A_128 : vector<256x1xi1>, vector<256x1xi32>
    %le3A_160 = arith.constant 4 : i32
    %le3A_161 = vector.broadcast %le3A_160 : i32 to vector<256x2048xi32>
    %le3A_162 = arith.cmpi sle, %add3A_92, %le3A_161 : vector<256x2048xi32>
    %convert_element_type3A_163 = arith.extui %le3A_162 : vector<256x2048xi1> to vector<256x2048xi32>
    %reduce_sum3A_164 = arith.constant dense<0> : vector<256xi32>
    %reduce_sum3A_165 = vector.multi_reduction <add>, %convert_element_type3A_163, %reduce_sum3A_164 [1] : vector<256x2048xi32> to vector<256xi32>
    %broadcast_in_dim3A_166 = vector.shape_cast %reduce_sum3A_165 : vector<256xi32> to vector<256x1xi32>
    %lt3A_167 = arith.constant 2048 : i32
    %lt3A_168 = vector.broadcast %lt3A_167 : i32 to vector<256x1xi32>
    %lt3A_169 = arith.cmpi slt, %broadcast_in_dim3A_166, %lt3A_168 : vector<256x1xi32>
    %select_n3A_170 = arith.select %lt3A_169, %broadcast_in_dim3A_166, %broadcast_in_dim3A_128 : vector<256x1xi1>, vector<256x1xi32>
    %le3A_171 = arith.constant 5 : i32
    %le3A_172 = vector.broadcast %le3A_171 : i32 to vector<256x2048xi32>
    %le3A_173 = arith.cmpi sle, %add3A_92, %le3A_172 : vector<256x2048xi32>
    %convert_element_type3A_174 = arith.extui %le3A_173 : vector<256x2048xi1> to vector<256x2048xi32>
    %reduce_sum3A_175 = arith.constant dense<0> : vector<256xi32>
    %reduce_sum3A_176 = vector.multi_reduction <add>, %convert_element_type3A_174, %reduce_sum3A_175 [1] : vector<256x2048xi32> to vector<256xi32>
    %broadcast_in_dim3A_177 = vector.shape_cast %reduce_sum3A_176 : vector<256xi32> to vector<256x1xi32>
    %lt3A_178 = arith.constant 2048 : i32
    %lt3A_179 = vector.broadcast %lt3A_178 : i32 to vector<256x1xi32>
    %lt3A_180 = arith.cmpi slt, %broadcast_in_dim3A_177, %lt3A_179 : vector<256x1xi32>
    %select_n3A_181 = arith.select %lt3A_180, %broadcast_in_dim3A_177, %broadcast_in_dim3A_128 : vector<256x1xi1>, vector<256x1xi32>
    %le3A_182 = arith.constant 6 : i32
    %le3A_183 = vector.broadcast %le3A_182 : i32 to vector<256x2048xi32>
    %le3A_184 = arith.cmpi sle, %add3A_92, %le3A_183 : vector<256x2048xi32>
    %convert_element_type3A_185 = arith.extui %le3A_184 : vector<256x2048xi1> to vector<256x2048xi32>
    %reduce_sum3A_186 = arith.constant dense<0> : vector<256xi32>
    %reduce_sum3A_187 = vector.multi_reduction <add>, %convert_element_type3A_185, %reduce_sum3A_186 [1] : vector<256x2048xi32> to vector<256xi32>
    %broadcast_in_dim3A_188 = vector.shape_cast %reduce_sum3A_187 : vector<256xi32> to vector<256x1xi32>
    %lt3A_189 = arith.constant 2048 : i32
    %lt3A_190 = vector.broadcast %lt3A_189 : i32 to vector<256x1xi32>
    %lt3A_191 = arith.cmpi slt, %broadcast_in_dim3A_188, %lt3A_190 : vector<256x1xi32>
    %select_n3A_192 = arith.select %lt3A_191, %broadcast_in_dim3A_188, %broadcast_in_dim3A_128 : vector<256x1xi1>, vector<256x1xi32>
    %le3A_193 = arith.constant 7 : i32
    %le3A_194 = vector.broadcast %le3A_193 : i32 to vector<256x2048xi32>
    %le3A_195 = arith.cmpi sle, %add3A_92, %le3A_194 : vector<256x2048xi32>
    %convert_element_type3A_196 = arith.extui %le3A_195 : vector<256x2048xi1> to vector<256x2048xi32>
    %reduce_sum3A_197 = arith.constant dense<0> : vector<256xi32>
    %reduce_sum3A_198 = vector.multi_reduction <add>, %convert_element_type3A_196, %reduce_sum3A_197 [1] : vector<256x2048xi32> to vector<256xi32>
    %broadcast_in_dim3A_199 = vector.shape_cast %reduce_sum3A_198 : vector<256xi32> to vector<256x1xi32>
    %lt3A_200 = arith.constant 2048 : i32
    %lt3A_201 = vector.broadcast %lt3A_200 : i32 to vector<256x1xi32>
    %lt3A_202 = arith.cmpi slt, %broadcast_in_dim3A_199, %lt3A_201 : vector<256x1xi32>
    %select_n3A_203 = arith.select %lt3A_202, %broadcast_in_dim3A_199, %broadcast_in_dim3A_128 : vector<256x1xi1>, vector<256x1xi32>
    %le3A_204 = arith.constant 8 : i32
    %le3A_205 = vector.broadcast %le3A_204 : i32 to vector<256x2048xi32>
    %le3A_206 = arith.cmpi sle, %add3A_92, %le3A_205 : vector<256x2048xi32>
    %convert_element_type3A_207 = arith.extui %le3A_206 : vector<256x2048xi1> to vector<256x2048xi32>
    %reduce_sum3A_208 = arith.constant dense<0> : vector<256xi32>
    %reduce_sum3A_209 = vector.multi_reduction <add>, %convert_element_type3A_207, %reduce_sum3A_208 [1] : vector<256x2048xi32> to vector<256xi32>
    %broadcast_in_dim3A_210 = vector.shape_cast %reduce_sum3A_209 : vector<256xi32> to vector<256x1xi32>
    %lt3A_211 = arith.constant 2048 : i32
    %lt3A_212 = vector.broadcast %lt3A_211 : i32 to vector<256x1xi32>
    %lt3A_213 = arith.cmpi slt, %broadcast_in_dim3A_210, %lt3A_212 : vector<256x1xi32>
    %select_n3A_214 = arith.select %lt3A_213, %broadcast_in_dim3A_210, %broadcast_in_dim3A_128 : vector<256x1xi1>, vector<256x1xi32>
    %le3A_215 = arith.constant 9 : i32
    %le3A_216 = vector.broadcast %le3A_215 : i32 to vector<256x2048xi32>
    %le3A_217 = arith.cmpi sle, %add3A_92, %le3A_216 : vector<256x2048xi32>
    %convert_element_type3A_218 = arith.extui %le3A_217 : vector<256x2048xi1> to vector<256x2048xi32>
    %reduce_sum3A_219 = arith.constant dense<0> : vector<256xi32>
    %reduce_sum3A_220 = vector.multi_reduction <add>, %convert_element_type3A_218, %reduce_sum3A_219 [1] : vector<256x2048xi32> to vector<256xi32>
    %broadcast_in_dim3A_221 = vector.shape_cast %reduce_sum3A_220 : vector<256xi32> to vector<256x1xi32>
    %lt3A_222 = arith.constant 2048 : i32
    %lt3A_223 = vector.broadcast %lt3A_222 : i32 to vector<256x1xi32>
    %lt3A_224 = arith.cmpi slt, %broadcast_in_dim3A_221, %lt3A_223 : vector<256x1xi32>
    %select_n3A_225 = arith.select %lt3A_224, %broadcast_in_dim3A_221, %broadcast_in_dim3A_128 : vector<256x1xi1>, vector<256x1xi32>
    %le3A_226 = arith.constant 10 : i32
    %le3A_227 = vector.broadcast %le3A_226 : i32 to vector<256x2048xi32>
    %le3A_228 = arith.cmpi sle, %add3A_92, %le3A_227 : vector<256x2048xi32>
    %convert_element_type3A_229 = arith.extui %le3A_228 : vector<256x2048xi1> to vector<256x2048xi32>
    %reduce_sum3A_230 = arith.constant dense<0> : vector<256xi32>
    %reduce_sum3A_231 = vector.multi_reduction <add>, %convert_element_type3A_229, %reduce_sum3A_230 [1] : vector<256x2048xi32> to vector<256xi32>
    %broadcast_in_dim3A_232 = vector.shape_cast %reduce_sum3A_231 : vector<256xi32> to vector<256x1xi32>
    %lt3A_233 = arith.constant 2048 : i32
    %lt3A_234 = vector.broadcast %lt3A_233 : i32 to vector<256x1xi32>
    %lt3A_235 = arith.cmpi slt, %broadcast_in_dim3A_232, %lt3A_234 : vector<256x1xi32>
    %select_n3A_236 = arith.select %lt3A_235, %broadcast_in_dim3A_232, %broadcast_in_dim3A_128 : vector<256x1xi1>, vector<256x1xi32>
    %le3A_237 = arith.constant 11 : i32
    %le3A_238 = vector.broadcast %le3A_237 : i32 to vector<256x2048xi32>
    %le3A_239 = arith.cmpi sle, %add3A_92, %le3A_238 : vector<256x2048xi32>
    %convert_element_type3A_240 = arith.extui %le3A_239 : vector<256x2048xi1> to vector<256x2048xi32>
    %reduce_sum3A_241 = arith.constant dense<0> : vector<256xi32>
    %reduce_sum3A_242 = vector.multi_reduction <add>, %convert_element_type3A_240, %reduce_sum3A_241 [1] : vector<256x2048xi32> to vector<256xi32>
    %broadcast_in_dim3A_243 = vector.shape_cast %reduce_sum3A_242 : vector<256xi32> to vector<256x1xi32>
    %lt3A_244 = arith.constant 2048 : i32
    %lt3A_245 = vector.broadcast %lt3A_244 : i32 to vector<256x1xi32>
    %lt3A_246 = arith.cmpi slt, %broadcast_in_dim3A_243, %lt3A_245 : vector<256x1xi32>
    %select_n3A_247 = arith.select %lt3A_246, %broadcast_in_dim3A_243, %broadcast_in_dim3A_128 : vector<256x1xi1>, vector<256x1xi32>
    %le3A_248 = arith.constant 12 : i32
    %le3A_249 = vector.broadcast %le3A_248 : i32 to vector<256x2048xi32>
    %le3A_250 = arith.cmpi sle, %add3A_92, %le3A_249 : vector<256x2048xi32>
    %convert_element_type3A_251 = arith.extui %le3A_250 : vector<256x2048xi1> to vector<256x2048xi32>
    %reduce_sum3A_252 = arith.constant dense<0> : vector<256xi32>
    %reduce_sum3A_253 = vector.multi_reduction <add>, %convert_element_type3A_251, %reduce_sum3A_252 [1] : vector<256x2048xi32> to vector<256xi32>
    %broadcast_in_dim3A_254 = vector.shape_cast %reduce_sum3A_253 : vector<256xi32> to vector<256x1xi32>
    %lt3A_255 = arith.constant 2048 : i32
    %lt3A_256 = vector.broadcast %lt3A_255 : i32 to vector<256x1xi32>
    %lt3A_257 = arith.cmpi slt, %broadcast_in_dim3A_254, %lt3A_256 : vector<256x1xi32>
    %select_n3A_258 = arith.select %lt3A_257, %broadcast_in_dim3A_254, %broadcast_in_dim3A_128 : vector<256x1xi1>, vector<256x1xi32>
    %le3A_259 = arith.constant 13 : i32
    %le3A_260 = vector.broadcast %le3A_259 : i32 to vector<256x2048xi32>
    %le3A_261 = arith.cmpi sle, %add3A_92, %le3A_260 : vector<256x2048xi32>
    %convert_element_type3A_262 = arith.extui %le3A_261 : vector<256x2048xi1> to vector<256x2048xi32>
    %reduce_sum3A_263 = arith.constant dense<0> : vector<256xi32>
    %reduce_sum3A_264 = vector.multi_reduction <add>, %convert_element_type3A_262, %reduce_sum3A_263 [1] : vector<256x2048xi32> to vector<256xi32>
    %broadcast_in_dim3A_265 = vector.shape_cast %reduce_sum3A_264 : vector<256xi32> to vector<256x1xi32>
    %lt3A_266 = arith.constant 2048 : i32
    %lt3A_267 = vector.broadcast %lt3A_266 : i32 to vector<256x1xi32>
    %lt3A_268 = arith.cmpi slt, %broadcast_in_dim3A_265, %lt3A_267 : vector<256x1xi32>
    %select_n3A_269 = arith.select %lt3A_268, %broadcast_in_dim3A_265, %broadcast_in_dim3A_128 : vector<256x1xi1>, vector<256x1xi32>
    %le3A_270 = arith.constant 14 : i32
    %le3A_271 = vector.broadcast %le3A_270 : i32 to vector<256x2048xi32>
    %le3A_272 = arith.cmpi sle, %add3A_92, %le3A_271 : vector<256x2048xi32>
    %convert_element_type3A_273 = arith.extui %le3A_272 : vector<256x2048xi1> to vector<256x2048xi32>
    %reduce_sum3A_274 = arith.constant dense<0> : vector<256xi32>
    %reduce_sum3A_275 = vector.multi_reduction <add>, %convert_element_type3A_273, %reduce_sum3A_274 [1] : vector<256x2048xi32> to vector<256xi32>
    %broadcast_in_dim3A_276 = vector.shape_cast %reduce_sum3A_275 : vector<256xi32> to vector<256x1xi32>
    %lt3A_277 = arith.constant 2048 : i32
    %lt3A_278 = vector.broadcast %lt3A_277 : i32 to vector<256x1xi32>
    %lt3A_279 = arith.cmpi slt, %broadcast_in_dim3A_276, %lt3A_278 : vector<256x1xi32>
    %select_n3A_280 = arith.select %lt3A_279, %broadcast_in_dim3A_276, %broadcast_in_dim3A_128 : vector<256x1xi1>, vector<256x1xi32>
    %le3A_281 = arith.constant 15 : i32
    %le3A_282 = vector.broadcast %le3A_281 : i32 to vector<256x2048xi32>
    %le3A_283 = arith.cmpi sle, %add3A_92, %le3A_282 : vector<256x2048xi32>
    %convert_element_type3A_284 = arith.extui %le3A_283 : vector<256x2048xi1> to vector<256x2048xi32>
    %reduce_sum3A_285 = arith.constant dense<0> : vector<256xi32>
    %reduce_sum3A_286 = vector.multi_reduction <add>, %convert_element_type3A_284, %reduce_sum3A_285 [1] : vector<256x2048xi32> to vector<256xi32>
    %broadcast_in_dim3A_287 = vector.shape_cast %reduce_sum3A_286 : vector<256xi32> to vector<256x1xi32>
    %lt3A_288 = arith.constant 2048 : i32
    %lt3A_289 = vector.broadcast %lt3A_288 : i32 to vector<256x1xi32>
    %lt3A_290 = arith.cmpi slt, %broadcast_in_dim3A_287, %lt3A_289 : vector<256x1xi32>
    %select_n3A_291 = arith.select %lt3A_290, %broadcast_in_dim3A_287, %broadcast_in_dim3A_128 : vector<256x1xi1>, vector<256x1xi32>
    %le3A_292 = arith.constant 16 : i32
    %le3A_293 = vector.broadcast %le3A_292 : i32 to vector<256x2048xi32>
    %le3A_294 = arith.cmpi sle, %add3A_92, %le3A_293 : vector<256x2048xi32>
    %convert_element_type3A_295 = arith.extui %le3A_294 : vector<256x2048xi1> to vector<256x2048xi32>
    %reduce_sum3A_296 = arith.constant dense<0> : vector<256xi32>
    %reduce_sum3A_297 = vector.multi_reduction <add>, %convert_element_type3A_295, %reduce_sum3A_296 [1] : vector<256x2048xi32> to vector<256xi32>
    %broadcast_in_dim3A_298 = vector.shape_cast %reduce_sum3A_297 : vector<256xi32> to vector<256x1xi32>
    %lt3A_299 = arith.constant 2048 : i32
    %lt3A_300 = vector.broadcast %lt3A_299 : i32 to vector<256x1xi32>
    %lt3A_301 = arith.cmpi slt, %broadcast_in_dim3A_298, %lt3A_300 : vector<256x1xi32>
    %select_n3A_302 = arith.select %lt3A_301, %broadcast_in_dim3A_298, %broadcast_in_dim3A_128 : vector<256x1xi1>, vector<256x1xi32>
    %le3A_303 = arith.constant 17 : i32
    %le3A_304 = vector.broadcast %le3A_303 : i32 to vector<256x2048xi32>
    %le3A_305 = arith.cmpi sle, %add3A_92, %le3A_304 : vector<256x2048xi32>
    %convert_element_type3A_306 = arith.extui %le3A_305 : vector<256x2048xi1> to vector<256x2048xi32>
    %reduce_sum3A_307 = arith.constant dense<0> : vector<256xi32>
    %reduce_sum3A_308 = vector.multi_reduction <add>, %convert_element_type3A_306, %reduce_sum3A_307 [1] : vector<256x2048xi32> to vector<256xi32>
    %broadcast_in_dim3A_309 = vector.shape_cast %reduce_sum3A_308 : vector<256xi32> to vector<256x1xi32>
    %lt3A_310 = arith.constant 2048 : i32
    %lt3A_311 = vector.broadcast %lt3A_310 : i32 to vector<256x1xi32>
    %lt3A_312 = arith.cmpi slt, %broadcast_in_dim3A_309, %lt3A_311 : vector<256x1xi32>
    %select_n3A_313 = arith.select %lt3A_312, %broadcast_in_dim3A_309, %broadcast_in_dim3A_128 : vector<256x1xi1>, vector<256x1xi32>
    %le3A_314 = arith.constant 18 : i32
    %le3A_315 = vector.broadcast %le3A_314 : i32 to vector<256x2048xi32>
    %le3A_316 = arith.cmpi sle, %add3A_92, %le3A_315 : vector<256x2048xi32>
    %convert_element_type3A_317 = arith.extui %le3A_316 : vector<256x2048xi1> to vector<256x2048xi32>
    %reduce_sum3A_318 = arith.constant dense<0> : vector<256xi32>
    %reduce_sum3A_319 = vector.multi_reduction <add>, %convert_element_type3A_317, %reduce_sum3A_318 [1] : vector<256x2048xi32> to vector<256xi32>
    %broadcast_in_dim3A_320 = vector.shape_cast %reduce_sum3A_319 : vector<256xi32> to vector<256x1xi32>
    %lt3A_321 = arith.constant 2048 : i32
    %lt3A_322 = vector.broadcast %lt3A_321 : i32 to vector<256x1xi32>
    %lt3A_323 = arith.cmpi slt, %broadcast_in_dim3A_320, %lt3A_322 : vector<256x1xi32>
    %select_n3A_324 = arith.select %lt3A_323, %broadcast_in_dim3A_320, %broadcast_in_dim3A_128 : vector<256x1xi1>, vector<256x1xi32>
    %le3A_325 = arith.constant 19 : i32
    %le3A_326 = vector.broadcast %le3A_325 : i32 to vector<256x2048xi32>
    %le3A_327 = arith.cmpi sle, %add3A_92, %le3A_326 : vector<256x2048xi32>
    %convert_element_type3A_328 = arith.extui %le3A_327 : vector<256x2048xi1> to vector<256x2048xi32>
    %reduce_sum3A_329 = arith.constant dense<0> : vector<256xi32>
    %reduce_sum3A_330 = vector.multi_reduction <add>, %convert_element_type3A_328, %reduce_sum3A_329 [1] : vector<256x2048xi32> to vector<256xi32>
    %broadcast_in_dim3A_331 = vector.shape_cast %reduce_sum3A_330 : vector<256xi32> to vector<256x1xi32>
    %lt3A_332 = arith.constant 2048 : i32
    %lt3A_333 = vector.broadcast %lt3A_332 : i32 to vector<256x1xi32>
    %lt3A_334 = arith.cmpi slt, %broadcast_in_dim3A_331, %lt3A_333 : vector<256x1xi32>
    %select_n3A_335 = arith.select %lt3A_334, %broadcast_in_dim3A_331, %broadcast_in_dim3A_128 : vector<256x1xi1>, vector<256x1xi32>
    %le3A_336 = arith.constant 20 : i32
    %le3A_337 = vector.broadcast %le3A_336 : i32 to vector<256x2048xi32>
    %le3A_338 = arith.cmpi sle, %add3A_92, %le3A_337 : vector<256x2048xi32>
    %convert_element_type3A_339 = arith.extui %le3A_338 : vector<256x2048xi1> to vector<256x2048xi32>
    %reduce_sum3A_340 = arith.constant dense<0> : vector<256xi32>
    %reduce_sum3A_341 = vector.multi_reduction <add>, %convert_element_type3A_339, %reduce_sum3A_340 [1] : vector<256x2048xi32> to vector<256xi32>
    %broadcast_in_dim3A_342 = vector.shape_cast %reduce_sum3A_341 : vector<256xi32> to vector<256x1xi32>
    %lt3A_343 = arith.constant 2048 : i32
    %lt3A_344 = vector.broadcast %lt3A_343 : i32 to vector<256x1xi32>
    %lt3A_345 = arith.cmpi slt, %broadcast_in_dim3A_342, %lt3A_344 : vector<256x1xi32>
    %select_n3A_346 = arith.select %lt3A_345, %broadcast_in_dim3A_342, %broadcast_in_dim3A_128 : vector<256x1xi1>, vector<256x1xi32>
    %le3A_347 = arith.constant 21 : i32
    %le3A_348 = vector.broadcast %le3A_347 : i32 to vector<256x2048xi32>
    %le3A_349 = arith.cmpi sle, %add3A_92, %le3A_348 : vector<256x2048xi32>
    %convert_element_type3A_350 = arith.extui %le3A_349 : vector<256x2048xi1> to vector<256x2048xi32>
    %reduce_sum3A_351 = arith.constant dense<0> : vector<256xi32>
    %reduce_sum3A_352 = vector.multi_reduction <add>, %convert_element_type3A_350, %reduce_sum3A_351 [1] : vector<256x2048xi32> to vector<256xi32>
    %broadcast_in_dim3A_353 = vector.shape_cast %reduce_sum3A_352 : vector<256xi32> to vector<256x1xi32>
    %lt3A_354 = arith.constant 2048 : i32
    %lt3A_355 = vector.broadcast %lt3A_354 : i32 to vector<256x1xi32>
    %lt3A_356 = arith.cmpi slt, %broadcast_in_dim3A_353, %lt3A_355 : vector<256x1xi32>
    %select_n3A_357 = arith.select %lt3A_356, %broadcast_in_dim3A_353, %broadcast_in_dim3A_128 : vector<256x1xi1>, vector<256x1xi32>
    %le3A_358 = arith.constant 22 : i32
    %le3A_359 = vector.broadcast %le3A_358 : i32 to vector<256x2048xi32>
    %le3A_360 = arith.cmpi sle, %add3A_92, %le3A_359 : vector<256x2048xi32>
    %convert_element_type3A_361 = arith.extui %le3A_360 : vector<256x2048xi1> to vector<256x2048xi32>
    %reduce_sum3A_362 = arith.constant dense<0> : vector<256xi32>
    %reduce_sum3A_363 = vector.multi_reduction <add>, %convert_element_type3A_361, %reduce_sum3A_362 [1] : vector<256x2048xi32> to vector<256xi32>
    %broadcast_in_dim3A_364 = vector.shape_cast %reduce_sum3A_363 : vector<256xi32> to vector<256x1xi32>
    %lt3A_365 = arith.constant 2048 : i32
    %lt3A_366 = vector.broadcast %lt3A_365 : i32 to vector<256x1xi32>
    %lt3A_367 = arith.cmpi slt, %broadcast_in_dim3A_364, %lt3A_366 : vector<256x1xi32>
    %select_n3A_368 = arith.select %lt3A_367, %broadcast_in_dim3A_364, %broadcast_in_dim3A_128 : vector<256x1xi1>, vector<256x1xi32>
    %le3A_369 = arith.constant 23 : i32
    %le3A_370 = vector.broadcast %le3A_369 : i32 to vector<256x2048xi32>
    %le3A_371 = arith.cmpi sle, %add3A_92, %le3A_370 : vector<256x2048xi32>
    %convert_element_type3A_372 = arith.extui %le3A_371 : vector<256x2048xi1> to vector<256x2048xi32>
    %reduce_sum3A_373 = arith.constant dense<0> : vector<256xi32>
    %reduce_sum3A_374 = vector.multi_reduction <add>, %convert_element_type3A_372, %reduce_sum3A_373 [1] : vector<256x2048xi32> to vector<256xi32>
    %broadcast_in_dim3A_375 = vector.shape_cast %reduce_sum3A_374 : vector<256xi32> to vector<256x1xi32>
    %lt3A_376 = arith.constant 2048 : i32
    %lt3A_377 = vector.broadcast %lt3A_376 : i32 to vector<256x1xi32>
    %lt3A_378 = arith.cmpi slt, %broadcast_in_dim3A_375, %lt3A_377 : vector<256x1xi32>
    %select_n3A_379 = arith.select %lt3A_378, %broadcast_in_dim3A_375, %broadcast_in_dim3A_128 : vector<256x1xi1>, vector<256x1xi32>
    %le3A_380 = arith.constant 24 : i32
    %le3A_381 = vector.broadcast %le3A_380 : i32 to vector<256x2048xi32>
    %le3A_382 = arith.cmpi sle, %add3A_92, %le3A_381 : vector<256x2048xi32>
    %convert_element_type3A_383 = arith.extui %le3A_382 : vector<256x2048xi1> to vector<256x2048xi32>
    %reduce_sum3A_384 = arith.constant dense<0> : vector<256xi32>
    %reduce_sum3A_385 = vector.multi_reduction <add>, %convert_element_type3A_383, %reduce_sum3A_384 [1] : vector<256x2048xi32> to vector<256xi32>
    %broadcast_in_dim3A_386 = vector.shape_cast %reduce_sum3A_385 : vector<256xi32> to vector<256x1xi32>
    %lt3A_387 = arith.constant 2048 : i32
    %lt3A_388 = vector.broadcast %lt3A_387 : i32 to vector<256x1xi32>
    %lt3A_389 = arith.cmpi slt, %broadcast_in_dim3A_386, %lt3A_388 : vector<256x1xi32>
    %select_n3A_390 = arith.select %lt3A_389, %broadcast_in_dim3A_386, %broadcast_in_dim3A_128 : vector<256x1xi1>, vector<256x1xi32>
    %le3A_391 = arith.constant 25 : i32
    %le3A_392 = vector.broadcast %le3A_391 : i32 to vector<256x2048xi32>
    %le3A_393 = arith.cmpi sle, %add3A_92, %le3A_392 : vector<256x2048xi32>
    %convert_element_type3A_394 = arith.extui %le3A_393 : vector<256x2048xi1> to vector<256x2048xi32>
    %reduce_sum3A_395 = arith.constant dense<0> : vector<256xi32>
    %reduce_sum3A_396 = vector.multi_reduction <add>, %convert_element_type3A_394, %reduce_sum3A_395 [1] : vector<256x2048xi32> to vector<256xi32>
    %broadcast_in_dim3A_397 = vector.shape_cast %reduce_sum3A_396 : vector<256xi32> to vector<256x1xi32>
    %lt3A_398 = arith.constant 2048 : i32
    %lt3A_399 = vector.broadcast %lt3A_398 : i32 to vector<256x1xi32>
    %lt3A_400 = arith.cmpi slt, %broadcast_in_dim3A_397, %lt3A_399 : vector<256x1xi32>
    %select_n3A_401 = arith.select %lt3A_400, %broadcast_in_dim3A_397, %broadcast_in_dim3A_128 : vector<256x1xi1>, vector<256x1xi32>
    %le3A_402 = arith.constant 26 : i32
    %le3A_403 = vector.broadcast %le3A_402 : i32 to vector<256x2048xi32>
    %le3A_404 = arith.cmpi sle, %add3A_92, %le3A_403 : vector<256x2048xi32>
    %convert_element_type3A_405 = arith.extui %le3A_404 : vector<256x2048xi1> to vector<256x2048xi32>
    %reduce_sum3A_406 = arith.constant dense<0> : vector<256xi32>
    %reduce_sum3A_407 = vector.multi_reduction <add>, %convert_element_type3A_405, %reduce_sum3A_406 [1] : vector<256x2048xi32> to vector<256xi32>
    %broadcast_in_dim3A_408 = vector.shape_cast %reduce_sum3A_407 : vector<256xi32> to vector<256x1xi32>
    %lt3A_409 = arith.constant 2048 : i32
    %lt3A_410 = vector.broadcast %lt3A_409 : i32 to vector<256x1xi32>
    %lt3A_411 = arith.cmpi slt, %broadcast_in_dim3A_408, %lt3A_410 : vector<256x1xi32>
    %select_n3A_412 = arith.select %lt3A_411, %broadcast_in_dim3A_408, %broadcast_in_dim3A_128 : vector<256x1xi1>, vector<256x1xi32>
    %le3A_413 = arith.constant 27 : i32
    %le3A_414 = vector.broadcast %le3A_413 : i32 to vector<256x2048xi32>
    %le3A_415 = arith.cmpi sle, %add3A_92, %le3A_414 : vector<256x2048xi32>
    %convert_element_type3A_416 = arith.extui %le3A_415 : vector<256x2048xi1> to vector<256x2048xi32>
    %reduce_sum3A_417 = arith.constant dense<0> : vector<256xi32>
    %reduce_sum3A_418 = vector.multi_reduction <add>, %convert_element_type3A_416, %reduce_sum3A_417 [1] : vector<256x2048xi32> to vector<256xi32>
    %broadcast_in_dim3A_419 = vector.shape_cast %reduce_sum3A_418 : vector<256xi32> to vector<256x1xi32>
    %lt3A_420 = arith.constant 2048 : i32
    %lt3A_421 = vector.broadcast %lt3A_420 : i32 to vector<256x1xi32>
    %lt3A_422 = arith.cmpi slt, %broadcast_in_dim3A_419, %lt3A_421 : vector<256x1xi32>
    %select_n3A_423 = arith.select %lt3A_422, %broadcast_in_dim3A_419, %broadcast_in_dim3A_128 : vector<256x1xi1>, vector<256x1xi32>
    %le3A_424 = arith.constant 28 : i32
    %le3A_425 = vector.broadcast %le3A_424 : i32 to vector<256x2048xi32>
    %le3A_426 = arith.cmpi sle, %add3A_92, %le3A_425 : vector<256x2048xi32>
    %convert_element_type3A_427 = arith.extui %le3A_426 : vector<256x2048xi1> to vector<256x2048xi32>
    %reduce_sum3A_428 = arith.constant dense<0> : vector<256xi32>
    %reduce_sum3A_429 = vector.multi_reduction <add>, %convert_element_type3A_427, %reduce_sum3A_428 [1] : vector<256x2048xi32> to vector<256xi32>
    %broadcast_in_dim3A_430 = vector.shape_cast %reduce_sum3A_429 : vector<256xi32> to vector<256x1xi32>
    %lt3A_431 = arith.constant 2048 : i32
    %lt3A_432 = vector.broadcast %lt3A_431 : i32 to vector<256x1xi32>
    %lt3A_433 = arith.cmpi slt, %broadcast_in_dim3A_430, %lt3A_432 : vector<256x1xi32>
    %select_n3A_434 = arith.select %lt3A_433, %broadcast_in_dim3A_430, %broadcast_in_dim3A_128 : vector<256x1xi1>, vector<256x1xi32>
    %le3A_435 = arith.constant 29 : i32
    %le3A_436 = vector.broadcast %le3A_435 : i32 to vector<256x2048xi32>
    %le3A_437 = arith.cmpi sle, %add3A_92, %le3A_436 : vector<256x2048xi32>
    %convert_element_type3A_438 = arith.extui %le3A_437 : vector<256x2048xi1> to vector<256x2048xi32>
    %reduce_sum3A_439 = arith.constant dense<0> : vector<256xi32>
    %reduce_sum3A_440 = vector.multi_reduction <add>, %convert_element_type3A_438, %reduce_sum3A_439 [1] : vector<256x2048xi32> to vector<256xi32>
    %broadcast_in_dim3A_441 = vector.shape_cast %reduce_sum3A_440 : vector<256xi32> to vector<256x1xi32>
    %lt3A_442 = arith.constant 2048 : i32
    %lt3A_443 = vector.broadcast %lt3A_442 : i32 to vector<256x1xi32>
    %lt3A_444 = arith.cmpi slt, %broadcast_in_dim3A_441, %lt3A_443 : vector<256x1xi32>
    %select_n3A_445 = arith.select %lt3A_444, %broadcast_in_dim3A_441, %broadcast_in_dim3A_128 : vector<256x1xi1>, vector<256x1xi32>
    %le3A_446 = arith.constant 30 : i32
    %le3A_447 = vector.broadcast %le3A_446 : i32 to vector<256x2048xi32>
    %le3A_448 = arith.cmpi sle, %add3A_92, %le3A_447 : vector<256x2048xi32>
    %convert_element_type3A_449 = arith.extui %le3A_448 : vector<256x2048xi1> to vector<256x2048xi32>
    %reduce_sum3A_450 = arith.constant dense<0> : vector<256xi32>
    %reduce_sum3A_451 = vector.multi_reduction <add>, %convert_element_type3A_449, %reduce_sum3A_450 [1] : vector<256x2048xi32> to vector<256xi32>
    %broadcast_in_dim3A_452 = vector.shape_cast %reduce_sum3A_451 : vector<256xi32> to vector<256x1xi32>
    %lt3A_453 = arith.constant 2048 : i32
    %lt3A_454 = vector.broadcast %lt3A_453 : i32 to vector<256x1xi32>
    %lt3A_455 = arith.cmpi slt, %broadcast_in_dim3A_452, %lt3A_454 : vector<256x1xi32>
    %select_n3A_456 = arith.select %lt3A_455, %broadcast_in_dim3A_452, %broadcast_in_dim3A_128 : vector<256x1xi1>, vector<256x1xi32>
    %le3A_457 = arith.constant 31 : i32
    %le3A_458 = vector.broadcast %le3A_457 : i32 to vector<256x2048xi32>
    %le3A_459 = arith.cmpi sle, %add3A_92, %le3A_458 : vector<256x2048xi32>
    %convert_element_type3A_460 = arith.extui %le3A_459 : vector<256x2048xi1> to vector<256x2048xi32>
    %reduce_sum3A_461 = arith.constant dense<0> : vector<256xi32>
    %reduce_sum3A_462 = vector.multi_reduction <add>, %convert_element_type3A_460, %reduce_sum3A_461 [1] : vector<256x2048xi32> to vector<256xi32>
    %broadcast_in_dim3A_463 = vector.shape_cast %reduce_sum3A_462 : vector<256xi32> to vector<256x1xi32>
    %lt3A_464 = arith.constant 2048 : i32
    %lt3A_465 = vector.broadcast %lt3A_464 : i32 to vector<256x1xi32>
    %lt3A_466 = arith.cmpi slt, %broadcast_in_dim3A_463, %lt3A_465 : vector<256x1xi32>
    %select_n3A_467 = arith.select %lt3A_466, %broadcast_in_dim3A_463, %broadcast_in_dim3A_128 : vector<256x1xi1>, vector<256x1xi32>
    %concatenate3A_468 = tpu.concatenate %broadcast_in_dim3A_128, %select_n3A, %select_n3A_148, %select_n3A_159, %select_n3A_170, %select_n3A_181, %select_n3A_192, %select_n3A_203, %select_n3A_214, %select_n3A_225, %select_n3A_236, %select_n3A_247, %select_n3A_258, %select_n3A_269, %select_n3A_280, %select_n3A_291, %select_n3A_302, %select_n3A_313, %select_n3A_324, %select_n3A_335, %select_n3A_346, %select_n3A_357, %select_n3A_368, %select_n3A_379, %select_n3A_390, %select_n3A_401, %select_n3A_412, %select_n3A_423, %select_n3A_434, %select_n3A_445, %select_n3A_456, %select_n3A_467 in 1 : vector<256x1xi32>, vector<256x1xi32>, vector<256x1xi32>, vector<256x1xi32>, vector<256x1xi32>, vector<256x1xi32>, vector<256x1xi32>, vector<256x1xi32>, vector<256x1xi32>, vector<256x1xi32>, vector<256x1xi32>, vector<256x1xi32>, vector<256x1xi32>, vector<256x1xi32>, vector<256x1xi32>, vector<256x1xi32>, vector<256x1xi32>, vector<256x1xi32>, vector<256x1xi32>, vector<256x1xi32>, vector<256x1xi32>, vector<256x1xi32>, vector<256x1xi32>, vector<256x1xi32>, vector<256x1xi32>, vector<256x1xi32>, vector<256x1xi32>, vector<256x1xi32>, vector<256x1xi32>, vector<256x1xi32>, vector<256x1xi32>, vector<256x1xi32> -> vector<256x32xi32>
    %mul3A_469 = arith.constant 2048 : i32
    %mul3A_470 = arith.muli %arg0, %mul3A_469 : i32
    %add3A_471 = vector.broadcast %mul3A_470 : i32 to vector<256x32xi32>
    %add3A_472 = arith.addi %concatenate3A_468, %add3A_471 : vector<256x32xi32>
    %swap3A = arith.constant 0 : index
    %swap3A_473 = arith.constant 0 : index
    %swap3A_474 = arith.constant 0 : index
    %swap3A_475 = vector.load %arg4[%swap3A, %swap3A_473, %swap3A_474] : memref<1x256x32xi32, #tpu.memory_space<vmem>>, vector<1x256x32xi32>
    %swap3A_476 = vector.shape_cast %swap3A_475 : vector<1x256x32xi32> to vector<256x32xi32>
    %swap3A_477 = vector.shape_cast %add3A_472 : vector<256x32xi32> to vector<1x256x32xi32>
    tpu.vector_store %arg4[%swap3A, %swap3A_473, %swap3A_474], %swap3A_477 {strides = array<i32>} : memref<1x256x32xi32, #tpu.memory_space<vmem>>, vector<1x256x32xi32>,
    return
  }
  func.func @transform_0(%arg0: i32, %arg1: i32) -> (i32, i32, i32) {
    %c0_i32 = arith.constant 0 : i32
    %c0_i32_0 = arith.constant 0 : i32
    %c0_i32_1 = arith.constant 0 : i32
    return %arg0, %c0_i32, %c0_i32_0 : i32, i32, i32
  }
  func.func @transform_1(%arg0: i32, %arg1: i32) -> (i32, i32, i32) {
    %c0_i32 = arith.constant 0 : i32
    %c0_i32_0 = arith.constant 0 : i32
    return %arg0, %arg1, %c0_i32 : i32, i32, i32
  }
  func.func @transform_2(%arg0: i32, %arg1: i32) -> (i32, i32, i32) {
    %c0_i32 = arith.constant 0 : i32
    %c0_i32_0 = arith.constant 0 : i32
    return %arg0, %arg1, %c0_i32 : i32, i32, i32
  }
  func.func @transform_3(%arg0: i32, %arg1: i32) -> (i32, i32, i32) {
    %c0_i32 = arith.constant 0 : i32
    %c0_i32_0 = arith.constant 0 : i32
    %c0_i32_1 = arith.constant 0 : i32
    return %arg0, %c0_i32, %c0_i32_0 : i32, i32, i32
  }
}

module attributes {stable_mosaic.version = 14 : i64} {
  func.func @_k4_body(%arg0: i32, %arg1: memref<1x2048x256xf32, #tpu.memory_space<vmem>>, %arg2: memref<1x2048x256xf32, #tpu.memory_space<vmem>>, %arg3: memref<1x1x2048xf32, #tpu.memory_space<vmem>>, %arg4: memref<1x64x2048xf32, #tpu.memory_space<vmem>>, %arg5: memref<64x256xf32, #tpu.memory_space<vmem>>, %arg6: memref<64x1xf32, #tpu.memory_space<vmem>>, %arg7: memref<1x256xf32, #tpu.memory_space<vmem>>, %arg8: memref<1x256xf32, #tpu.memory_space<vmem>>, %arg9: memref<64x1xf32, #tpu.memory_space<vmem>>, %arg10: memref<64x1xf32, #tpu.memory_space<vmem>>, %arg11: memref<1x64x2048xf32, #tpu.memory_space<vmem>>) attributes {dimension_semantics = [#tpu.dimension_semantics<arbitrary>], iteration_bounds = array<i64: 4>, scalar_prefetch = 0 : i64, scratch_operands = 0 : i64, tpu.core_type = #tpu.core_type<tc>, window_params = [{transform_indices = @transform_0, window_bounds = array<i64: 1, 2048, 256>}, {transform_indices = @transform_1, window_bounds = array<i64: 1, 2048, 256>}, {transform_indices = @transform_2, window_bounds = array<i64: 1, 1, 2048>}, {transform_indices = @transform_3, window_bounds = array<i64: 1, 64, 2048>}, {pipeline_mode = #tpu.pipeline_mode<synchronous>, transform_indices = @transform_4, window_bounds = array<i64: 64, 256>}, {pipeline_mode = #tpu.pipeline_mode<synchronous>, transform_indices = @transform_5, window_bounds = array<i64: 64, 1>}, {pipeline_mode = #tpu.pipeline_mode<synchronous>, transform_indices = @transform_6, window_bounds = array<i64: 1, 256>}, {pipeline_mode = #tpu.pipeline_mode<synchronous>, transform_indices = @transform_7, window_bounds = array<i64: 1, 256>}, {pipeline_mode = #tpu.pipeline_mode<synchronous>, transform_indices = @transform_8, window_bounds = array<i64: 64, 1>}, {pipeline_mode = #tpu.pipeline_mode<synchronous>, transform_indices = @transform_9, window_bounds = array<i64: 64, 1>}, {transform_indices = @transform_10, window_bounds = array<i64: 1, 64, 2048>}]} {
    %get3A = arith.constant 0 : index
    %get3A_0 = arith.constant 0 : index
    %get3A_1 = arith.constant 0 : index
    %get3A_2 = vector.load %arg1[%get3A, %get3A_0, %get3A_1] : memref<1x2048x256xf32, #tpu.memory_space<vmem>>, vector<1x2048x256xf32>
    %get3A_3 = vector.shape_cast %get3A_2 : vector<1x2048x256xf32> to vector<2048x256xf32>
    %get3A_4 = arith.constant 0 : index
    %get3A_5 = arith.constant 0 : index
    %get3A_6 = arith.constant 0 : index
    %get3A_7 = vector.load %arg2[%get3A_4, %get3A_5, %get3A_6] : memref<1x2048x256xf32, #tpu.memory_space<vmem>>, vector<1x2048x256xf32>
    %get3A_8 = vector.shape_cast %get3A_7 : vector<1x2048x256xf32> to vector<2048x256xf32>
    %get3A_9 = arith.constant 0 : index
    %get3A_10 = arith.constant 0 : index
    %get3A_11 = arith.constant 0 : index
    %get3A_12 = vector.load %arg3[%get3A_9, %get3A_10, %get3A_11] : memref<1x1x2048xf32, #tpu.memory_space<vmem>>, vector<1x1x2048xf32>
    %get3A_13 = vector.shape_cast %get3A_12 : vector<1x1x2048xf32> to vector<1x2048xf32>
    %dot_general3A = arith.constant dense<0.000000e+00> : vector<1x256xf32>
    %dot_general3A_14 = tpu.matmul %get3A_13, %get3A_8, %dot_general3A {dimension_numbers = #tpu.dot_dimension_numbers<[1], [0], [0], [1], [0, 0, 1, 1], [], []>, transpose_lhs_hint = false} : vector<1x2048xf32>, vector<2048x256xf32>, vector<1x256xf32> -> vector<1x256xf32>
    %mul3A = arith.mulf %get3A_8, %get3A_8 : vector<2048x256xf32>
    %dot_general3A_15 = arith.constant dense<0.000000e+00> : vector<1x256xf32>
    %dot_general3A_16 = tpu.matmul %get3A_13, %mul3A, %dot_general3A_15 {dimension_numbers = #tpu.dot_dimension_numbers<[1], [0], [0], [1], [0, 0, 1, 1], [], []>, transpose_lhs_hint = false} : vector<1x2048xf32>, vector<2048x256xf32>, vector<1x256xf32> -> vector<1x256xf32>
    %iota3A = tpu.iota {dimensions = array<i32: 1>} : vector<1x256xi32>
    %jit3A = arith.constant 64 : i32
    %div3A = vector.broadcast %jit3A : i32 to vector<1x256xi32>
    %div3A_17 = arith.divsi %iota3A, %div3A : vector<1x256xi32>
    %sign3A = arith.constant 0 : i32
    %sign3A_18 = vector.broadcast %sign3A : i32 to vector<1x256xi32>
    %sign3A_19 = arith.cmpi sgt, %iota3A, %sign3A_18 : vector<1x256xi32>
    %sign3A_20 = arith.extui %sign3A_19 : vector<1x256xi1> to vector<1x256xi32>
    %sign3A_21 = arith.constant 0 : i32
    %sign3A_22 = vector.broadcast %sign3A_21 : i32 to vector<1x256xi32>
    %sign3A_23 = arith.cmpi slt, %iota3A, %sign3A_22 : vector<1x256xi32>
    %sign3A_24 = arith.extui %sign3A_23 : vector<1x256xi1> to vector<1x256xi32>
    %sign3A_25 = arith.subi %sign3A_20, %sign3A_24 : vector<1x256xi32>
    %sign3A_26 = arith.constant 0 : i32
    %sign3A_27 = arith.cmpi sgt, %jit3A, %sign3A_26 : i32
    %sign3A_28 = arith.extui %sign3A_27 : i1 to i32
    %sign3A_29 = arith.constant 0 : i32
    %sign3A_30 = arith.cmpi slt, %jit3A, %sign3A_29 : i32
    %sign3A_31 = arith.extui %sign3A_30 : i1 to i32
    %sign3A_32 = arith.subi %sign3A_28, %sign3A_31 : i32
    %ne3A = vector.broadcast %sign3A_32 : i32 to vector<1x256xi32>
    %ne3A_33 = arith.cmpi ne, %sign3A_25, %ne3A : vector<1x256xi32>
    %rem3A = vector.broadcast %jit3A : i32 to vector<1x256xi32>
    %rem3A_34 = arith.remsi %iota3A, %rem3A : vector<1x256xi32>
    %ne3A_35 = arith.constant 0 : i32
    %ne3A_36 = vector.broadcast %ne3A_35 : i32 to vector<1x256xi32>
    %ne3A_37 = arith.cmpi ne, %rem3A_34, %ne3A_36 : vector<1x256xi32>
    %and3A = arith.andi %ne3A_33, %ne3A_37 : vector<1x256xi1>
    %sub3A = arith.constant 1 : i32
    %sub3A_38 = vector.broadcast %sub3A : i32 to vector<1x256xi32>
    %sub3A_39 = arith.subi %div3A_17, %sub3A_38 : vector<1x256xi32>
    %select_n3A = arith.select %and3A, %sub3A_39, %div3A_17 : vector<1x256xi1>, vector<1x256xi32>
    %broadcast_in_dim3A = arith.constant 0.000000e+00 : f32
    %broadcast_in_dim3A_40 = vector.broadcast %broadcast_in_dim3A : f32 to vector<1x256xf32>
    %broadcast_in_dim3A_41 = arith.constant 0.000000e+00 : f32
    %broadcast_in_dim3A_42 = vector.broadcast %broadcast_in_dim3A_41 : f32 to vector<1x256xf32>
    %slice3A = vector.extract_strided_slice %dot_general3A_14 {offsets = [0, 0], sizes = [1, 64], strides = [1, 1]} : vector<1x256xf32> to vector<1x64xf32>
    %reduce_sum3A = vector.shape_cast %slice3A : vector<1x64xf32> to vector<1x1x64xf32>
    %reduce_sum3A_43 = arith.constant dense<0.000000e+00> : vector<1xf32>
    %reduce_sum3A_44 = vector.multi_reduction <add>, %reduce_sum3A, %reduce_sum3A_43 [1, 2] : vector<1x1x64xf32> to vector<1xf32>
    %reduce_sum3A_45 = vector.shape_cast %reduce_sum3A_44 : vector<1xf32> to vector<1x1x1xf32>
    %reduce_sum3A_46 = vector.extract %reduce_sum3A_45[0, 0, 0] : f32 from vector<1x1x1xf32>
    %div3A_47 = arith.constant 0x4A800000 : f32
    %div3A_48 = arith.divf %reduce_sum3A_46, %div3A_47 : f32
    %slice3A_49 = vector.extract_strided_slice %dot_general3A_16 {offsets = [0, 0], sizes = [1, 64], strides = [1, 1]} : vector<1x256xf32> to vector<1x64xf32>
    %reduce_sum3A_50 = vector.shape_cast %slice3A_49 : vector<1x64xf32> to vector<1x1x64xf32>
    %reduce_sum3A_51 = arith.constant dense<0.000000e+00> : vector<1xf32>
    %reduce_sum3A_52 = vector.multi_reduction <add>, %reduce_sum3A_50, %reduce_sum3A_51 [1, 2] : vector<1x1x64xf32> to vector<1xf32>
    %reduce_sum3A_53 = vector.shape_cast %reduce_sum3A_52 : vector<1xf32> to vector<1x1x1xf32>
    %reduce_sum3A_54 = vector.extract %reduce_sum3A_53[0, 0, 0] : f32 from vector<1x1x1xf32>
    %div3A_55 = arith.constant 0x4A800000 : f32
    %div3A_56 = arith.divf %reduce_sum3A_54, %div3A_55 : f32
    %mul3A_57 = arith.mulf %div3A_48, %div3A_48 : f32
    %sub3A_58 = arith.subf %div3A_56, %mul3A_57 : f32
    %add3A = arith.constant 9.99999974E-6 : f32
    %add3A_59 = arith.addf %sub3A_58, %add3A : f32
    %rsqrt3A = math.rsqrt %add3A_59 : f32
    %eq3A = arith.constant 0 : i32
    %eq3A_60 = vector.broadcast %eq3A : i32 to vector<1x256xi32>
    %eq3A_61 = arith.cmpi eq, %select_n3A, %eq3A_60 : vector<1x256xi32>
    %broadcast_in_dim3A_62 = vector.broadcast %div3A_48 : f32 to vector<1x256xf32>
    %select_n3A_63 = arith.select %eq3A_61, %broadcast_in_dim3A_62, %broadcast_in_dim3A_40 : vector<1x256xi1>, vector<1x256xf32>
    %eq3A_64 = arith.constant 0 : i32
    %eq3A_65 = vector.broadcast %eq3A_64 : i32 to vector<1x256xi32>
    %eq3A_66 = arith.cmpi eq, %select_n3A, %eq3A_65 : vector<1x256xi32>
    %broadcast_in_dim3A_67 = vector.broadcast %rsqrt3A : f32 to vector<1x256xf32>
    %select_n3A_68 = arith.select %eq3A_66, %broadcast_in_dim3A_67, %broadcast_in_dim3A_42 : vector<1x256xi1>, vector<1x256xf32>
    %slice3A_69 = vector.extract_strided_slice %dot_general3A_14 {offsets = [0, 64], sizes = [1, 64], strides = [1, 1]} : vector<1x256xf32> to vector<1x64xf32>
    %reduce_sum3A_70 = vector.shape_cast %slice3A_69 : vector<1x64xf32> to vector<1x1x64xf32>
    %reduce_sum3A_71 = arith.constant dense<0.000000e+00> : vector<1xf32>
    %reduce_sum3A_72 = vector.multi_reduction <add>, %reduce_sum3A_70, %reduce_sum3A_71 [1, 2] : vector<1x1x64xf32> to vector<1xf32>
    %reduce_sum3A_73 = vector.shape_cast %reduce_sum3A_72 : vector<1xf32> to vector<1x1x1xf32>
    %reduce_sum3A_74 = vector.extract %reduce_sum3A_73[0, 0, 0] : f32 from vector<1x1x1xf32>
    %div3A_75 = arith.constant 0x4A800000 : f32
    %div3A_76 = arith.divf %reduce_sum3A_74, %div3A_75 : f32
    %slice3A_77 = vector.extract_strided_slice %dot_general3A_16 {offsets = [0, 64], sizes = [1, 64], strides = [1, 1]} : vector<1x256xf32> to vector<1x64xf32>
    %reduce_sum3A_78 = vector.shape_cast %slice3A_77 : vector<1x64xf32> to vector<1x1x64xf32>
    %reduce_sum3A_79 = arith.constant dense<0.000000e+00> : vector<1xf32>
    %reduce_sum3A_80 = vector.multi_reduction <add>, %reduce_sum3A_78, %reduce_sum3A_79 [1, 2] : vector<1x1x64xf32> to vector<1xf32>
    %reduce_sum3A_81 = vector.shape_cast %reduce_sum3A_80 : vector<1xf32> to vector<1x1x1xf32>
    %reduce_sum3A_82 = vector.extract %reduce_sum3A_81[0, 0, 0] : f32 from vector<1x1x1xf32>
    %div3A_83 = arith.constant 0x4A800000 : f32
    %div3A_84 = arith.divf %reduce_sum3A_82, %div3A_83 : f32
    %mul3A_85 = arith.mulf %div3A_76, %div3A_76 : f32
    %sub3A_86 = arith.subf %div3A_84, %mul3A_85 : f32
    %add3A_87 = arith.constant 9.99999974E-6 : f32
    %add3A_88 = arith.addf %sub3A_86, %add3A_87 : f32
    %rsqrt3A_89 = math.rsqrt %add3A_88 : f32
    %eq3A_90 = arith.constant 1 : i32
    %eq3A_91 = vector.broadcast %eq3A_90 : i32 to vector<1x256xi32>
    %eq3A_92 = arith.cmpi eq, %select_n3A, %eq3A_91 : vector<1x256xi32>
    %broadcast_in_dim3A_93 = vector.broadcast %div3A_76 : f32 to vector<1x256xf32>
    %select_n3A_94 = arith.select %eq3A_92, %broadcast_in_dim3A_93, %select_n3A_63 : vector<1x256xi1>, vector<1x256xf32>
    %eq3A_95 = arith.constant 1 : i32
    %eq3A_96 = vector.broadcast %eq3A_95 : i32 to vector<1x256xi32>
    %eq3A_97 = arith.cmpi eq, %select_n3A, %eq3A_96 : vector<1x256xi32>
    %broadcast_in_dim3A_98 = vector.broadcast %rsqrt3A_89 : f32 to vector<1x256xf32>
    %select_n3A_99 = arith.select %eq3A_97, %broadcast_in_dim3A_98, %select_n3A_68 : vector<1x256xi1>, vector<1x256xf32>
    %slice3A_100 = vector.extract_strided_slice %dot_general3A_14 {offsets = [0, 128], sizes = [1, 64], strides = [1, 1]} : vector<1x256xf32> to vector<1x64xf32>
    %reduce_sum3A_101 = vector.shape_cast %slice3A_100 : vector<1x64xf32> to vector<1x1x64xf32>
    %reduce_sum3A_102 = arith.constant dense<0.000000e+00> : vector<1xf32>
    %reduce_sum3A_103 = vector.multi_reduction <add>, %reduce_sum3A_101, %reduce_sum3A_102 [1, 2] : vector<1x1x64xf32> to vector<1xf32>
    %reduce_sum3A_104 = vector.shape_cast %reduce_sum3A_103 : vector<1xf32> to vector<1x1x1xf32>
    %reduce_sum3A_105 = vector.extract %reduce_sum3A_104[0, 0, 0] : f32 from vector<1x1x1xf32>
    %div3A_106 = arith.constant 0x4A800000 : f32
    %div3A_107 = arith.divf %reduce_sum3A_105, %div3A_106 : f32
    %slice3A_108 = vector.extract_strided_slice %dot_general3A_16 {offsets = [0, 128], sizes = [1, 64], strides = [1, 1]} : vector<1x256xf32> to vector<1x64xf32>
    %reduce_sum3A_109 = vector.shape_cast %slice3A_108 : vector<1x64xf32> to vector<1x1x64xf32>
    %reduce_sum3A_110 = arith.constant dense<0.000000e+00> : vector<1xf32>
    %reduce_sum3A_111 = vector.multi_reduction <add>, %reduce_sum3A_109, %reduce_sum3A_110 [1, 2] : vector<1x1x64xf32> to vector<1xf32>
    %reduce_sum3A_112 = vector.shape_cast %reduce_sum3A_111 : vector<1xf32> to vector<1x1x1xf32>
    %reduce_sum3A_113 = vector.extract %reduce_sum3A_112[0, 0, 0] : f32 from vector<1x1x1xf32>
    %div3A_114 = arith.constant 0x4A800000 : f32
    %div3A_115 = arith.divf %reduce_sum3A_113, %div3A_114 : f32
    %mul3A_116 = arith.mulf %div3A_107, %div3A_107 : f32
    %sub3A_117 = arith.subf %div3A_115, %mul3A_116 : f32
    %add3A_118 = arith.constant 9.99999974E-6 : f32
    %add3A_119 = arith.addf %sub3A_117, %add3A_118 : f32
    %rsqrt3A_120 = math.rsqrt %add3A_119 : f32
    %eq3A_121 = arith.constant 2 : i32
    %eq3A_122 = vector.broadcast %eq3A_121 : i32 to vector<1x256xi32>
    %eq3A_123 = arith.cmpi eq, %select_n3A, %eq3A_122 : vector<1x256xi32>
    %broadcast_in_dim3A_124 = vector.broadcast %div3A_107 : f32 to vector<1x256xf32>
    %select_n3A_125 = arith.select %eq3A_123, %broadcast_in_dim3A_124, %select_n3A_94 : vector<1x256xi1>, vector<1x256xf32>
    %eq3A_126 = arith.constant 2 : i32
    %eq3A_127 = vector.broadcast %eq3A_126 : i32 to vector<1x256xi32>
    %eq3A_128 = arith.cmpi eq, %select_n3A, %eq3A_127 : vector<1x256xi32>
    %broadcast_in_dim3A_129 = vector.broadcast %rsqrt3A_120 : f32 to vector<1x256xf32>
    %select_n3A_130 = arith.select %eq3A_128, %broadcast_in_dim3A_129, %select_n3A_99 : vector<1x256xi1>, vector<1x256xf32>
    %slice3A_131 = vector.extract_strided_slice %dot_general3A_14 {offsets = [0, 192], sizes = [1, 64], strides = [1, 1]} : vector<1x256xf32> to vector<1x64xf32>
    %reduce_sum3A_132 = vector.shape_cast %slice3A_131 : vector<1x64xf32> to vector<1x1x64xf32>
    %reduce_sum3A_133 = arith.constant dense<0.000000e+00> : vector<1xf32>
    %reduce_sum3A_134 = vector.multi_reduction <add>, %reduce_sum3A_132, %reduce_sum3A_133 [1, 2] : vector<1x1x64xf32> to vector<1xf32>
    %reduce_sum3A_135 = vector.shape_cast %reduce_sum3A_134 : vector<1xf32> to vector<1x1x1xf32>
    %reduce_sum3A_136 = vector.extract %reduce_sum3A_135[0, 0, 0] : f32 from vector<1x1x1xf32>
    %div3A_137 = arith.constant 0x4A800000 : f32
    %div3A_138 = arith.divf %reduce_sum3A_136, %div3A_137 : f32
    %slice3A_139 = vector.extract_strided_slice %dot_general3A_16 {offsets = [0, 192], sizes = [1, 64], strides = [1, 1]} : vector<1x256xf32> to vector<1x64xf32>
    %reduce_sum3A_140 = vector.shape_cast %slice3A_139 : vector<1x64xf32> to vector<1x1x64xf32>
    %reduce_sum3A_141 = arith.constant dense<0.000000e+00> : vector<1xf32>
    %reduce_sum3A_142 = vector.multi_reduction <add>, %reduce_sum3A_140, %reduce_sum3A_141 [1, 2] : vector<1x1x64xf32> to vector<1xf32>
    %reduce_sum3A_143 = vector.shape_cast %reduce_sum3A_142 : vector<1xf32> to vector<1x1x1xf32>
    %reduce_sum3A_144 = vector.extract %reduce_sum3A_143[0, 0, 0] : f32 from vector<1x1x1xf32>
    %div3A_145 = arith.constant 0x4A800000 : f32
    %div3A_146 = arith.divf %reduce_sum3A_144, %div3A_145 : f32
    %mul3A_147 = arith.mulf %div3A_138, %div3A_138 : f32
    %sub3A_148 = arith.subf %div3A_146, %mul3A_147 : f32
    %add3A_149 = arith.constant 9.99999974E-6 : f32
    %add3A_150 = arith.addf %sub3A_148, %add3A_149 : f32
    %rsqrt3A_151 = math.rsqrt %add3A_150 : f32
    %eq3A_152 = arith.constant 3 : i32
    %eq3A_153 = vector.broadcast %eq3A_152 : i32 to vector<1x256xi32>
    %eq3A_154 = arith.cmpi eq, %select_n3A, %eq3A_153 : vector<1x256xi32>
    %broadcast_in_dim3A_155 = vector.broadcast %div3A_138 : f32 to vector<1x256xf32>
    %select_n3A_156 = arith.select %eq3A_154, %broadcast_in_dim3A_155, %select_n3A_125 : vector<1x256xi1>, vector<1x256xf32>
    %eq3A_157 = arith.constant 3 : i32
    %eq3A_158 = vector.broadcast %eq3A_157 : i32 to vector<1x256xi32>
    %eq3A_159 = arith.cmpi eq, %select_n3A, %eq3A_158 : vector<1x256xi32>
    %broadcast_in_dim3A_160 = vector.broadcast %rsqrt3A_151 : f32 to vector<1x256xf32>
    %select_n3A_161 = arith.select %eq3A_159, %broadcast_in_dim3A_160, %select_n3A_130 : vector<1x256xi1>, vector<1x256xf32>
    %sub3A_162 = vector.broadcast %select_n3A_156 : vector<1x256xf32> to vector<2048x256xf32>
    %sub3A_163 = arith.subf %get3A_3, %sub3A_162 : vector<2048x256xf32>
    %mul3A_164 = vector.broadcast %select_n3A_161 : vector<1x256xf32> to vector<2048x256xf32>
    %mul3A_165 = arith.mulf %sub3A_163, %mul3A_164 : vector<2048x256xf32>
    %get3A_166 = arith.constant 0 : index
    %get3A_167 = arith.constant 0 : index
    %get3A_168 = vector.load %arg7[%get3A_166, %get3A_167] : memref<1x256xf32, #tpu.memory_space<vmem>>, vector<1x256xf32>
    %mul3A_169 = vector.broadcast %get3A_168 : vector<1x256xf32> to vector<2048x256xf32>
    %mul3A_170 = arith.mulf %mul3A_165, %mul3A_169 : vector<2048x256xf32>
    %get3A_171 = arith.constant 0 : index
    %get3A_172 = arith.constant 0 : index
    %get3A_173 = vector.load %arg8[%get3A_171, %get3A_172] : memref<1x256xf32, #tpu.memory_space<vmem>>, vector<1x256xf32>
    %add3A_174 = vector.broadcast %get3A_173 : vector<1x256xf32> to vector<2048x256xf32>
    %add3A_175 = arith.addf %mul3A_170, %add3A_174 : vector<2048x256xf32>
    %mul3A_176 = arith.constant 5.000000e-01 : f32
    %mul3A_177 = vector.broadcast %mul3A_176 : f32 to vector<2048x256xf32>
    %mul3A_178 = arith.mulf %mul3A_177, %add3A_175 : vector<2048x256xf32>
    %mul3A_179 = arith.constant 0.707106769 : f32
    %mul3A_180 = vector.broadcast %mul3A_179 : f32 to vector<2048x256xf32>
    %mul3A_181 = arith.mulf %add3A_175, %mul3A_180 : vector<2048x256xf32>
    %erf3A = math.erf %mul3A_181 : vector<2048x256xf32>
    %add3A_182 = arith.constant 1.000000e+00 : f32
    %add3A_183 = vector.broadcast %add3A_182 : f32 to vector<2048x256xf32>
    %add3A_184 = arith.addf %add3A_183, %erf3A : vector<2048x256xf32>
    %mul3A_185 = arith.mulf %mul3A_178, %add3A_184 : vector<2048x256xf32>
    %get3A_186 = arith.constant 0 : index
    %get3A_187 = arith.constant 0 : index
    %get3A_188 = vector.load %arg5[%get3A_186, %get3A_187] : memref<64x256xf32, #tpu.memory_space<vmem>>, vector<64x256xf32>
    %dot_general3A_189 = arith.constant dense<0.000000e+00> : vector<64x2048xf32>
    %dot_general3A_190 = tpu.matmul %get3A_188, %mul3A_185, %dot_general3A_189 {dimension_numbers = #tpu.dot_dimension_numbers<[1], [1], [0], [0], [0, 0, 1, 0], [], []>, transpose_lhs_hint = false} : vector<64x256xf32>, vector<2048x256xf32>, vector<64x2048xf32> -> vector<64x2048xf32>
    %get3A_191 = arith.constant 0 : index
    %get3A_192 = arith.constant 0 : index
    %get3A_193 = vector.load %arg6[%get3A_191, %get3A_192] : memref<64x1xf32, #tpu.memory_space<vmem>>, vector<64x1xf32>
    %add3A_194 = vector.broadcast %get3A_193 : vector<64x1xf32> to vector<64x2048xf32>
    %add3A_195 = arith.addf %dot_general3A_190, %add3A_194 : vector<64x2048xf32>
    %slice3A_196 = vector.extract_strided_slice %add3A_195 {offsets = [0, 0], sizes = [16, 2048], strides = [1, 1]} : vector<64x2048xf32> to vector<16x2048xf32>
    %reduce_sum3A_197 = vector.shape_cast %slice3A_196 : vector<16x2048xf32> to vector<1x16x2048xf32>
    %reduce_sum3A_198 = arith.constant dense<0.000000e+00> : vector<1xf32>
    %reduce_sum3A_199 = vector.multi_reduction <add>, %reduce_sum3A_197, %reduce_sum3A_198 [1, 2] : vector<1x16x2048xf32> to vector<1xf32>
    %reduce_sum3A_200 = vector.shape_cast %reduce_sum3A_199 : vector<1xf32> to vector<1x1x1xf32>
    %reduce_sum3A_201 = vector.extract %reduce_sum3A_200[0, 0, 0] : f32 from vector<1x1x1xf32>
    %div3A_202 = arith.constant 3.276800e+04 : f32
    %div3A_203 = arith.divf %reduce_sum3A_201, %div3A_202 : f32
    %mul3A_204 = arith.mulf %slice3A_196, %slice3A_196 : vector<16x2048xf32>
    %reduce_sum3A_205 = vector.shape_cast %mul3A_204 : vector<16x2048xf32> to vector<1x16x2048xf32>
    %reduce_sum3A_206 = arith.constant dense<0.000000e+00> : vector<1xf32>
    %reduce_sum3A_207 = vector.multi_reduction <add>, %reduce_sum3A_205, %reduce_sum3A_206 [1, 2] : vector<1x16x2048xf32> to vector<1xf32>
    %reduce_sum3A_208 = vector.shape_cast %reduce_sum3A_207 : vector<1xf32> to vector<1x1x1xf32>
    %reduce_sum3A_209 = vector.extract %reduce_sum3A_208[0, 0, 0] : f32 from vector<1x1x1xf32>
    %div3A_210 = arith.constant 3.276800e+04 : f32
    %div3A_211 = arith.divf %reduce_sum3A_209, %div3A_210 : f32
    %mul3A_212 = arith.mulf %div3A_203, %div3A_203 : f32
    %sub3A_213 = arith.subf %div3A_211, %mul3A_212 : f32
    %sub3A_214 = vector.broadcast %div3A_203 : f32 to vector<16x2048xf32>
    %sub3A_215 = arith.subf %slice3A_196, %sub3A_214 : vector<16x2048xf32>
    %add3A_216 = arith.constant 9.99999974E-6 : f32
    %add3A_217 = arith.addf %sub3A_213, %add3A_216 : f32
    %rsqrt3A_218 = math.rsqrt %add3A_217 : f32
    %mul3A_219 = vector.broadcast %rsqrt3A_218 : f32 to vector<16x2048xf32>
    %mul3A_220 = arith.mulf %sub3A_215, %mul3A_219 : vector<16x2048xf32>
    %slice3A_221 = vector.extract_strided_slice %add3A_195 {offsets = [16, 0], sizes = [16, 2048], strides = [1, 1]} : vector<64x2048xf32> to vector<16x2048xf32>
    %reduce_sum3A_222 = vector.shape_cast %slice3A_221 : vector<16x2048xf32> to vector<1x16x2048xf32>
    %reduce_sum3A_223 = arith.constant dense<0.000000e+00> : vector<1xf32>
    %reduce_sum3A_224 = vector.multi_reduction <add>, %reduce_sum3A_222, %reduce_sum3A_223 [1, 2] : vector<1x16x2048xf32> to vector<1xf32>
    %reduce_sum3A_225 = vector.shape_cast %reduce_sum3A_224 : vector<1xf32> to vector<1x1x1xf32>
    %reduce_sum3A_226 = vector.extract %reduce_sum3A_225[0, 0, 0] : f32 from vector<1x1x1xf32>
    %div3A_227 = arith.constant 3.276800e+04 : f32
    %div3A_228 = arith.divf %reduce_sum3A_226, %div3A_227 : f32
    %mul3A_229 = arith.mulf %slice3A_221, %slice3A_221 : vector<16x2048xf32>
    %reduce_sum3A_230 = vector.shape_cast %mul3A_229 : vector<16x2048xf32> to vector<1x16x2048xf32>
    %reduce_sum3A_231 = arith.constant dense<0.000000e+00> : vector<1xf32>
    %reduce_sum3A_232 = vector.multi_reduction <add>, %reduce_sum3A_230, %reduce_sum3A_231 [1, 2] : vector<1x16x2048xf32> to vector<1xf32>
    %reduce_sum3A_233 = vector.shape_cast %reduce_sum3A_232 : vector<1xf32> to vector<1x1x1xf32>
    %reduce_sum3A_234 = vector.extract %reduce_sum3A_233[0, 0, 0] : f32 from vector<1x1x1xf32>
    %div3A_235 = arith.constant 3.276800e+04 : f32
    %div3A_236 = arith.divf %reduce_sum3A_234, %div3A_235 : f32
    %mul3A_237 = arith.mulf %div3A_228, %div3A_228 : f32
    %sub3A_238 = arith.subf %div3A_236, %mul3A_237 : f32
    %sub3A_239 = vector.broadcast %div3A_228 : f32 to vector<16x2048xf32>
    %sub3A_240 = arith.subf %slice3A_221, %sub3A_239 : vector<16x2048xf32>
    %add3A_241 = arith.constant 9.99999974E-6 : f32
    %add3A_242 = arith.addf %sub3A_238, %add3A_241 : f32
    %rsqrt3A_243 = math.rsqrt %add3A_242 : f32
    %mul3A_244 = vector.broadcast %rsqrt3A_243 : f32 to vector<16x2048xf32>
    %mul3A_245 = arith.mulf %sub3A_240, %mul3A_244 : vector<16x2048xf32>
    %slice3A_246 = vector.extract_strided_slice %add3A_195 {offsets = [32, 0], sizes = [16, 2048], strides = [1, 1]} : vector<64x2048xf32> to vector<16x2048xf32>
    %reduce_sum3A_247 = vector.shape_cast %slice3A_246 : vector<16x2048xf32> to vector<1x16x2048xf32>
    %reduce_sum3A_248 = arith.constant dense<0.000000e+00> : vector<1xf32>
    %reduce_sum3A_249 = vector.multi_reduction <add>, %reduce_sum3A_247, %reduce_sum3A_248 [1, 2] : vector<1x16x2048xf32> to vector<1xf32>
    %reduce_sum3A_250 = vector.shape_cast %reduce_sum3A_249 : vector<1xf32> to vector<1x1x1xf32>
    %reduce_sum3A_251 = vector.extract %reduce_sum3A_250[0, 0, 0] : f32 from vector<1x1x1xf32>
    %div3A_252 = arith.constant 3.276800e+04 : f32
    %div3A_253 = arith.divf %reduce_sum3A_251, %div3A_252 : f32
    %mul3A_254 = arith.mulf %slice3A_246, %slice3A_246 : vector<16x2048xf32>
    %reduce_sum3A_255 = vector.shape_cast %mul3A_254 : vector<16x2048xf32> to vector<1x16x2048xf32>
    %reduce_sum3A_256 = arith.constant dense<0.000000e+00> : vector<1xf32>
    %reduce_sum3A_257 = vector.multi_reduction <add>, %reduce_sum3A_255, %reduce_sum3A_256 [1, 2] : vector<1x16x2048xf32> to vector<1xf32>
    %reduce_sum3A_258 = vector.shape_cast %reduce_sum3A_257 : vector<1xf32> to vector<1x1x1xf32>
    %reduce_sum3A_259 = vector.extract %reduce_sum3A_258[0, 0, 0] : f32 from vector<1x1x1xf32>
    %div3A_260 = arith.constant 3.276800e+04 : f32
    %div3A_261 = arith.divf %reduce_sum3A_259, %div3A_260 : f32
    %mul3A_262 = arith.mulf %div3A_253, %div3A_253 : f32
    %sub3A_263 = arith.subf %div3A_261, %mul3A_262 : f32
    %sub3A_264 = vector.broadcast %div3A_253 : f32 to vector<16x2048xf32>
    %sub3A_265 = arith.subf %slice3A_246, %sub3A_264 : vector<16x2048xf32>
    %add3A_266 = arith.constant 9.99999974E-6 : f32
    %add3A_267 = arith.addf %sub3A_263, %add3A_266 : f32
    %rsqrt3A_268 = math.rsqrt %add3A_267 : f32
    %mul3A_269 = vector.broadcast %rsqrt3A_268 : f32 to vector<16x2048xf32>
    %mul3A_270 = arith.mulf %sub3A_265, %mul3A_269 : vector<16x2048xf32>
    %slice3A_271 = vector.extract_strided_slice %add3A_195 {offsets = [48, 0], sizes = [16, 2048], strides = [1, 1]} : vector<64x2048xf32> to vector<16x2048xf32>
    %reduce_sum3A_272 = vector.shape_cast %slice3A_271 : vector<16x2048xf32> to vector<1x16x2048xf32>
    %reduce_sum3A_273 = arith.constant dense<0.000000e+00> : vector<1xf32>
    %reduce_sum3A_274 = vector.multi_reduction <add>, %reduce_sum3A_272, %reduce_sum3A_273 [1, 2] : vector<1x16x2048xf32> to vector<1xf32>
    %reduce_sum3A_275 = vector.shape_cast %reduce_sum3A_274 : vector<1xf32> to vector<1x1x1xf32>
    %reduce_sum3A_276 = vector.extract %reduce_sum3A_275[0, 0, 0] : f32 from vector<1x1x1xf32>
    %div3A_277 = arith.constant 3.276800e+04 : f32
    %div3A_278 = arith.divf %reduce_sum3A_276, %div3A_277 : f32
    %mul3A_279 = arith.mulf %slice3A_271, %slice3A_271 : vector<16x2048xf32>
    %reduce_sum3A_280 = vector.shape_cast %mul3A_279 : vector<16x2048xf32> to vector<1x16x2048xf32>
    %reduce_sum3A_281 = arith.constant dense<0.000000e+00> : vector<1xf32>
    %reduce_sum3A_282 = vector.multi_reduction <add>, %reduce_sum3A_280, %reduce_sum3A_281 [1, 2] : vector<1x16x2048xf32> to vector<1xf32>
    %reduce_sum3A_283 = vector.shape_cast %reduce_sum3A_282 : vector<1xf32> to vector<1x1x1xf32>
    %reduce_sum3A_284 = vector.extract %reduce_sum3A_283[0, 0, 0] : f32 from vector<1x1x1xf32>
    %div3A_285 = arith.constant 3.276800e+04 : f32
    %div3A_286 = arith.divf %reduce_sum3A_284, %div3A_285 : f32
    %mul3A_287 = arith.mulf %div3A_278, %div3A_278 : f32
    %sub3A_288 = arith.subf %div3A_286, %mul3A_287 : f32
    %sub3A_289 = vector.broadcast %div3A_278 : f32 to vector<16x2048xf32>
    %sub3A_290 = arith.subf %slice3A_271, %sub3A_289 : vector<16x2048xf32>
    %add3A_291 = arith.constant 9.99999974E-6 : f32
    %add3A_292 = arith.addf %sub3A_288, %add3A_291 : f32
    %rsqrt3A_293 = math.rsqrt %add3A_292 : f32
    %mul3A_294 = vector.broadcast %rsqrt3A_293 : f32 to vector<16x2048xf32>
    %mul3A_295 = arith.mulf %sub3A_290, %mul3A_294 : vector<16x2048xf32>
    %concatenate3A = tpu.concatenate %mul3A_220, %mul3A_245, %mul3A_270, %mul3A_295 in 0 : vector<16x2048xf32>, vector<16x2048xf32>, vector<16x2048xf32>, vector<16x2048xf32> -> vector<64x2048xf32>
    %get3A_296 = arith.constant 0 : index
    %get3A_297 = arith.constant 0 : index
    %get3A_298 = vector.load %arg9[%get3A_296, %get3A_297] : memref<64x1xf32, #tpu.memory_space<vmem>>, vector<64x1xf32>
    %mul3A_299 = vector.broadcast %get3A_298 : vector<64x1xf32> to vector<64x2048xf32>
    %mul3A_300 = arith.mulf %concatenate3A, %mul3A_299 : vector<64x2048xf32>
    %get3A_301 = arith.constant 0 : index
    %get3A_302 = arith.constant 0 : index
    %get3A_303 = vector.load %arg10[%get3A_301, %get3A_302] : memref<64x1xf32, #tpu.memory_space<vmem>>, vector<64x1xf32>
    %add3A_304 = vector.broadcast %get3A_303 : vector<64x1xf32> to vector<64x2048xf32>
    %add3A_305 = arith.addf %mul3A_300, %add3A_304 : vector<64x2048xf32>
    %get3A_306 = arith.constant 0 : index
    %get3A_307 = arith.constant 0 : index
    %get3A_308 = arith.constant 0 : index
    %get3A_309 = vector.load %arg4[%get3A_306, %get3A_307, %get3A_308] : memref<1x64x2048xf32, #tpu.memory_space<vmem>>, vector<1x64x2048xf32>
    %get3A_310 = vector.shape_cast %get3A_309 : vector<1x64x2048xf32> to vector<64x2048xf32>
    %add3A_311 = arith.addf %add3A_305, %get3A_310 : vector<64x2048xf32>
    %swap3A = arith.constant 0 : index
    %swap3A_312 = arith.constant 0 : index
    %swap3A_313 = arith.constant 0 : index
    %swap3A_314 = vector.load %arg11[%swap3A, %swap3A_312, %swap3A_313] : memref<1x64x2048xf32, #tpu.memory_space<vmem>>, vector<1x64x2048xf32>
    %swap3A_315 = vector.shape_cast %swap3A_314 : vector<1x64x2048xf32> to vector<64x2048xf32>
    %swap3A_316 = vector.shape_cast %add3A_311 : vector<64x2048xf32> to vector<1x64x2048xf32>
    tpu.vector_store %arg11[%swap3A, %swap3A_312, %swap3A_313], %swap3A_316 {strides = array<i32>} : memref<1x64x2048xf32, #tpu.memory_space<vmem>>, vector<1x64x2048xf32>,
    return
  }
  func.func @transform_0(%arg0: i32) -> (i32, i32, i32) {
    %c0_i32 = arith.constant 0 : i32
    %c0_i32_0 = arith.constant 0 : i32
    %c0_i32_1 = arith.constant 0 : i32
    return %arg0, %c0_i32, %c0_i32_0 : i32, i32, i32
  }
  func.func @transform_1(%arg0: i32) -> (i32, i32, i32) {
    %c0_i32 = arith.constant 0 : i32
    %c0_i32_0 = arith.constant 0 : i32
    %c0_i32_1 = arith.constant 0 : i32
    return %arg0, %c0_i32, %c0_i32_0 : i32, i32, i32
  }
  func.func @transform_2(%arg0: i32) -> (i32, i32, i32) {
    %c0_i32 = arith.constant 0 : i32
    %c0_i32_0 = arith.constant 0 : i32
    %c0_i32_1 = arith.constant 0 : i32
    return %arg0, %c0_i32, %c0_i32_0 : i32, i32, i32
  }
  func.func @transform_3(%arg0: i32) -> (i32, i32, i32) {
    %c0_i32 = arith.constant 0 : i32
    %c0_i32_0 = arith.constant 0 : i32
    %c0_i32_1 = arith.constant 0 : i32
    return %arg0, %c0_i32, %c0_i32_0 : i32, i32, i32
  }
  func.func @transform_4(%arg0: i32) -> (i32, i32) {
    %c0_i32 = arith.constant 0 : i32
    %c0_i32_0 = arith.constant 0 : i32
    %c0_i32_1 = arith.constant 0 : i32
    return %c0_i32, %c0_i32_0 : i32, i32
  }
  func.func @transform_5(%arg0: i32) -> (i32, i32) {
    %c0_i32 = arith.constant 0 : i32
    %c0_i32_0 = arith.constant 0 : i32
    %c0_i32_1 = arith.constant 0 : i32
    return %c0_i32, %c0_i32_0 : i32, i32
  }
  func.func @transform_6(%arg0: i32) -> (i32, i32) {
    %c0_i32 = arith.constant 0 : i32
    %c0_i32_0 = arith.constant 0 : i32
    %c0_i32_1 = arith.constant 0 : i32
    return %c0_i32, %c0_i32_0 : i32, i32
  }
  func.func @transform_7(%arg0: i32) -> (i32, i32) {
    %c0_i32 = arith.constant 0 : i32
    %c0_i32_0 = arith.constant 0 : i32
    %c0_i32_1 = arith.constant 0 : i32
    return %c0_i32, %c0_i32_0 : i32, i32
  }
  func.func @transform_8(%arg0: i32) -> (i32, i32) {
    %c0_i32 = arith.constant 0 : i32
    %c0_i32_0 = arith.constant 0 : i32
    %c0_i32_1 = arith.constant 0 : i32
    return %c0_i32, %c0_i32_0 : i32, i32
  }
  func.func @transform_9(%arg0: i32) -> (i32, i32) {
    %c0_i32 = arith.constant 0 : i32
    %c0_i32_0 = arith.constant 0 : i32
    %c0_i32_1 = arith.constant 0 : i32
    return %c0_i32, %c0_i32_0 : i32, i32
  }
  func.func @transform_10(%arg0: i32) -> (i32, i32, i32) {
    %c0_i32 = arith.constant 0 : i32
    %c0_i32_0 = arith.constant 0 : i32
    %c0_i32_1 = arith.constant 0 : i32
    return %arg0, %c0_i32, %c0_i32_0 : i32, i32, i32
  }
}

</mosaic_0001>

<sc_bundles>
// kernel: kernel.6.cloned.1.call-start
scs
__scs_entry_jumppad:
0x0: {  	(pc) =	sbr.rel $0x88, $3  }
0x1: {  	(tag) =	ssettag $0x0;
	lr =	simm.s32 $0x1  }
0x2: {  	[smem:$0x3F94] =	sst lr;
	_ =	strace $0xD0000000  }
0x3: {  	_ = 	snop  }
0x4: {  	_ = 	snop  }
0x5: {  	_ = 	snop  }
0x6: {  	_ = 	snop  }
0x7: {  	_ = 	snop  }
__scs_overlays_trampoline_lowered:
0x8: {  	[smem:$0x3FA3] =	sst s0  }
0x9: {  	[smem:$0x3FA4] =	sst s1  }
0xa: {  	[smem:$0x3FA5] =	sst s2  }
0xb: {  	[smem:$0x3FA6] =	sst s3  }
0xc: {  	[smem:$0x3FA7] =	sst s4  }
0xd: {  	[smem:$0x3FA8] =	sst s5  }
0xe: {  	[smem:$0x3FA9] =	sst s6  }
0xf: {  	[smem:$0x3FAA] =	sst s7  }
0x10: {  	[smem:$0x3FAB] =	sst s8  }
0x11: {  	[smem:$0x3FAC] =	sst s9;
	s0 =	simm.s32 @!p0 $0x0  }
0x12: {  	s1 =	sld [smem:$0x3F92];
	s0 =	simm.s32 @p0 $0x1  }
0x13: {  	[smem:$0x3FAD] =	sst s0;
	s0 =	simm.s32 @!p1 $0x0  }
0x14: {  	s2 =	sld [smem:$0x3F91];
	s0 =	simm.s32 @p1 $0x1  }
0x15: {  	[smem:$0x3FAE] =	sst s0;
	s0 =	simm.s32 @!p2 $0x0  }
0x16: {  	s3 =	sld [smem:$0x3FDB];
	s0 =	simm.s32 @p2 $0x1  }
0x17: {  	s4 =	simm.s32 $0x1BF5;
	[smem:$0x3FB0] =	sst s0  }
0x18: {  	s0 =	sld [smem:$0x3F93];
	_ =	swait.ge [sflag:s4], $0x0  }
0x19: {  	s7 =	sld [smem:$0x3F94]  }
0x1a: {  	s8 =	sadd.s32 $0xFFFFE003, lr  }
0x1b: {  	s9 =	sadd.s32 $0xFFFFFEF7, lr;
	s5 =	simm.s32 $0xFFFFFFFF;
	p2 =	slt.u32 s8, $0xFFFFF086  }
0x1c: {  	p1 =	slt.u32 s9, $0xF7A;
	s5 =	simm.s32 @!p2 $0x0  }
0x1d: {  	s5 =	simm.s32 @p1 $0x1;
	p0 =	seq.s32 s7, s2  }
0x1e: {  	s7 =	smul.u32 @!p0 $0xF7A, s2;
	p2 =	seq.s32 @!p0 s5, $0x0  }
0x1f: {  	s9 =	smul.u32 $0xF7A, s1;
	s8 =	simm.s32 @!p0 $0x1BF5;
	p2 =	por !p2, p0  }
0x20: {  	[sflag:s8] =	ssyncset.s32 @!p0 $0xFFFFF086;
	s6 =	sadd.s32 @!p0 s3, s7;
	s7 =	simm.s32 @!p0 $0x108  }
0x21: {  	s3 =	sadd.s32 s3, s9;
	s6 =	sadd.s32 @!p0 $0x88, s6;
	s7 =	simm.s32 @p2 $0x1082  }
0x22: {  	[simem:s7], [sflag:s8] =	dma.local @!p0 [hbm:s6], $0xF7A  }
0x23: {  	s9 =	sor.u32 $0xD0000000, s2;
	s6 =	simm.s32 $0x108;
	_ =	swait.ge @!p0 [sflag:s8], $0x0  }
0x24: {  	s3 =	sadd.s32 $0x88, s3;
	s6 =	simm.s32 @!p1 $0x1082;
	[sflag:s4] =	ssyncset.s32 $0xFFFFF086  }
0x25: {  	[simem:s6], [sflag:s4] =	dma.local [hbm:s3], $0xF7A  }
0x26: {  	[smem:$0x3F94] =	sst s1;
	(tag) =	ssettag s2;
	_ =	strace s9  }
0x27: {  	s1 =	sld [smem:$0x3FA4]  }
0x28: {  	s2 =	sld [smem:$0x3FA5]  }
0x29: {  	s4 =	sld [smem:$0x3FA7]  }
0x2a: {  	p0 =	seq.s32 s5, $0x0;
	s5 =	sld [smem:$0x3FA8]  }
0x2b: {  	s6 =	sld [smem:$0x3FA9]  }
0x2c: {  	s7 =	sld [smem:$0x3FAA]  }
0x2d: {  	s3 =	simm.s32 $0x108;
	s8 =	sld [smem:$0x3FAB]  }
0x2e: {  	s3 =	simm.s32 @!p0 $0x1082;
	s9 =	sld [smem:$0x3FAC]  }
0x2f: {  	lr =	sadd.s32 s0, s3;
	s0 =	sld [smem:$0x3FA3]  }
0x30: {  	s3 =	sld [smem:$0x3FA6]  }
0x31: {  	[smem:$0x3FAF] =	sst s10  }
0x32: {  	s10 =	sld [smem:$0x3FAD];
	_ =	sdelay $0x3  }
0x33: {  	p0 =	seq.s32 s10, $0x1;
	s10 =	sld [smem:$0x3FAF];
	_ =	sdelay $0x3  }
0x34: {  	[smem:$0x3FAF] =	sst s10  }
0x35: {  	s10 =	sld [smem:$0x3FAE];
	_ =	sdelay $0x3  }
0x36: {  	p1 =	seq.s32 s10, $0x1;
	s10 =	sld [smem:$0x3FAF];
	_ =	sdelay $0x3  }
0x37: {  	[smem:$0x3FAF] =	sst s10  }
0x38: {  	s10 =	sld [smem:$0x3FB0]  }
0x39: {  	_ = 	snop;
	(pc) =	sbr.ind lr, $3  }
0x3a: {  	_ = 	snop  }
0x3b: {  	_ = 	snop  }
0x3c: {  	p2 =	seq.s32 s10, $0x1;
	s10 =	sld [smem:$0x3FAF]  }
0x3d: {  	_ =	shalt  }
0x3e: {  	_ =	shalt  }
0x3f: {  	_ =	shalt  }
0x40: {  	_ =	shalt  }
0x41: {  	_ =	shalt  }
0x42: {  	_ =	shalt  }
0x43: {  	_ =	shalt  }
0x44: {  	_ =	shalt  }
0x45: {  	_ =	shalt  }
0x46: {  	_ =	shalt  }
0x47: {  	_ =	shalt  }
0x48: {  	_ =	shalt  }
0x49: {  	_ =	shalt  }
0x4a: {  	_ =	shalt  }
0x4b: {  	_ =	shalt  }
0x4c: {  	_ =	shalt  }
0x4d: {  	_ =	shalt  }
0x4e: {  	_ =	shalt  }
0x4f: {  	_ =	shalt  }
0x50: {  	_ =	shalt  }
0x51: {  	_ =	shalt  }
0x52: {  	_ =	shalt  }
0x53: {  	_ =	shalt  }
0x54: {  	_ =	shalt  }
0x55: {  	_ =	shalt  }
0x56: {  	_ =	shalt  }
0x57: {  	_ =	shalt  }
0x58: {  	_ =	shalt  }
0x59: {  	_ =	shalt  }
0x5a: {  	_ =	shalt  }
0x5b: {  	_ =	shalt  }
0x5c: {  	_ =	shalt  }
0x5d: {  	_ =	shalt  }
0x5e: {  	_ =	shalt  }
0x5f: {  	_ =	shalt  }
0x60: {  	_ =	shalt  }
0x61: {  	_ =	shalt  }
0x62: {  	_ =	shalt  }
0x63: {  	_ =	shalt  }
0x64: {  	_ =	shalt  }
0x65: {  	_ =	shalt  }
0x66: {  	_ =	shalt  }
0x67: {  	_ =	shalt  }
0x68: {  	_ =	shalt  }
0x69: {  	_ =	shalt  }
0x6a: {  	_ =	shalt  }
0x6b: {  	_ =	shalt  }
0x6c: {  	_ =	shalt  }
0x6d: {  	_ =	shalt  }
0x6e: {  	_ =	shalt  }
0x6f: {  	_ =	shalt  }
0x70: {  	_ =	shalt  }
0x71: {  	_ =	shalt  }
0x72: {  	_ =	shalt  }
0x73: {  	_ =	shalt  }
0x74: {  	_ =	shalt  }
0x75: {  	_ =	shalt  }
0x76: {  	_ =	shalt  }
0x77: {  	_ =	shalt  }
0x78: {  	_ =	shalt  }
0x79: {  	_ =	shalt  }
0x7a: {  	_ =	shalt  }
0x7b: {  	_ =	shalt  }
0x7c: {  	_ =	shalt  }
0x7d: {  	_ =	shalt  }
0x7e: {  	_ =	shalt  }
0x7f: {  	_ =	shalt  }
0x80: {  	_ =	shalt  }
0x81: {  	_ =	shalt  }
0x82: {  	_ =	shalt  }
0x83: {  	_ =	shalt  }
0x84: {  	_ =	shalt  }
0x85: {  	_ =	shalt  }
0x86: {  	_ =	shalt  }
0x87: {  	_ =	shalt  }
.Lfunc_end0:
.L_simem_size_0:
called_computation_lowered:
.L_overlay_start_0:
0x88: {  	s2 =	sld [smem:$0x3FD9]  }
0x89: {  	s3 =	sld [smem:$0x3FFE];
	_ =	sdelay $0x1  }
0x8a: {  	s1 =	srdreg.scid  }
0x8b: {  	s0 =	sand.u32 $0x1, s1  }
0x8c: {  	s17 =	sshll.u32 s0, $0xA;
	s2 =	sadd.s32 s3, s2  }
0x8d: {  	s2 =	sadd.s32 s2, s17  }
0x8e: {  	[smem:$0x3FBB] =	sst s2  }
0x8f: {  	_ = 	snop  }
0x90: {  	s2 =	sld [smem:$0x3FD0];
	(tm) =	ssettm $0x1  }
0x91: {  	s18 =	sld [smem:$0x3FFB];
	_ =	sdelay $0x3  }
0x92: {  	_ =	strace s18  }
0x93: {  	s3 =	sld [smem:$0x3FFC];
	_ =	sdelay $0x3  }
0x94: {  	_ =	strace s3  }
0x95: {  	s3 =	sld [smem:$0x3FFD];
	_ =	sdelay $0x3  }
0x96: {  	_ =	strace s3  }
0x97: {  	_ =	strace $0x8FFFFFFF  }
0x98: {  	s19 =	sld [smem:$0x3FDB];
	_ =	sdelay $0x1  }
0x99: {  	s4 =	simm.s32 $_scs_section_size  }
0x9a: {  	s5 =	simm.s32 $_size__tile_overlayer_lowered;
	s6 =	simm.s32 $_tile_overlayer_lowered  }
0x9b: {  	s22 =	simm.s32 $0x1BFF;
	s21 =	sshll.u32 s6, $0x1;
	s3 =	sadd.s32 s4, s19  }
0x9c: {  	s7 =	simm.s32 $0x0;
	s20 =	sshll.u32 s5, $0x1;
	s5 =	sadd.s32 s21, s3  }
0x9d: {  	[timem:s7], [sflag:s22] =	dma.local [hbm:s5], s20  }
0x9e: {  	_ =	swait.ge [sflag:s22], s20  }
0x9f: {  	s4 =	ssub.s32 $0x0, s20;
	[sflag:s22] =	ssyncset.done $0x0  }
0xa0: {  	[sflag:s22] =	ssyncadd.s32 s4;
	_ =	sdelay $0x1  }
0xa1: {  	s23 =	simm.s32 $0x1B8B  }
0xa2: {  	_ =	swait.ge [sflag:s23], $0x1  }
0xa3: {  	[sflag:s23] =	ssyncset.done $0x0  }
0xa4: {  	s25 =	simm.s32 $0x1B8E;
	s24 =	sld [smem:$0x3FFE];
	[sflag:s23] =	ssyncadd.s32 $0xFFFFFFFF  }
0xa5: {  	s26 =	simm.s32 $execute0_lowered;
	[smem:$0x3FD2] =	sst s25  }
0xa6: {  	s5 =	sshll.u32 s26, $0x1;
	_ =	strace $0x80000046;
	[dreg:$0x1] =	wrdreg $0xFFFFFFFF  }
0xa7: {  	s28 =	simm.s32 $_size_execute0_lowered;
	s3 =	sadd.s32 s3, s5;
	[dreg:$0x0] =	wrdreg $0x0  }
0xa8: {  	s5 =	sshll.u32 s28, $0x1;
	[dreg:$0x2] =	wrdreg s3  }
0xa9: {  	[dreg:$0x3] =	wrdreg s5  }
0xaa: {  	[dreg:$0x4] =	wrdreg $0xC0  }
0xab: {  	_ =	task [dreg:s7], $0x5FFFF  }
0xac: {  	[dreg:$0x1] =	wrdreg $0xFFFFFFFF  }
0xad: {  	[dreg:$0x0] =	wrdreg $0x60  }
0xae: {  	[dreg:$0x2] =	wrdreg s24  }
0xaf: {  	[dreg:$0x3] =	wrdreg s2  }
0xb0: {  	[dreg:$0x4] =	wrdreg $0x9  }
0xb1: {  	_ =	task.clear_ibuf [dreg:s7], $0x5FFFF;
	_ =	strace $0x90000046  }
0xb2: {  	s29 =	simm.s32 $0x9;
	_ =	strace $0x80000048  }
0xb3: {  	_ =	swait.ge [sflag:s29], $0x1  }
0xb4: {  	[sflag:s29] =	ssyncadd.s32 $0xFFFFFFFF  }
0xb5: {  	_ =	strace $0x90000048  }
0xb6: {  	_ =	sfence  }
0xb7: {  	s30 =	sld [smem:$0x0];
	_ =	sdelay $0x2  }
0xb8: {  	s31 =	sshll.u32 s1, $0xD;
	s1 =	sshrl.u32 s1, $0x2  }
0xb9: {  	s3 =	sand.u32 $0x4000, s31;
	s1 =	sadd.s32 s1, s30  }
0xba: {  	s0 =	sor.u32 s3, s0;
	s1 =	sshll.u32 s1, $0x11  }
0xbb: {  	s0 =	sor.u32 s1, s0  }
0xbc: {  	s0 =	sadd.s32 $0x8F2B, s0  }
0xbd: {  	[sflag:s0] =	ssyncadd.remote.s32 $0x1  }
0xbe: {  	_ =	sfence.sel $0xFFFF  }
0xbf: {  	[dreg:$0x0] =	wrdreg $0xFFFFFFFF;
	(pc) =	sbr.abs _section_cstart, $3  }
0xc0: {  	[dreg:$0x1] =	wrdreg $0xFFFFFFFF  }
0xc1: {  	_ =	task.clear_ibuf [dreg:s7], $0x2FFFF;
	_ =	strace $0x9FFFFFFF  }
0xc2: {  	(tm) =	ssettm $0x7FFFFFFF  }
0xc3: {  	_ =	shalt  }
tec
execute0_lowered:
.L_overlay_start_1:
0x0: {  	(tag) =	ssettag $0x1  }
0x1: {  	s0 =	rddreg [dreg:$0x0]  }
0x2: {  	s1 =	rddreg [dreg:$0x1]  }
0x3: {  	s2 =	simm.s32 $0x0;
	s3 =	srdreg.scid;
	s4 =	stileid.u32  }
0x4: {  	s9 =	simm.s32 $0x3;
	s31 =	simm.s32 $0xC000;
	s10 =	simm.s32 $0xE800  }
0x5: {  	s11 =	simm.s32 $0xF000;
	s12 =	simm.s32 $0xF800;
	s13 =	simm.s32 $0x10000  }
0x6: {  	s14 =	simm.s32 $0x10800;
	s15 =	simm.s32 $0x11000;
	s16 =	simm.s32 $0x11800  }
0x7: {  	s17 =	simm.s32 $0x1;
	s18 =	simm.s32 $0x200;
	s19 =	simm.s32 $0x400  }
0x8: {  	s20 =	simm.s32 $0x12000;
	s21 =	simm.s32 $0x2;
	s23 =	simm.s32 $0x0  }
0x9: {  	[smem:$0x7FF] =	sst s2;
	s3 =	sand.u32 $0x1, s3;
	s4 =	sshll.u32 s4, $0x1  }
0xa: {  	_ =	strace $0x80000047;
	s5 =	ssub.s32 $0x2, s3;
	s6 =	sor.u32 s3, s4  }
0xb: {  	s3 =	sadd.s32 $0x2A00, s0;
	s4 =	sadd.s32 $0x42A00, s0;
	s7 =	sshrl.u32 s5, $0x1  }
0xc: {  	s8 =	sshll.u32 s6, $0xA;
	s6 =	sshll.u32 s6, $0xD;
	s5 =	ssub.s32 s5, s7  }
0xd: {  	v2 =	vlaneseq.u32;
	s1 =	sadd.s32 s1, s8;
	s7 =	sadd.s32 $0x42A40, s0;
	s0 =	simm.s32 $0xC800  }
0xe: {  	vm0 =	vmmov $0xffff;
	v1 =	vshrl.u32 v2, $0x3;
	s8 =	simm.s32 $0xE000;
	[dreg:$0x3] =	wrdreg s1;
	s30 =	smax.u32 s5, $0x1  }
0xf: {  	v0 =	vand.u32 $0x7, v2;
	v2 =	vor.u32 $0x8, v2;
	v1 =	vmul.u32 $0x8, v1;
	s1 =	simm.s32 $0xD000;
	s5 =	simm.s32 $0xD800;
	[dreg:$0x4] =	wrdreg s30  }
.LBB2_1:
0x10: {  	[dreg:$0x5] =	wrdreg s23  }
0x11: {  	s22 =	rddreg [dreg:$0x3]  }
0x12: {  	[tilespmem:s2], [sflag:$0x3] =	stream.linear.gather [hbm4b:s22+s2], $0x2000, $0x38;
	[tilespmem:$0x12400] =	vst v63  }
0x13: {  	_ =	swait.ge [sflag:s9], $0x2000  }
0x14: {  	[sflag:s9] =	ssyncset.done $0x0  }
0x15: {  	[sflag:s9] =	ssyncadd.s32 $0xFFFFE000  }
0x16: {  	v3 =	vld [tilespmem:$0x0];
	_ =	sdelay $0x4  }
0x17: {  	v4 =	vshll.u32 v3, $0x1  }
0x18: {  	v3 =	vand.u32 $0x7, v3;
	v4 =	vand.u32 $0xFFFFFFF0, v4  }
0x19: {  	v3 =	vor.u32 v3, v4  }
0x1a: {  	v4 =	vperm.xlane v3, v0;
	_ =	sdelay $0x1  }
0x1b: {  	v3 =	vperm.xlane v3, v2;
	v4 =	vadd.s32 v1, v4;
	_ =	sdelay $0x1  }
0x1c: {  	v3 =	vadd.s32 v1, v3;
	_ =	sdelay $0x1  }
0x1d: {  	s29 =	simm.s32 $0x2000  }
0x1e: {  	[tilespmem:s29], [sflag:$0x1] =	stream.indirect_vreg.gather [hbm4b:s3+s2], $0x80, v4, vm0, $0xb8;
	[tilespmem:$0x12400] =	vst v63  }
0x1f: {  	s30 =	simm.s32 $0x2800  }
0x20: {  	[tilespmem:s30], [sflag:$0x1] =	stream.indirect_vreg.gather [hbm4b:s3+s2], $0x80, v3, vm0, $0xb8;
	[tilespmem:$0x12400] =	vst v63  }
0x21: {  	v3 =	vld [tilespmem:$0x10];
	_ =	sdelay $0x4  }
0x22: {  	v57 =	vshll.u32 v3, $0x1  }
0x23: {  	v3 =	vand.u32 $0x7, v3;
	v4 =	vand.u32 $0xFFFFFFF0, v57  }
0x24: {  	v3 =	vor.u32 v3, v4  }
0x25: {  	v4 =	vperm.xlane v3, v0;
	_ =	sdelay $0x1  }
0x26: {  	v3 =	vperm.xlane v3, v2;
	v4 =	vadd.s32 v1, v4;
	_ =	sdelay $0x1  }
0x27: {  	v3 =	vadd.s32 v1, v3;
	_ =	sdelay $0x1  }
0x28: {  	s23 =	simm.s32 $0x3000  }
0x29: {  	[tilespmem:s23], [sflag:$0x1] =	stream.indirect_vreg.gather [hbm4b:s3+s2], $0x80, v4, vm0, $0xb8;
	[tilespmem:$0x12400] =	vst v63  }
0x2a: {  	s24 =	simm.s32 $0x3800  }
0x2b: {  	[tilespmem:s24], [sflag:$0x1] =	stream.indirect_vreg.gather [hbm4b:s3+s2], $0x80, v3, vm0, $0xb8;
	[tilespmem:$0x12400] =	vst v63  }
0x2c: {  	v3 =	vld [tilespmem:$0x20];
	_ =	sdelay $0x4  }
0x2d: {  	v58 =	vshll.u32 v3, $0x1  }
0x2e: {  	v3 =	vand.u32 $0x7, v3;
	v4 =	vand.u32 $0xFFFFFFF0, v58  }
0x2f: {  	v3 =	vor.u32 v3, v4  }
0x30: {  	v4 =	vperm.xlane v3, v0;
	_ =	sdelay $0x1  }
0x31: {  	v3 =	vperm.xlane v3, v2;
	v4 =	vadd.s32 v1, v4;
	_ =	sdelay $0x1  }
0x32: {  	v3 =	vadd.s32 v1, v3;
	_ =	sdelay $0x1  }
0x33: {  	s25 =	simm.s32 $0x4000  }
0x34: {  	[tilespmem:s25], [sflag:$0x1] =	stream.indirect_vreg.gather [hbm4b:s3+s2], $0x80, v4, vm0, $0xb8;
	[tilespmem:$0x12400] =	vst v63  }
0x35: {  	s26 =	simm.s32 $0x4800  }
0x36: {  	[tilespmem:s26], [sflag:$0x1] =	stream.indirect_vreg.gather [hbm4b:s3+s2], $0x80, v3, vm0, $0xb8;
	[tilespmem:$0x12400] =	vst v63  }
0x37: {  	v3 =	vld [tilespmem:$0x30];
	_ =	sdelay $0x4  }
0x38: {  	v59 =	vshll.u32 v3, $0x1  }
0x39: {  	v3 =	vand.u32 $0x7, v3;
	v4 =	vand.u32 $0xFFFFFFF0, v59  }
0x3a: {  	v3 =	vor.u32 v3, v4  }
0x3b: {  	v4 =	vperm.xlane v3, v0;
	_ =	sdelay $0x1  }
0x3c: {  	v3 =	vperm.xlane v3, v2;
	v4 =	vadd.s32 v1, v4;
	_ =	sdelay $0x1  }
0x3d: {  	v3 =	vadd.s32 v1, v3;
	_ =	sdelay $0x1  }
0x3e: {  	s28 =	simm.s32 $0x5000  }
0x3f: {  	[tilespmem:s28], [sflag:$0x1] =	stream.indirect_vreg.gather [hbm4b:s3+s2], $0x80, v4, vm0, $0xb8;
	[tilespmem:$0x12400] =	vst v63  }
0x40: {  	s29 =	simm.s32 $0x5800  }
0x41: {  	[tilespmem:s29], [sflag:$0x1] =	stream.indirect_vreg.gather [hbm4b:s3+s2], $0x80, v3, vm0, $0xb8;
	[tilespmem:$0x12400] =	vst v63  }
0x42: {  	v3 =	vld [tilespmem:$0x40];
	_ =	sdelay $0x4  }
0x43: {  	v60 =	vshll.u32 v3, $0x1  }
0x44: {  	v3 =	vand.u32 $0x7, v3;
	v4 =	vand.u32 $0xFFFFFFF0, v60  }
0x45: {  	v3 =	vor.u32 v3, v4  }
0x46: {  	v4 =	vperm.xlane v3, v0;
	_ =	sdelay $0x1  }
0x47: {  	v3 =	vperm.xlane v3, v2;
	v4 =	vadd.s32 v1, v4;
	_ =	sdelay $0x1  }
0x48: {  	v3 =	vadd.s32 v1, v3;
	_ =	sdelay $0x1  }
0x49: {  	s30 =	simm.s32 $0x6000  }
0x4a: {  	[tilespmem:s30], [sflag:$0x1] =	stream.indirect_vreg.gather [hbm4b:s3+s2], $0x80, v4, vm0, $0xb8;
	[tilespmem:$0x12400] =	vst v63  }
0x4b: {  	s23 =	simm.s32 $0x6800  }
0x4c: {  	[tilespmem:s23], [sflag:$0x1] =	stream.indirect_vreg.gather [hbm4b:s3+s2], $0x80, v3, vm0, $0xb8;
	[tilespmem:$0x12400] =	vst v63  }
0x4d: {  	v3 =	vld [tilespmem:$0x50];
	_ =	sdelay $0x4  }
0x4e: {  	v61 =	vshll.u32 v3, $0x1  }
0x4f: {  	v3 =	vand.u32 $0x7, v3;
	v4 =	vand.u32 $0xFFFFFFF0, v61  }
0x50: {  	v3 =	vor.u32 v3, v4  }
0x51: {  	v4 =	vperm.xlane v3, v0;
	_ =	sdelay $0x1  }
0x52: {  	v3 =	vperm.xlane v3, v2;
	v4 =	vadd.s32 v1, v4;
	_ =	sdelay $0x1  }
0x53: {  	v3 =	vadd.s32 v1, v3;
	_ =	sdelay $0x1  }
0x54: {  	s24 =	simm.s32 $0x7000  }
0x55: {  	[tilespmem:s24], [sflag:$0x1] =	stream.indirect_vreg.gather [hbm4b:s3+s2], $0x80, v4, vm0, $0xb8;
	[tilespmem:$0x12400] =	vst v63  }
0x56: {  	s25 =	simm.s32 $0x7800  }
0x57: {  	[tilespmem:s25], [sflag:$0x1] =	stream.indirect_vreg.gather [hbm4b:s3+s2], $0x80, v3, vm0, $0xb8;
	[tilespmem:$0x12400] =	vst v63  }
0x58: {  	v3 =	vld [tilespmem:$0x60];
	_ =	sdelay $0x4  }
0x59: {  	v62 =	vshll.u32 v3, $0x1  }
0x5a: {  	v3 =	vand.u32 $0x7, v3;
	v4 =	vand.u32 $0xFFFFFFF0, v62  }
0x5b: {  	v3 =	vor.u32 v3, v4  }
0x5c: {  	v4 =	vperm.xlane v3, v0;
	_ =	sdelay $0x1  }
0x5d: {  	v3 =	vperm.xlane v3, v2;
	v4 =	vadd.s32 v1, v4;
	_ =	sdelay $0x1  }
0x5e: {  	v3 =	vadd.s32 v1, v3;
	_ =	sdelay $0x1  }
0x5f: {  	s26 =	simm.s32 $0x8000  }
0x60: {  	[tilespmem:s26], [sflag:$0x1] =	stream.indirect_vreg.gather [hbm4b:s3+s2], $0x80, v4, vm0, $0xb8;
	[tilespmem:$0x12400] =	vst v63  }
0x61: {  	s28 =	simm.s32 $0x8800  }
0x62: {  	[tilespmem:s28], [sflag:$0x1] =	stream.indirect_vreg.gather [hbm4b:s3+s2], $0x80, v3, vm0, $0xb8;
	[tilespmem:$0x12400] =	vst v63  }
0x63: {  	v3 =	vld [tilespmem:$0x70];
	_ =	sdelay $0x4  }
0x64: {  	v63 =	vshll.u32 v3, $0x1  }
0x65: {  	v3 =	vand.u32 $0x7, v3;
	v4 =	vand.u32 $0xFFFFFFF0, v63  }
0x66: {  	v3 =	vor.u32 v3, v4  }
0x67: {  	v4 =	vperm.xlane v3, v0;
	_ =	sdelay $0x1  }
0x68: {  	v3 =	vperm.xlane v3, v2;
	v4 =	vadd.s32 v1, v4;
	_ =	sdelay $0x1  }
0x69: {  	v3 =	vadd.s32 v1, v3;
	_ =	sdelay $0x1  }
0x6a: {  	s29 =	simm.s32 $0x9000  }
0x6b: {  	[tilespmem:s29], [sflag:$0x1] =	stream.indirect_vreg.gather [hbm4b:s3+s2], $0x80, v4, vm0, $0xb8;
	[tilespmem:$0x12400] =	vst v63  }
0x6c: {  	s22 =	simm.s32 $0x0;
	s30 =	simm.s32 $0x9800  }
0x6d: {  	[tilespmem:s30], [sflag:$0x1] =	stream.indirect_vreg.gather [hbm4b:s3+s2], $0x80, v3, vm0, $0xb8;
	[tilespmem:$0x12400] =	vst v63  }
.LBB2_2:
0x6e: {  	s24 =	sshll.u32 s22, $0x8  }
0x6f: {  	s23 =	sand.u32 $0x3FFFFF00, s24  }
0x70: {  	v3 =	vld [tilespmem:s23+$0x80];
	_ =	sdelay $0x4  }
0x71: {  	v4 =	vshll.u32 v3, $0x1  }
0x72: {  	v3 =	vand.u32 $0x7, v3;
	v4 =	vand.u32 $0xFFFFFFF0, v4  }
0x73: {  	v3 =	vor.u32 v3, v4  }
0x74: {  	v4 =	vperm.xlane v3, v0;
	_ =	sdelay $0x1  }
0x75: {  	v3 =	vperm.xlane v3, v2;
	v4 =	vadd.s32 v1, v4;
	_ =	sdelay $0x1  }
0x76: {  	v3 =	vadd.s32 v1, v3;
	_ =	sdelay $0x1  }
0x77: {  	s25 =	simm.s32 $0xA000  }
0x78: {  	[tilespmem:s25], [sflag:$0x2] =	stream.indirect_vreg.gather [hbm4b:s3+s2], $0x80, v4, vm0, $0xb8;
	[tilespmem:$0x12400] =	vst v63  }
0x79: {  	s26 =	simm.s32 $0xA800  }
0x7a: {  	[tilespmem:s26], [sflag:$0x2] =	stream.indirect_vreg.gather [hbm4b:s3+s2], $0x80, v3, vm0, $0xb8;
	[tilespmem:$0x12400] =	vst v63  }
0x7b: {  	v3 =	vld [tilespmem:s23+$0x90];
	_ =	sdelay $0x4  }
0x7c: {  	v4 =	vshll.u32 v3, $0x1  }
0x7d: {  	v3 =	vand.u32 $0x7, v3;
	v4 =	vand.u32 $0xFFFFFFF0, v4  }
0x7e: {  	v3 =	vor.u32 v3, v4  }
0x7f: {  	v4 =	vperm.xlane v3, v0;
	_ =	sdelay $0x1  }
0x80: {  	v3 =	vperm.xlane v3, v2;
	v4 =	vadd.s32 v1, v4;
	_ =	sdelay $0x1  }
0x81: {  	v3 =	vadd.s32 v1, v3;
	_ =	sdelay $0x1  }
0x82: {  	s26 =	simm.s32 $0xB000  }
0x83: {  	[tilespmem:s26], [sflag:$0x2] =	stream.indirect_vreg.gather [hbm4b:s3+s2], $0x80, v4, vm0, $0xb8;
	[tilespmem:$0x12400] =	vst v63  }
0x84: {  	s26 =	simm.s32 $0xB800  }
0x85: {  	[tilespmem:s26], [sflag:$0x2] =	stream.indirect_vreg.gather [hbm4b:s3+s2], $0x80, v3, vm0, $0xb8;
	[tilespmem:$0x12400] =	vst v63  }
0x86: {  	v3 =	vld [tilespmem:s23+$0xA0];
	_ =	sdelay $0x4  }
0x87: {  	v4 =	vshll.u32 v3, $0x1  }
0x88: {  	v3 =	vand.u32 $0x7, v3;
	v4 =	vand.u32 $0xFFFFFFF0, v4  }
0x89: {  	v3 =	vor.u32 v3, v4  }
0x8a: {  	v4 =	vperm.xlane v3, v0;
	_ =	sdelay $0x1  }
0x8b: {  	v3 =	vperm.xlane v3, v2;
	v4 =	vadd.s32 v1, v4;
	_ =	sdelay $0x1  }
0x8c: {  	v3 =	vadd.s32 v1, v3;
	_ =	sdelay $0x2  }
0x8d: {  	[tilespmem:s31], [sflag:$0x2] =	stream.indirect_vreg.gather [hbm4b:s3+s2], $0x80, v4, vm0, $0xb8;
	[tilespmem:$0x12400] =	vst v63  }
0x8e: {  	_ = 	snop  }
0x8f: {  	[tilespmem:s0], [sflag:$0x2] =	stream.indirect_vreg.gather [hbm4b:s3+s2], $0x80, v3, vm0, $0xb8;
	[tilespmem:$0x12400] =	vst v63  }
0x90: {  	v3 =	vld [tilespmem:s23+$0xB0];
	_ =	sdelay $0x4  }
0x91: {  	v4 =	vshll.u32 v3, $0x1  }
0x92: {  	v3 =	vand.u32 $0x7, v3;
	v4 =	vand.u32 $0xFFFFFFF0, v4  }
0x93: {  	v3 =	vor.u32 v3, v4  }
0x94: {  	v4 =	vperm.xlane v3, v0;
	_ =	sdelay $0x1  }
0x95: {  	v3 =	vperm.xlane v3, v2;
	v4 =	vadd.s32 v1, v4;
	_ =	sdelay $0x1  }
0x96: {  	v3 =	vadd.s32 v1, v3;
	_ =	sdelay $0x2  }
0x97: {  	[tilespmem:s1], [sflag:$0x2] =	stream.indirect_vreg.gather [hbm4b:s3+s2], $0x80, v4, vm0, $0xb8;
	[tilespmem:$0x12400] =	vst v63  }
0x98: {  	_ = 	snop  }
0x99: {  	[tilespmem:s5], [sflag:$0x2] =	stream.indirect_vreg.gather [hbm4b:s3+s2], $0x80, v3, vm0, $0xb8;
	[tilespmem:$0x12400] =	vst v63  }
0x9a: {  	v3 =	vld [tilespmem:s23+$0xC0];
	_ =	sdelay $0x4  }
0x9b: {  	v4 =	vshll.u32 v3, $0x1  }
0x9c: {  	v3 =	vand.u32 $0x7, v3;
	v4 =	vand.u32 $0xFFFFFFF0, v4  }
0x9d: {  	v3 =	vor.u32 v3, v4  }
0x9e: {  	v4 =	vperm.xlane v3, v0;
	_ =	sdelay $0x1  }
0x9f: {  	v3 =	vperm.xlane v3, v2;
	v4 =	vadd.s32 v1, v4;
	_ =	sdelay $0x1  }
0xa0: {  	v3 =	vadd.s32 v1, v3;
	_ =	sdelay $0x2  }
0xa1: {  	[tilespmem:s8], [sflag:$0x2] =	stream.indirect_vreg.gather [hbm4b:s3+s2], $0x80, v4, vm0, $0xb8;
	[tilespmem:$0x12400] =	vst v63  }
0xa2: {  	_ = 	snop  }
0xa3: {  	[tilespmem:s10], [sflag:$0x2] =	stream.indirect_vreg.gather [hbm4b:s3+s2], $0x80, v3, vm0, $0xb8;
	[tilespmem:$0x12400] =	vst v63  }
0xa4: {  	v3 =	vld [tilespmem:s23+$0xD0];
	_ =	sdelay $0x4  }
0xa5: {  	v4 =	vshll.u32 v3, $0x1  }
0xa6: {  	v3 =	vand.u32 $0x7, v3;
	v4 =	vand.u32 $0xFFFFFFF0, v4  }
0xa7: {  	v3 =	vor.u32 v3, v4  }
0xa8: {  	v4 =	vperm.xlane v3, v0;
	_ =	sdelay $0x1  }
0xa9: {  	v3 =	vperm.xlane v3, v2;
	v4 =	vadd.s32 v1, v4;
	_ =	sdelay $0x1  }
0xaa: {  	v3 =	vadd.s32 v1, v3;
	_ =	sdelay $0x2  }
0xab: {  	[tilespmem:s11], [sflag:$0x2] =	stream.indirect_vreg.gather [hbm4b:s3+s2], $0x80, v4, vm0, $0xb8;
	[tilespmem:$0x12400] =	vst v63  }
0xac: {  	_ = 	snop  }
0xad: {  	[tilespmem:s12], [sflag:$0x2] =	stream.indirect_vreg.gather [hbm4b:s3+s2], $0x80, v3, vm0, $0xb8;
	[tilespmem:$0x12400] =	vst v63  }
0xae: {  	v3 =	vld [tilespmem:s23+$0xE0];
	_ =	sdelay $0x4  }
0xaf: {  	v4 =	vshll.u32 v3, $0x1  }
0xb0: {  	v3 =	vand.u32 $0x7, v3;
	v4 =	vand.u32 $0xFFFFFFF0, v4  }
0xb1: {  	v3 =	vor.u32 v3, v4  }
0xb2: {  	v4 =	vperm.xlane v3, v0;
	_ =	sdelay $0x1  }
0xb3: {  	v3 =	vperm.xlane v3, v2;
	v4 =	vadd.s32 v1, v4;
	_ =	sdelay $0x1  }
0xb4: {  	v3 =	vadd.s32 v1, v3;
	_ =	sdelay $0x2  }
0xb5: {  	[tilespmem:s13], [sflag:$0x2] =	stream.indirect_vreg.gather [hbm4b:s3+s2], $0x80, v4, vm0, $0xb8;
	[tilespmem:$0x12400] =	vst v63  }
0xb6: {  	_ = 	snop  }
0xb7: {  	[tilespmem:s14], [sflag:$0x2] =	stream.indirect_vreg.gather [hbm4b:s3+s2], $0x80, v3, vm0, $0xb8;
	[tilespmem:$0x12400] =	vst v63  }
0xb8: {  	v3 =	vld [tilespmem:s23+$0xF0];
	_ =	sdelay $0x4  }
0xb9: {  	v4 =	vshll.u32 v3, $0x1  }
0xba: {  	v3 =	vand.u32 $0x7, v3;
	v4 =	vand.u32 $0xFFFFFFF0, v4  }
0xbb: {  	v3 =	vor.u32 v3, v4  }
0xbc: {  	v4 =	vperm.xlane v3, v0;
	_ =	sdelay $0x1  }
0xbd: {  	v3 =	vperm.xlane v3, v2;
	v4 =	vadd.s32 v1, v4;
	_ =	sdelay $0x1  }
0xbe: {  	v3 =	vadd.s32 v1, v3;
	_ =	sdelay $0x2  }
0xbf: {  	[tilespmem:s15], [sflag:$0x2] =	stream.indirect_vreg.gather [hbm4b:s3+s2], $0x80, v4, vm0, $0xb8;
	[tilespmem:$0x12400] =	vst v63  }
0xc0: {  	_ = 	snop  }
0xc1: {  	[tilespmem:s16], [sflag:$0x2] =	stream.indirect_vreg.gather [hbm4b:s3+s2], $0x80, v3, vm0, $0xb8;
	[tilespmem:$0x12400] =	vst v63  }
0xc2: {  	_ =	swait.ge [sflag:s17], $0x8000  }
0xc3: {  	[sflag:s17] =	ssyncset.done $0x0  }
0xc4: {  	[sflag:s17] =	ssyncadd.s32 $0xFFFF8000  }
0xc5: {  	v10 =	vld [tilespmem:$0x2000]  }
0xc6: {  	v11 =	vld [tilespmem:$0x2010]  }
0xc7: {  	v12 =	vld [tilespmem:$0x2020]  }
0xc8: {  	v13 =	vld [tilespmem:$0x2030]  }
0xc9: {  	v14 =	vld [tilespmem:$0x2040]  }
0xca: {  	v21 =	vld [tilespmem:$0x2050]  }
0xcb: {  	v23 =	vld [tilespmem:$0x2060]  }
0xcc: {  	v24 =	vld [tilespmem:$0x2070]  }
0xcd: {  	v25 =	vld [tilespmem:$0x2400]  }
0xce: {  	v9 =	vld [tilespmem:$0x2410]  }
0xcf: {  	v7 =	vld [tilespmem:$0x2420]  }
0xd0: {  	v4 =	vld [tilespmem:$0x2430]  }
0xd1: {  	v5 =	vld [tilespmem:$0x2440]  }
0xd2: {  	s25 =	simm.s32 $0x100;
	s26 =	simm.s32 $0x80;
	v6 =	vld [tilespmem:$0x2450]  }
0xd3: {  	s25 =	sand.u32 $0x1800, s25;
	s26 =	sand.u32 $0x380, s26;
	v3 =	vld [tilespmem:$0x2460]  }
0xd4: {  	s25 =	sor.u32 s26, s25;
	v8 =	vld [tilespmem:$0x2470]  }
0xd5: {  	v15 =	vld [tilespmem:s25+$0x2470]  }
0xd6: {  	v16 =	vld [tilespmem:s25+$0x2000]  }
0xd7: {  	v17 =	vld [tilespmem:s25+$0x2010]  }
0xd8: {  	v20 =	vld [tilespmem:s25+$0x2020]  }
0xd9: {  	v26 =	vld [tilespmem:s25+$0x2030]  }
0xda: {  	v27 =	vld [tilespmem:s25+$0x2040]  }
0xdb: {  	v28 =	vld [tilespmem:s25+$0x2050]  }
0xdc: {  	v29 =	vld [tilespmem:s25+$0x2060]  }
0xdd: {  	v30 =	vld [tilespmem:s25+$0x2070]  }
0xde: {  	v31 =	vld [tilespmem:s25+$0x2400]  }
0xdf: {  	v22 =	vld [tilespmem:s25+$0x2410]  }
0xe0: {  	v19 =	vld [tilespmem:s25+$0x2420];
	v8 =	vmax.f32 v8, v15  }
0xe1: {  	v18 =	vmax.f32 v10, v16;
	v17 =	vmax.f32 v11, v17;
	v16 =	vmax.f32 v12, v20;
	v20 =	vld [tilespmem:s25+$0x2430]  }
0xe2: {  	s28 =	simm.s32 $0x200;
	s26 =	simm.s32 $0x100;
	v15 =	vmax.f32 v13, v26;
	v14 =	vmax.f32 v14, v27;
	v12 =	vmax.f32 v21, v28;
	v21 =	vld [tilespmem:s25+$0x2440]  }
0xe3: {  	s29 =	sand.u32 $0x1800, s28;
	s28 =	simm.s32 $0x300;
	s30 =	sand.u32 $0x380, s26;
	v13 =	vmax.f32 v23, v29;
	v10 =	vmax.f32 v24, v30;
	v11 =	vmax.f32 v25, v31;
	v23 =	vld [tilespmem:s25+$0x2450]  }
.LBB2_3:
0xe4: {  	p0 =	sne.s32 s28, $0x1F00;
	v9 =	vmax.f32 v9, v22;
	v22 =	vld [tilespmem:s25+$0x2460];
	s25 =	sor.u32 s30, s29  }
0xe5: {  	v24 =	vld [tilespmem:s25+$0x2470];
	v7 =	vmax.f32 v7, v19  }
0xe6: {  	v19 =	vld [tilespmem:s25+$0x2000];
	v4 =	vmax.f32 v4, v20  }
0xe7: {  	v20 =	vld [tilespmem:s25+$0x2010];
	v5 =	vmax.f32 v5, v21  }
0xe8: {  	v21 =	vld [tilespmem:s25+$0x2020];
	v6 =	vmax.f32 v6, v23  }
0xe9: {  	v23 =	vld [tilespmem:s25+$0x2030];
	v3 =	vmax.f32 v3, v22  }
0xea: {  	v22 =	vld [tilespmem:s25+$0x2040];
	v8 =	vmax.f32 v8, v24  }
0xeb: {  	v18 =	vmax.f32 v18, v19;
	v19 =	vld [tilespmem:s25+$0x2050]  }
0xec: {  	v17 =	vmax.f32 v17, v20;
	v20 =	vld [tilespmem:s25+$0x2060]  }
0xed: {  	v16 =	vmax.f32 v16, v21;
	v21 =	vld [tilespmem:s25+$0x2070]  }
0xee: {  	v15 =	vmax.f32 v15, v23;
	v23 =	vld [tilespmem:s25+$0x2400]  }
.Ltmp0:
0xef: {  	v14 =	vmax.f32 v14, v22;
	v22 =	vld [tilespmem:s25+$0x2410];
	(pc) =	sbr.rel @p0 .LBB2_3-.Ltmp0, $4  }
0xf0: {  	v12 =	vmax.f32 v12, v19;
	v19 =	vld [tilespmem:s25+$0x2420]  }
0xf1: {  	v13 =	vmax.f32 v13, v20;
	v20 =	vld [tilespmem:s25+$0x2430]  }
0xf2: {  	s26 =	sadd.s32 $0x80, s26;
	v10 =	vmax.f32 v10, v21;
	v21 =	vld [tilespmem:s25+$0x2440]  }
0xf3: {  	s29 =	sand.u32 $0x1800, s28;
	s28 =	sadd.s32 $0x100, s28;
	s30 =	sand.u32 $0x380, s26;
	v11 =	vmax.f32 v11, v23;
	v23 =	vld [tilespmem:s25+$0x2450]  }
0xf4: {  	s26 =	sor.u32 s30, s29;
	v24 =	vld [tilespmem:s25+$0x2460]  }
0xf5: {  	v25 =	vld [tilespmem:s26+$0x2470]  }
0xf6: {  	v26 =	vld [tilespmem:s26+$0x2000]  }
0xf7: {  	v27 =	vld [tilespmem:s26+$0x2010]  }
0xf8: {  	v28 =	vld [tilespmem:s26+$0x2020]  }
0xf9: {  	v29 =	vld [tilespmem:s26+$0x2030]  }
0xfa: {  	v30 =	vld [tilespmem:s26+$0x2040]  }
0xfb: {  	v31 =	vld [tilespmem:s26+$0x2050]  }
0xfc: {  	v32 =	vld [tilespmem:s26+$0x2060]  }
0xfd: {  	v33 =	vld [tilespmem:s26+$0x2070]  }
0xfe: {  	v34 =	vld [tilespmem:s26+$0x2400]  }
0xff: {  	v35 =	vld [tilespmem:s26+$0x2410]  }
0x100: {  	v36 =	vld [tilespmem:s26+$0x2420]  }
0x101: {  	v37 =	vld [tilespmem:s26+$0x2430]  }
0x102: {  	v38 =	vld [tilespmem:s26+$0x2440]  }
0x103: {  	v39 =	vld [tilespmem:s26+$0x2450]  }
0x104: {  	v57 =	vld [tilespmem:s26+$0x2460];
	v18 =	vmax.f32 v18, v26  }
0x105: {  	v7 =	vmax.f32 v7, v19;
	v19 =	vmax.f32 v4, v20;
	v4 =	vld [tilespmem:$0x4410];
	v17 =	vmax.f32 v17, v27;
	[tilespmem:$0x12000] =	vst v18  }
0x106: {  	v16 =	vmax.f32 v16, v28;
	v18 =	vld [tilespmem:$0x4000];
	[tilespmem:$0x12010] =	vst v17  }
0x107: {  	v15 =	vmax.f32 v15, v29;
	v17 =	vld [tilespmem:$0x4010];
	[tilespmem:$0x12020] =	vst v16  }
0x108: {  	v14 =	vmax.f32 v14, v30;
	v16 =	vld [tilespmem:$0x4020];
	[tilespmem:$0x12030] =	vst v15  }
0x109: {  	v12 =	vmax.f32 v12, v31;
	v15 =	vld [tilespmem:$0x4030];
	[tilespmem:$0x12040] =	vst v14  }
0x10a: {  	v13 =	vmax.f32 v13, v32;
	v14 =	vld [tilespmem:$0x4040];
	[tilespmem:$0x12050] =	vst v12  }
0x10b: {  	v10 =	vmax.f32 v10, v33;
	v12 =	vld [tilespmem:$0x4050];
	[tilespmem:$0x12060] =	vst v13  }
0x10c: {  	v9 =	vmax.f32 v9, v22;
	v11 =	vmax.f32 v11, v34;
	v13 =	vld [tilespmem:$0x4060];
	[tilespmem:$0x12070] =	vst v10  }
0x10d: {  	v9 =	vmax.f32 v9, v35;
	v10 =	vld [tilespmem:$0x4070];
	[tilespmem:$0x12200] =	vst v11  }
0x10e: {  	v7 =	vmax.f32 v7, v36;
	v11 =	vld [tilespmem:$0x4400];
	[tilespmem:$0x12210] =	vst v9  }
0x10f: {  	v19 =	vmax.f32 v19, v37;
	v9 =	vmax.f32 v5, v21;
	[tilespmem:$0x12220] =	vst v7;
	v5 =	vld [tilespmem:$0x4420]  }
0x110: {  	v7 =	vmax.f32 v6, v23;
	[tilespmem:$0x12230] =	vst v19;
	v6 =	vld [tilespmem:$0x4430];
	v9 =	vmax.f32 v9, v38  }
0x111: {  	v3 =	vmax.f32 v3, v24;
	v19 =	vmax.f32 v7, v39;
	v7 =	vld [tilespmem:$0x4440];
	[tilespmem:$0x12240] =	vst v9  }
0x112: {  	s25 =	simm.s32 $0x100;
	s26 =	simm.s32 $0x80;
	v9 =	vmax.f32 v3, v57;
	[tilespmem:$0x12250] =	vst v19;
	v3 =	vld [tilespmem:$0x4450]  }
0x113: {  	s25 =	sand.u32 $0x1800, s25;
	s26 =	sand.u32 $0x380, s26;
	v19 =	vmax.f32 v8, v25;
	v8 =	vld [tilespmem:$0x4460];
	[tilespmem:$0x12260] =	vst v9  }
0x114: {  	s25 =	sor.u32 s26, s25;
	[tilespmem:$0x12270] =	vst v19;
	v9 =	vld [tilespmem:$0x4470]  }
0x115: {  	v19 =	vld [tilespmem:s25+$0x4470]  }
0x116: {  	v20 =	vld [tilespmem:s25+$0x4000]  }
0x117: {  	v21 =	vld [tilespmem:s25+$0x4010]  }
0x118: {  	v23 =	vld [tilespmem:s25+$0x4020]  }
0x119: {  	v58 =	vld [tilespmem:s25+$0x4030]  }
0x11a: {  	v59 =	vld [tilespmem:s25+$0x4040]  }
0x11b: {  	v60 =	vld [tilespmem:s25+$0x4050]  }
0x11c: {  	v61 =	vld [tilespmem:s25+$0x4060]  }
0x11d: {  	v62 =	vld [tilespmem:s25+$0x4070]  }
0x11e: {  	v63 =	vld [tilespmem:s25+$0x4400]  }
0x11f: {  	v22 =	vld [tilespmem:s25+$0x4410]  }
0x120: {  	v9 =	vmax.f32 v9, v19;
	v19 =	vld [tilespmem:s25+$0x4420]  }
0x121: {  	v18 =	vmax.f32 v18, v20;
	v17 =	vmax.f32 v17, v21;
	v16 =	vmax.f32 v16, v23;
	v20 =	vld [tilespmem:s25+$0x4430]  }
0x122: {  	s28 =	simm.s32 $0x200;
	s26 =	simm.s32 $0x100;
	v15 =	vmax.f32 v15, v58;
	v14 =	vmax.f32 v14, v59;
	v12 =	vmax.f32 v12, v60;
	v21 =	vld [tilespmem:s25+$0x4440]  }
0x123: {  	s29 =	sand.u32 $0x1800, s28;
	s28 =	simm.s32 $0x300;
	s30 =	sand.u32 $0x380, s26;
	v13 =	vmax.f32 v13, v61;
	v10 =	vmax.f32 v10, v62;
	v11 =	vmax.f32 v11, v63;
	v23 =	vld [tilespmem:s25+$0x4450]  }
.LBB2_5:
0x124: {  	p0 =	sne.s32 s28, $0x1F00;
	v4 =	vmax.f32 v4, v22;
	v22 =	vld [tilespmem:s25+$0x4460];
	s25 =	sor.u32 s30, s29  }
0x125: {  	v24 =	vld [tilespmem:s25+$0x4470];
	v5 =	vmax.f32 v5, v19  }
0x126: {  	v19 =	vld [tilespmem:s25+$0x4000];
	v6 =	vmax.f32 v6, v20  }
0x127: {  	v20 =	vld [tilespmem:s25+$0x4010];
	v7 =	vmax.f32 v7, v21  }
0x128: {  	v21 =	vld [tilespmem:s25+$0x4020];
	v3 =	vmax.f32 v3, v23  }
0x129: {  	v23 =	vld [tilespmem:s25+$0x4030];
	v8 =	vmax.f32 v8, v22  }
0x12a: {  	v22 =	vld [tilespmem:s25+$0x4040];
	v9 =	vmax.f32 v9, v24  }
0x12b: {  	v18 =	vmax.f32 v18, v19;
	v19 =	vld [tilespmem:s25+$0x4050]  }
0x12c: {  	v17 =	vmax.f32 v17, v20;
	v20 =	vld [tilespmem:s25+$0x4060]  }
0x12d: {  	v16 =	vmax.f32 v16, v21;
	v21 =	vld [tilespmem:s25+$0x4070]  }
0x12e: {  	v15 =	vmax.f32 v15, v23;
	v23 =	vld [tilespmem:s25+$0x4400]  }
.Ltmp1:
0x12f: {  	v14 =	vmax.f32 v14, v22;
	v22 =	vld [tilespmem:s25+$0x4410];
	(pc) =	sbr.rel @p0 .LBB2_5-.Ltmp1, $4  }
0x130: {  	v12 =	vmax.f32 v12, v19;
	v19 =	vld [tilespmem:s25+$0x4420]  }
0x131: {  	v13 =	vmax.f32 v13, v20;
	v20 =	vld [tilespmem:s25+$0x4430]  }
0x132: {  	s26 =	sadd.s32 $0x80, s26;
	v10 =	vmax.f32 v10, v21;
	v21 =	vld [tilespmem:s25+$0x4440]  }
0x133: {  	s29 =	sand.u32 $0x1800, s28;
	s28 =	sadd.s32 $0x100, s28;
	s30 =	sand.u32 $0x380, s26;
	v11 =	vmax.f32 v11, v23;
	v23 =	vld [tilespmem:s25+$0x4450]  }
0x134: {  	s26 =	sor.u32 s30, s29;
	v24 =	vld [tilespmem:s25+$0x4460]  }
0x135: {  	v25 =	vld [tilespmem:s26+$0x4470]  }
0x136: {  	v26 =	vld [tilespmem:s26+$0x4000]  }
0x137: {  	v27 =	vld [tilespmem:s26+$0x4010]  }
0x138: {  	v28 =	vld [tilespmem:s26+$0x4020]  }
0x139: {  	v29 =	vld [tilespmem:s26+$0x4030]  }
0x13a: {  	v30 =	vld [tilespmem:s26+$0x4040]  }
0x13b: {  	v31 =	vld [tilespmem:s26+$0x4050]  }
0x13c: {  	v32 =	vld [tilespmem:s26+$0x4060]  }
0x13d: {  	v33 =	vld [tilespmem:s26+$0x4070]  }
0x13e: {  	v34 =	vld [tilespmem:s26+$0x4400]  }
0x13f: {  	v35 =	vld [tilespmem:s26+$0x4410]  }
0x140: {  	v36 =	vld [tilespmem:s26+$0x4420]  }
0x141: {  	v37 =	vld [tilespmem:s26+$0x4430]  }
0x142: {  	v38 =	vld [tilespmem:s26+$0x4440]  }
0x143: {  	v39 =	vld [tilespmem:s26+$0x4450]  }
0x144: {  	v57 =	vld [tilespmem:s26+$0x4460];
	v18 =	vmax.f32 v18, v26  }
0x145: {  	v17 =	vmax.f32 v17, v27;
	[tilespmem:$0x12080] =	vst v18;
	v18 =	vld [tilespmem:$0x6000]  }
0x146: {  	v16 =	vmax.f32 v16, v28;
	[tilespmem:$0x12090] =	vst v17;
	v17 =	vld [tilespmem:$0x6010]  }
0x147: {  	v15 =	vmax.f32 v15, v29;
	[tilespmem:$0x120A0] =	vst v16;
	v16 =	vld [tilespmem:$0x6020]  }
0x148: {  	v14 =	vmax.f32 v14, v30;
	[tilespmem:$0x120B0] =	vst v15;
	v15 =	vld [tilespmem:$0x6030]  }
0x149: {  	v12 =	vmax.f32 v12, v31;
	[tilespmem:$0x120C0] =	vst v14;
	v14 =	vld [tilespmem:$0x6040]  }
0x14a: {  	v13 =	vmax.f32 v13, v32;
	[tilespmem:$0x120D0] =	vst v12;
	v12 =	vld [tilespmem:$0x6050]  }
0x14b: {  	v10 =	vmax.f32 v10, v33;
	[tilespmem:$0x120E0] =	vst v13;
	v13 =	vld [tilespmem:$0x6060]  }
0x14c: {  	v4 =	vmax.f32 v4, v22;
	v11 =	vmax.f32 v11, v34;
	[tilespmem:$0x120F0] =	vst v10;
	v10 =	vld [tilespmem:$0x6070]  }
0x14d: {  	v5 =	vmax.f32 v5, v19;
	v4 =	vmax.f32 v4, v35;
	[tilespmem:$0x12280] =	vst v11;
	v11 =	vld [tilespmem:$0x6400]  }
0x14e: {  	v6 =	vmax.f32 v6, v20;
	v5 =	vmax.f32 v5, v36;
	[tilespmem:$0x12290] =	vst v4;
	v4 =	vld [tilespmem:$0x6410]  }
0x14f: {  	v7 =	vmax.f32 v7, v21;
	v6 =	vmax.f32 v6, v37;
	[tilespmem:$0x122A0] =	vst v5;
	v5 =	vld [tilespmem:$0x6420]  }
0x150: {  	v3 =	vmax.f32 v3, v23;
	v7 =	vmax.f32 v7, v38;
	[tilespmem:$0x122B0] =	vst v6;
	v6 =	vld [tilespmem:$0x6430]  }
0x151: {  	v8 =	vmax.f32 v8, v24;
	v3 =	vmax.f32 v3, v39;
	[tilespmem:$0x122C0] =	vst v7;
	v7 =	vld [tilespmem:$0x6440]  }
0x152: {  	s25 =	simm.s32 $0x100;
	s26 =	simm.s32 $0x80;
	v8 =	vmax.f32 v8, v57;
	[tilespmem:$0x122D0] =	vst v3;
	v3 =	vld [tilespmem:$0x6450]  }
0x153: {  	s25 =	sand.u32 $0x1800, s25;
	s26 =	sand.u32 $0x380, s26;
	v9 =	vmax.f32 v9, v25;
	[tilespmem:$0x122E0] =	vst v8;
	v8 =	vld [tilespmem:$0x6460]  }
0x154: {  	s25 =	sor.u32 s26, s25;
	[tilespmem:$0x122F0] =	vst v9;
	v9 =	vld [tilespmem:$0x6470]  }
0x155: {  	v19 =	vld [tilespmem:s25+$0x6470]  }
0x156: {  	v20 =	vld [tilespmem:s25+$0x6000]  }
0x157: {  	v21 =	vld [tilespmem:s25+$0x6010]  }
0x158: {  	v23 =	vld [tilespmem:s25+$0x6020]  }
0x159: {  	v58 =	vld [tilespmem:s25+$0x6030]  }
0x15a: {  	v59 =	vld [tilespmem:s25+$0x6040]  }
0x15b: {  	v60 =	vld [tilespmem:s25+$0x6050]  }
0x15c: {  	v61 =	vld [tilespmem:s25+$0x6060]  }
0x15d: {  	v62 =	vld [tilespmem:s25+$0x6070]  }
0x15e: {  	v63 =	vld [tilespmem:s25+$0x6400]  }
0x15f: {  	v22 =	vld [tilespmem:s25+$0x6410]  }
0x160: {  	v9 =	vmax.f32 v9, v19;
	v19 =	vld [tilespmem:s25+$0x6420]  }
0x161: {  	v18 =	vmax.f32 v18, v20;
	v17 =	vmax.f32 v17, v21;
	v16 =	vmax.f32 v16, v23;
	v20 =	vld [tilespmem:s25+$0x6430]  }
0x162: {  	s28 =	simm.s32 $0x200;
	s26 =	simm.s32 $0x100;
	v15 =	vmax.f32 v15, v58;
	v14 =	vmax.f32 v14, v59;
	v12 =	vmax.f32 v12, v60;
	v21 =	vld [tilespmem:s25+$0x6440]  }
0x163: {  	s29 =	sand.u32 $0x1800, s28;
	s28 =	simm.s32 $0x300;
	s30 =	sand.u32 $0x380, s26;
	v13 =	vmax.f32 v13, v61;
	v10 =	vmax.f32 v10, v62;
	v11 =	vmax.f32 v11, v63;
	v23 =	vld [tilespmem:s25+$0x6450]  }
.LBB2_7:
0x164: {  	p0 =	sne.s32 s28, $0x1F00;
	v4 =	vmax.f32 v4, v22;
	v22 =	vld [tilespmem:s25+$0x6460];
	s25 =	sor.u32 s30, s29  }
0x165: {  	v24 =	vld [tilespmem:s25+$0x6470];
	v5 =	vmax.f32 v5, v19  }
0x166: {  	v19 =	vld [tilespmem:s25+$0x6000];
	v6 =	vmax.f32 v6, v20  }
0x167: {  	v20 =	vld [tilespmem:s25+$0x6010];
	v7 =	vmax.f32 v7, v21  }
0x168: {  	v21 =	vld [tilespmem:s25+$0x6020];
	v3 =	vmax.f32 v3, v23  }
0x169: {  	v23 =	vld [tilespmem:s25+$0x6030];
	v8 =	vmax.f32 v8, v22  }
0x16a: {  	v22 =	vld [tilespmem:s25+$0x6040];
	v9 =	vmax.f32 v9, v24  }
0x16b: {  	v18 =	vmax.f32 v18, v19;
	v19 =	vld [tilespmem:s25+$0x6050]  }
0x16c: {  	v17 =	vmax.f32 v17, v20;
	v20 =	vld [tilespmem:s25+$0x6060]  }
0x16d: {  	v16 =	vmax.f32 v16, v21;
	v21 =	vld [tilespmem:s25+$0x6070]  }
0x16e: {  	v15 =	vmax.f32 v15, v23;
	v23 =	vld [tilespmem:s25+$0x6400]  }
.Ltmp2:
0x16f: {  	v14 =	vmax.f32 v14, v22;
	v22 =	vld [tilespmem:s25+$0x6410];
	(pc) =	sbr.rel @p0 .LBB2_7-.Ltmp2, $4  }
0x170: {  	v12 =	vmax.f32 v12, v19;
	v19 =	vld [tilespmem:s25+$0x6420]  }
0x171: {  	v13 =	vmax.f32 v13, v20;
	v20 =	vld [tilespmem:s25+$0x6430]  }
0x172: {  	s26 =	sadd.s32 $0x80, s26;
	v10 =	vmax.f32 v10, v21;
	v21 =	vld [tilespmem:s25+$0x6440]  }
0x173: {  	s29 =	sand.u32 $0x1800, s28;
	s28 =	sadd.s32 $0x100, s28;
	s30 =	sand.u32 $0x380, s26;
	v11 =	vmax.f32 v11, v23;
	v23 =	vld [tilespmem:s25+$0x6450]  }
0x174: {  	v24 =	vld [tilespmem:s25+$0x6460]  }
0x175: {  	s26 =	sor.u32 s30, s29;
	v56 =	vld [tilespmem:$0x8040]  }
0x176: {  	v25 =	vld [tilespmem:s26+$0x6470]  }
0x177: {  	v26 =	vld [tilespmem:s26+$0x6000]  }
0x178: {  	v27 =	vld [tilespmem:s26+$0x6010]  }
0x179: {  	v28 =	vld [tilespmem:s26+$0x6020]  }
0x17a: {  	v29 =	vld [tilespmem:s26+$0x6030]  }
0x17b: {  	v30 =	vld [tilespmem:s26+$0x6040]  }
0x17c: {  	v31 =	vld [tilespmem:s26+$0x6050]  }
0x17d: {  	v32 =	vld [tilespmem:s26+$0x6060]  }
0x17e: {  	v33 =	vld [tilespmem:s26+$0x6070]  }
0x17f: {  	v34 =	vld [tilespmem:s26+$0x6400]  }
0x180: {  	v35 =	vld [tilespmem:s26+$0x6410]  }
0x181: {  	v36 =	vld [tilespmem:s26+$0x6420]  }
0x182: {  	v37 =	vld [tilespmem:s26+$0x6430]  }
0x183: {  	v38 =	vld [tilespmem:s26+$0x6440]  }
0x184: {  	v39 =	vld [tilespmem:s26+$0x6450];
	v18 =	vmax.f32 v18, v26  }
0x185: {  	v55 =	vld [tilespmem:s26+$0x6460];
	v17 =	vmax.f32 v17, v27;
	[tilespmem:$0x12100] =	vst v18  }
0x186: {  	v57 =	vld [tilespmem:$0x8060];
	v16 =	vmax.f32 v16, v28;
	[tilespmem:$0x12110] =	vst v17  }
0x187: {  	v58 =	vld [tilespmem:$0x8070];
	v15 =	vmax.f32 v15, v29;
	[tilespmem:$0x12120] =	vst v16  }
0x188: {  	v59 =	vld [tilespmem:$0x8400];
	v14 =	vmax.f32 v14, v30;
	[tilespmem:$0x12130] =	vst v15  }
0x189: {  	v12 =	vmax.f32 v12, v31;
	v18 =	vld [tilespmem:$0x8000];
	[tilespmem:$0x12140] =	vst v14  }
0x18a: {  	v13 =	vmax.f32 v13, v32;
	v17 =	vld [tilespmem:$0x8010];
	[tilespmem:$0x12150] =	vst v12  }
0x18b: {  	v10 =	vmax.f32 v10, v33;
	v16 =	vld [tilespmem:$0x8020];
	[tilespmem:$0x12160] =	vst v13  }
0x18c: {  	v4 =	vmax.f32 v4, v22;
	v11 =	vmax.f32 v11, v34;
	v15 =	vld [tilespmem:$0x8030];
	[tilespmem:$0x12170] =	vst v10  }
0x18d: {  	v5 =	vmax.f32 v5, v19;
	v4 =	vmax.f32 v4, v35;
	v12 =	vld [tilespmem:$0x8050];
	[tilespmem:$0x12300] =	vst v11  }
0x18e: {  	v6 =	vmax.f32 v6, v20;
	v5 =	vmax.f32 v5, v36;
	[tilespmem:$0x12310] =	vst v4;
	v4 =	vld [tilespmem:$0x8410]  }
0x18f: {  	v7 =	vmax.f32 v7, v21;
	v6 =	vmax.f32 v6, v37;
	[tilespmem:$0x12320] =	vst v5;
	v5 =	vld [tilespmem:$0x8420]  }
0x190: {  	v8 =	vmax.f32 v8, v24;
	v7 =	vmax.f32 v7, v38;
	v10 =	vmax.f32 v3, v23;
	[tilespmem:$0x12330] =	vst v6;
	v3 =	vld [tilespmem:$0x8430]  }
0x191: {  	v8 =	vmax.f32 v8, v55;
	[tilespmem:$0x12340] =	vst v7;
	v6 =	vld [tilespmem:$0x8440]  }
0x192: {  	s25 =	simm.s32 $0x100;
	s26 =	simm.s32 $0x80;
	v9 =	vmax.f32 v9, v25;
	v7 =	vld [tilespmem:$0x8450];
	[tilespmem:$0x12360] =	vst v8  }
0x193: {  	s25 =	sand.u32 $0x1800, s25;
	s26 =	sand.u32 $0x380, s26;
	v8 =	vld [tilespmem:$0x8460];
	[tilespmem:$0x12370] =	vst v9;
	v10 =	vmax.f32 v10, v39  }
0x194: {  	s25 =	sor.u32 s26, s25;
	v9 =	vld [tilespmem:$0x8470];
	[tilespmem:$0x12350] =	vst v10  }
0x195: {  	v10 =	vld [tilespmem:s25+$0x8470]  }
0x196: {  	v11 =	vld [tilespmem:s25+$0x8000]  }
0x197: {  	v13 =	vld [tilespmem:s25+$0x8010]  }
0x198: {  	v14 =	vld [tilespmem:s25+$0x8020]  }
0x199: {  	v22 =	vld [tilespmem:s25+$0x8030]  }
0x19a: {  	v23 =	vld [tilespmem:s25+$0x8040]  }
0x19b: {  	v60 =	vld [tilespmem:s25+$0x8050]  }
0x19c: {  	v61 =	vld [tilespmem:s25+$0x8060]  }
0x19d: {  	v62 =	vld [tilespmem:s25+$0x8070]  }
0x19e: {  	v63 =	vld [tilespmem:s25+$0x8400]  }
0x19f: {  	v21 =	vld [tilespmem:s25+$0x8410]  }
0x1a0: {  	v19 =	vld [tilespmem:s25+$0x8420];
	v9 =	vmax.f32 v9, v10  }
0x1a1: {  	v20 =	vld [tilespmem:s25+$0x8430];
	v18 =	vmax.f32 v18, v11;
	v17 =	vmax.f32 v17, v13;
	v13 =	vmax.f32 v16, v14  }
0x1a2: {  	s28 =	simm.s32 $0x200;
	s26 =	simm.s32 $0x100;
	v14 =	vmax.f32 v15, v22;
	v10 =	vmax.f32 v56, v23;
	v11 =	vmax.f32 v12, v60;
	v22 =	vld [tilespmem:s25+$0x8440]  }
0x1a3: {  	s29 =	sand.u32 $0x1800, s28;
	s28 =	simm.s32 $0x300;
	s30 =	sand.u32 $0x380, s26;
	v15 =	vmax.f32 v57, v61;
	v12 =	vmax.f32 v58, v62;
	v16 =	vmax.f32 v59, v63;
	v23 =	vld [tilespmem:s25+$0x8450]  }
.LBB2_9:
0x1a4: {  	p0 =	sne.s32 s28, $0x1F00;
	v4 =	vmax.f32 v4, v21;
	v21 =	vld [tilespmem:s25+$0x8460];
	s25 =	sor.u32 s30, s29  }
0x1a5: {  	v24 =	vld [tilespmem:s25+$0x8470];
	v5 =	vmax.f32 v5, v19  }
0x1a6: {  	v19 =	vld [tilespmem:s25+$0x8000];
	v3 =	vmax.f32 v3, v20  }
0x1a7: {  	v20 =	vld [tilespmem:s25+$0x8010];
	v6 =	vmax.f32 v6, v22  }
0x1a8: {  	v22 =	vld [tilespmem:s25+$0x8020];
	v7 =	vmax.f32 v7, v23  }
0x1a9: {  	v23 =	vld [tilespmem:s25+$0x8030];
	v8 =	vmax.f32 v8, v21  }
0x1aa: {  	v21 =	vld [tilespmem:s25+$0x8040];
	v9 =	vmax.f32 v9, v24  }
0x1ab: {  	v18 =	vmax.f32 v18, v19;
	v19 =	vld [tilespmem:s25+$0x8050]  }
0x1ac: {  	v17 =	vmax.f32 v17, v20;
	v20 =	vld [tilespmem:s25+$0x8060]  }
0x1ad: {  	v13 =	vmax.f32 v13, v22;
	v22 =	vld [tilespmem:s25+$0x8070]  }
0x1ae: {  	v14 =	vmax.f32 v14, v23;
	v23 =	vld [tilespmem:s25+$0x8400]  }
.Ltmp3:
0x1af: {  	v10 =	vmax.f32 v10, v21;
	v21 =	vld [tilespmem:s25+$0x8410];
	(pc) =	sbr.rel @p0 .LBB2_9-.Ltmp3, $4  }
0x1b0: {  	v11 =	vmax.f32 v11, v19;
	v19 =	vld [tilespmem:s25+$0x8420]  }
0x1b1: {  	v15 =	vmax.f32 v15, v20;
	v20 =	vld [tilespmem:s25+$0x8430]  }
0x1b2: {  	s26 =	sadd.s32 $0x80, s26;
	v12 =	vmax.f32 v12, v22;
	v22 =	vld [tilespmem:s25+$0x8440]  }
0x1b3: {  	s29 =	sand.u32 $0x1800, s28;
	s28 =	sadd.s32 $0x100, s28;
	s30 =	sand.u32 $0x380, s26;
	v16 =	vmax.f32 v16, v23;
	v23 =	vld [tilespmem:s25+$0x8450]  }
0x1b4: {  	s26 =	sor.u32 s30, s29;
	v24 =	vld [tilespmem:s25+$0x8460]  }
0x1b5: {  	v25 =	vld [tilespmem:s26+$0x8470]  }
0x1b6: {  	v26 =	vld [tilespmem:s26+$0x8000]  }
0x1b7: {  	v27 =	vld [tilespmem:s26+$0x8010]  }
0x1b8: {  	v28 =	vld [tilespmem:s26+$0x8020]  }
0x1b9: {  	v29 =	vld [tilespmem:s26+$0x8030]  }
0x1ba: {  	v30 =	vld [tilespmem:s26+$0x8040]  }
0x1bb: {  	v31 =	vld [tilespmem:s26+$0x8050]  }
0x1bc: {  	v32 =	vld [tilespmem:s26+$0x8060]  }
0x1bd: {  	v33 =	vld [tilespmem:s26+$0x8070]  }
0x1be: {  	v34 =	vld [tilespmem:s26+$0x8400]  }
0x1bf: {  	v35 =	vld [tilespmem:s26+$0x8410]  }
0x1c0: {  	v36 =	vld [tilespmem:s26+$0x8420]  }
0x1c1: {  	v37 =	vld [tilespmem:s26+$0x8430]  }
0x1c2: {  	v38 =	vld [tilespmem:s26+$0x8440]  }
0x1c3: {  	v39 =	vld [tilespmem:s26+$0x8450];
	v18 =	vmax.f32 v18, v26  }
0x1c4: {  	v57 =	vld [tilespmem:s26+$0x8460];
	v17 =	vmax.f32 v17, v27;
	[tilespmem:$0x12180] =	vst v18  }
0x1c5: {  	v13 =	vmax.f32 v13, v28;
	[tilespmem:$0x12190] =	vst v17  }
0x1c6: {  	v14 =	vmax.f32 v14, v29;
	[tilespmem:$0x121A0] =	vst v13  }
0x1c7: {  	v10 =	vmax.f32 v10, v30;
	[tilespmem:$0x121B0] =	vst v14  }
0x1c8: {  	v11 =	vmax.f32 v11, v31;
	[tilespmem:$0x121C0] =	vst v10  }
0x1c9: {  	v58 =	vmax.f32 v15, v32;
	[tilespmem:$0x121D0] =	vst v11  }
0x1ca: {  	v59 =	vmax.f32 v12, v33;
	[tilespmem:$0x121E0] =	vst v58  }
0x1cb: {  	v4 =	vmax.f32 v4, v21;
	v60 =	vmax.f32 v16, v34;
	[tilespmem:$0x121F0] =	vst v59  }
0x1cc: {  	v5 =	vmax.f32 v5, v19;
	v4 =	vmax.f32 v4, v35;
	[tilespmem:$0x12380] =	vst v60  }
0x1cd: {  	v3 =	vmax.f32 v3, v20;
	v5 =	vmax.f32 v5, v36;
	[tilespmem:$0x12390] =	vst v4  }
0x1ce: {  	v3 =	vmax.f32 v3, v37;
	[tilespmem:$0x123A0] =	vst v5  }
0x1cf: {  	v61 =	vmax.f32 v6, v22;
	v63 =	vmax.f32 v9, v25;
	[tilespmem:$0x123B0] =	vst v3  }
0x1d0: {  	v62 =	vmax.f32 v7, v23;
	v4 =	vmax.f32 v61, v38;
	[tilespmem:$0x123F0] =	vst v63  }
0x1d1: {  	v3 =	vmax.f32 v8, v24;
	v5 =	vmax.f32 v62, v39;
	[tilespmem:$0x123C0] =	vst v4  }
0x1d2: {  	s24 =	sadd.s32 s6, s24;
	p0 =	seq.s32 s22, $0x1F;
	v3 =	vmax.f32 v3, v57;
	[tilespmem:$0x123D0] =	vst v5  }
.Ltmp4:
0x1d3: {  	s30 =	sadd.s32 s4, s24;
	[tilespmem:$0x123E0] =	vst v3;
	(pc) =	sbr.rel @p0 .LBB2_12-.Ltmp4, $4  }
0x1d4: {  	[hbm4b:s30+s18] =	stream.strided.scatter [tilespmem:s20], [sflag:$0x3], $0x400, s19, s18, $0x38;
	[tilespmem:$0x12400] =	vst v63  }
0x1d5: {  	_ =	swait.ge [sflag:s9], $0x400  }
0x1d6: {  	[sflag:s9] =	ssyncset.done $0x0  }
0x1d7: {  	[sflag:s9] =	ssyncadd.s32 $0xFFFFFC00  }
0x1d8: {  	v3 =	vld [tilespmem:s23+$0x100];
	_ =	sdelay $0x4  }
0x1d9: {  	v4 =	vshll.u32 v3, $0x1  }
0x1da: {  	v3 =	vand.u32 $0x7, v3;
	v4 =	vand.u32 $0xFFFFFFF0, v4  }
0x1db: {  	v3 =	vor.u32 v3, v4  }
0x1dc: {  	v4 =	vperm.xlane v3, v0;
	_ =	sdelay $0x1  }
0x1dd: {  	v3 =	vperm.xlane v3, v2;
	v4 =	vadd.s32 v1, v4;
	_ =	sdelay $0x1  }
0x1de: {  	v3 =	vadd.s32 v1, v3;
	_ =	sdelay $0x1  }
0x1df: {  	s25 =	simm.s32 $0x2000  }
0x1e0: {  	[tilespmem:s25], [sflag:$0x1] =	stream.indirect_vreg.gather [hbm4b:s3+s2], $0x80, v4, vm0, $0xb8;
	[tilespmem:$0x12400] =	vst v63  }
0x1e1: {  	s28 =	simm.s32 $0x2800  }
0x1e2: {  	[tilespmem:s28], [sflag:$0x1] =	stream.indirect_vreg.gather [hbm4b:s3+s2], $0x80, v3, vm0, $0xb8;
	[tilespmem:$0x12400] =	vst v63  }
0x1e3: {  	v3 =	vld [tilespmem:s23+$0x110];
	_ =	sdelay $0x4  }
0x1e4: {  	v57 =	vshll.u32 v3, $0x1  }
0x1e5: {  	v3 =	vand.u32 $0x7, v3;
	v4 =	vand.u32 $0xFFFFFFF0, v57  }
0x1e6: {  	v3 =	vor.u32 v3, v4  }
0x1e7: {  	v4 =	vperm.xlane v3, v0;
	_ =	sdelay $0x1  }
0x1e8: {  	v3 =	vperm.xlane v3, v2;
	v4 =	vadd.s32 v1, v4;
	_ =	sdelay $0x1  }
0x1e9: {  	v3 =	vadd.s32 v1, v3;
	_ =	sdelay $0x1  }
0x1ea: {  	s29 =	simm.s32 $0x3000  }
0x1eb: {  	[tilespmem:s29], [sflag:$0x1] =	stream.indirect_vreg.gather [hbm4b:s3+s2], $0x80, v4, vm0, $0xb8;
	[tilespmem:$0x12400] =	vst v63  }
0x1ec: {  	s30 =	simm.s32 $0x3800  }
0x1ed: {  	[tilespmem:s30], [sflag:$0x1] =	stream.indirect_vreg.gather [hbm4b:s3+s2], $0x80, v3, vm0, $0xb8;
	[tilespmem:$0x12400] =	vst v63  }
0x1ee: {  	v3 =	vld [tilespmem:s23+$0x120];
	_ =	sdelay $0x4  }
0x1ef: {  	v58 =	vshll.u32 v3, $0x1  }
0x1f0: {  	v3 =	vand.u32 $0x7, v3;
	v4 =	vand.u32 $0xFFFFFFF0, v58  }
0x1f1: {  	v3 =	vor.u32 v3, v4  }
0x1f2: {  	v4 =	vperm.xlane v3, v0;
	_ =	sdelay $0x1  }
0x1f3: {  	v3 =	vperm.xlane v3, v2;
	v4 =	vadd.s32 v1, v4;
	_ =	sdelay $0x1  }
0x1f4: {  	v3 =	vadd.s32 v1, v3;
	_ =	sdelay $0x1  }
0x1f5: {  	s26 =	simm.s32 $0x4000  }
0x1f6: {  	[tilespmem:s26], [sflag:$0x1] =	stream.indirect_vreg.gather [hbm4b:s3+s2], $0x80, v4, vm0, $0xb8;
	[tilespmem:$0x12400] =	vst v63  }
0x1f7: {  	s28 =	simm.s32 $0x4800  }
0x1f8: {  	[tilespmem:s28], [sflag:$0x1] =	stream.indirect_vreg.gather [hbm4b:s3+s2], $0x80, v3, vm0, $0xb8;
	[tilespmem:$0x12400] =	vst v63  }
0x1f9: {  	v3 =	vld [tilespmem:s23+$0x130];
	_ =	sdelay $0x4  }
0x1fa: {  	v59 =	vshll.u32 v3, $0x1  }
0x1fb: {  	v3 =	vand.u32 $0x7, v3;
	v4 =	vand.u32 $0xFFFFFFF0, v59  }
0x1fc: {  	v3 =	vor.u32 v3, v4  }
0x1fd: {  	v4 =	vperm.xlane v3, v0;
	_ =	sdelay $0x1  }
0x1fe: {  	v3 =	vperm.xlane v3, v2;
	v4 =	vadd.s32 v1, v4;
	_ =	sdelay $0x1  }
0x1ff: {  	v3 =	vadd.s32 v1, v3;
	_ =	sdelay $0x1  }
0x200: {  	s29 =	simm.s32 $0x5000  }
0x201: {  	[tilespmem:s29], [sflag:$0x1] =	stream.indirect_vreg.gather [hbm4b:s3+s2], $0x80, v4, vm0, $0xb8;
	[tilespmem:$0x12400] =	vst v63  }
0x202: {  	s30 =	simm.s32 $0x5800  }
0x203: {  	[tilespmem:s30], [sflag:$0x1] =	stream.indirect_vreg.gather [hbm4b:s3+s2], $0x80, v3, vm0, $0xb8;
	[tilespmem:$0x12400] =	vst v63  }
0x204: {  	v3 =	vld [tilespmem:s23+$0x140];
	_ =	sdelay $0x4  }
0x205: {  	v60 =	vshll.u32 v3, $0x1  }
0x206: {  	v3 =	vand.u32 $0x7, v3;
	v4 =	vand.u32 $0xFFFFFFF0, v60  }
0x207: {  	v3 =	vor.u32 v3, v4  }
0x208: {  	v4 =	vperm.xlane v3, v0;
	_ =	sdelay $0x1  }
0x209: {  	v3 =	vperm.xlane v3, v2;
	v4 =	vadd.s32 v1, v4;
	_ =	sdelay $0x1  }
0x20a: {  	v3 =	vadd.s32 v1, v3;
	_ =	sdelay $0x1  }
0x20b: {  	s26 =	simm.s32 $0x6000  }
0x20c: {  	[tilespmem:s26], [sflag:$0x1] =	stream.indirect_vreg.gather [hbm4b:s3+s2], $0x80, v4, vm0, $0xb8;
	[tilespmem:$0x12400] =	vst v63  }
0x20d: {  	s28 =	simm.s32 $0x6800  }
0x20e: {  	[tilespmem:s28], [sflag:$0x1] =	stream.indirect_vreg.gather [hbm4b:s3+s2], $0x80, v3, vm0, $0xb8;
	[tilespmem:$0x12400] =	vst v63  }
0x20f: {  	v3 =	vld [tilespmem:s23+$0x150];
	_ =	sdelay $0x4  }
0x210: {  	v61 =	vshll.u32 v3, $0x1  }
0x211: {  	v3 =	vand.u32 $0x7, v3;
	v4 =	vand.u32 $0xFFFFFFF0, v61  }
0x212: {  	v3 =	vor.u32 v3, v4  }
0x213: {  	v4 =	vperm.xlane v3, v0;
	_ =	sdelay $0x1  }
0x214: {  	v3 =	vperm.xlane v3, v2;
	v4 =	vadd.s32 v1, v4;
	_ =	sdelay $0x1  }
0x215: {  	v3 =	vadd.s32 v1, v3;
	_ =	sdelay $0x1  }
0x216: {  	s29 =	simm.s32 $0x7000  }
0x217: {  	[tilespmem:s29], [sflag:$0x1] =	stream.indirect_vreg.gather [hbm4b:s3+s2], $0x80, v4, vm0, $0xb8;
	[tilespmem:$0x12400] =	vst v63  }
0x218: {  	s30 =	simm.s32 $0x7800  }
0x219: {  	[tilespmem:s30], [sflag:$0x1] =	stream.indirect_vreg.gather [hbm4b:s3+s2], $0x80, v3, vm0, $0xb8;
	[tilespmem:$0x12400] =	vst v63  }
0x21a: {  	v3 =	vld [tilespmem:s23+$0x160];
	_ =	sdelay $0x4  }
0x21b: {  	v62 =	vshll.u32 v3, $0x1  }
0x21c: {  	v3 =	vand.u32 $0x7, v3;
	v4 =	vand.u32 $0xFFFFFFF0, v62  }
0x21d: {  	v3 =	vor.u32 v3, v4  }
0x21e: {  	v4 =	vperm.xlane v3, v0;
	_ =	sdelay $0x1  }
0x21f: {  	v3 =	vperm.xlane v3, v2;
	v4 =	vadd.s32 v1, v4;
	_ =	sdelay $0x1  }
0x220: {  	v3 =	vadd.s32 v1, v3;
	_ =	sdelay $0x1  }
0x221: {  	s26 =	simm.s32 $0x8000  }
0x222: {  	[tilespmem:s26], [sflag:$0x1] =	stream.indirect_vreg.gather [hbm4b:s3+s2], $0x80, v4, vm0, $0xb8;
	[tilespmem:$0x12400] =	vst v63  }
0x223: {  	s28 =	simm.s32 $0x8800  }
0x224: {  	[tilespmem:s28], [sflag:$0x1] =	stream.indirect_vreg.gather [hbm4b:s3+s2], $0x80, v3, vm0, $0xb8;
	[tilespmem:$0x12400] =	vst v63  }
0x225: {  	v3 =	vld [tilespmem:s23+$0x170];
	_ =	sdelay $0x4  }
0x226: {  	v63 =	vshll.u32 v3, $0x1  }
0x227: {  	v3 =	vand.u32 $0x7, v3;
	v4 =	vand.u32 $0xFFFFFFF0, v63  }
0x228: {  	v3 =	vor.u32 v3, v4  }
0x229: {  	v4 =	vperm.xlane v3, v0;
	_ =	sdelay $0x1  }
0x22a: {  	v3 =	vperm.xlane v3, v2;
	v4 =	vadd.s32 v1, v4;
	_ =	sdelay $0x1  }
0x22b: {  	v3 =	vadd.s32 v1, v3;
	_ =	sdelay $0x1  }
0x22c: {  	s29 =	simm.s32 $0x9000  }
0x22d: {  	[tilespmem:s29], [sflag:$0x1] =	stream.indirect_vreg.gather [hbm4b:s3+s2], $0x80, v4, vm0, $0xb8;
	[tilespmem:$0x12400] =	vst v63  }
0x22e: {  	s30 =	simm.s32 $0x9800  }
0x22f: {  	[tilespmem:s30], [sflag:$0x1] =	stream.indirect_vreg.gather [hbm4b:s3+s2], $0x80, v3, vm0, $0xb8;
	[tilespmem:$0x12400] =	vst v63  }
.LBB2_12:
0x230: {  	_ =	swait.ge [sflag:s21], $0x8000  }
0x231: {  	[sflag:s21] =	ssyncset.done $0x0  }
0x232: {  	[sflag:s21] =	ssyncadd.s32 $0xFFFF8000  }
0x233: {  	v10 =	vld [tilespmem:$0xA000]  }
0x234: {  	v11 =	vld [tilespmem:$0xA010]  }
0x235: {  	v12 =	vld [tilespmem:$0xA020]  }
0x236: {  	v13 =	vld [tilespmem:$0xA030]  }
0x237: {  	v14 =	vld [tilespmem:$0xA040]  }
0x238: {  	v21 =	vld [tilespmem:$0xA050]  }
0x239: {  	v23 =	vld [tilespmem:$0xA060]  }
0x23a: {  	v24 =	vld [tilespmem:$0xA070]  }
0x23b: {  	v25 =	vld [tilespmem:$0xA400]  }
0x23c: {  	v9 =	vld [tilespmem:$0xA410]  }
0x23d: {  	v7 =	vld [tilespmem:$0xA420]  }
0x23e: {  	v4 =	vld [tilespmem:$0xA430]  }
0x23f: {  	v5 =	vld [tilespmem:$0xA440]  }
0x240: {  	s23 =	simm.s32 $0x100;
	s25 =	simm.s32 $0x80;
	v6 =	vld [tilespmem:$0xA450]  }
0x241: {  	s23 =	sand.u32 $0x1800, s23;
	s25 =	sand.u32 $0x380, s25;
	v3 =	vld [tilespmem:$0xA460]  }
0x242: {  	s23 =	sor.u32 s25, s23;
	v8 =	vld [tilespmem:$0xA470]  }
0x243: {  	v15 =	vld [tilespmem:s23+$0xA470]  }
0x244: {  	v16 =	vld [tilespmem:s23+$0xA000]  }
0x245: {  	v17 =	vld [tilespmem:s23+$0xA010]  }
0x246: {  	v20 =	vld [tilespmem:s23+$0xA020]  }
0x247: {  	v26 =	vld [tilespmem:s23+$0xA030]  }
0x248: {  	v27 =	vld [tilespmem:s23+$0xA040]  }
0x249: {  	v28 =	vld [tilespmem:s23+$0xA050]  }
0x24a: {  	v29 =	vld [tilespmem:s23+$0xA060]  }
0x24b: {  	v30 =	vld [tilespmem:s23+$0xA070]  }
0x24c: {  	v31 =	vld [tilespmem:s23+$0xA400]  }
0x24d: {  	v22 =	vld [tilespmem:s23+$0xA410]  }
0x24e: {  	v19 =	vld [tilespmem:s23+$0xA420];
	v8 =	vmax.f32 v8, v15  }
0x24f: {  	v18 =	vmax.f32 v10, v16;
	v17 =	vmax.f32 v11, v17;
	v16 =	vmax.f32 v12, v20;
	v20 =	vld [tilespmem:s23+$0xA430]  }
0x250: {  	s26 =	simm.s32 $0x200;
	s25 =	simm.s32 $0x100;
	v15 =	vmax.f32 v13, v26;
	v14 =	vmax.f32 v14, v27;
	v12 =	vmax.f32 v21, v28;
	v21 =	vld [tilespmem:s23+$0xA440]  }
0x251: {  	s28 =	sand.u32 $0x1800, s26;
	s26 =	simm.s32 $0x300;
	s29 =	sand.u32 $0x380, s25;
	v13 =	vmax.f32 v23, v29;
	v10 =	vmax.f32 v24, v30;
	v11 =	vmax.f32 v25, v31;
	v23 =	vld [tilespmem:s23+$0xA450]  }
.LBB2_13:
0x252: {  	p0 =	sne.s32 s26, $0x1F00;
	v9 =	vmax.f32 v9, v22;
	v22 =	vld [tilespmem:s23+$0xA460];
	s23 =	sor.u32 s29, s28  }
0x253: {  	v24 =	vld [tilespmem:s23+$0xA470];
	v7 =	vmax.f32 v7, v19  }
0x254: {  	v19 =	vld [tilespmem:s23+$0xA000];
	v4 =	vmax.f32 v4, v20  }
0x255: {  	v20 =	vld [tilespmem:s23+$0xA010];
	v5 =	vmax.f32 v5, v21  }
0x256: {  	v21 =	vld [tilespmem:s23+$0xA020];
	v6 =	vmax.f32 v6, v23  }
0x257: {  	v23 =	vld [tilespmem:s23+$0xA030];
	v3 =	vmax.f32 v3, v22  }
0x258: {  	v22 =	vld [tilespmem:s23+$0xA040];
	v8 =	vmax.f32 v8, v24  }
0x259: {  	v18 =	vmax.f32 v18, v19;
	v19 =	vld [tilespmem:s23+$0xA050]  }
0x25a: {  	v17 =	vmax.f32 v17, v20;
	v20 =	vld [tilespmem:s23+$0xA060]  }
0x25b: {  	v16 =	vmax.f32 v16, v21;
	v21 =	vld [tilespmem:s23+$0xA070]  }
0x25c: {  	v15 =	vmax.f32 v15, v23;
	v23 =	vld [tilespmem:s23+$0xA400]  }
.Ltmp5:
0x25d: {  	v14 =	vmax.f32 v14, v22;
	v22 =	vld [tilespmem:s23+$0xA410];
	(pc) =	sbr.rel @p0 .LBB2_13-.Ltmp5, $4  }
0x25e: {  	v12 =	vmax.f32 v12, v19;
	v19 =	vld [tilespmem:s23+$0xA420]  }
0x25f: {  	v13 =	vmax.f32 v13, v20;
	v20 =	vld [tilespmem:s23+$0xA430]  }
0x260: {  	s25 =	sadd.s32 $0x80, s25;
	v10 =	vmax.f32 v10, v21;
	v21 =	vld [tilespmem:s23+$0xA440]  }
0x261: {  	s28 =	sand.u32 $0x1800, s26;
	s26 =	sadd.s32 $0x100, s26;
	s29 =	sand.u32 $0x380, s25;
	v11 =	vmax.f32 v11, v23;
	v23 =	vld [tilespmem:s23+$0xA450]  }
0x262: {  	s25 =	sor.u32 s29, s28;
	v24 =	vld [tilespmem:s23+$0xA460]  }
0x263: {  	v25 =	vld [tilespmem:s25+$0xA470]  }
0x264: {  	v26 =	vld [tilespmem:s25+$0xA000]  }
0x265: {  	v27 =	vld [tilespmem:s25+$0xA010]  }
0x266: {  	v28 =	vld [tilespmem:s25+$0xA020]  }
0x267: {  	v29 =	vld [tilespmem:s25+$0xA030]  }
0x268: {  	v30 =	vld [tilespmem:s25+$0xA040]  }
0x269: {  	v31 =	vld [tilespmem:s25+$0xA050]  }
0x26a: {  	v32 =	vld [tilespmem:s25+$0xA060]  }
0x26b: {  	v33 =	vld [tilespmem:s25+$0xA070]  }
0x26c: {  	v34 =	vld [tilespmem:s25+$0xA400]  }
0x26d: {  	v35 =	vld [tilespmem:s25+$0xA410]  }
0x26e: {  	v36 =	vld [tilespmem:s25+$0xA420]  }
0x26f: {  	v37 =	vld [tilespmem:s25+$0xA430]  }
0x270: {  	v38 =	vld [tilespmem:s25+$0xA440]  }
0x271: {  	v39 =	vld [tilespmem:s25+$0xA450]  }
0x272: {  	v57 =	vld [tilespmem:s25+$0xA460];
	v18 =	vmax.f32 v18, v26  }
0x273: {  	v7 =	vmax.f32 v7, v19;
	v19 =	vmax.f32 v4, v20;
	v4 =	vld [tilespmem:$0xC410];
	v17 =	vmax.f32 v17, v27;
	[tilespmem:$0x12000] =	vst v18  }
0x274: {  	v16 =	vmax.f32 v16, v28;
	v18 =	vld [tilespmem:$0xC000];
	[tilespmem:$0x12010] =	vst v17  }
0x275: {  	v15 =	vmax.f32 v15, v29;
	v17 =	vld [tilespmem:$0xC010];
	[tilespmem:$0x12020] =	vst v16  }
0x276: {  	v14 =	vmax.f32 v14, v30;
	v16 =	vld [tilespmem:$0xC020];
	[tilespmem:$0x12030] =	vst v15  }
0x277: {  	v12 =	vmax.f32 v12, v31;
	v15 =	vld [tilespmem:$0xC030];
	[tilespmem:$0x12040] =	vst v14  }
0x278: {  	v13 =	vmax.f32 v13, v32;
	v14 =	vld [tilespmem:$0xC040];
	[tilespmem:$0x12050] =	vst v12  }
0x279: {  	v10 =	vmax.f32 v10, v33;
	v12 =	vld [tilespmem:$0xC050];
	[tilespmem:$0x12060] =	vst v13  }
0x27a: {  	v9 =	vmax.f32 v9, v22;
	v11 =	vmax.f32 v11, v34;
	v13 =	vld [tilespmem:$0xC060];
	[tilespmem:$0x12070] =	vst v10  }
0x27b: {  	v9 =	vmax.f32 v9, v35;
	v10 =	vld [tilespmem:$0xC070];
	[tilespmem:$0x12200] =	vst v11  }
0x27c: {  	v7 =	vmax.f32 v7, v36;
	v11 =	vld [tilespmem:$0xC400];
	[tilespmem:$0x12210] =	vst v9  }
0x27d: {  	v19 =	vmax.f32 v19, v37;
	v9 =	vmax.f32 v5, v21;
	[tilespmem:$0x12220] =	vst v7;
	v5 =	vld [tilespmem:$0xC420]  }
0x27e: {  	v7 =	vmax.f32 v6, v23;
	[tilespmem:$0x12230] =	vst v19;
	v6 =	vld [tilespmem:$0xC430];
	v9 =	vmax.f32 v9, v38  }
0x27f: {  	v3 =	vmax.f32 v3, v24;
	v19 =	vmax.f32 v7, v39;
	v7 =	vld [tilespmem:$0xC440];
	[tilespmem:$0x12240] =	vst v9  }
0x280: {  	s26 =	simm.s32 $0x100;
	s30 =	simm.s32 $0x80;
	v9 =	vmax.f32 v3, v57;
	[tilespmem:$0x12250] =	vst v19;
	v3 =	vld [tilespmem:$0xC450]  }
0x281: {  	s23 =	sand.u32 $0x1800, s26;
	s25 =	sand.u32 $0x380, s30;
	v19 =	vmax.f32 v8, v25;
	v8 =	vld [tilespmem:$0xC460];
	[tilespmem:$0x12260] =	vst v9  }
0x282: {  	s23 =	sor.u32 s25, s23;
	[tilespmem:$0x12270] =	vst v19;
	v9 =	vld [tilespmem:$0xC470]  }
0x283: {  	v19 =	vld [tilespmem:s23+$0xC470]  }
0x284: {  	v20 =	vld [tilespmem:s23+$0xC000]  }
0x285: {  	v21 =	vld [tilespmem:s23+$0xC010]  }
0x286: {  	v23 =	vld [tilespmem:s23+$0xC020]  }
0x287: {  	v58 =	vld [tilespmem:s23+$0xC030]  }
0x288: {  	v59 =	vld [tilespmem:s23+$0xC040]  }
0x289: {  	v60 =	vld [tilespmem:s23+$0xC050]  }
0x28a: {  	v61 =	vld [tilespmem:s23+$0xC060]  }
0x28b: {  	v62 =	vld [tilespmem:s23+$0xC070]  }
0x28c: {  	v63 =	vld [tilespmem:s23+$0xC400]  }
0x28d: {  	v22 =	vld [tilespmem:s23+$0xC410]  }
0x28e: {  	v9 =	vmax.f32 v9, v19;
	v19 =	vld [tilespmem:s23+$0xC420]  }
0x28f: {  	v18 =	vmax.f32 v18, v20;
	v17 =	vmax.f32 v17, v21;
	v16 =	vmax.f32 v16, v23;
	v20 =	vld [tilespmem:s23+$0xC430]  }
0x290: {  	s26 =	simm.s32 $0x200;
	s25 =	simm.s32 $0x100;
	v15 =	vmax.f32 v15, v58;
	v14 =	vmax.f32 v14, v59;
	v12 =	vmax.f32 v12, v60;
	v21 =	vld [tilespmem:s23+$0xC440]  }
0x291: {  	s28 =	sand.u32 $0x1800, s26;
	s26 =	simm.s32 $0x300;
	s29 =	sand.u32 $0x380, s25;
	v13 =	vmax.f32 v13, v61;
	v10 =	vmax.f32 v10, v62;
	v11 =	vmax.f32 v11, v63;
	v23 =	vld [tilespmem:s23+$0xC450]  }
.LBB2_15:
0x292: {  	p0 =	sne.s32 s26, $0x1F00;
	v4 =	vmax.f32 v4, v22;
	v22 =	vld [tilespmem:s23+$0xC460];
	s23 =	sor.u32 s29, s28  }
0x293: {  	v24 =	vld [tilespmem:s23+$0xC470];
	v5 =	vmax.f32 v5, v19  }
0x294: {  	v19 =	vld [tilespmem:s23+$0xC000];
	v6 =	vmax.f32 v6, v20  }
0x295: {  	v20 =	vld [tilespmem:s23+$0xC010];
	v7 =	vmax.f32 v7, v21  }
0x296: {  	v21 =	vld [tilespmem:s23+$0xC020];
	v3 =	vmax.f32 v3, v23  }
0x297: {  	v23 =	vld [tilespmem:s23+$0xC030];
	v8 =	vmax.f32 v8, v22  }
0x298: {  	v22 =	vld [tilespmem:s23+$0xC040];
	v9 =	vmax.f32 v9, v24  }
0x299: {  	v18 =	vmax.f32 v18, v19;
	v19 =	vld [tilespmem:s23+$0xC050]  }
0x29a: {  	v17 =	vmax.f32 v17, v20;
	v20 =	vld [tilespmem:s23+$0xC060]  }
0x29b: {  	v16 =	vmax.f32 v16, v21;
	v21 =	vld [tilespmem:s23+$0xC070]  }
0x29c: {  	v15 =	vmax.f32 v15, v23;
	v23 =	vld [tilespmem:s23+$0xC400]  }
.Ltmp6:
0x29d: {  	v14 =	vmax.f32 v14, v22;
	v22 =	vld [tilespmem:s23+$0xC410];
	(pc) =	sbr.rel @p0 .LBB2_15-.Ltmp6, $4  }
0x29e: {  	v12 =	vmax.f32 v12, v19;
	v19 =	vld [tilespmem:s23+$0xC420]  }
0x29f: {  	v13 =	vmax.f32 v13, v20;
	v20 =	vld [tilespmem:s23+$0xC430]  }
0x2a0: {  	s25 =	sadd.s32 $0x80, s25;
	v10 =	vmax.f32 v10, v21;
	v21 =	vld [tilespmem:s23+$0xC440]  }
0x2a1: {  	s28 =	sand.u32 $0x1800, s26;
	s26 =	sadd.s32 $0x100, s26;
	s29 =	sand.u32 $0x380, s25;
	v11 =	vmax.f32 v11, v23;
	v23 =	vld [tilespmem:s23+$0xC450]  }
0x2a2: {  	s25 =	sor.u32 s29, s28;
	v24 =	vld [tilespmem:s23+$0xC460]  }
0x2a3: {  	v25 =	vld [tilespmem:s25+$0xC470]  }
0x2a4: {  	v26 =	vld [tilespmem:s25+$0xC000]  }
0x2a5: {  	v27 =	vld [tilespmem:s25+$0xC010]  }
0x2a6: {  	v28 =	vld [tilespmem:s25+$0xC020]  }
0x2a7: {  	v29 =	vld [tilespmem:s25+$0xC030]  }
0x2a8: {  	v30 =	vld [tilespmem:s25+$0xC040]  }
0x2a9: {  	v31 =	vld [tilespmem:s25+$0xC050]  }
0x2aa: {  	v32 =	vld [tilespmem:s25+$0xC060]  }
0x2ab: {  	v33 =	vld [tilespmem:s25+$0xC070]  }
0x2ac: {  	v34 =	vld [tilespmem:s25+$0xC400]  }
0x2ad: {  	v35 =	vld [tilespmem:s25+$0xC410]  }
0x2ae: {  	v36 =	vld [tilespmem:s25+$0xC420]  }
0x2af: {  	v37 =	vld [tilespmem:s25+$0xC430]  }
0x2b0: {  	v38 =	vld [tilespmem:s25+$0xC440]  }
0x2b1: {  	v39 =	vld [tilespmem:s25+$0xC450]  }
0x2b2: {  	v57 =	vld [tilespmem:s25+$0xC460];
	v18 =	vmax.f32 v18, v26  }
0x2b3: {  	v17 =	vmax.f32 v17, v27;
	[tilespmem:$0x12080] =	vst v18;
	v18 =	vld [tilespmem:$0xE000]  }
0x2b4: {  	v16 =	vmax.f32 v16, v28;
	[tilespmem:$0x12090] =	vst v17;
	v17 =	vld [tilespmem:$0xE010]  }
0x2b5: {  	v15 =	vmax.f32 v15, v29;
	[tilespmem:$0x120A0] =	vst v16;
	v16 =	vld [tilespmem:$0xE020]  }
0x2b6: {  	v14 =	vmax.f32 v14, v30;
	[tilespmem:$0x120B0] =	vst v15;
	v15 =	vld [tilespmem:$0xE030]  }
0x2b7: {  	v12 =	vmax.f32 v12, v31;
	[tilespmem:$0x120C0] =	vst v14;
	v14 =	vld [tilespmem:$0xE040]  }
0x2b8: {  	v13 =	vmax.f32 v13, v32;
	[tilespmem:$0x120D0] =	vst v12;
	v12 =	vld [tilespmem:$0xE050]  }
0x2b9: {  	v10 =	vmax.f32 v10, v33;
	[tilespmem:$0x120E0] =	vst v13;
	v13 =	vld [tilespmem:$0xE060]  }
0x2ba: {  	v4 =	vmax.f32 v4, v22;
	v11 =	vmax.f32 v11, v34;
	[tilespmem:$0x120F0] =	vst v10;
	v10 =	vld [tilespmem:$0xE070]  }
0x2bb: {  	v5 =	vmax.f32 v5, v19;
	v4 =	vmax.f32 v4, v35;
	[tilespmem:$0x12280] =	vst v11;
	v11 =	vld [tilespmem:$0xE400]  }
0x2bc: {  	v6 =	vmax.f32 v6, v20;
	v5 =	vmax.f32 v5, v36;
	[tilespmem:$0x12290] =	vst v4;
	v4 =	vld [tilespmem:$0xE410]  }
0x2bd: {  	v7 =	vmax.f32 v7, v21;
	v6 =	vmax.f32 v6, v37;
	[tilespmem:$0x122A0] =	vst v5;
	v5 =	vld [tilespmem:$0xE420]  }
0x2be: {  	v3 =	vmax.f32 v3, v23;
	v7 =	vmax.f32 v7, v38;
	[tilespmem:$0x122B0] =	vst v6;
	v6 =	vld [tilespmem:$0xE430]  }
0x2bf: {  	v8 =	vmax.f32 v8, v24;
	v3 =	vmax.f32 v3, v39;
	[tilespmem:$0x122C0] =	vst v7;
	v7 =	vld [tilespmem:$0xE440]  }
0x2c0: {  	s26 =	simm.s32 $0x100;
	s30 =	simm.s32 $0x80;
	v8 =	vmax.f32 v8, v57;
	[tilespmem:$0x122D0] =	vst v3;
	v3 =	vld [tilespmem:$0xE450]  }
0x2c1: {  	s23 =	sand.u32 $0x1800, s26;
	s25 =	sand.u32 $0x380, s30;
	v9 =	vmax.f32 v9, v25;
	[tilespmem:$0x122E0] =	vst v8;
	v8 =	vld [tilespmem:$0xE460]  }
0x2c2: {  	s23 =	sor.u32 s25, s23;
	[tilespmem:$0x122F0] =	vst v9;
	v9 =	vld [tilespmem:$0xE470]  }
0x2c3: {  	v19 =	vld [tilespmem:s23+$0xE470]  }
0x2c4: {  	v20 =	vld [tilespmem:s23+$0xE000]  }
0x2c5: {  	v21 =	vld [tilespmem:s23+$0xE010]  }
0x2c6: {  	v23 =	vld [tilespmem:s23+$0xE020]  }
0x2c7: {  	v58 =	vld [tilespmem:s23+$0xE030]  }
0x2c8: {  	v59 =	vld [tilespmem:s23+$0xE040]  }
0x2c9: {  	v60 =	vld [tilespmem:s23+$0xE050]  }
0x2ca: {  	v61 =	vld [tilespmem:s23+$0xE060]  }
0x2cb: {  	v62 =	vld [tilespmem:s23+$0xE070]  }
0x2cc: {  	v63 =	vld [tilespmem:s23+$0xE400]  }
0x2cd: {  	v22 =	vld [tilespmem:s23+$0xE410]  }
0x2ce: {  	v9 =	vmax.f32 v9, v19;
	v19 =	vld [tilespmem:s23+$0xE420]  }
0x2cf: {  	v18 =	vmax.f32 v18, v20;
	v17 =	vmax.f32 v17, v21;
	v16 =	vmax.f32 v16, v23;
	v20 =	vld [tilespmem:s23+$0xE430]  }
0x2d0: {  	s26 =	simm.s32 $0x200;
	s25 =	simm.s32 $0x100;
	v15 =	vmax.f32 v15, v58;
	v14 =	vmax.f32 v14, v59;
	v12 =	vmax.f32 v12, v60;
	v21 =	vld [tilespmem:s23+$0xE440]  }
0x2d1: {  	s28 =	sand.u32 $0x1800, s26;
	s26 =	simm.s32 $0x300;
	s29 =	sand.u32 $0x380, s25;
	v13 =	vmax.f32 v13, v61;
	v10 =	vmax.f32 v10, v62;
	v11 =	vmax.f32 v11, v63;
	v23 =	vld [tilespmem:s23+$0xE450]  }
.LBB2_17:
0x2d2: {  	p0 =	sne.s32 s26, $0x1F00;
	v4 =	vmax.f32 v4, v22;
	v22 =	vld [tilespmem:s23+$0xE460];
	s23 =	sor.u32 s29, s28  }
0x2d3: {  	v24 =	vld [tilespmem:s23+$0xE470];
	v5 =	vmax.f32 v5, v19  }
0x2d4: {  	v19 =	vld [tilespmem:s23+$0xE000];
	v6 =	vmax.f32 v6, v20  }
0x2d5: {  	v20 =	vld [tilespmem:s23+$0xE010];
	v7 =	vmax.f32 v7, v21  }
0x2d6: {  	v21 =	vld [tilespmem:s23+$0xE020];
	v3 =	vmax.f32 v3, v23  }
0x2d7: {  	v23 =	vld [tilespmem:s23+$0xE030];
	v8 =	vmax.f32 v8, v22  }
0x2d8: {  	v22 =	vld [tilespmem:s23+$0xE040];
	v9 =	vmax.f32 v9, v24  }
0x2d9: {  	v18 =	vmax.f32 v18, v19;
	v19 =	vld [tilespmem:s23+$0xE050]  }
0x2da: {  	v17 =	vmax.f32 v17, v20;
	v20 =	vld [tilespmem:s23+$0xE060]  }
0x2db: {  	v16 =	vmax.f32 v16, v21;
	v21 =	vld [tilespmem:s23+$0xE070]  }
0x2dc: {  	v15 =	vmax.f32 v15, v23;
	v23 =	vld [tilespmem:s23+$0xE400]  }
.Ltmp7:
0x2dd: {  	v14 =	vmax.f32 v14, v22;
	v22 =	vld [tilespmem:s23+$0xE410];
	(pc) =	sbr.rel @p0 .LBB2_17-.Ltmp7, $4  }
0x2de: {  	v12 =	vmax.f32 v12, v19;
	v19 =	vld [tilespmem:s23+$0xE420]  }
0x2df: {  	v13 =	vmax.f32 v13, v20;
	v20 =	vld [tilespmem:s23+$0xE430]  }
0x2e0: {  	s25 =	sadd.s32 $0x80, s25;
	v10 =	vmax.f32 v10, v21;
	v21 =	vld [tilespmem:s23+$0xE440]  }
0x2e1: {  	s28 =	sand.u32 $0x1800, s26;
	s26 =	sadd.s32 $0x100, s26;
	s29 =	sand.u32 $0x380, s25;
	v11 =	vmax.f32 v11, v23;
	v23 =	vld [tilespmem:s23+$0xE450]  }
0x2e2: {  	v24 =	vld [tilespmem:s23+$0xE460]  }
0x2e3: {  	s25 =	sor.u32 s29, s28;
	v56 =	vld [tilespmem:$0x10040]  }
0x2e4: {  	v25 =	vld [tilespmem:s25+$0xE470]  }
0x2e5: {  	v26 =	vld [tilespmem:s25+$0xE000]  }
0x2e6: {  	v27 =	vld [tilespmem:s25+$0xE010]  }
0x2e7: {  	v28 =	vld [tilespmem:s25+$0xE020]  }
0x2e8: {  	v29 =	vld [tilespmem:s25+$0xE030]  }
0x2e9: {  	v30 =	vld [tilespmem:s25+$0xE040]  }
0x2ea: {  	v31 =	vld [tilespmem:s25+$0xE050]  }
0x2eb: {  	v32 =	vld [tilespmem:s25+$0xE060]  }
0x2ec: {  	v33 =	vld [tilespmem:s25+$0xE070]  }
0x2ed: {  	v34 =	vld [tilespmem:s25+$0xE400]  }
0x2ee: {  	v35 =	vld [tilespmem:s25+$0xE410]  }
0x2ef: {  	v36 =	vld [tilespmem:s25+$0xE420]  }
0x2f0: {  	v37 =	vld [tilespmem:s25+$0xE430]  }
0x2f1: {  	v38 =	vld [tilespmem:s25+$0xE440]  }
0x2f2: {  	v39 =	vld [tilespmem:s25+$0xE450];
	v18 =	vmax.f32 v18, v26  }
0x2f3: {  	v55 =	vld [tilespmem:s25+$0xE460];
	v17 =	vmax.f32 v17, v27;
	[tilespmem:$0x12100] =	vst v18  }
0x2f4: {  	v57 =	vld [tilespmem:$0x10060];
	v16 =	vmax.f32 v16, v28;
	[tilespmem:$0x12110] =	vst v17  }
0x2f5: {  	v58 =	vld [tilespmem:$0x10070];
	v15 =	vmax.f32 v15, v29;
	[tilespmem:$0x12120] =	vst v16  }
0x2f6: {  	v59 =	vld [tilespmem:$0x10400];
	v14 =	vmax.f32 v14, v30;
	[tilespmem:$0x12130] =	vst v15  }
0x2f7: {  	v12 =	vmax.f32 v12, v31;
	v18 =	vld [tilespmem:$0x10000];
	[tilespmem:$0x12140] =	vst v14  }
0x2f8: {  	v13 =	vmax.f32 v13, v32;
	v17 =	vld [tilespmem:$0x10010];
	[tilespmem:$0x12150] =	vst v12  }
0x2f9: {  	v10 =	vmax.f32 v10, v33;
	v16 =	vld [tilespmem:$0x10020];
	[tilespmem:$0x12160] =	vst v13  }
0x2fa: {  	v4 =	vmax.f32 v4, v22;
	v11 =	vmax.f32 v11, v34;
	v15 =	vld [tilespmem:$0x10030];
	[tilespmem:$0x12170] =	vst v10  }
0x2fb: {  	v5 =	vmax.f32 v5, v19;
	v4 =	vmax.f32 v4, v35;
	v12 =	vld [tilespmem:$0x10050];
	[tilespmem:$0x12300] =	vst v11  }
0x2fc: {  	v6 =	vmax.f32 v6, v20;
	v5 =	vmax.f32 v5, v36;
	[tilespmem:$0x12310] =	vst v4;
	v4 =	vld [tilespmem:$0x10410]  }
0x2fd: {  	v7 =	vmax.f32 v7, v21;
	v6 =	vmax.f32 v6, v37;
	[tilespmem:$0x12320] =	vst v5;
	v5 =	vld [tilespmem:$0x10420]  }
0x2fe: {  	v8 =	vmax.f32 v8, v24;
	v7 =	vmax.f32 v7, v38;
	v10 =	vmax.f32 v3, v23;
	[tilespmem:$0x12330] =	vst v6;
	v3 =	vld [tilespmem:$0x10430]  }
0x2ff: {  	v8 =	vmax.f32 v8, v55;
	[tilespmem:$0x12340] =	vst v7;
	v6 =	vld [tilespmem:$0x10440]  }
0x300: {  	s26 =	simm.s32 $0x100;
	s30 =	simm.s32 $0x80;
	v9 =	vmax.f32 v9, v25;
	v7 =	vld [tilespmem:$0x10450];
	[tilespmem:$0x12360] =	vst v8  }
0x301: {  	s23 =	sand.u32 $0x1800, s26;
	s25 =	sand.u32 $0x380, s30;
	v8 =	vld [tilespmem:$0x10460];
	[tilespmem:$0x12370] =	vst v9;
	v10 =	vmax.f32 v10, v39  }
0x302: {  	s23 =	sor.u32 s25, s23;
	v9 =	vld [tilespmem:$0x10470];
	[tilespmem:$0x12350] =	vst v10  }
0x303: {  	v10 =	vld [tilespmem:s23+$0x10470]  }
0x304: {  	v11 =	vld [tilespmem:s23+$0x10000]  }
0x305: {  	v13 =	vld [tilespmem:s23+$0x10010]  }
0x306: {  	v14 =	vld [tilespmem:s23+$0x10020]  }
0x307: {  	v22 =	vld [tilespmem:s23+$0x10030]  }
0x308: {  	v23 =	vld [tilespmem:s23+$0x10040]  }
0x309: {  	v60 =	vld [tilespmem:s23+$0x10050]  }
0x30a: {  	v61 =	vld [tilespmem:s23+$0x10060]  }
0x30b: {  	v62 =	vld [tilespmem:s23+$0x10070]  }
0x30c: {  	v63 =	vld [tilespmem:s23+$0x10400]  }
0x30d: {  	v21 =	vld [tilespmem:s23+$0x10410]  }
0x30e: {  	v19 =	vld [tilespmem:s23+$0x10420];
	v9 =	vmax.f32 v9, v10  }
0x30f: {  	v20 =	vld [tilespmem:s23+$0x10430];
	v18 =	vmax.f32 v18, v11;
	v17 =	vmax.f32 v17, v13;
	v13 =	vmax.f32 v16, v14  }
0x310: {  	s26 =	simm.s32 $0x200;
	s25 =	simm.s32 $0x100;
	v14 =	vmax.f32 v15, v22;
	v10 =	vmax.f32 v56, v23;
	v11 =	vmax.f32 v12, v60;
	v22 =	vld [tilespmem:s23+$0x10440]  }
0x311: {  	s28 =	sand.u32 $0x1800, s26;
	s26 =	simm.s32 $0x300;
	s29 =	sand.u32 $0x380, s25;
	v15 =	vmax.f32 v57, v61;
	v12 =	vmax.f32 v58, v62;
	v16 =	vmax.f32 v59, v63;
	v23 =	vld [tilespmem:s23+$0x10450]  }
.LBB2_19:
0x312: {  	p0 =	sne.s32 s26, $0x1F00;
	v4 =	vmax.f32 v4, v21;
	v21 =	vld [tilespmem:s23+$0x10460];
	s23 =	sor.u32 s29, s28  }
0x313: {  	v24 =	vld [tilespmem:s23+$0x10470];
	v5 =	vmax.f32 v5, v19  }
0x314: {  	v19 =	vld [tilespmem:s23+$0x10000];
	v3 =	vmax.f32 v3, v20  }
0x315: {  	v20 =	vld [tilespmem:s23+$0x10010];
	v6 =	vmax.f32 v6, v22  }
0x316: {  	v22 =	vld [tilespmem:s23+$0x10020];
	v7 =	vmax.f32 v7, v23  }
0x317: {  	v23 =	vld [tilespmem:s23+$0x10030];
	v8 =	vmax.f32 v8, v21  }
0x318: {  	v21 =	vld [tilespmem:s23+$0x10040];
	v9 =	vmax.f32 v9, v24  }
0x319: {  	v18 =	vmax.f32 v18, v19;
	v19 =	vld [tilespmem:s23+$0x10050]  }
0x31a: {  	v17 =	vmax.f32 v17, v20;
	v20 =	vld [tilespmem:s23+$0x10060]  }
0x31b: {  	v13 =	vmax.f32 v13, v22;
	v22 =	vld [tilespmem:s23+$0x10070]  }
0x31c: {  	v14 =	vmax.f32 v14, v23;
	v23 =	vld [tilespmem:s23+$0x10400]  }
.Ltmp8:
0x31d: {  	v10 =	vmax.f32 v10, v21;
	v21 =	vld [tilespmem:s23+$0x10410];
	(pc) =	sbr.rel @p0 .LBB2_19-.Ltmp8, $4  }
0x31e: {  	v11 =	vmax.f32 v11, v19;
	v19 =	vld [tilespmem:s23+$0x10420]  }
0x31f: {  	v15 =	vmax.f32 v15, v20;
	v20 =	vld [tilespmem:s23+$0x10430]  }
0x320: {  	s25 =	sadd.s32 $0x80, s25;
	v12 =	vmax.f32 v12, v22;
	v22 =	vld [tilespmem:s23+$0x10440]  }
0x321: {  	s28 =	sand.u32 $0x1800, s26;
	s26 =	sadd.s32 $0x100, s26;
	s29 =	sand.u32 $0x380, s25;
	v16 =	vmax.f32 v16, v23;
	v23 =	vld [tilespmem:s23+$0x10450]  }
0x322: {  	s25 =	sor.u32 s29, s28;
	v24 =	vld [tilespmem:s23+$0x10460]  }
0x323: {  	v25 =	vld [tilespmem:s25+$0x10470]  }
0x324: {  	v26 =	vld [tilespmem:s25+$0x10000]  }
0x325: {  	v27 =	vld [tilespmem:s25+$0x10010]  }
0x326: {  	v28 =	vld [tilespmem:s25+$0x10020]  }
0x327: {  	v29 =	vld [tilespmem:s25+$0x10030]  }
0x328: {  	v30 =	vld [tilespmem:s25+$0x10040]  }
0x329: {  	v31 =	vld [tilespmem:s25+$0x10050]  }
0x32a: {  	v32 =	vld [tilespmem:s25+$0x10060]  }
0x32b: {  	v33 =	vld [tilespmem:s25+$0x10070]  }
0x32c: {  	v34 =	vld [tilespmem:s25+$0x10400]  }
0x32d: {  	v35 =	vld [tilespmem:s25+$0x10410]  }
0x32e: {  	v36 =	vld [tilespmem:s25+$0x10420]  }
0x32f: {  	v37 =	vld [tilespmem:s25+$0x10430]  }
0x330: {  	v38 =	vld [tilespmem:s25+$0x10440]  }
0x331: {  	v39 =	vld [tilespmem:s25+$0x10450];
	v18 =	vmax.f32 v18, v26  }
0x332: {  	v57 =	vld [tilespmem:s25+$0x10460];
	v17 =	vmax.f32 v17, v27;
	[tilespmem:$0x12180] =	vst v18  }
0x333: {  	v13 =	vmax.f32 v13, v28;
	[tilespmem:$0x12190] =	vst v17  }
0x334: {  	v14 =	vmax.f32 v14, v29;
	[tilespmem:$0x121A0] =	vst v13  }
0x335: {  	v10 =	vmax.f32 v10, v30;
	[tilespmem:$0x121B0] =	vst v14  }
0x336: {  	v11 =	vmax.f32 v11, v31;
	[tilespmem:$0x121C0] =	vst v10  }
0x337: {  	v58 =	vmax.f32 v15, v32;
	[tilespmem:$0x121D0] =	vst v11  }
0x338: {  	v59 =	vmax.f32 v12, v33;
	[tilespmem:$0x121E0] =	vst v58  }
0x339: {  	v4 =	vmax.f32 v4, v21;
	v60 =	vmax.f32 v16, v34;
	[tilespmem:$0x121F0] =	vst v59  }
0x33a: {  	v5 =	vmax.f32 v5, v19;
	v4 =	vmax.f32 v4, v35;
	[tilespmem:$0x12380] =	vst v60  }
0x33b: {  	v3 =	vmax.f32 v3, v20;
	v5 =	vmax.f32 v5, v36;
	[tilespmem:$0x12390] =	vst v4  }
0x33c: {  	v3 =	vmax.f32 v3, v37;
	[tilespmem:$0x123A0] =	vst v5  }
0x33d: {  	v61 =	vmax.f32 v6, v22;
	v63 =	vmax.f32 v9, v25;
	[tilespmem:$0x123B0] =	vst v3  }
0x33e: {  	v62 =	vmax.f32 v7, v23;
	v4 =	vmax.f32 v61, v38;
	[tilespmem:$0x123F0] =	vst v63  }
0x33f: {  	s22 =	sadd.s32 $0x1, s22;
	v3 =	vmax.f32 v8, v24;
	v5 =	vmax.f32 v62, v39;
	[tilespmem:$0x123C0] =	vst v4  }
0x340: {  	p0 =	sne.s32 s22, $0x20;
	v3 =	vmax.f32 v3, v57;
	[tilespmem:$0x123D0] =	vst v5  }
.Ltmp9:
0x341: {  	s30 =	sadd.s32 s24, s7;
	[tilespmem:$0x123E0] =	vst v3;
	(pc) =	sbr.rel @p0 .LBB2_2-.Ltmp9, $4  }
0x342: {  	[hbm4b:s30+s18] =	stream.strided.scatter [tilespmem:s20], [sflag:$0x3], $0x400, s19, s18, $0x38;
	[tilespmem:$0x12400] =	vst v63  }
0x343: {  	_ =	swait.ge [sflag:s9], $0x400  }
0x344: {  	[sflag:s9] =	ssyncset.done $0x0  }
0x345: {  	[sflag:s9] =	ssyncadd.s32 $0xFFFFFC00  }
0x346: {  	s23 =	rddreg [dreg:$0x5]  }
0x347: {  	s22 =	rddreg [dreg:$0x4];
	s23 =	sadd.s32 $0x1, s23  }
0x348: {  	p0 =	sne.s32 s23, s22  }
.Ltmp10:
0x349: {  	_ = 	snop;
	(pc) =	sbr.rel @p0 .LBB2_1-.Ltmp10, $1  }
0x34a: {  	_ =	sdelay $0x3  }
0x34b: {  	_ =	sfence.sel $0x180000  }
0x34c: {  	[bflag:$0x0] =	sbarrier.arrive $0xFFFF  }
0x34d: {  	_ =	strace $0x90000047  }
0x34e: {  	s0 =	stileid.u32;
	[bflag:$0x2] =	sbarrier.arrive $0xFFFF  }
0x34f: {  	p0 =	sne.s32 s0, $0x0;
	s0 =	rddreg [dreg:$0x2]  }
0x350: {  	s0 =	sadd.s32 @!p0 $0x100000, s0  }
0x351: {  	[sflag:s0] =	ssyncadd.tile.s32 @!p0 $0x1;
	_ =	shalt  }
.Lfunc_end2:
_tile_overlayer_lowered:
.L_overlay_start_2:
0x352: {  	(tag) =	ssettag $0x2  }
0x353: {  	s0 =	rddreg [dreg:$0x0];
	s2 =	stileid.u32  }
0x354: {  	s1 =	rddreg [dreg:$0x1];
	p0 =	sne.s32 s2, $0x0  }
0x355: {  	s3 =	rddreg [dreg:$0x2];
	[bflag:$0x3] =	sbarrier.arrive $0xFFFF;
	s2 =	simm.s32 @!p0 $0x1C03  }
0x356: {  	[timem:s3], [sflag:s2] =	dma.local @!p0 [hbm:s0], s1  }
0x357: {  	s0 =	simm.s32 @!p0 $0x3  }
0x358: {  	_ =	swait.ge @!p0 [sflag:s0], s1  }
0x359: {  	s1 =	ssub.s32 @!p0 $0x0, s1;
	[sflag:s0] =	ssyncset.done @!p0 $0x0  }
0x35a: {  	[sflag:s0] =	ssyncadd.s32 @!p0 s1  }
0x35b: {  	[bflag:$0x3] =	sbarrier.arrive $0xFFFF  }
0x35c: {  	_ =	shalt  }

</sc_bundles>
